<compile_context>
chip_gen: v7x
topology: tpu7x:2x2x1
jax: 0.10.2.dev20260603
libtpu: 0.0.44.dev20260713+nightly
codegen_flags: <defaults>
</compile_context>

<pallas_src>
import functools

import jax
import jax.numpy as jnp
from jax import lax
from jax.experimental import pallas as pl
from jax.experimental.pallas import tpu as pltpu
from jax.experimental.pallas import tpu_sc as plsc

E = 16
D = 768
H = 128
BT = 256
DP = D + 128
NW = 32
N = 4096
CHUNK = N // NW
NB = N // BT
T_TILES = NB + E - 1


def _gate_body(tb, xb, wg, eid, gate, pos_mid, totals, acc):
    b = pl.program_id(0)
    x = xb[...]
    logits = lax.dot_general(x, wg[0], (((1,), (1,)), ((), ())),
                             preferred_element_type=jnp.float32)
    m = jnp.max(logits, axis=1, keepdims=True)
    ex = jnp.exp(logits - m)
    p = ex / jnp.sum(ex, axis=1, keepdims=True)
    top = jnp.max(p, axis=1, keepdims=True)
    gate[...] = top / (top + 1e-6)
    amax = jnp.argmax(p, axis=1).reshape(BT, 1).astype(jnp.int32)
    eid[...] = amax

    ecol = lax.broadcasted_iota(jnp.int32, (BT, E), 1)
    onehot = jnp.where(amax == ecol, 1.0, 0.0)
    ri = lax.broadcasted_iota(jnp.int32, (BT, BT), 0)
    ci = lax.broadcasted_iota(jnp.int32, (BT, BT), 1)
    tri = jnp.where(ri > ci, 1.0, 0.0)
    rank_mat = lax.dot_general(tri, onehot, (((1,), (0,)), ((), ())),
                               preferred_element_type=jnp.float32)
    rank = jnp.sum(rank_mat * onehot, axis=1, keepdims=True)

    @pl.when(b == 0)
    def _():
        acc[...] = jnp.zeros_like(acc)

    a = acc[0:1, 0:E]
    basec = jnp.sum(a * onehot, axis=1, keepdims=True)
    pos_mid[...] = (rank + basec).astype(jnp.int32)
    hist = jnp.sum(onehot, axis=0, keepdims=True)
    acc[0:1, 0:E] = a + hist
    totals[...] = (a + hist).astype(jnp.int32)


def _tile_schedule_jnp(sizes):
    off = jnp.cumsum(sizes) - sizes
    end = off + sizes
    first_blk = off // BT
    last_blk = (end - 1) // BT
    tiles = jnp.where(sizes > 0, last_blk - first_blk + 1, 0)
    tstart = jnp.cumsum(tiles) - tiles
    t = jnp.arange(T_TILES, dtype=jnp.int32)[:, None]
    valid = (t >= tstart[None, :]) & (t < (tstart + tiles)[None, :])
    any_valid = valid.any(axis=1)
    ex_id = jnp.sum(jnp.where(valid, jnp.arange(E, dtype=jnp.int32)[None, :], 0), axis=1)
    k = t[:, 0] - jnp.sum(jnp.where(valid, tstart[None, :], 0), axis=1)
    blk = jnp.sum(jnp.where(valid, first_blk[None, :], 0), axis=1) + k
    blk = jnp.where(any_valid, blk, NB - 1)
    lo = jnp.clip(off[ex_id] - blk * BT, 0, BT)
    hi = jnp.clip(end[ex_id] - blk * BT, 0, BT)
    lo = jnp.where(any_valid, lo, 0)
    hi = jnp.where(any_valid, hi, 0)
    return (blk.astype(jnp.int32), ex_id.astype(jnp.int32),
            lo.astype(jnp.int32), hi.astype(jnp.int32))


def _gating(xf, w_gate, tb):
    grid_spec = pltpu.PrefetchScalarGridSpec(
        num_scalar_prefetch=1,
        grid=(NB,),
        in_specs=[
            pl.BlockSpec((BT, D), lambda b, tb: (b, 0)),
            pl.BlockSpec((1, E, D), lambda b, tb: (tb[0], 0, 0)),
        ],
        out_specs=[
            pl.BlockSpec((BT, 1), lambda b, tb: (b, 0)),
            pl.BlockSpec((BT, 1), lambda b, tb: (b, 0)),
            pl.BlockSpec((BT, 1), lambda b, tb: (b, 0)),
            pl.BlockSpec((1, E), lambda b, tb: (0, 0)),
        ],
        scratch_shapes=[pltpu.VMEM((8, 128), jnp.float32)],
    )
    return pl.pallas_call(
        _gate_body,
        grid_spec=grid_spec,
        out_shape=[
            jax.ShapeDtypeStruct((N, 1), jnp.int32),
            jax.ShapeDtypeStruct((N, 1), jnp.float32),
            jax.ShapeDtypeStruct((N, 1), jnp.int32),
            jax.ShapeDtypeStruct((1, E), jnp.int32),
        ],
    )(tb, xf, w_gate)


def _dispatch_body(xf_hbm, eid_hbm, gate_hbm, posmid_hbm, totals_hbm,
                   xs_hbm, pos_hbm,
                   eid_v, pm_v, gate_v, tot_v, pos_v, rows_v, sem, sem2):
    wid = lax.axis_index("s") * 2 + lax.axis_index("c")
    base = wid * CHUNK
    xcp = pltpu.async_copy(xf_hbm.at[pl.ds(base, CHUNK)],
                           rows_v.at[:, pl.ds(0, D)], sem2)
    pltpu.sync_copy(eid_hbm.at[pl.ds(base, CHUNK)], eid_v)
    pltpu.sync_copy(posmid_hbm.at[pl.ds(base, CHUNK)], pm_v)
    pltpu.sync_copy(gate_hbm.at[pl.ds(base, CHUNK)], gate_v)
    pltpu.sync_copy(totals_hbm, tot_v)

    lanes = lax.iota(jnp.int32, 16)

    def shift_masked(vec, s):
        idx = jnp.maximum(lanes - s, 0)
        sh = vec.at[idx].get(mode="promise_in_bounds")
        return jnp.where(lanes >= s, sh, 0)

    def bcast(vec, k):
        return vec.at[jnp.full((16,), k, jnp.int32)].get(mode="promise_in_bounds")

    incl = tot_v[...]
    for s in (1, 2, 4, 8):
        incl = incl + shift_masked(incl, s)
    gbase = shift_masked(incl, 1)

    for v in range(CHUNK // 16):
        ev = eid_v[pl.ds(v * 16, 16)]
        basev = gbase.at[ev].get(mode="promise_in_bounds")
        pos_v[pl.ds(v * 16, 16)] = basev + pm_v[pl.ds(v * 16, 16)]
        gv = gate_v[pl.ds(v * 16, 16)]
        for k in range(16):
            rows_v.at[v * 16 + k][pl.ds(D, 16)] = bcast(gv, k)
    pltpu.sync_copy(pos_v, pos_hbm.at[pl.ds(base, CHUNK)])

    xcp.wait()
    pltpu.async_copy(rows_v, xs_hbm.at[pos_v], sem).wait()


def _dispatch(xf, eid, gate, pos_mid, totals):
    mesh = plsc.VectorSubcoreMesh(core_axis_name="c", subcore_axis_name="s")
    return pl.kernel(
        _dispatch_body,
        out_type=(
            jax.ShapeDtypeStruct((N, DP), jnp.float32),
            jax.ShapeDtypeStruct((N,), jnp.int32),
        ),
        mesh=mesh,
        scratch_types=[
            pltpu.VMEM((CHUNK,), jnp.int32),
            pltpu.VMEM((CHUNK,), jnp.int32),
            pltpu.VMEM((CHUNK,), jnp.float32),
            pltpu.VMEM((16,), jnp.int32),
            pltpu.VMEM((CHUNK,), jnp.int32),
            pltpu.VMEM((CHUNK, DP), jnp.float32),
            pltpu.SemaphoreType.DMA,
            pltpu.SemaphoreType.DMA,
        ],
    )(xf, eid, gate, pos_mid, totals)


def _ffn_body(blk, ex, lo, hi, xs_b, w_in_e, b_in_e, w_out_e, b_out_e, out):
    t = pl.program_id(0)
    x = xs_b[:, :D]
    g = xs_b[:, D:D + 1]
    h = lax.dot_general(x, w_in_e[0], (((1,), (0,)), ((), ())),
                        preferred_element_type=jnp.float32) + b_in_e[0, 0]
    h = h * 0.5 * (1.0 + lax.erf(h * 0.7071067811865476))
    o = lax.dot_general(h, w_out_e[0], (((1,), (0,)), ((), ())),
                        preferred_element_type=jnp.float32) + b_out_e[0, 0]
    o = o * g
    row = lax.broadcasted_iota(jnp.int32, (BT, 1), 0)
    mask = (row >= lo[t]) & (row < hi[t])
    contrib = jnp.where(mask, o, 0.0)
    first = jnp.logical_or(t == 0, blk[t] != blk[lax.max(t - 1, 0)])

    @pl.when(first)
    def _init():
        out[...] = contrib

    @pl.when(jnp.logical_not(first))
    def _acc():
        out[...] = out[...] + contrib


def _grouped_ffn(xs, w_in, b_in, w_out, b_out, sched):
    grid_spec = pltpu.PrefetchScalarGridSpec(
        num_scalar_prefetch=4,
        grid=(T_TILES,),
        in_specs=[
            pl.BlockSpec((BT, DP), lambda t, blk, ex, lo, hi: (blk[t], 0)),
            pl.BlockSpec((1, D, H), lambda t, blk, ex, lo, hi: (ex[t], 0, 0)),
            pl.BlockSpec((1, 1, H), lambda t, blk, ex, lo, hi: (ex[t], 0, 0)),
            pl.BlockSpec((1, H, D), lambda t, blk, ex, lo, hi: (ex[t], 0, 0)),
            pl.BlockSpec((1, 1, D), lambda t, blk, ex, lo, hi: (ex[t], 0, 0)),
        ],
        out_specs=pl.BlockSpec((BT, D), lambda t, blk, ex, lo, hi: (blk[t], 0)),
    )
    return pl.pallas_call(
        _ffn_body,
        grid_spec=grid_spec,
        out_shape=jax.ShapeDtypeStruct((N + BT, D), jnp.float32),
    )(*sched,
      xs, w_in, b_in.reshape(E, 1, H), w_out, b_out.reshape(E, 1, D))


def _combine_body(ys_hbm, pos_hbm, y_hbm, pos_v, rows_v, sem):
    wid = lax.axis_index("s") * 2 + lax.axis_index("c")
    base = wid * CHUNK
    pltpu.sync_copy(pos_hbm.at[pl.ds(base, CHUNK)], pos_v)
    pltpu.async_copy(ys_hbm.at[pos_v], rows_v, sem).wait()
    pltpu.sync_copy(rows_v, y_hbm.at[pl.ds(base, CHUNK)])


def _combine(ys, pos):
    mesh = plsc.VectorSubcoreMesh(core_axis_name="c", subcore_axis_name="s")
    return pl.kernel(
        _combine_body,
        out_type=jax.ShapeDtypeStruct((N, D), jnp.float32),
        mesh=mesh,
        scratch_types=[
            pltpu.VMEM((CHUNK,), jnp.int32),
            pltpu.VMEM((CHUNK, D), jnp.float32),
            pltpu.SemaphoreType.DMA,
        ],
    )(ys, pos)


def kernel(x, task_bh, w_gate, w_in, b_in, w_out, b_out):
    bsz, length, d = x.shape
    xf = x.reshape(-1, d)
    tb = jnp.asarray(task_bh, jnp.int32).reshape(1)
    eid, gate, pos_mid, totals = _gating(xf, w_gate, tb)
    totals = totals.reshape(E)
    xs, pos = _dispatch(xf, eid.reshape(-1), gate.reshape(-1),
                        pos_mid.reshape(-1), totals)
    sched = _tile_schedule_jnp(totals)
    ys = _grouped_ffn(xs, w_in, b_in, w_out, b_out, sched)
    y = _combine(ys, pos)
    return y.reshape(bsz, length, d)

# --- scband reference (transcript-rebuilt; emitter-appended) ---
"""Pipeline reference for scband-task-mo-e-57389353009461 (READ-ONLY COPY).

The authoritative reference and input builder live on the scoring server;
editing this copy changes nothing except your own understanding.
"""

import jax, jax.numpy as jnp
import numpy as np

TASK_NUM = 9
E = 16
K = 1
D = 768
H = 128
B = 2
S = 2048


def setup_inputs(seed: int = 0) -> dict:
    key = jax.random.key(seed)
    ks = jax.random.split(key, 6)
    x = jax.random.normal(ks[0], (B, S, D), dtype=jnp.float32)
    # per-task gate weights: nn.Linear(input_size, num_experts, bias=False) per task
    w_gate = jax.random.normal(ks[1], (TASK_NUM, E, D), dtype=jnp.float32) * 0.02
    # ParallelExperts init: uniform(-1/in, 1/in) for weight; uniform(+-1/sqrt(fan_in)) for bias
    w_in = jax.random.uniform(ks[2], (E, D, H), minval=-1.0 / D, maxval=1.0 / D, dtype=jnp.float32)
    b_in = jax.random.uniform(ks[3], (E, H), minval=-1.0 / np.sqrt(D), maxval=1.0 / np.sqrt(D), dtype=jnp.float32)
    w_out = jax.random.uniform(ks[4], (E, H, D), minval=-1.0 / H, maxval=1.0 / H, dtype=jnp.float32)
    b_out = jax.random.uniform(ks[5], (E, D), minval=-1.0 / np.sqrt(H), maxval=1.0 / np.sqrt(H), dtype=jnp.float32)
    return {"x": x, "task_bh": 2, "w_gate": w_gate, "w_in": w_in, "b_in": b_in, "w_out": w_out, "b_out": b_out}


def reference(x, task_bh, w_gate, w_in, b_in, w_out, b_out):
    bsz, length, d = x.shape
    xf = x.reshape(-1, d)
    n = xf.shape[0]
    # task-conditioned gating (clean path, noisy_gating=False / eval)
    logits = xf @ w_gate[task_bh].T  # [n, E]
    probs = jax.nn.softmax(logits, axis=1)
    top_g, top_i = jax.lax.top_k(probs, K)
    top_g = top_g / (jnp.sum(top_g, axis=1, keepdims=True) + 1e-6)
    # compute_gating: scatter top-k gates into dense [n, E] gate matrix
    gates = jnp.zeros((n, E), dtype=xf.dtype).at[jnp.arange(n)[:, None], top_i].add(top_g)
    # expert computation. Mathematically identical to the sorted dispatch +
    # ParallelLinear grouped-mm + index_add combine: y_n = sum_e gates[n,e] * f_e(x_n),
    # where gates[n,e] is nonzero only for the top-k experts of token n.
    y = jnp.zeros((n, d), dtype=xf.dtype)
    for e in range(E):
        h = jax.nn.gelu(xf @ w_in[e] + b_in[e], approximate=False)
        out_e = h @ w_out[e] + b_out[e]
        y = y + gates[:, e:e + 1] * out_e
    y = y.reshape(bsz, length, d)
    return y

if __name__ == "__main__":
    import jax
    _d = setup_inputs()
    print(jax.jit(kernel)(*tuple(_d.values())))

</pallas_src>

<mosaic_0001>
#map = affine_map<(d0, d1) -> (0, 0)>
#map1 = affine_map<(d0, d1) -> (0)>
module attributes {stable_mosaic.version = 14 : i64} {
  func.func @_combine_body(%arg0: i32, %arg1: i32, %arg2: memref<4352x768xf32, #tpu.memory_space<hbm>>, %arg3: memref<4096xi32, #tpu.memory_space<hbm>>, %arg4: memref<4096x768xf32, #tpu.memory_space<hbm>>, %arg5: memref<128xi32, #tpu.memory_space<vmem>>, %arg6: memref<128x768xf32, #tpu.memory_space<vmem>>, %arg7: memref<!tpu.dma_semaphore, #tpu.memory_space<semaphore_mem>>) attributes {dimension_semantics = [#tpu.dimension_semantics<core_parallel>, #tpu.dimension_semantics<subcore_parallel>], iteration_bounds = array<i64: 2, 16>, scalar_prefetch = 0 : i64, scratch_operands = 3 : i64, tpu.core_type = #tpu.core_type<sc_vector_subcore>, window_params = [{transform_indices = #map}, {transform_indices = #map1}, {transform_indices = #map}]} {
    %mul3A = arith.constant 2 : i32
    %mul3A_0 = arith.muli %arg1, %mul3A : i32
    %add3A = arith.addi %mul3A_0, %arg0 : i32
    %mul3A_1 = arith.constant 128 : i32
    %mul3A_2 = arith.muli %add3A, %mul3A_1 : i32
    "tpu.region"() ({
      %run_scoped3A = tpu.sem_alloc : memref<!tpu.dma_semaphore, #tpu.memory_space<semaphore_mem>>
      %dma_start3A_7 = tpu.memref_slice %arg3[%mul3A_2] : memref<4096xi32, #tpu.memory_space<hbm>> -> memref<128xi32, #tpu.memory_space<hbm>>
      %dma_start3A_8 = tpu.memref_slice %arg3[%mul3A_2] : memref<4096xi32, #tpu.memory_space<hbm>> -> memref<128xi32, #tpu.memory_space<hbm>>
      tpu.enqueue_dma source(%dma_start3A_8 : memref<128xi32, #tpu.memory_space<hbm>>) target(%arg5 : memref<128xi32, #tpu.memory_space<vmem>>) target_semaphore(%run_scoped3A : memref<!tpu.dma_semaphore, #tpu.memory_space<semaphore_mem>>)
      %dma_wait3A_9 = tpu.memref_slice %arg3[%mul3A_2] : memref<4096xi32, #tpu.memory_space<hbm>> -> memref<128xi32, #tpu.memory_space<hbm>>
      %dma_wait3A_10 = tpu.memref_slice %arg3[%mul3A_2] : memref<4096xi32, #tpu.memory_space<hbm>> -> memref<128xi32, #tpu.memory_space<hbm>>
      tpu.wait_dma2 semaphore(%run_scoped3A : memref<!tpu.dma_semaphore, #tpu.memory_space<semaphore_mem>>) src(%dma_wait3A_10 : memref<128xi32, #tpu.memory_space<hbm>>) dst(%arg5 : memref<128xi32, #tpu.memory_space<vmem>>)
      tpu.yield
    }) : () -> ()
    %dma_start3A = arith.constant 0 : i32
    %dma_start3A_3 = arith.constant 0 : i32
    %dma_start3A_4 = tpu.memref_slice %arg2[%dma_start3A, %dma_start3A_3] : memref<4352x768xf32, #tpu.memory_space<hbm>> -> memref<4352x768xf32, #tpu.memory_space<hbm>>
    tpu.enqueue_indirect_dma source(%dma_start3A_4 : memref<4352x768xf32, #tpu.memory_space<hbm>>) target(%arg6 : memref<128x768xf32, #tpu.memory_space<vmem>>) offsets(%arg5 : memref<128xi32, #tpu.memory_space<vmem>>) semaphore(%arg7 : memref<!tpu.dma_semaphore, #tpu.memory_space<semaphore_mem>>)
    %dma_wait3A = arith.constant 0 : i32
    %dma_wait3A_5 = arith.constant 0 : i32
    %dma_wait3A_6 = tpu.memref_slice %arg2[%dma_wait3A, %dma_wait3A_5] : memref<4352x768xf32, #tpu.memory_space<hbm>> -> memref<4352x768xf32, #tpu.memory_space<hbm>>
    tpu.wait_indirect_dma semaphore(%arg7 : memref<!tpu.dma_semaphore, #tpu.memory_space<semaphore_mem>>) src(%dma_wait3A_6 : memref<4352x768xf32, #tpu.memory_space<hbm>>) dst(%arg6 : memref<128x768xf32, #tpu.memory_space<vmem>>)
    "tpu.region"() ({
      %run_scoped3A = tpu.sem_alloc : memref<!tpu.dma_semaphore, #tpu.memory_space<semaphore_mem>>
      %dma_start3A_7 = arith.constant 0 : i32
      %dma_start3A_8 = tpu.memref_slice %arg4[%mul3A_2, %dma_start3A_7] : memref<4096x768xf32, #tpu.memory_space<hbm>> -> memref<128x768xf32, #tpu.memory_space<hbm>>
      %dma_start3A_9 = arith.constant 0 : i32
      %dma_start3A_10 = tpu.memref_slice %arg4[%mul3A_2, %dma_start3A_9] : memref<4096x768xf32, #tpu.memory_space<hbm>> -> memref<128x768xf32, #tpu.memory_space<hbm>>
      tpu.enqueue_dma source(%arg6 : memref<128x768xf32, #tpu.memory_space<vmem>>) target(%dma_start3A_10 : memref<128x768xf32, #tpu.memory_space<hbm>>) target_semaphore(%run_scoped3A : memref<!tpu.dma_semaphore, #tpu.memory_space<semaphore_mem>>)
      %dma_wait3A_11 = arith.constant 0 : i32
      %dma_wait3A_12 = tpu.memref_slice %arg4[%mul3A_2, %dma_wait3A_11] : memref<4096x768xf32, #tpu.memory_space<hbm>> -> memref<128x768xf32, #tpu.memory_space<hbm>>
      %dma_wait3A_13 = arith.constant 0 : i32
      %dma_wait3A_14 = tpu.memref_slice %arg4[%mul3A_2, %dma_wait3A_13] : memref<4096x768xf32, #tpu.memory_space<hbm>> -> memref<128x768xf32, #tpu.memory_space<hbm>>
      tpu.wait_dma2 semaphore(%run_scoped3A : memref<!tpu.dma_semaphore, #tpu.memory_space<semaphore_mem>>) src(%arg6 : memref<128x768xf32, #tpu.memory_space<vmem>>) dst(%dma_wait3A_14 : memref<128x768xf32, #tpu.memory_space<hbm>>)
      tpu.yield
    }) : () -> ()
    return
  }
}

#map = affine_map<(d0, d1) -> (0, 0)>
#map1 = affine_map<(d0, d1) -> (0)>
module attributes {stable_mosaic.version = 14 : i64} {
  func.func @_dispatch_body(%arg0: i32, %arg1: i32, %arg2: memref<4096x768xf32, #tpu.memory_space<hbm>>, %arg3: memref<4096xi32, #tpu.memory_space<hbm>>, %arg4: memref<4096xf32, #tpu.memory_space<hbm>>, %arg5: memref<4096xi32, #tpu.memory_space<hbm>>, %arg6: memref<16xi32, #tpu.memory_space<hbm>>, %arg7: memref<4096x896xf32, #tpu.memory_space<hbm>>, %arg8: memref<4096xi32, #tpu.memory_space<hbm>>, %arg9: memref<128xi32, #tpu.memory_space<vmem>>, %arg10: memref<128xi32, #tpu.memory_space<vmem>>, %arg11: memref<128xf32, #tpu.memory_space<vmem>>, %arg12: memref<16xi32, #tpu.memory_space<vmem>>, %arg13: memref<128xi32, #tpu.memory_space<vmem>>, %arg14: memref<128x896xf32, #tpu.memory_space<vmem>>, %arg15: memref<!tpu.dma_semaphore, #tpu.memory_space<semaphore_mem>>, %arg16: memref<!tpu.dma_semaphore, #tpu.memory_space<semaphore_mem>>) attributes {dimension_semantics = [#tpu.dimension_semantics<core_parallel>, #tpu.dimension_semantics<subcore_parallel>], iteration_bounds = array<i64: 2, 16>, scalar_prefetch = 0 : i64, scratch_operands = 8 : i64, tpu.core_type = #tpu.core_type<sc_vector_subcore>, window_params = [{transform_indices = #map}, {transform_indices = #map1}, {transform_indices = #map1}, {transform_indices = #map1}, {transform_indices = #map1}, {transform_indices = #map}, {transform_indices = #map1}]} {
    %mul3A = arith.constant 2 : i32
    %mul3A_0 = arith.muli %arg1, %mul3A : i32
    %add3A = arith.addi %mul3A_0, %arg0 : i32
    %mul3A_1 = arith.constant 128 : i32
    %mul3A_2 = arith.muli %add3A, %mul3A_1 : i32
    %dma_start3A = arith.constant 0 : i32
    %dma_start3A_3 = arith.constant 0 : i32
    %dma_start3A_4 = tpu.memref_slice %arg14[%dma_start3A, %dma_start3A_3] : memref<128x896xf32, #tpu.memory_space<vmem>> -> memref<128x768xf32, #tpu.memory_space<vmem>>
    %dma_start3A_5 = arith.constant 0 : i32
    %dma_start3A_6 = tpu.memref_slice %arg2[%mul3A_2, %dma_start3A_5] : memref<4096x768xf32, #tpu.memory_space<hbm>> -> memref<128x768xf32, #tpu.memory_space<hbm>>
    %dma_start3A_7 = arith.constant 0 : i32
    %dma_start3A_8 = arith.constant 0 : i32
    %dma_start3A_9 = tpu.memref_slice %arg14[%dma_start3A_7, %dma_start3A_8] : memref<128x896xf32, #tpu.memory_space<vmem>> -> memref<128x768xf32, #tpu.memory_space<vmem>>
    %dma_start3A_10 = arith.constant 0 : i32
    %dma_start3A_11 = tpu.memref_slice %arg2[%mul3A_2, %dma_start3A_10] : memref<4096x768xf32, #tpu.memory_space<hbm>> -> memref<128x768xf32, #tpu.memory_space<hbm>>
    tpu.enqueue_dma source(%dma_start3A_11 : memref<128x768xf32, #tpu.memory_space<hbm>>) target(%dma_start3A_9 : memref<128x768xf32, #tpu.memory_space<vmem>>) target_semaphore(%arg16 : memref<!tpu.dma_semaphore, #tpu.memory_space<semaphore_mem>>)
    "tpu.region"() ({
      %run_scoped3A = tpu.sem_alloc : memref<!tpu.dma_semaphore, #tpu.memory_space<semaphore_mem>>
      %dma_start3A_2886 = tpu.memref_slice %arg3[%mul3A_2] : memref<4096xi32, #tpu.memory_space<hbm>> -> memref<128xi32, #tpu.memory_space<hbm>>
      %dma_start3A_2887 = tpu.memref_slice %arg3[%mul3A_2] : memref<4096xi32, #tpu.memory_space<hbm>> -> memref<128xi32, #tpu.memory_space<hbm>>
      tpu.enqueue_dma source(%dma_start3A_2887 : memref<128xi32, #tpu.memory_space<hbm>>) target(%arg9 : memref<128xi32, #tpu.memory_space<vmem>>) target_semaphore(%run_scoped3A : memref<!tpu.dma_semaphore, #tpu.memory_space<semaphore_mem>>)
      %dma_wait3A_2888 = tpu.memref_slice %arg3[%mul3A_2] : memref<4096xi32, #tpu.memory_space<hbm>> -> memref<128xi32, #tpu.memory_space<hbm>>
      %dma_wait3A_2889 = tpu.memref_slice %arg3[%mul3A_2] : memref<4096xi32, #tpu.memory_space<hbm>> -> memref<128xi32, #tpu.memory_space<hbm>>
      tpu.wait_dma2 semaphore(%run_scoped3A : memref<!tpu.dma_semaphore, #tpu.memory_space<semaphore_mem>>) src(%dma_wait3A_2889 : memref<128xi32, #tpu.memory_space<hbm>>) dst(%arg9 : memref<128xi32, #tpu.memory_space<vmem>>)
      tpu.yield
    }) : () -> ()
    "tpu.region"() ({
      %run_scoped3A = tpu.sem_alloc : memref<!tpu.dma_semaphore, #tpu.memory_space<semaphore_mem>>
      %dma_start3A_2886 = tpu.memref_slice %arg5[%mul3A_2] : memref<4096xi32, #tpu.memory_space<hbm>> -> memref<128xi32, #tpu.memory_space<hbm>>
      %dma_start3A_2887 = tpu.memref_slice %arg5[%mul3A_2] : memref<4096xi32, #tpu.memory_space<hbm>> -> memref<128xi32, #tpu.memory_space<hbm>>
      tpu.enqueue_dma source(%dma_start3A_2887 : memref<128xi32, #tpu.memory_space<hbm>>) target(%arg10 : memref<128xi32, #tpu.memory_space<vmem>>) target_semaphore(%run_scoped3A : memref<!tpu.dma_semaphore, #tpu.memory_space<semaphore_mem>>)
      %dma_wait3A_2888 = tpu.memref_slice %arg5[%mul3A_2] : memref<4096xi32, #tpu.memory_space<hbm>> -> memref<128xi32, #tpu.memory_space<hbm>>
      %dma_wait3A_2889 = tpu.memref_slice %arg5[%mul3A_2] : memref<4096xi32, #tpu.memory_space<hbm>> -> memref<128xi32, #tpu.memory_space<hbm>>
      tpu.wait_dma2 semaphore(%run_scoped3A : memref<!tpu.dma_semaphore, #tpu.memory_space<semaphore_mem>>) src(%dma_wait3A_2889 : memref<128xi32, #tpu.memory_space<hbm>>) dst(%arg10 : memref<128xi32, #tpu.memory_space<vmem>>)
      tpu.yield
    }) : () -> ()
    "tpu.region"() ({
      %run_scoped3A = tpu.sem_alloc : memref<!tpu.dma_semaphore, #tpu.memory_space<semaphore_mem>>
      %dma_start3A_2886 = tpu.memref_slice %arg4[%mul3A_2] : memref<4096xf32, #tpu.memory_space<hbm>> -> memref<128xf32, #tpu.memory_space<hbm>>
      %dma_start3A_2887 = tpu.memref_slice %arg4[%mul3A_2] : memref<4096xf32, #tpu.memory_space<hbm>> -> memref<128xf32, #tpu.memory_space<hbm>>
      tpu.enqueue_dma source(%dma_start3A_2887 : memref<128xf32, #tpu.memory_space<hbm>>) target(%arg11 : memref<128xf32, #tpu.memory_space<vmem>>) target_semaphore(%run_scoped3A : memref<!tpu.dma_semaphore, #tpu.memory_space<semaphore_mem>>)
      %dma_wait3A_2888 = tpu.memref_slice %arg4[%mul3A_2] : memref<4096xf32, #tpu.memory_space<hbm>> -> memref<128xf32, #tpu.memory_space<hbm>>
      %dma_wait3A_2889 = tpu.memref_slice %arg4[%mul3A_2] : memref<4096xf32, #tpu.memory_space<hbm>> -> memref<128xf32, #tpu.memory_space<hbm>>
      tpu.wait_dma2 semaphore(%run_scoped3A : memref<!tpu.dma_semaphore, #tpu.memory_space<semaphore_mem>>) src(%dma_wait3A_2889 : memref<128xf32, #tpu.memory_space<hbm>>) dst(%arg11 : memref<128xf32, #tpu.memory_space<vmem>>)
      tpu.yield
    }) : () -> ()
    "tpu.region"() ({
      %run_scoped3A = tpu.sem_alloc : memref<!tpu.dma_semaphore, #tpu.memory_space<semaphore_mem>>
      tpu.enqueue_dma source(%arg6 : memref<16xi32, #tpu.memory_space<hbm>>) target(%arg12 : memref<16xi32, #tpu.memory_space<vmem>>) target_semaphore(%run_scoped3A : memref<!tpu.dma_semaphore, #tpu.memory_space<semaphore_mem>>)
      tpu.wait_dma2 semaphore(%run_scoped3A : memref<!tpu.dma_semaphore, #tpu.memory_space<semaphore_mem>>) src(%arg6 : memref<16xi32, #tpu.memory_space<hbm>>) dst(%arg12 : memref<16xi32, #tpu.memory_space<vmem>>)
      tpu.yield
    }) : () -> ()
    %iota3A = tpu.iota {dimensions = array<i32: 0>} : vector<16xi32>
    %get3A = arith.constant 0 : index
    %get3A_12 = tpu.vector_load %arg12[%get3A] {strides = array<i32>} : memref<16xi32, #tpu.memory_space<vmem>>, vector<16xi32>,
    %get3A_13 = vector.shape_cast %get3A_12 : vector<16xi32> to vector<16xi32>
    %sub3A = arith.constant 1 : i32
    %sub3A_14 = vector.broadcast %sub3A : i32 to vector<16xi32>
    %sub3A_15 = arith.subi %iota3A, %sub3A_14 : vector<16xi32>
    %max3A = arith.constant 0 : i32
    %max3A_16 = vector.broadcast %max3A : i32 to vector<16xi32>
    %max3A_17 = arith.maxsi %sub3A_15, %max3A_16 : vector<16xi32>
    %lt3A = arith.constant 0 : i32
    %lt3A_18 = vector.broadcast %lt3A : i32 to vector<16xi32>
    %lt3A_19 = arith.cmpi slt, %max3A_17, %lt3A_18 : vector<16xi32>
    %add3A_20 = arith.constant 16 : i32
    %add3A_21 = vector.broadcast %add3A_20 : i32 to vector<16xi32>
    %add3A_22 = arith.addi %max3A_17, %add3A_21 : vector<16xi32>
    %select_n3A = arith.select %lt3A_19, %add3A_22, %max3A_17 : vector<16xi1>, vector<16xi32>
    %broadcast_in_dim3A = vector.shape_cast %select_n3A : vector<16xi32> to vector<16x1xi32>
    %gather3A = vector.shape_cast %broadcast_in_dim3A : vector<16x1xi32> to vector<16xi32>
    %gather3A_23 = tpu.dynamic_gather %get3A_13[%gather3A] in [0] : vector<16xi32>, vector<16xi32> -> vector<16xi32>
    %ge3A = arith.constant 1 : i32
    %ge3A_24 = vector.broadcast %ge3A : i32 to vector<16xi32>
    %ge3A_25 = arith.cmpi sge, %iota3A, %ge3A_24 : vector<16xi32>
    %jit3A = arith.constant 0 : i32
    %broadcast_in_dim3A_26 = vector.broadcast %jit3A : i32 to vector<16xi32>
    %select_n3A_27 = arith.select %ge3A_25, %gather3A_23, %broadcast_in_dim3A_26 : vector<16xi1>, vector<16xi32>
    %add3A_28 = arith.addi %get3A_13, %select_n3A_27 : vector<16xi32>
    %sub3A_29 = arith.constant 2 : i32
    %sub3A_30 = vector.broadcast %sub3A_29 : i32 to vector<16xi32>
    %sub3A_31 = arith.subi %iota3A, %sub3A_30 : vector<16xi32>
    %max3A_32 = arith.constant 0 : i32
    %max3A_33 = vector.broadcast %max3A_32 : i32 to vector<16xi32>
    %max3A_34 = arith.maxsi %sub3A_31, %max3A_33 : vector<16xi32>
    %lt3A_35 = arith.constant 0 : i32
    %lt3A_36 = vector.broadcast %lt3A_35 : i32 to vector<16xi32>
    %lt3A_37 = arith.cmpi slt, %max3A_34, %lt3A_36 : vector<16xi32>
    %add3A_38 = arith.constant 16 : i32
    %add3A_39 = vector.broadcast %add3A_38 : i32 to vector<16xi32>
    %add3A_40 = arith.addi %max3A_34, %add3A_39 : vector<16xi32>
    %select_n3A_41 = arith.select %lt3A_37, %add3A_40, %max3A_34 : vector<16xi1>, vector<16xi32>
    %broadcast_in_dim3A_42 = vector.shape_cast %select_n3A_41 : vector<16xi32> to vector<16x1xi32>
    %gather3A_43 = vector.shape_cast %broadcast_in_dim3A_42 : vector<16x1xi32> to vector<16xi32>
    %gather3A_44 = tpu.dynamic_gather %add3A_28[%gather3A_43] in [0] : vector<16xi32>, vector<16xi32> -> vector<16xi32>
    %ge3A_45 = arith.constant 2 : i32
    %ge3A_46 = vector.broadcast %ge3A_45 : i32 to vector<16xi32>
    %ge3A_47 = arith.cmpi sge, %iota3A, %ge3A_46 : vector<16xi32>
    %jit3A_48 = arith.constant 0 : i32
    %broadcast_in_dim3A_49 = vector.broadcast %jit3A_48 : i32 to vector<16xi32>
    %select_n3A_50 = arith.select %ge3A_47, %gather3A_44, %broadcast_in_dim3A_49 : vector<16xi1>, vector<16xi32>
    %add3A_51 = arith.addi %add3A_28, %select_n3A_50 : vector<16xi32>
    %sub3A_52 = arith.constant 4 : i32
    %sub3A_53 = vector.broadcast %sub3A_52 : i32 to vector<16xi32>
    %sub3A_54 = arith.subi %iota3A, %sub3A_53 : vector<16xi32>
    %max3A_55 = arith.constant 0 : i32
    %max3A_56 = vector.broadcast %max3A_55 : i32 to vector<16xi32>
    %max3A_57 = arith.maxsi %sub3A_54, %max3A_56 : vector<16xi32>
    %lt3A_58 = arith.constant 0 : i32
    %lt3A_59 = vector.broadcast %lt3A_58 : i32 to vector<16xi32>
    %lt3A_60 = arith.cmpi slt, %max3A_57, %lt3A_59 : vector<16xi32>
    %add3A_61 = arith.constant 16 : i32
    %add3A_62 = vector.broadcast %add3A_61 : i32 to vector<16xi32>
    %add3A_63 = arith.addi %max3A_57, %add3A_62 : vector<16xi32>
    %select_n3A_64 = arith.select %lt3A_60, %add3A_63, %max3A_57 : vector<16xi1>, vector<16xi32>
    %broadcast_in_dim3A_65 = vector.shape_cast %select_n3A_64 : vector<16xi32> to vector<16x1xi32>
    %gather3A_66 = vector.shape_cast %broadcast_in_dim3A_65 : vector<16x1xi32> to vector<16xi32>
    %gather3A_67 = tpu.dynamic_gather %add3A_51[%gather3A_66] in [0] : vector<16xi32>, vector<16xi32> -> vector<16xi32>
    %ge3A_68 = arith.constant 4 : i32
    %ge3A_69 = vector.broadcast %ge3A_68 : i32 to vector<16xi32>
    %ge3A_70 = arith.cmpi sge, %iota3A, %ge3A_69 : vector<16xi32>
    %jit3A_71 = arith.constant 0 : i32
    %broadcast_in_dim3A_72 = vector.broadcast %jit3A_71 : i32 to vector<16xi32>
    %select_n3A_73 = arith.select %ge3A_70, %gather3A_67, %broadcast_in_dim3A_72 : vector<16xi1>, vector<16xi32>
    %add3A_74 = arith.addi %add3A_51, %select_n3A_73 : vector<16xi32>
    %sub3A_75 = arith.constant 8 : i32
    %sub3A_76 = vector.broadcast %sub3A_75 : i32 to vector<16xi32>
    %sub3A_77 = arith.subi %iota3A, %sub3A_76 : vector<16xi32>
    %max3A_78 = arith.constant 0 : i32
    %max3A_79 = vector.broadcast %max3A_78 : i32 to vector<16xi32>
    %max3A_80 = arith.maxsi %sub3A_77, %max3A_79 : vector<16xi32>
    %lt3A_81 = arith.constant 0 : i32
    %lt3A_82 = vector.broadcast %lt3A_81 : i32 to vector<16xi32>
    %lt3A_83 = arith.cmpi slt, %max3A_80, %lt3A_82 : vector<16xi32>
    %add3A_84 = arith.constant 16 : i32
    %add3A_85 = vector.broadcast %add3A_84 : i32 to vector<16xi32>
    %add3A_86 = arith.addi %max3A_80, %add3A_85 : vector<16xi32>
    %select_n3A_87 = arith.select %lt3A_83, %add3A_86, %max3A_80 : vector<16xi1>, vector<16xi32>
    %broadcast_in_dim3A_88 = vector.shape_cast %select_n3A_87 : vector<16xi32> to vector<16x1xi32>
    %gather3A_89 = vector.shape_cast %broadcast_in_dim3A_88 : vector<16x1xi32> to vector<16xi32>
    %gather3A_90 = tpu.dynamic_gather %add3A_74[%gather3A_89] in [0] : vector<16xi32>, vector<16xi32> -> vector<16xi32>
    %ge3A_91 = arith.constant 8 : i32
    %ge3A_92 = vector.broadcast %ge3A_91 : i32 to vector<16xi32>
    %ge3A_93 = arith.cmpi sge, %iota3A, %ge3A_92 : vector<16xi32>
    %jit3A_94 = arith.constant 0 : i32
    %broadcast_in_dim3A_95 = vector.broadcast %jit3A_94 : i32 to vector<16xi32>
    %select_n3A_96 = arith.select %ge3A_93, %gather3A_90, %broadcast_in_dim3A_95 : vector<16xi1>, vector<16xi32>
    %add3A_97 = arith.addi %add3A_74, %select_n3A_96 : vector<16xi32>
    %sub3A_98 = arith.constant 1 : i32
    %sub3A_99 = vector.broadcast %sub3A_98 : i32 to vector<16xi32>
    %sub3A_100 = arith.subi %iota3A, %sub3A_99 : vector<16xi32>
    %max3A_101 = arith.constant 0 : i32
    %max3A_102 = vector.broadcast %max3A_101 : i32 to vector<16xi32>
    %max3A_103 = arith.maxsi %sub3A_100, %max3A_102 : vector<16xi32>
    %lt3A_104 = arith.constant 0 : i32
    %lt3A_105 = vector.broadcast %lt3A_104 : i32 to vector<16xi32>
    %lt3A_106 = arith.cmpi slt, %max3A_103, %lt3A_105 : vector<16xi32>
    %add3A_107 = arith.constant 16 : i32
    %add3A_108 = vector.broadcast %add3A_107 : i32 to vector<16xi32>
    %add3A_109 = arith.addi %max3A_103, %add3A_108 : vector<16xi32>
    %select_n3A_110 = arith.select %lt3A_106, %add3A_109, %max3A_103 : vector<16xi1>, vector<16xi32>
    %broadcast_in_dim3A_111 = vector.shape_cast %select_n3A_110 : vector<16xi32> to vector<16x1xi32>
    %gather3A_112 = vector.shape_cast %broadcast_in_dim3A_111 : vector<16x1xi32> to vector<16xi32>
    %gather3A_113 = tpu.dynamic_gather %add3A_97[%gather3A_112] in [0] : vector<16xi32>, vector<16xi32> -> vector<16xi32>
    %ge3A_114 = arith.constant 1 : i32
    %ge3A_115 = vector.broadcast %ge3A_114 : i32 to vector<16xi32>
    %ge3A_116 = arith.cmpi sge, %iota3A, %ge3A_115 : vector<16xi32>
    %jit3A_117 = arith.constant 0 : i32
    %broadcast_in_dim3A_118 = vector.broadcast %jit3A_117 : i32 to vector<16xi32>
    %select_n3A_119 = arith.select %ge3A_116, %gather3A_113, %broadcast_in_dim3A_118 : vector<16xi1>, vector<16xi32>
    %get3A_120 = arith.constant 0 : index
    %get3A_121 = tpu.vector_load %arg9[%get3A_120] {strides = array<i32>} : memref<128xi32, #tpu.memory_space<vmem>>, vector<16xi32>,
    %get3A_122 = vector.shape_cast %get3A_121 : vector<16xi32> to vector<16xi32>
    %lt3A_123 = arith.constant 0 : i32
    %lt3A_124 = vector.broadcast %lt3A_123 : i32 to vector<16xi32>
    %lt3A_125 = arith.cmpi slt, %get3A_122, %lt3A_124 : vector<16xi32>
    %add3A_126 = arith.constant 16 : i32
    %add3A_127 = vector.broadcast %add3A_126 : i32 to vector<16xi32>
    %add3A_128 = arith.addi %get3A_122, %add3A_127 : vector<16xi32>
    %select_n3A_129 = arith.select %lt3A_125, %add3A_128, %get3A_122 : vector<16xi1>, vector<16xi32>
    %broadcast_in_dim3A_130 = vector.shape_cast %select_n3A_129 : vector<16xi32> to vector<16x1xi32>
    %gather3A_131 = vector.shape_cast %broadcast_in_dim3A_130 : vector<16x1xi32> to vector<16xi32>
    %gather3A_132 = tpu.dynamic_gather %select_n3A_119[%gather3A_131] in [0] : vector<16xi32>, vector<16xi32> -> vector<16xi32>
    %get3A_133 = arith.constant 0 : index
    %get3A_134 = tpu.vector_load %arg10[%get3A_133] {strides = array<i32>} : memref<128xi32, #tpu.memory_space<vmem>>, vector<16xi32>,
    %get3A_135 = vector.shape_cast %get3A_134 : vector<16xi32> to vector<16xi32>
    %add3A_136 = arith.addi %gather3A_132, %get3A_135 : vector<16xi32>
    %swap3A = arith.constant 0 : index
    %swap3A_137 = tpu.vector_load %arg13[%swap3A] {strides = array<i32>} : memref<128xi32, #tpu.memory_space<vmem>>, vector<16xi32>,
    %swap3A_138 = vector.shape_cast %swap3A_137 : vector<16xi32> to vector<16xi32>
    %swap3A_139 = vector.shape_cast %add3A_136 : vector<16xi32> to vector<16xi32>
    tpu.vector_store %arg13[%swap3A], %swap3A_139 {strides = array<i32>} : memref<128xi32, #tpu.memory_space<vmem>>, vector<16xi32>,
    %get3A_140 = arith.constant 0 : index
    %get3A_141 = tpu.vector_load %arg11[%get3A_140] {strides = array<i32>} : memref<128xf32, #tpu.memory_space<vmem>>, vector<16xf32>,
    %get3A_142 = vector.shape_cast %get3A_141 : vector<16xf32> to vector<16xf32>
    %broadcast_in_dim3A_143 = arith.constant 0 : i32
    %broadcast_in_dim3A_144 = vector.broadcast %broadcast_in_dim3A_143 : i32 to vector<16xi32>
    %lt3A_145 = arith.constant 0 : i32
    %lt3A_146 = vector.broadcast %lt3A_145 : i32 to vector<16xi32>
    %lt3A_147 = arith.cmpi slt, %broadcast_in_dim3A_144, %lt3A_146 : vector<16xi32>
    %add3A_148 = arith.constant 16 : i32
    %add3A_149 = vector.broadcast %add3A_148 : i32 to vector<16xi32>
    %add3A_150 = arith.addi %broadcast_in_dim3A_144, %add3A_149 : vector<16xi32>
    %select_n3A_151 = arith.select %lt3A_147, %add3A_150, %broadcast_in_dim3A_144 : vector<16xi1>, vector<16xi32>
    %broadcast_in_dim3A_152 = vector.shape_cast %select_n3A_151 : vector<16xi32> to vector<16x1xi32>
    %gather3A_153 = vector.shape_cast %broadcast_in_dim3A_152 : vector<16x1xi32> to vector<16xi32>
    %gather3A_154 = tpu.dynamic_gather %get3A_142[%gather3A_153] in [0] : vector<16xf32>, vector<16xi32> -> vector<16xf32>
    %swap3A_155 = arith.constant 0 : i32
    %swap3A_156 = arith.constant 0 : i32
    %swap3A_157 = tpu.memref_slice %arg14[%swap3A_155, %swap3A_156] : memref<128x896xf32, #tpu.memory_space<vmem>> -> memref<1x896xf32, #tpu.memory_space<vmem>>
    %swap3A_158 = tpu.memref_squeeze %swap3A_157 : memref<1x896xf32, #tpu.memory_space<vmem>> -> memref<896xf32, #tpu.memory_space<vmem>>
    %swap3A_159 = arith.constant 768 : index
    %swap3A_160 = tpu.vector_load %swap3A_158[%swap3A_159] {strides = array<i32>} : memref<896xf32, #tpu.memory_space<vmem>>, vector<16xf32>,
    %swap3A_161 = vector.shape_cast %swap3A_160 : vector<16xf32> to vector<16xf32>
    %swap3A_162 = vector.shape_cast %gather3A_154 : vector<16xf32> to vector<16xf32>
    tpu.vector_store %swap3A_158[%swap3A_159], %swap3A_162 {strides = array<i32>} : memref<896xf32, #tpu.memory_space<vmem>>, vector<16xf32>,
    %broadcast_in_dim3A_163 = arith.constant 1 : i32
    %broadcast_in_dim3A_164 = vector.broadcast %broadcast_in_dim3A_163 : i32 to vector<16xi32>
    %lt3A_165 = arith.constant 0 : i32
    %lt3A_166 = vector.broadcast %lt3A_165 : i32 to vector<16xi32>
    %lt3A_167 = arith.cmpi slt, %broadcast_in_dim3A_164, %lt3A_166 : vector<16xi32>
    %add3A_168 = arith.constant 16 : i32
    %add3A_169 = vector.broadcast %add3A_168 : i32 to vector<16xi32>
    %add3A_170 = arith.addi %broadcast_in_dim3A_164, %add3A_169 : vector<16xi32>
    %select_n3A_171 = arith.select %lt3A_167, %add3A_170, %broadcast_in_dim3A_164 : vector<16xi1>, vector<16xi32>
    %broadcast_in_dim3A_172 = vector.shape_cast %select_n3A_171 : vector<16xi32> to vector<16x1xi32>
    %gather3A_173 = vector.shape_cast %broadcast_in_dim3A_172 : vector<16x1xi32> to vector<16xi32>
    %gather3A_174 = tpu.dynamic_gather %get3A_142[%gather3A_173] in [0] : vector<16xf32>, vector<16xi32> -> vector<16xf32>
    %swap3A_175 = arith.constant 1 : i32
    %swap3A_176 = arith.constant 0 : i32
    %swap3A_177 = tpu.memref_slice %arg14[%swap3A_175, %swap3A_176] : memref<128x896xf32, #tpu.memory_space<vmem>> -> memref<1x896xf32, #tpu.memory_space<vmem>>
    %swap3A_178 = tpu.memref_squeeze %swap3A_177 : memref<1x896xf32, #tpu.memory_space<vmem>> -> memref<896xf32, #tpu.memory_space<vmem>>
    %swap3A_179 = arith.constant 768 : index
    %swap3A_180 = tpu.vector_load %swap3A_178[%swap3A_179] {strides = array<i32>} : memref<896xf32, #tpu.memory_space<vmem>>, vector<16xf32>,
    %swap3A_181 = vector.shape_cast %swap3A_180 : vector<16xf32> to vector<16xf32>
    %swap3A_182 = vector.shape_cast %gather3A_174 : vector<16xf32> to vector<16xf32>
    tpu.vector_store %swap3A_178[%swap3A_179], %swap3A_182 {strides = array<i32>} : memref<896xf32, #tpu.memory_space<vmem>>, vector<16xf32>,
    %broadcast_in_dim3A_183 = arith.constant 2 : i32
    %broadcast_in_dim3A_184 = vector.broadcast %broadcast_in_dim3A_183 : i32 to vector<16xi32>
    %lt3A_185 = arith.constant 0 : i32
    %lt3A_186 = vector.broadcast %lt3A_185 : i32 to vector<16xi32>
    %lt3A_187 = arith.cmpi slt, %broadcast_in_dim3A_184, %lt3A_186 : vector<16xi32>
    %add3A_188 = arith.constant 16 : i32
    %add3A_189 = vector.broadcast %add3A_188 : i32 to vector<16xi32>
    %add3A_190 = arith.addi %broadcast_in_dim3A_184, %add3A_189 : vector<16xi32>
    %select_n3A_191 = arith.select %lt3A_187, %add3A_190, %broadcast_in_dim3A_184 : vector<16xi1>, vector<16xi32>
    %broadcast_in_dim3A_192 = vector.shape_cast %select_n3A_191 : vector<16xi32> to vector<16x1xi32>
    %gather3A_193 = vector.shape_cast %broadcast_in_dim3A_192 : vector<16x1xi32> to vector<16xi32>
    %gather3A_194 = tpu.dynamic_gather %get3A_142[%gather3A_193] in [0] : vector<16xf32>, vector<16xi32> -> vector<16xf32>
    %swap3A_195 = arith.constant 2 : i32
    %swap3A_196 = arith.constant 0 : i32
    %swap3A_197 = tpu.memref_slice %arg14[%swap3A_195, %swap3A_196] : memref<128x896xf32, #tpu.memory_space<vmem>> -> memref<1x896xf32, #tpu.memory_space<vmem>>
    %swap3A_198 = tpu.memref_squeeze %swap3A_197 : memref<1x896xf32, #tpu.memory_space<vmem>> -> memref<896xf32, #tpu.memory_space<vmem>>
    %swap3A_199 = arith.constant 768 : index
    %swap3A_200 = tpu.vector_load %swap3A_198[%swap3A_199] {strides = array<i32>} : memref<896xf32, #tpu.memory_space<vmem>>, vector<16xf32>,
    %swap3A_201 = vector.shape_cast %swap3A_200 : vector<16xf32> to vector<16xf32>
    %swap3A_202 = vector.shape_cast %gather3A_194 : vector<16xf32> to vector<16xf32>
    tpu.vector_store %swap3A_198[%swap3A_199], %swap3A_202 {strides = array<i32>} : memref<896xf32, #tpu.memory_space<vmem>>, vector<16xf32>,
    %broadcast_in_dim3A_203 = arith.constant 3 : i32
    %broadcast_in_dim3A_204 = vector.broadcast %broadcast_in_dim3A_203 : i32 to vector<16xi32>
    %lt3A_205 = arith.constant 0 : i32
    %lt3A_206 = vector.broadcast %lt3A_205 : i32 to vector<16xi32>
    %lt3A_207 = arith.cmpi slt, %broadcast_in_dim3A_204, %lt3A_206 : vector<16xi32>
    %add3A_208 = arith.constant 16 : i32
    %add3A_209 = vector.broadcast %add3A_208 : i32 to vector<16xi32>
    %add3A_210 = arith.addi %broadcast_in_dim3A_204, %add3A_209 : vector<16xi32>
    %select_n3A_211 = arith.select %lt3A_207, %add3A_210, %broadcast_in_dim3A_204 : vector<16xi1>, vector<16xi32>
    %broadcast_in_dim3A_212 = vector.shape_cast %select_n3A_211 : vector<16xi32> to vector<16x1xi32>
    %gather3A_213 = vector.shape_cast %broadcast_in_dim3A_212 : vector<16x1xi32> to vector<16xi32>
    %gather3A_214 = tpu.dynamic_gather %get3A_142[%gather3A_213] in [0] : vector<16xf32>, vector<16xi32> -> vector<16xf32>
    %swap3A_215 = arith.constant 3 : i32
    %swap3A_216 = arith.constant 0 : i32
    %swap3A_217 = tpu.memref_slice %arg14[%swap3A_215, %swap3A_216] : memref<128x896xf32, #tpu.memory_space<vmem>> -> memref<1x896xf32, #tpu.memory_space<vmem>>
    %swap3A_218 = tpu.memref_squeeze %swap3A_217 : memref<1x896xf32, #tpu.memory_space<vmem>> -> memref<896xf32, #tpu.memory_space<vmem>>
    %swap3A_219 = arith.constant 768 : index
    %swap3A_220 = tpu.vector_load %swap3A_218[%swap3A_219] {strides = array<i32>} : memref<896xf32, #tpu.memory_space<vmem>>, vector<16xf32>,
    %swap3A_221 = vector.shape_cast %swap3A_220 : vector<16xf32> to vector<16xf32>
    %swap3A_222 = vector.shape_cast %gather3A_214 : vector<16xf32> to vector<16xf32>
    tpu.vector_store %swap3A_218[%swap3A_219], %swap3A_222 {strides = array<i32>} : memref<896xf32, #tpu.memory_space<vmem>>, vector<16xf32>,
    %broadcast_in_dim3A_223 = arith.constant 4 : i32
    %broadcast_in_dim3A_224 = vector.broadcast %broadcast_in_dim3A_223 : i32 to vector<16xi32>
    %lt3A_225 = arith.constant 0 : i32
    %lt3A_226 = vector.broadcast %lt3A_225 : i32 to vector<16xi32>
    %lt3A_227 = arith.cmpi slt, %broadcast_in_dim3A_224, %lt3A_226 : vector<16xi32>
    %add3A_228 = arith.constant 16 : i32
    %add3A_229 = vector.broadcast %add3A_228 : i32 to vector<16xi32>
    %add3A_230 = arith.addi %broadcast_in_dim3A_224, %add3A_229 : vector<16xi32>
    %select_n3A_231 = arith.select %lt3A_227, %add3A_230, %broadcast_in_dim3A_224 : vector<16xi1>, vector<16xi32>
    %broadcast_in_dim3A_232 = vector.shape_cast %select_n3A_231 : vector<16xi32> to vector<16x1xi32>
    %gather3A_233 = vector.shape_cast %broadcast_in_dim3A_232 : vector<16x1xi32> to vector<16xi32>
    %gather3A_234 = tpu.dynamic_gather %get3A_142[%gather3A_233] in [0] : vector<16xf32>, vector<16xi32> -> vector<16xf32>
    %swap3A_235 = arith.constant 4 : i32
    %swap3A_236 = arith.constant 0 : i32
    %swap3A_237 = tpu.memref_slice %arg14[%swap3A_235, %swap3A_236] : memref<128x896xf32, #tpu.memory_space<vmem>> -> memref<1x896xf32, #tpu.memory_space<vmem>>
    %swap3A_238 = tpu.memref_squeeze %swap3A_237 : memref<1x896xf32, #tpu.memory_space<vmem>> -> memref<896xf32, #tpu.memory_space<vmem>>
    %swap3A_239 = arith.constant 768 : index
    %swap3A_240 = tpu.vector_load %swap3A_238[%swap3A_239] {strides = array<i32>} : memref<896xf32, #tpu.memory_space<vmem>>, vector<16xf32>,
    %swap3A_241 = vector.shape_cast %swap3A_240 : vector<16xf32> to vector<16xf32>
    %swap3A_242 = vector.shape_cast %gather3A_234 : vector<16xf32> to vector<16xf32>
    tpu.vector_store %swap3A_238[%swap3A_239], %swap3A_242 {strides = array<i32>} : memref<896xf32, #tpu.memory_space<vmem>>, vector<16xf32>,
    %broadcast_in_dim3A_243 = arith.constant 5 : i32
    %broadcast_in_dim3A_244 = vector.broadcast %broadcast_in_dim3A_243 : i32 to vector<16xi32>
    %lt3A_245 = arith.constant 0 : i32
    %lt3A_246 = vector.broadcast %lt3A_245 : i32 to vector<16xi32>
    %lt3A_247 = arith.cmpi slt, %broadcast_in_dim3A_244, %lt3A_246 : vector<16xi32>
    %add3A_248 = arith.constant 16 : i32
    %add3A_249 = vector.broadcast %add3A_248 : i32 to vector<16xi32>
    %add3A_250 = arith.addi %broadcast_in_dim3A_244, %add3A_249 : vector<16xi32>
    %select_n3A_251 = arith.select %lt3A_247, %add3A_250, %broadcast_in_dim3A_244 : vector<16xi1>, vector<16xi32>
    %broadcast_in_dim3A_252 = vector.shape_cast %select_n3A_251 : vector<16xi32> to vector<16x1xi32>
    %gather3A_253 = vector.shape_cast %broadcast_in_dim3A_252 : vector<16x1xi32> to vector<16xi32>
    %gather3A_254 = tpu.dynamic_gather %get3A_142[%gather3A_253] in [0] : vector<16xf32>, vector<16xi32> -> vector<16xf32>
    %swap3A_255 = arith.constant 5 : i32
    %swap3A_256 = arith.constant 0 : i32
    %swap3A_257 = tpu.memref_slice %arg14[%swap3A_255, %swap3A_256] : memref<128x896xf32, #tpu.memory_space<vmem>> -> memref<1x896xf32, #tpu.memory_space<vmem>>
    %swap3A_258 = tpu.memref_squeeze %swap3A_257 : memref<1x896xf32, #tpu.memory_space<vmem>> -> memref<896xf32, #tpu.memory_space<vmem>>
    %swap3A_259 = arith.constant 768 : index
    %swap3A_260 = tpu.vector_load %swap3A_258[%swap3A_259] {strides = array<i32>} : memref<896xf32, #tpu.memory_space<vmem>>, vector<16xf32>,
    %swap3A_261 = vector.shape_cast %swap3A_260 : vector<16xf32> to vector<16xf32>
    %swap3A_262 = vector.shape_cast %gather3A_254 : vector<16xf32> to vector<16xf32>
    tpu.vector_store %swap3A_258[%swap3A_259], %swap3A_262 {strides = array<i32>} : memref<896xf32, #tpu.memory_space<vmem>>, vector<16xf32>,
    %broadcast_in_dim3A_263 = arith.constant 6 : i32
    %broadcast_in_dim3A_264 = vector.broadcast %broadcast_in_dim3A_263 : i32 to vector<16xi32>
    %lt3A_265 = arith.constant 0 : i32
    %lt3A_266 = vector.broadcast %lt3A_265 : i32 to vector<16xi32>
    %lt3A_267 = arith.cmpi slt, %broadcast_in_dim3A_264, %lt3A_266 : vector<16xi32>
    %add3A_268 = arith.constant 16 : i32
    %add3A_269 = vector.broadcast %add3A_268 : i32 to vector<16xi32>
    %add3A_270 = arith.addi %broadcast_in_dim3A_264, %add3A_269 : vector<16xi32>
    %select_n3A_271 = arith.select %lt3A_267, %add3A_270, %broadcast_in_dim3A_264 : vector<16xi1>, vector<16xi32>
    %broadcast_in_dim3A_272 = vector.shape_cast %select_n3A_271 : vector<16xi32> to vector<16x1xi32>
    %gather3A_273 = vector.shape_cast %broadcast_in_dim3A_272 : vector<16x1xi32> to vector<16xi32>
    %gather3A_274 = tpu.dynamic_gather %get3A_142[%gather3A_273] in [0] : vector<16xf32>, vector<16xi32> -> vector<16xf32>
    %swap3A_275 = arith.constant 6 : i32
    %swap3A_276 = arith.constant 0 : i32
    %swap3A_277 = tpu.memref_slice %arg14[%swap3A_275, %swap3A_276] : memref<128x896xf32, #tpu.memory_space<vmem>> -> memref<1x896xf32, #tpu.memory_space<vmem>>
    %swap3A_278 = tpu.memref_squeeze %swap3A_277 : memref<1x896xf32, #tpu.memory_space<vmem>> -> memref<896xf32, #tpu.memory_space<vmem>>
    %swap3A_279 = arith.constant 768 : index
    %swap3A_280 = tpu.vector_load %swap3A_278[%swap3A_279] {strides = array<i32>} : memref<896xf32, #tpu.memory_space<vmem>>, vector<16xf32>,
    %swap3A_281 = vector.shape_cast %swap3A_280 : vector<16xf32> to vector<16xf32>
    %swap3A_282 = vector.shape_cast %gather3A_274 : vector<16xf32> to vector<16xf32>
    tpu.vector_store %swap3A_278[%swap3A_279], %swap3A_282 {strides = array<i32>} : memref<896xf32, #tpu.memory_space<vmem>>, vector<16xf32>,
    %broadcast_in_dim3A_283 = arith.constant 7 : i32
    %broadcast_in_dim3A_284 = vector.broadcast %broadcast_in_dim3A_283 : i32 to vector<16xi32>
    %lt3A_285 = arith.constant 0 : i32
    %lt3A_286 = vector.broadcast %lt3A_285 : i32 to vector<16xi32>
    %lt3A_287 = arith.cmpi slt, %broadcast_in_dim3A_284, %lt3A_286 : vector<16xi32>
    %add3A_288 = arith.constant 16 : i32
    %add3A_289 = vector.broadcast %add3A_288 : i32 to vector<16xi32>
    %add3A_290 = arith.addi %broadcast_in_dim3A_284, %add3A_289 : vector<16xi32>
    %select_n3A_291 = arith.select %lt3A_287, %add3A_290, %broadcast_in_dim3A_284 : vector<16xi1>, vector<16xi32>
    %broadcast_in_dim3A_292 = vector.shape_cast %select_n3A_291 : vector<16xi32> to vector<16x1xi32>
    %gather3A_293 = vector.shape_cast %broadcast_in_dim3A_292 : vector<16x1xi32> to vector<16xi32>
    %gather3A_294 = tpu.dynamic_gather %get3A_142[%gather3A_293] in [0] : vector<16xf32>, vector<16xi32> -> vector<16xf32>
    %swap3A_295 = arith.constant 7 : i32
    %swap3A_296 = arith.constant 0 : i32
    %swap3A_297 = tpu.memref_slice %arg14[%swap3A_295, %swap3A_296] : memref<128x896xf32, #tpu.memory_space<vmem>> -> memref<1x896xf32, #tpu.memory_space<vmem>>
    %swap3A_298 = tpu.memref_squeeze %swap3A_297 : memref<1x896xf32, #tpu.memory_space<vmem>> -> memref<896xf32, #tpu.memory_space<vmem>>
    %swap3A_299 = arith.constant 768 : index
    %swap3A_300 = tpu.vector_load %swap3A_298[%swap3A_299] {strides = array<i32>} : memref<896xf32, #tpu.memory_space<vmem>>, vector<16xf32>,
    %swap3A_301 = vector.shape_cast %swap3A_300 : vector<16xf32> to vector<16xf32>
    %swap3A_302 = vector.shape_cast %gather3A_294 : vector<16xf32> to vector<16xf32>
    tpu.vector_store %swap3A_298[%swap3A_299], %swap3A_302 {strides = array<i32>} : memref<896xf32, #tpu.memory_space<vmem>>, vector<16xf32>,
    %broadcast_in_dim3A_303 = arith.constant 8 : i32
    %broadcast_in_dim3A_304 = vector.broadcast %broadcast_in_dim3A_303 : i32 to vector<16xi32>
    %lt3A_305 = arith.constant 0 : i32
    %lt3A_306 = vector.broadcast %lt3A_305 : i32 to vector<16xi32>
    %lt3A_307 = arith.cmpi slt, %broadcast_in_dim3A_304, %lt3A_306 : vector<16xi32>
    %add3A_308 = arith.constant 16 : i32
    %add3A_309 = vector.broadcast %add3A_308 : i32 to vector<16xi32>
    %add3A_310 = arith.addi %broadcast_in_dim3A_304, %add3A_309 : vector<16xi32>
    %select_n3A_311 = arith.select %lt3A_307, %add3A_310, %broadcast_in_dim3A_304 : vector<16xi1>, vector<16xi32>
    %broadcast_in_dim3A_312 = vector.shape_cast %select_n3A_311 : vector<16xi32> to vector<16x1xi32>
    %gather3A_313 = vector.shape_cast %broadcast_in_dim3A_312 : vector<16x1xi32> to vector<16xi32>
    %gather3A_314 = tpu.dynamic_gather %get3A_142[%gather3A_313] in [0] : vector<16xf32>, vector<16xi32> -> vector<16xf32>
    %swap3A_315 = arith.constant 8 : i32
    %swap3A_316 = arith.constant 0 : i32
    %swap3A_317 = tpu.memref_slice %arg14[%swap3A_315, %swap3A_316] : memref<128x896xf32, #tpu.memory_space<vmem>> -> memref<1x896xf32, #tpu.memory_space<vmem>>
    %swap3A_318 = tpu.memref_squeeze %swap3A_317 : memref<1x896xf32, #tpu.memory_space<vmem>> -> memref<896xf32, #tpu.memory_space<vmem>>
    %swap3A_319 = arith.constant 768 : index
    %swap3A_320 = tpu.vector_load %swap3A_318[%swap3A_319] {strides = array<i32>} : memref<896xf32, #tpu.memory_space<vmem>>, vector<16xf32>,
    %swap3A_321 = vector.shape_cast %swap3A_320 : vector<16xf32> to vector<16xf32>
    %swap3A_322 = vector.shape_cast %gather3A_314 : vector<16xf32> to vector<16xf32>
    tpu.vector_store %swap3A_318[%swap3A_319], %swap3A_322 {strides = array<i32>} : memref<896xf32, #tpu.memory_space<vmem>>, vector<16xf32>,
    %broadcast_in_dim3A_323 = arith.constant 9 : i32
    %broadcast_in_dim3A_324 = vector.broadcast %broadcast_in_dim3A_323 : i32 to vector<16xi32>
    %lt3A_325 = arith.constant 0 : i32
    %lt3A_326 = vector.broadcast %lt3A_325 : i32 to vector<16xi32>
    %lt3A_327 = arith.cmpi slt, %broadcast_in_dim3A_324, %lt3A_326 : vector<16xi32>
    %add3A_328 = arith.constant 16 : i32
    %add3A_329 = vector.broadcast %add3A_328 : i32 to vector<16xi32>
    %add3A_330 = arith.addi %broadcast_in_dim3A_324, %add3A_329 : vector<16xi32>
    %select_n3A_331 = arith.select %lt3A_327, %add3A_330, %broadcast_in_dim3A_324 : vector<16xi1>, vector<16xi32>
    %broadcast_in_dim3A_332 = vector.shape_cast %select_n3A_331 : vector<16xi32> to vector<16x1xi32>
    %gather3A_333 = vector.shape_cast %broadcast_in_dim3A_332 : vector<16x1xi32> to vector<16xi32>
    %gather3A_334 = tpu.dynamic_gather %get3A_142[%gather3A_333] in [0] : vector<16xf32>, vector<16xi32> -> vector<16xf32>
    %swap3A_335 = arith.constant 9 : i32
    %swap3A_336 = arith.constant 0 : i32
    %swap3A_337 = tpu.memref_slice %arg14[%swap3A_335, %swap3A_336] : memref<128x896xf32, #tpu.memory_space<vmem>> -> memref<1x896xf32, #tpu.memory_space<vmem>>
    %swap3A_338 = tpu.memref_squeeze %swap3A_337 : memref<1x896xf32, #tpu.memory_space<vmem>> -> memref<896xf32, #tpu.memory_space<vmem>>
    %swap3A_339 = arith.constant 768 : index
    %swap3A_340 = tpu.vector_load %swap3A_338[%swap3A_339] {strides = array<i32>} : memref<896xf32, #tpu.memory_space<vmem>>, vector<16xf32>,
    %swap3A_341 = vector.shape_cast %swap3A_340 : vector<16xf32> to vector<16xf32>
    %swap3A_342 = vector.shape_cast %gather3A_334 : vector<16xf32> to vector<16xf32>
    tpu.vector_store %swap3A_338[%swap3A_339], %swap3A_342 {strides = array<i32>} : memref<896xf32, #tpu.memory_space<vmem>>, vector<16xf32>,
    %broadcast_in_dim3A_343 = arith.constant 10 : i32
    %broadcast_in_dim3A_344 = vector.broadcast %broadcast_in_dim3A_343 : i32 to vector<16xi32>
    %lt3A_345 = arith.constant 0 : i32
    %lt3A_346 = vector.broadcast %lt3A_345 : i32 to vector<16xi32>
    %lt3A_347 = arith.cmpi slt, %broadcast_in_dim3A_344, %lt3A_346 : vector<16xi32>
    %add3A_348 = arith.constant 16 : i32
    %add3A_349 = vector.broadcast %add3A_348 : i32 to vector<16xi32>
    %add3A_350 = arith.addi %broadcast_in_dim3A_344, %add3A_349 : vector<16xi32>
    %select_n3A_351 = arith.select %lt3A_347, %add3A_350, %broadcast_in_dim3A_344 : vector<16xi1>, vector<16xi32>
    %broadcast_in_dim3A_352 = vector.shape_cast %select_n3A_351 : vector<16xi32> to vector<16x1xi32>
    %gather3A_353 = vector.shape_cast %broadcast_in_dim3A_352 : vector<16x1xi32> to vector<16xi32>
    %gather3A_354 = tpu.dynamic_gather %get3A_142[%gather3A_353] in [0] : vector<16xf32>, vector<16xi32> -> vector<16xf32>
    %swap3A_355 = arith.constant 10 : i32
    %swap3A_356 = arith.constant 0 : i32
    %swap3A_357 = tpu.memref_slice %arg14[%swap3A_355, %swap3A_356] : memref<128x896xf32, #tpu.memory_space<vmem>> -> memref<1x896xf32, #tpu.memory_space<vmem>>
    %swap3A_358 = tpu.memref_squeeze %swap3A_357 : memref<1x896xf32, #tpu.memory_space<vmem>> -> memref<896xf32, #tpu.memory_space<vmem>>
    %swap3A_359 = arith.constant 768 : index
    %swap3A_360 = tpu.vector_load %swap3A_358[%swap3A_359] {strides = array<i32>} : memref<896xf32, #tpu.memory_space<vmem>>, vector<16xf32>,
    %swap3A_361 = vector.shape_cast %swap3A_360 : vector<16xf32> to vector<16xf32>
    %swap3A_362 = vector.shape_cast %gather3A_354 : vector<16xf32> to vector<16xf32>
    tpu.vector_store %swap3A_358[%swap3A_359], %swap3A_362 {strides = array<i32>} : memref<896xf32, #tpu.memory_space<vmem>>, vector<16xf32>,
    %broadcast_in_dim3A_363 = arith.constant 11 : i32
    %broadcast_in_dim3A_364 = vector.broadcast %broadcast_in_dim3A_363 : i32 to vector<16xi32>
    %lt3A_365 = arith.constant 0 : i32
    %lt3A_366 = vector.broadcast %lt3A_365 : i32 to vector<16xi32>
    %lt3A_367 = arith.cmpi slt, %broadcast_in_dim3A_364, %lt3A_366 : vector<16xi32>
    %add3A_368 = arith.constant 16 : i32
    %add3A_369 = vector.broadcast %add3A_368 : i32 to vector<16xi32>
    %add3A_370 = arith.addi %broadcast_in_dim3A_364, %add3A_369 : vector<16xi32>
    %select_n3A_371 = arith.select %lt3A_367, %add3A_370, %broadcast_in_dim3A_364 : vector<16xi1>, vector<16xi32>
    %broadcast_in_dim3A_372 = vector.shape_cast %select_n3A_371 : vector<16xi32> to vector<16x1xi32>
    %gather3A_373 = vector.shape_cast %broadcast_in_dim3A_372 : vector<16x1xi32> to vector<16xi32>
    %gather3A_374 = tpu.dynamic_gather %get3A_142[%gather3A_373] in [0] : vector<16xf32>, vector<16xi32> -> vector<16xf32>
    %swap3A_375 = arith.constant 11 : i32
    %swap3A_376 = arith.constant 0 : i32
    %swap3A_377 = tpu.memref_slice %arg14[%swap3A_375, %swap3A_376] : memref<128x896xf32, #tpu.memory_space<vmem>> -> memref<1x896xf32, #tpu.memory_space<vmem>>
    %swap3A_378 = tpu.memref_squeeze %swap3A_377 : memref<1x896xf32, #tpu.memory_space<vmem>> -> memref<896xf32, #tpu.memory_space<vmem>>
    %swap3A_379 = arith.constant 768 : index
    %swap3A_380 = tpu.vector_load %swap3A_378[%swap3A_379] {strides = array<i32>} : memref<896xf32, #tpu.memory_space<vmem>>, vector<16xf32>,
    %swap3A_381 = vector.shape_cast %swap3A_380 : vector<16xf32> to vector<16xf32>
    %swap3A_382 = vector.shape_cast %gather3A_374 : vector<16xf32> to vector<16xf32>
    tpu.vector_store %swap3A_378[%swap3A_379], %swap3A_382 {strides = array<i32>} : memref<896xf32, #tpu.memory_space<vmem>>, vector<16xf32>,
    %broadcast_in_dim3A_383 = arith.constant 12 : i32
    %broadcast_in_dim3A_384 = vector.broadcast %broadcast_in_dim3A_383 : i32 to vector<16xi32>
    %lt3A_385 = arith.constant 0 : i32
    %lt3A_386 = vector.broadcast %lt3A_385 : i32 to vector<16xi32>
    %lt3A_387 = arith.cmpi slt, %broadcast_in_dim3A_384, %lt3A_386 : vector<16xi32>
    %add3A_388 = arith.constant 16 : i32
    %add3A_389 = vector.broadcast %add3A_388 : i32 to vector<16xi32>
    %add3A_390 = arith.addi %broadcast_in_dim3A_384, %add3A_389 : vector<16xi32>
    %select_n3A_391 = arith.select %lt3A_387, %add3A_390, %broadcast_in_dim3A_384 : vector<16xi1>, vector<16xi32>
    %broadcast_in_dim3A_392 = vector.shape_cast %select_n3A_391 : vector<16xi32> to vector<16x1xi32>
    %gather3A_393 = vector.shape_cast %broadcast_in_dim3A_392 : vector<16x1xi32> to vector<16xi32>
    %gather3A_394 = tpu.dynamic_gather %get3A_142[%gather3A_393] in [0] : vector<16xf32>, vector<16xi32> -> vector<16xf32>
    %swap3A_395 = arith.constant 12 : i32
    %swap3A_396 = arith.constant 0 : i32
    %swap3A_397 = tpu.memref_slice %arg14[%swap3A_395, %swap3A_396] : memref<128x896xf32, #tpu.memory_space<vmem>> -> memref<1x896xf32, #tpu.memory_space<vmem>>
    %swap3A_398 = tpu.memref_squeeze %swap3A_397 : memref<1x896xf32, #tpu.memory_space<vmem>> -> memref<896xf32, #tpu.memory_space<vmem>>
    %swap3A_399 = arith.constant 768 : index
    %swap3A_400 = tpu.vector_load %swap3A_398[%swap3A_399] {strides = array<i32>} : memref<896xf32, #tpu.memory_space<vmem>>, vector<16xf32>,
    %swap3A_401 = vector.shape_cast %swap3A_400 : vector<16xf32> to vector<16xf32>
    %swap3A_402 = vector.shape_cast %gather3A_394 : vector<16xf32> to vector<16xf32>
    tpu.vector_store %swap3A_398[%swap3A_399], %swap3A_402 {strides = array<i32>} : memref<896xf32, #tpu.memory_space<vmem>>, vector<16xf32>,
    %broadcast_in_dim3A_403 = arith.constant 13 : i32
    %broadcast_in_dim3A_404 = vector.broadcast %broadcast_in_dim3A_403 : i32 to vector<16xi32>
    %lt3A_405 = arith.constant 0 : i32
    %lt3A_406 = vector.broadcast %lt3A_405 : i32 to vector<16xi32>
    %lt3A_407 = arith.cmpi slt, %broadcast_in_dim3A_404, %lt3A_406 : vector<16xi32>
    %add3A_408 = arith.constant 16 : i32
    %add3A_409 = vector.broadcast %add3A_408 : i32 to vector<16xi32>
    %add3A_410 = arith.addi %broadcast_in_dim3A_404, %add3A_409 : vector<16xi32>
    %select_n3A_411 = arith.select %lt3A_407, %add3A_410, %broadcast_in_dim3A_404 : vector<16xi1>, vector<16xi32>
    %broadcast_in_dim3A_412 = vector.shape_cast %select_n3A_411 : vector<16xi32> to vector<16x1xi32>
    %gather3A_413 = vector.shape_cast %broadcast_in_dim3A_412 : vector<16x1xi32> to vector<16xi32>
    %gather3A_414 = tpu.dynamic_gather %get3A_142[%gather3A_413] in [0] : vector<16xf32>, vector<16xi32> -> vector<16xf32>
    %swap3A_415 = arith.constant 13 : i32
    %swap3A_416 = arith.constant 0 : i32
    %swap3A_417 = tpu.memref_slice %arg14[%swap3A_415, %swap3A_416] : memref<128x896xf32, #tpu.memory_space<vmem>> -> memref<1x896xf32, #tpu.memory_space<vmem>>
    %swap3A_418 = tpu.memref_squeeze %swap3A_417 : memref<1x896xf32, #tpu.memory_space<vmem>> -> memref<896xf32, #tpu.memory_space<vmem>>
    %swap3A_419 = arith.constant 768 : index
    %swap3A_420 = tpu.vector_load %swap3A_418[%swap3A_419] {strides = array<i32>} : memref<896xf32, #tpu.memory_space<vmem>>, vector<16xf32>,
    %swap3A_421 = vector.shape_cast %swap3A_420 : vector<16xf32> to vector<16xf32>
    %swap3A_422 = vector.shape_cast %gather3A_414 : vector<16xf32> to vector<16xf32>
    tpu.vector_store %swap3A_418[%swap3A_419], %swap3A_422 {strides = array<i32>} : memref<896xf32, #tpu.memory_space<vmem>>, vector<16xf32>,
    %broadcast_in_dim3A_423 = arith.constant 14 : i32
    %broadcast_in_dim3A_424 = vector.broadcast %broadcast_in_dim3A_423 : i32 to vector<16xi32>
    %lt3A_425 = arith.constant 0 : i32
    %lt3A_426 = vector.broadcast %lt3A_425 : i32 to vector<16xi32>
    %lt3A_427 = arith.cmpi slt, %broadcast_in_dim3A_424, %lt3A_426 : vector<16xi32>
    %add3A_428 = arith.constant 16 : i32
    %add3A_429 = vector.broadcast %add3A_428 : i32 to vector<16xi32>
    %add3A_430 = arith.addi %broadcast_in_dim3A_424, %add3A_429 : vector<16xi32>
    %select_n3A_431 = arith.select %lt3A_427, %add3A_430, %broadcast_in_dim3A_424 : vector<16xi1>, vector<16xi32>
    %broadcast_in_dim3A_432 = vector.shape_cast %select_n3A_431 : vector<16xi32> to vector<16x1xi32>
    %gather3A_433 = vector.shape_cast %broadcast_in_dim3A_432 : vector<16x1xi32> to vector<16xi32>
    %gather3A_434 = tpu.dynamic_gather %get3A_142[%gather3A_433] in [0] : vector<16xf32>, vector<16xi32> -> vector<16xf32>
    %swap3A_435 = arith.constant 14 : i32
    %swap3A_436 = arith.constant 0 : i32
    %swap3A_437 = tpu.memref_slice %arg14[%swap3A_435, %swap3A_436] : memref<128x896xf32, #tpu.memory_space<vmem>> -> memref<1x896xf32, #tpu.memory_space<vmem>>
    %swap3A_438 = tpu.memref_squeeze %swap3A_437 : memref<1x896xf32, #tpu.memory_space<vmem>> -> memref<896xf32, #tpu.memory_space<vmem>>
    %swap3A_439 = arith.constant 768 : index
    %swap3A_440 = tpu.vector_load %swap3A_438[%swap3A_439] {strides = array<i32>} : memref<896xf32, #tpu.memory_space<vmem>>, vector<16xf32>,
    %swap3A_441 = vector.shape_cast %swap3A_440 : vector<16xf32> to vector<16xf32>
    %swap3A_442 = vector.shape_cast %gather3A_434 : vector<16xf32> to vector<16xf32>
    tpu.vector_store %swap3A_438[%swap3A_439], %swap3A_442 {strides = array<i32>} : memref<896xf32, #tpu.memory_space<vmem>>, vector<16xf32>,
    %broadcast_in_dim3A_443 = arith.constant 15 : i32
    %broadcast_in_dim3A_444 = vector.broadcast %broadcast_in_dim3A_443 : i32 to vector<16xi32>
    %lt3A_445 = arith.constant 0 : i32
    %lt3A_446 = vector.broadcast %lt3A_445 : i32 to vector<16xi32>
    %lt3A_447 = arith.cmpi slt, %broadcast_in_dim3A_444, %lt3A_446 : vector<16xi32>
    %add3A_448 = arith.constant 16 : i32
    %add3A_449 = vector.broadcast %add3A_448 : i32 to vector<16xi32>
    %add3A_450 = arith.addi %broadcast_in_dim3A_444, %add3A_449 : vector<16xi32>
    %select_n3A_451 = arith.select %lt3A_447, %add3A_450, %broadcast_in_dim3A_444 : vector<16xi1>, vector<16xi32>
    %broadcast_in_dim3A_452 = vector.shape_cast %select_n3A_451 : vector<16xi32> to vector<16x1xi32>
    %gather3A_453 = vector.shape_cast %broadcast_in_dim3A_452 : vector<16x1xi32> to vector<16xi32>
    %gather3A_454 = tpu.dynamic_gather %get3A_142[%gather3A_453] in [0] : vector<16xf32>, vector<16xi32> -> vector<16xf32>
    %swap3A_455 = arith.constant 15 : i32
    %swap3A_456 = arith.constant 0 : i32
    %swap3A_457 = tpu.memref_slice %arg14[%swap3A_455, %swap3A_456] : memref<128x896xf32, #tpu.memory_space<vmem>> -> memref<1x896xf32, #tpu.memory_space<vmem>>
    %swap3A_458 = tpu.memref_squeeze %swap3A_457 : memref<1x896xf32, #tpu.memory_space<vmem>> -> memref<896xf32, #tpu.memory_space<vmem>>
    %swap3A_459 = arith.constant 768 : index
    %swap3A_460 = tpu.vector_load %swap3A_458[%swap3A_459] {strides = array<i32>} : memref<896xf32, #tpu.memory_space<vmem>>, vector<16xf32>,
    %swap3A_461 = vector.shape_cast %swap3A_460 : vector<16xf32> to vector<16xf32>
    %swap3A_462 = vector.shape_cast %gather3A_454 : vector<16xf32> to vector<16xf32>
    tpu.vector_store %swap3A_458[%swap3A_459], %swap3A_462 {strides = array<i32>} : memref<896xf32, #tpu.memory_space<vmem>>, vector<16xf32>,
    %get3A_463 = arith.constant 16 : index
    %get3A_464 = tpu.vector_load %arg9[%get3A_463] {strides = array<i32>} : memref<128xi32, #tpu.memory_space<vmem>>, vector<16xi32>,
    %get3A_465 = vector.shape_cast %get3A_464 : vector<16xi32> to vector<16xi32>
    %lt3A_466 = arith.constant 0 : i32
    %lt3A_467 = vector.broadcast %lt3A_466 : i32 to vector<16xi32>
    %lt3A_468 = arith.cmpi slt, %get3A_465, %lt3A_467 : vector<16xi32>
    %add3A_469 = arith.constant 16 : i32
    %add3A_470 = vector.broadcast %add3A_469 : i32 to vector<16xi32>
    %add3A_471 = arith.addi %get3A_465, %add3A_470 : vector<16xi32>
    %select_n3A_472 = arith.select %lt3A_468, %add3A_471, %get3A_465 : vector<16xi1>, vector<16xi32>
    %broadcast_in_dim3A_473 = vector.shape_cast %select_n3A_472 : vector<16xi32> to vector<16x1xi32>
    %gather3A_474 = vector.shape_cast %broadcast_in_dim3A_473 : vector<16x1xi32> to vector<16xi32>
    %gather3A_475 = tpu.dynamic_gather %select_n3A_119[%gather3A_474] in [0] : vector<16xi32>, vector<16xi32> -> vector<16xi32>
    %get3A_476 = arith.constant 16 : index
    %get3A_477 = tpu.vector_load %arg10[%get3A_476] {strides = array<i32>} : memref<128xi32, #tpu.memory_space<vmem>>, vector<16xi32>,
    %get3A_478 = vector.shape_cast %get3A_477 : vector<16xi32> to vector<16xi32>
    %add3A_479 = arith.addi %gather3A_475, %get3A_478 : vector<16xi32>
    %swap3A_480 = arith.constant 16 : index
    %swap3A_481 = tpu.vector_load %arg13[%swap3A_480] {strides = array<i32>} : memref<128xi32, #tpu.memory_space<vmem>>, vector<16xi32>,
    %swap3A_482 = vector.shape_cast %swap3A_481 : vector<16xi32> to vector<16xi32>
    %swap3A_483 = vector.shape_cast %add3A_479 : vector<16xi32> to vector<16xi32>
    tpu.vector_store %arg13[%swap3A_480], %swap3A_483 {strides = array<i32>} : memref<128xi32, #tpu.memory_space<vmem>>, vector<16xi32>,
    %get3A_484 = arith.constant 16 : index
    %get3A_485 = tpu.vector_load %arg11[%get3A_484] {strides = array<i32>} : memref<128xf32, #tpu.memory_space<vmem>>, vector<16xf32>,
    %get3A_486 = vector.shape_cast %get3A_485 : vector<16xf32> to vector<16xf32>
    %broadcast_in_dim3A_487 = arith.constant 0 : i32
    %broadcast_in_dim3A_488 = vector.broadcast %broadcast_in_dim3A_487 : i32 to vector<16xi32>
    %lt3A_489 = arith.constant 0 : i32
    %lt3A_490 = vector.broadcast %lt3A_489 : i32 to vector<16xi32>
    %lt3A_491 = arith.cmpi slt, %broadcast_in_dim3A_488, %lt3A_490 : vector<16xi32>
    %add3A_492 = arith.constant 16 : i32
    %add3A_493 = vector.broadcast %add3A_492 : i32 to vector<16xi32>
    %add3A_494 = arith.addi %broadcast_in_dim3A_488, %add3A_493 : vector<16xi32>
    %select_n3A_495 = arith.select %lt3A_491, %add3A_494, %broadcast_in_dim3A_488 : vector<16xi1>, vector<16xi32>
    %broadcast_in_dim3A_496 = vector.shape_cast %select_n3A_495 : vector<16xi32> to vector<16x1xi32>
    %gather3A_497 = vector.shape_cast %broadcast_in_dim3A_496 : vector<16x1xi32> to vector<16xi32>
    %gather3A_498 = tpu.dynamic_gather %get3A_486[%gather3A_497] in [0] : vector<16xf32>, vector<16xi32> -> vector<16xf32>
    %swap3A_499 = arith.constant 16 : i32
    %swap3A_500 = arith.constant 0 : i32
    %swap3A_501 = tpu.memref_slice %arg14[%swap3A_499, %swap3A_500] : memref<128x896xf32, #tpu.memory_space<vmem>> -> memref<1x896xf32, #tpu.memory_space<vmem>>
    %swap3A_502 = tpu.memref_squeeze %swap3A_501 : memref<1x896xf32, #tpu.memory_space<vmem>> -> memref<896xf32, #tpu.memory_space<vmem>>
    %swap3A_503 = arith.constant 768 : index
    %swap3A_504 = tpu.vector_load %swap3A_502[%swap3A_503] {strides = array<i32>} : memref<896xf32, #tpu.memory_space<vmem>>, vector<16xf32>,
    %swap3A_505 = vector.shape_cast %swap3A_504 : vector<16xf32> to vector<16xf32>
    %swap3A_506 = vector.shape_cast %gather3A_498 : vector<16xf32> to vector<16xf32>
    tpu.vector_store %swap3A_502[%swap3A_503], %swap3A_506 {strides = array<i32>} : memref<896xf32, #tpu.memory_space<vmem>>, vector<16xf32>,
    %broadcast_in_dim3A_507 = arith.constant 1 : i32
    %broadcast_in_dim3A_508 = vector.broadcast %broadcast_in_dim3A_507 : i32 to vector<16xi32>
    %lt3A_509 = arith.constant 0 : i32
    %lt3A_510 = vector.broadcast %lt3A_509 : i32 to vector<16xi32>
    %lt3A_511 = arith.cmpi slt, %broadcast_in_dim3A_508, %lt3A_510 : vector<16xi32>
    %add3A_512 = arith.constant 16 : i32
    %add3A_513 = vector.broadcast %add3A_512 : i32 to vector<16xi32>
    %add3A_514 = arith.addi %broadcast_in_dim3A_508, %add3A_513 : vector<16xi32>
    %select_n3A_515 = arith.select %lt3A_511, %add3A_514, %broadcast_in_dim3A_508 : vector<16xi1>, vector<16xi32>
    %broadcast_in_dim3A_516 = vector.shape_cast %select_n3A_515 : vector<16xi32> to vector<16x1xi32>
    %gather3A_517 = vector.shape_cast %broadcast_in_dim3A_516 : vector<16x1xi32> to vector<16xi32>
    %gather3A_518 = tpu.dynamic_gather %get3A_486[%gather3A_517] in [0] : vector<16xf32>, vector<16xi32> -> vector<16xf32>
    %swap3A_519 = arith.constant 17 : i32
    %swap3A_520 = arith.constant 0 : i32
    %swap3A_521 = tpu.memref_slice %arg14[%swap3A_519, %swap3A_520] : memref<128x896xf32, #tpu.memory_space<vmem>> -> memref<1x896xf32, #tpu.memory_space<vmem>>
    %swap3A_522 = tpu.memref_squeeze %swap3A_521 : memref<1x896xf32, #tpu.memory_space<vmem>> -> memref<896xf32, #tpu.memory_space<vmem>>
    %swap3A_523 = arith.constant 768 : index
    %swap3A_524 = tpu.vector_load %swap3A_522[%swap3A_523] {strides = array<i32>} : memref<896xf32, #tpu.memory_space<vmem>>, vector<16xf32>,
    %swap3A_525 = vector.shape_cast %swap3A_524 : vector<16xf32> to vector<16xf32>
    %swap3A_526 = vector.shape_cast %gather3A_518 : vector<16xf32> to vector<16xf32>
    tpu.vector_store %swap3A_522[%swap3A_523], %swap3A_526 {strides = array<i32>} : memref<896xf32, #tpu.memory_space<vmem>>, vector<16xf32>,
    %broadcast_in_dim3A_527 = arith.constant 2 : i32
    %broadcast_in_dim3A_528 = vector.broadcast %broadcast_in_dim3A_527 : i32 to vector<16xi32>
    %lt3A_529 = arith.constant 0 : i32
    %lt3A_530 = vector.broadcast %lt3A_529 : i32 to vector<16xi32>
    %lt3A_531 = arith.cmpi slt, %broadcast_in_dim3A_528, %lt3A_530 : vector<16xi32>
    %add3A_532 = arith.constant 16 : i32
    %add3A_533 = vector.broadcast %add3A_532 : i32 to vector<16xi32>
    %add3A_534 = arith.addi %broadcast_in_dim3A_528, %add3A_533 : vector<16xi32>
    %select_n3A_535 = arith.select %lt3A_531, %add3A_534, %broadcast_in_dim3A_528 : vector<16xi1>, vector<16xi32>
    %broadcast_in_dim3A_536 = vector.shape_cast %select_n3A_535 : vector<16xi32> to vector<16x1xi32>
    %gather3A_537 = vector.shape_cast %broadcast_in_dim3A_536 : vector<16x1xi32> to vector<16xi32>
    %gather3A_538 = tpu.dynamic_gather %get3A_486[%gather3A_537] in [0] : vector<16xf32>, vector<16xi32> -> vector<16xf32>
    %swap3A_539 = arith.constant 18 : i32
    %swap3A_540 = arith.constant 0 : i32
    %swap3A_541 = tpu.memref_slice %arg14[%swap3A_539, %swap3A_540] : memref<128x896xf32, #tpu.memory_space<vmem>> -> memref<1x896xf32, #tpu.memory_space<vmem>>
    %swap3A_542 = tpu.memref_squeeze %swap3A_541 : memref<1x896xf32, #tpu.memory_space<vmem>> -> memref<896xf32, #tpu.memory_space<vmem>>
    %swap3A_543 = arith.constant 768 : index
    %swap3A_544 = tpu.vector_load %swap3A_542[%swap3A_543] {strides = array<i32>} : memref<896xf32, #tpu.memory_space<vmem>>, vector<16xf32>,
    %swap3A_545 = vector.shape_cast %swap3A_544 : vector<16xf32> to vector<16xf32>
    %swap3A_546 = vector.shape_cast %gather3A_538 : vector<16xf32> to vector<16xf32>
    tpu.vector_store %swap3A_542[%swap3A_543], %swap3A_546 {strides = array<i32>} : memref<896xf32, #tpu.memory_space<vmem>>, vector<16xf32>,
    %broadcast_in_dim3A_547 = arith.constant 3 : i32
    %broadcast_in_dim3A_548 = vector.broadcast %broadcast_in_dim3A_547 : i32 to vector<16xi32>
    %lt3A_549 = arith.constant 0 : i32
    %lt3A_550 = vector.broadcast %lt3A_549 : i32 to vector<16xi32>
    %lt3A_551 = arith.cmpi slt, %broadcast_in_dim3A_548, %lt3A_550 : vector<16xi32>
    %add3A_552 = arith.constant 16 : i32
    %add3A_553 = vector.broadcast %add3A_552 : i32 to vector<16xi32>
    %add3A_554 = arith.addi %broadcast_in_dim3A_548, %add3A_553 : vector<16xi32>
    %select_n3A_555 = arith.select %lt3A_551, %add3A_554, %broadcast_in_dim3A_548 : vector<16xi1>, vector<16xi32>
    %broadcast_in_dim3A_556 = vector.shape_cast %select_n3A_555 : vector<16xi32> to vector<16x1xi32>
    %gather3A_557 = vector.shape_cast %broadcast_in_dim3A_556 : vector<16x1xi32> to vector<16xi32>
    %gather3A_558 = tpu.dynamic_gather %get3A_486[%gather3A_557] in [0] : vector<16xf32>, vector<16xi32> -> vector<16xf32>
    %swap3A_559 = arith.constant 19 : i32
    %swap3A_560 = arith.constant 0 : i32
    %swap3A_561 = tpu.memref_slice %arg14[%swap3A_559, %swap3A_560] : memref<128x896xf32, #tpu.memory_space<vmem>> -> memref<1x896xf32, #tpu.memory_space<vmem>>
    %swap3A_562 = tpu.memref_squeeze %swap3A_561 : memref<1x896xf32, #tpu.memory_space<vmem>> -> memref<896xf32, #tpu.memory_space<vmem>>
    %swap3A_563 = arith.constant 768 : index
    %swap3A_564 = tpu.vector_load %swap3A_562[%swap3A_563] {strides = array<i32>} : memref<896xf32, #tpu.memory_space<vmem>>, vector<16xf32>,
    %swap3A_565 = vector.shape_cast %swap3A_564 : vector<16xf32> to vector<16xf32>
    %swap3A_566 = vector.shape_cast %gather3A_558 : vector<16xf32> to vector<16xf32>
    tpu.vector_store %swap3A_562[%swap3A_563], %swap3A_566 {strides = array<i32>} : memref<896xf32, #tpu.memory_space<vmem>>, vector<16xf32>,
    %broadcast_in_dim3A_567 = arith.constant 4 : i32
    %broadcast_in_dim3A_568 = vector.broadcast %broadcast_in_dim3A_567 : i32 to vector<16xi32>
    %lt3A_569 = arith.constant 0 : i32
    %lt3A_570 = vector.broadcast %lt3A_569 : i32 to vector<16xi32>
    %lt3A_571 = arith.cmpi slt, %broadcast_in_dim3A_568, %lt3A_570 : vector<16xi32>
    %add3A_572 = arith.constant 16 : i32
    %add3A_573 = vector.broadcast %add3A_572 : i32 to vector<16xi32>
    %add3A_574 = arith.addi %broadcast_in_dim3A_568, %add3A_573 : vector<16xi32>
    %select_n3A_575 = arith.select %lt3A_571, %add3A_574, %broadcast_in_dim3A_568 : vector<16xi1>, vector<16xi32>
    %broadcast_in_dim3A_576 = vector.shape_cast %select_n3A_575 : vector<16xi32> to vector<16x1xi32>
    %gather3A_577 = vector.shape_cast %broadcast_in_dim3A_576 : vector<16x1xi32> to vector<16xi32>
    %gather3A_578 = tpu.dynamic_gather %get3A_486[%gather3A_577] in [0] : vector<16xf32>, vector<16xi32> -> vector<16xf32>
    %swap3A_579 = arith.constant 20 : i32
    %swap3A_580 = arith.constant 0 : i32
    %swap3A_581 = tpu.memref_slice %arg14[%swap3A_579, %swap3A_580] : memref<128x896xf32, #tpu.memory_space<vmem>> -> memref<1x896xf32, #tpu.memory_space<vmem>>
    %swap3A_582 = tpu.memref_squeeze %swap3A_581 : memref<1x896xf32, #tpu.memory_space<vmem>> -> memref<896xf32, #tpu.memory_space<vmem>>
    %swap3A_583 = arith.constant 768 : index
    %swap3A_584 = tpu.vector_load %swap3A_582[%swap3A_583] {strides = array<i32>} : memref<896xf32, #tpu.memory_space<vmem>>, vector<16xf32>,
    %swap3A_585 = vector.shape_cast %swap3A_584 : vector<16xf32> to vector<16xf32>
    %swap3A_586 = vector.shape_cast %gather3A_578 : vector<16xf32> to vector<16xf32>
    tpu.vector_store %swap3A_582[%swap3A_583], %swap3A_586 {strides = array<i32>} : memref<896xf32, #tpu.memory_space<vmem>>, vector<16xf32>,
    %broadcast_in_dim3A_587 = arith.constant 5 : i32
    %broadcast_in_dim3A_588 = vector.broadcast %broadcast_in_dim3A_587 : i32 to vector<16xi32>
    %lt3A_589 = arith.constant 0 : i32
    %lt3A_590 = vector.broadcast %lt3A_589 : i32 to vector<16xi32>
    %lt3A_591 = arith.cmpi slt, %broadcast_in_dim3A_588, %lt3A_590 : vector<16xi32>
    %add3A_592 = arith.constant 16 : i32
    %add3A_593 = vector.broadcast %add3A_592 : i32 to vector<16xi32>
    %add3A_594 = arith.addi %broadcast_in_dim3A_588, %add3A_593 : vector<16xi32>
    %select_n3A_595 = arith.select %lt3A_591, %add3A_594, %broadcast_in_dim3A_588 : vector<16xi1>, vector<16xi32>
    %broadcast_in_dim3A_596 = vector.shape_cast %select_n3A_595 : vector<16xi32> to vector<16x1xi32>
    %gather3A_597 = vector.shape_cast %broadcast_in_dim3A_596 : vector<16x1xi32> to vector<16xi32>
    %gather3A_598 = tpu.dynamic_gather %get3A_486[%gather3A_597] in [0] : vector<16xf32>, vector<16xi32> -> vector<16xf32>
    %swap3A_599 = arith.constant 21 : i32
    %swap3A_600 = arith.constant 0 : i32
    %swap3A_601 = tpu.memref_slice %arg14[%swap3A_599, %swap3A_600] : memref<128x896xf32, #tpu.memory_space<vmem>> -> memref<1x896xf32, #tpu.memory_space<vmem>>
    %swap3A_602 = tpu.memref_squeeze %swap3A_601 : memref<1x896xf32, #tpu.memory_space<vmem>> -> memref<896xf32, #tpu.memory_space<vmem>>
    %swap3A_603 = arith.constant 768 : index
    %swap3A_604 = tpu.vector_load %swap3A_602[%swap3A_603] {strides = array<i32>} : memref<896xf32, #tpu.memory_space<vmem>>, vector<16xf32>,
    %swap3A_605 = vector.shape_cast %swap3A_604 : vector<16xf32> to vector<16xf32>
    %swap3A_606 = vector.shape_cast %gather3A_598 : vector<16xf32> to vector<16xf32>
    tpu.vector_store %swap3A_602[%swap3A_603], %swap3A_606 {strides = array<i32>} : memref<896xf32, #tpu.memory_space<vmem>>, vector<16xf32>,
    %broadcast_in_dim3A_607 = arith.constant 6 : i32
    %broadcast_in_dim3A_608 = vector.broadcast %broadcast_in_dim3A_607 : i32 to vector<16xi32>
    %lt3A_609 = arith.constant 0 : i32
    %lt3A_610 = vector.broadcast %lt3A_609 : i32 to vector<16xi32>
    %lt3A_611 = arith.cmpi slt, %broadcast_in_dim3A_608, %lt3A_610 : vector<16xi32>
    %add3A_612 = arith.constant 16 : i32
    %add3A_613 = vector.broadcast %add3A_612 : i32 to vector<16xi32>
    %add3A_614 = arith.addi %broadcast_in_dim3A_608, %add3A_613 : vector<16xi32>
    %select_n3A_615 = arith.select %lt3A_611, %add3A_614, %broadcast_in_dim3A_608 : vector<16xi1>, vector<16xi32>
    %broadcast_in_dim3A_616 = vector.shape_cast %select_n3A_615 : vector<16xi32> to vector<16x1xi32>
    %gather3A_617 = vector.shape_cast %broadcast_in_dim3A_616 : vector<16x1xi32> to vector<16xi32>
    %gather3A_618 = tpu.dynamic_gather %get3A_486[%gather3A_617] in [0] : vector<16xf32>, vector<16xi32> -> vector<16xf32>
    %swap3A_619 = arith.constant 22 : i32
    %swap3A_620 = arith.constant 0 : i32
    %swap3A_621 = tpu.memref_slice %arg14[%swap3A_619, %swap3A_620] : memref<128x896xf32, #tpu.memory_space<vmem>> -> memref<1x896xf32, #tpu.memory_space<vmem>>
    %swap3A_622 = tpu.memref_squeeze %swap3A_621 : memref<1x896xf32, #tpu.memory_space<vmem>> -> memref<896xf32, #tpu.memory_space<vmem>>
    %swap3A_623 = arith.constant 768 : index
    %swap3A_624 = tpu.vector_load %swap3A_622[%swap3A_623] {strides = array<i32>} : memref<896xf32, #tpu.memory_space<vmem>>, vector<16xf32>,
    %swap3A_625 = vector.shape_cast %swap3A_624 : vector<16xf32> to vector<16xf32>
    %swap3A_626 = vector.shape_cast %gather3A_618 : vector<16xf32> to vector<16xf32>
    tpu.vector_store %swap3A_622[%swap3A_623], %swap3A_626 {strides = array<i32>} : memref<896xf32, #tpu.memory_space<vmem>>, vector<16xf32>,
    %broadcast_in_dim3A_627 = arith.constant 7 : i32
    %broadcast_in_dim3A_628 = vector.broadcast %broadcast_in_dim3A_627 : i32 to vector<16xi32>
    %lt3A_629 = arith.constant 0 : i32
    %lt3A_630 = vector.broadcast %lt3A_629 : i32 to vector<16xi32>
    %lt3A_631 = arith.cmpi slt, %broadcast_in_dim3A_628, %lt3A_630 : vector<16xi32>
    %add3A_632 = arith.constant 16 : i32
    %add3A_633 = vector.broadcast %add3A_632 : i32 to vector<16xi32>
    %add3A_634 = arith.addi %broadcast_in_dim3A_628, %add3A_633 : vector<16xi32>
    %select_n3A_635 = arith.select %lt3A_631, %add3A_634, %broadcast_in_dim3A_628 : vector<16xi1>, vector<16xi32>
    %broadcast_in_dim3A_636 = vector.shape_cast %select_n3A_635 : vector<16xi32> to vector<16x1xi32>
    %gather3A_637 = vector.shape_cast %broadcast_in_dim3A_636 : vector<16x1xi32> to vector<16xi32>
    %gather3A_638 = tpu.dynamic_gather %get3A_486[%gather3A_637] in [0] : vector<16xf32>, vector<16xi32> -> vector<16xf32>
    %swap3A_639 = arith.constant 23 : i32
    %swap3A_640 = arith.constant 0 : i32
    %swap3A_641 = tpu.memref_slice %arg14[%swap3A_639, %swap3A_640] : memref<128x896xf32, #tpu.memory_space<vmem>> -> memref<1x896xf32, #tpu.memory_space<vmem>>
    %swap3A_642 = tpu.memref_squeeze %swap3A_641 : memref<1x896xf32, #tpu.memory_space<vmem>> -> memref<896xf32, #tpu.memory_space<vmem>>
    %swap3A_643 = arith.constant 768 : index
    %swap3A_644 = tpu.vector_load %swap3A_642[%swap3A_643] {strides = array<i32>} : memref<896xf32, #tpu.memory_space<vmem>>, vector<16xf32>,
    %swap3A_645 = vector.shape_cast %swap3A_644 : vector<16xf32> to vector<16xf32>
    %swap3A_646 = vector.shape_cast %gather3A_638 : vector<16xf32> to vector<16xf32>
    tpu.vector_store %swap3A_642[%swap3A_643], %swap3A_646 {strides = array<i32>} : memref<896xf32, #tpu.memory_space<vmem>>, vector<16xf32>,
    %broadcast_in_dim3A_647 = arith.constant 8 : i32
    %broadcast_in_dim3A_648 = vector.broadcast %broadcast_in_dim3A_647 : i32 to vector<16xi32>
    %lt3A_649 = arith.constant 0 : i32
    %lt3A_650 = vector.broadcast %lt3A_649 : i32 to vector<16xi32>
    %lt3A_651 = arith.cmpi slt, %broadcast_in_dim3A_648, %lt3A_650 : vector<16xi32>
    %add3A_652 = arith.constant 16 : i32
    %add3A_653 = vector.broadcast %add3A_652 : i32 to vector<16xi32>
    %add3A_654 = arith.addi %broadcast_in_dim3A_648, %add3A_653 : vector<16xi32>
    %select_n3A_655 = arith.select %lt3A_651, %add3A_654, %broadcast_in_dim3A_648 : vector<16xi1>, vector<16xi32>
    %broadcast_in_dim3A_656 = vector.shape_cast %select_n3A_655 : vector<16xi32> to vector<16x1xi32>
    %gather3A_657 = vector.shape_cast %broadcast_in_dim3A_656 : vector<16x1xi32> to vector<16xi32>
    %gather3A_658 = tpu.dynamic_gather %get3A_486[%gather3A_657] in [0] : vector<16xf32>, vector<16xi32> -> vector<16xf32>
    %swap3A_659 = arith.constant 24 : i32
    %swap3A_660 = arith.constant 0 : i32
    %swap3A_661 = tpu.memref_slice %arg14[%swap3A_659, %swap3A_660] : memref<128x896xf32, #tpu.memory_space<vmem>> -> memref<1x896xf32, #tpu.memory_space<vmem>>
    %swap3A_662 = tpu.memref_squeeze %swap3A_661 : memref<1x896xf32, #tpu.memory_space<vmem>> -> memref<896xf32, #tpu.memory_space<vmem>>
    %swap3A_663 = arith.constant 768 : index
    %swap3A_664 = tpu.vector_load %swap3A_662[%swap3A_663] {strides = array<i32>} : memref<896xf32, #tpu.memory_space<vmem>>, vector<16xf32>,
    %swap3A_665 = vector.shape_cast %swap3A_664 : vector<16xf32> to vector<16xf32>
    %swap3A_666 = vector.shape_cast %gather3A_658 : vector<16xf32> to vector<16xf32>
    tpu.vector_store %swap3A_662[%swap3A_663], %swap3A_666 {strides = array<i32>} : memref<896xf32, #tpu.memory_space<vmem>>, vector<16xf32>,
    %broadcast_in_dim3A_667 = arith.constant 9 : i32
    %broadcast_in_dim3A_668 = vector.broadcast %broadcast_in_dim3A_667 : i32 to vector<16xi32>
    %lt3A_669 = arith.constant 0 : i32
    %lt3A_670 = vector.broadcast %lt3A_669 : i32 to vector<16xi32>
    %lt3A_671 = arith.cmpi slt, %broadcast_in_dim3A_668, %lt3A_670 : vector<16xi32>
    %add3A_672 = arith.constant 16 : i32
    %add3A_673 = vector.broadcast %add3A_672 : i32 to vector<16xi32>
    %add3A_674 = arith.addi %broadcast_in_dim3A_668, %add3A_673 : vector<16xi32>
    %select_n3A_675 = arith.select %lt3A_671, %add3A_674, %broadcast_in_dim3A_668 : vector<16xi1>, vector<16xi32>
    %broadcast_in_dim3A_676 = vector.shape_cast %select_n3A_675 : vector<16xi32> to vector<16x1xi32>
    %gather3A_677 = vector.shape_cast %broadcast_in_dim3A_676 : vector<16x1xi32> to vector<16xi32>
    %gather3A_678 = tpu.dynamic_gather %get3A_486[%gather3A_677] in [0] : vector<16xf32>, vector<16xi32> -> vector<16xf32>
    %swap3A_679 = arith.constant 25 : i32
    %swap3A_680 = arith.constant 0 : i32
    %swap3A_681 = tpu.memref_slice %arg14[%swap3A_679, %swap3A_680] : memref<128x896xf32, #tpu.memory_space<vmem>> -> memref<1x896xf32, #tpu.memory_space<vmem>>
    %swap3A_682 = tpu.memref_squeeze %swap3A_681 : memref<1x896xf32, #tpu.memory_space<vmem>> -> memref<896xf32, #tpu.memory_space<vmem>>
    %swap3A_683 = arith.constant 768 : index
    %swap3A_684 = tpu.vector_load %swap3A_682[%swap3A_683] {strides = array<i32>} : memref<896xf32, #tpu.memory_space<vmem>>, vector<16xf32>,
    %swap3A_685 = vector.shape_cast %swap3A_684 : vector<16xf32> to vector<16xf32>
    %swap3A_686 = vector.shape_cast %gather3A_678 : vector<16xf32> to vector<16xf32>
    tpu.vector_store %swap3A_682[%swap3A_683], %swap3A_686 {strides = array<i32>} : memref<896xf32, #tpu.memory_space<vmem>>, vector<16xf32>,
    %broadcast_in_dim3A_687 = arith.constant 10 : i32
    %broadcast_in_dim3A_688 = vector.broadcast %broadcast_in_dim3A_687 : i32 to vector<16xi32>
    %lt3A_689 = arith.constant 0 : i32
    %lt3A_690 = vector.broadcast %lt3A_689 : i32 to vector<16xi32>
    %lt3A_691 = arith.cmpi slt, %broadcast_in_dim3A_688, %lt3A_690 : vector<16xi32>
    %add3A_692 = arith.constant 16 : i32
    %add3A_693 = vector.broadcast %add3A_692 : i32 to vector<16xi32>
    %add3A_694 = arith.addi %broadcast_in_dim3A_688, %add3A_693 : vector<16xi32>
    %select_n3A_695 = arith.select %lt3A_691, %add3A_694, %broadcast_in_dim3A_688 : vector<16xi1>, vector<16xi32>
    %broadcast_in_dim3A_696 = vector.shape_cast %select_n3A_695 : vector<16xi32> to vector<16x1xi32>
    %gather3A_697 = vector.shape_cast %broadcast_in_dim3A_696 : vector<16x1xi32> to vector<16xi32>
    %gather3A_698 = tpu.dynamic_gather %get3A_486[%gather3A_697] in [0] : vector<16xf32>, vector<16xi32> -> vector<16xf32>
    %swap3A_699 = arith.constant 26 : i32
    %swap3A_700 = arith.constant 0 : i32
    %swap3A_701 = tpu.memref_slice %arg14[%swap3A_699, %swap3A_700] : memref<128x896xf32, #tpu.memory_space<vmem>> -> memref<1x896xf32, #tpu.memory_space<vmem>>
    %swap3A_702 = tpu.memref_squeeze %swap3A_701 : memref<1x896xf32, #tpu.memory_space<vmem>> -> memref<896xf32, #tpu.memory_space<vmem>>
    %swap3A_703 = arith.constant 768 : index
    %swap3A_704 = tpu.vector_load %swap3A_702[%swap3A_703] {strides = array<i32>} : memref<896xf32, #tpu.memory_space<vmem>>, vector<16xf32>,
    %swap3A_705 = vector.shape_cast %swap3A_704 : vector<16xf32> to vector<16xf32>
    %swap3A_706 = vector.shape_cast %gather3A_698 : vector<16xf32> to vector<16xf32>
    tpu.vector_store %swap3A_702[%swap3A_703], %swap3A_706 {strides = array<i32>} : memref<896xf32, #tpu.memory_space<vmem>>, vector<16xf32>,
    %broadcast_in_dim3A_707 = arith.constant 11 : i32
    %broadcast_in_dim3A_708 = vector.broadcast %broadcast_in_dim3A_707 : i32 to vector<16xi32>
    %lt3A_709 = arith.constant 0 : i32
    %lt3A_710 = vector.broadcast %lt3A_709 : i32 to vector<16xi32>
    %lt3A_711 = arith.cmpi slt, %broadcast_in_dim3A_708, %lt3A_710 : vector<16xi32>
    %add3A_712 = arith.constant 16 : i32
    %add3A_713 = vector.broadcast %add3A_712 : i32 to vector<16xi32>
    %add3A_714 = arith.addi %broadcast_in_dim3A_708, %add3A_713 : vector<16xi32>
    %select_n3A_715 = arith.select %lt3A_711, %add3A_714, %broadcast_in_dim3A_708 : vector<16xi1>, vector<16xi32>
    %broadcast_in_dim3A_716 = vector.shape_cast %select_n3A_715 : vector<16xi32> to vector<16x1xi32>
    %gather3A_717 = vector.shape_cast %broadcast_in_dim3A_716 : vector<16x1xi32> to vector<16xi32>
    %gather3A_718 = tpu.dynamic_gather %get3A_486[%gather3A_717] in [0] : vector<16xf32>, vector<16xi32> -> vector<16xf32>
    %swap3A_719 = arith.constant 27 : i32
    %swap3A_720 = arith.constant 0 : i32
    %swap3A_721 = tpu.memref_slice %arg14[%swap3A_719, %swap3A_720] : memref<128x896xf32, #tpu.memory_space<vmem>> -> memref<1x896xf32, #tpu.memory_space<vmem>>
    %swap3A_722 = tpu.memref_squeeze %swap3A_721 : memref<1x896xf32, #tpu.memory_space<vmem>> -> memref<896xf32, #tpu.memory_space<vmem>>
    %swap3A_723 = arith.constant 768 : index
    %swap3A_724 = tpu.vector_load %swap3A_722[%swap3A_723] {strides = array<i32>} : memref<896xf32, #tpu.memory_space<vmem>>, vector<16xf32>,
    %swap3A_725 = vector.shape_cast %swap3A_724 : vector<16xf32> to vector<16xf32>
    %swap3A_726 = vector.shape_cast %gather3A_718 : vector<16xf32> to vector<16xf32>
    tpu.vector_store %swap3A_722[%swap3A_723], %swap3A_726 {strides = array<i32>} : memref<896xf32, #tpu.memory_space<vmem>>, vector<16xf32>,
    %broadcast_in_dim3A_727 = arith.constant 12 : i32
    %broadcast_in_dim3A_728 = vector.broadcast %broadcast_in_dim3A_727 : i32 to vector<16xi32>
    %lt3A_729 = arith.constant 0 : i32
    %lt3A_730 = vector.broadcast %lt3A_729 : i32 to vector<16xi32>
    %lt3A_731 = arith.cmpi slt, %broadcast_in_dim3A_728, %lt3A_730 : vector<16xi32>
    %add3A_732 = arith.constant 16 : i32
    %add3A_733 = vector.broadcast %add3A_732 : i32 to vector<16xi32>
    %add3A_734 = arith.addi %broadcast_in_dim3A_728, %add3A_733 : vector<16xi32>
    %select_n3A_735 = arith.select %lt3A_731, %add3A_734, %broadcast_in_dim3A_728 : vector<16xi1>, vector<16xi32>
    %broadcast_in_dim3A_736 = vector.shape_cast %select_n3A_735 : vector<16xi32> to vector<16x1xi32>
    %gather3A_737 = vector.shape_cast %broadcast_in_dim3A_736 : vector<16x1xi32> to vector<16xi32>
    %gather3A_738 = tpu.dynamic_gather %get3A_486[%gather3A_737] in [0] : vector<16xf32>, vector<16xi32> -> vector<16xf32>
    %swap3A_739 = arith.constant 28 : i32
    %swap3A_740 = arith.constant 0 : i32
    %swap3A_741 = tpu.memref_slice %arg14[%swap3A_739, %swap3A_740] : memref<128x896xf32, #tpu.memory_space<vmem>> -> memref<1x896xf32, #tpu.memory_space<vmem>>
    %swap3A_742 = tpu.memref_squeeze %swap3A_741 : memref<1x896xf32, #tpu.memory_space<vmem>> -> memref<896xf32, #tpu.memory_space<vmem>>
    %swap3A_743 = arith.constant 768 : index
    %swap3A_744 = tpu.vector_load %swap3A_742[%swap3A_743] {strides = array<i32>} : memref<896xf32, #tpu.memory_space<vmem>>, vector<16xf32>,
    %swap3A_745 = vector.shape_cast %swap3A_744 : vector<16xf32> to vector<16xf32>
    %swap3A_746 = vector.shape_cast %gather3A_738 : vector<16xf32> to vector<16xf32>
    tpu.vector_store %swap3A_742[%swap3A_743], %swap3A_746 {strides = array<i32>} : memref<896xf32, #tpu.memory_space<vmem>>, vector<16xf32>,
    %broadcast_in_dim3A_747 = arith.constant 13 : i32
    %broadcast_in_dim3A_748 = vector.broadcast %broadcast_in_dim3A_747 : i32 to vector<16xi32>
    %lt3A_749 = arith.constant 0 : i32
    %lt3A_750 = vector.broadcast %lt3A_749 : i32 to vector<16xi32>
    %lt3A_751 = arith.cmpi slt, %broadcast_in_dim3A_748, %lt3A_750 : vector<16xi32>
    %add3A_752 = arith.constant 16 : i32
    %add3A_753 = vector.broadcast %add3A_752 : i32 to vector<16xi32>
    %add3A_754 = arith.addi %broadcast_in_dim3A_748, %add3A_753 : vector<16xi32>
    %select_n3A_755 = arith.select %lt3A_751, %add3A_754, %broadcast_in_dim3A_748 : vector<16xi1>, vector<16xi32>
    %broadcast_in_dim3A_756 = vector.shape_cast %select_n3A_755 : vector<16xi32> to vector<16x1xi32>
    %gather3A_757 = vector.shape_cast %broadcast_in_dim3A_756 : vector<16x1xi32> to vector<16xi32>
    %gather3A_758 = tpu.dynamic_gather %get3A_486[%gather3A_757] in [0] : vector<16xf32>, vector<16xi32> -> vector<16xf32>
    %swap3A_759 = arith.constant 29 : i32
    %swap3A_760 = arith.constant 0 : i32
    %swap3A_761 = tpu.memref_slice %arg14[%swap3A_759, %swap3A_760] : memref<128x896xf32, #tpu.memory_space<vmem>> -> memref<1x896xf32, #tpu.memory_space<vmem>>
    %swap3A_762 = tpu.memref_squeeze %swap3A_761 : memref<1x896xf32, #tpu.memory_space<vmem>> -> memref<896xf32, #tpu.memory_space<vmem>>
    %swap3A_763 = arith.constant 768 : index
    %swap3A_764 = tpu.vector_load %swap3A_762[%swap3A_763] {strides = array<i32>} : memref<896xf32, #tpu.memory_space<vmem>>, vector<16xf32>,
    %swap3A_765 = vector.shape_cast %swap3A_764 : vector<16xf32> to vector<16xf32>
    %swap3A_766 = vector.shape_cast %gather3A_758 : vector<16xf32> to vector<16xf32>
    tpu.vector_store %swap3A_762[%swap3A_763], %swap3A_766 {strides = array<i32>} : memref<896xf32, #tpu.memory_space<vmem>>, vector<16xf32>,
    %broadcast_in_dim3A_767 = arith.constant 14 : i32
    %broadcast_in_dim3A_768 = vector.broadcast %broadcast_in_dim3A_767 : i32 to vector<16xi32>
    %lt3A_769 = arith.constant 0 : i32
    %lt3A_770 = vector.broadcast %lt3A_769 : i32 to vector<16xi32>
    %lt3A_771 = arith.cmpi slt, %broadcast_in_dim3A_768, %lt3A_770 : vector<16xi32>
    %add3A_772 = arith.constant 16 : i32
    %add3A_773 = vector.broadcast %add3A_772 : i32 to vector<16xi32>
    %add3A_774 = arith.addi %broadcast_in_dim3A_768, %add3A_773 : vector<16xi32>
    %select_n3A_775 = arith.select %lt3A_771, %add3A_774, %broadcast_in_dim3A_768 : vector<16xi1>, vector<16xi32>
    %broadcast_in_dim3A_776 = vector.shape_cast %select_n3A_775 : vector<16xi32> to vector<16x1xi32>
    %gather3A_777 = vector.shape_cast %broadcast_in_dim3A_776 : vector<16x1xi32> to vector<16xi32>
    %gather3A_778 = tpu.dynamic_gather %get3A_486[%gather3A_777] in [0] : vector<16xf32>, vector<16xi32> -> vector<16xf32>
    %swap3A_779 = arith.constant 30 : i32
    %swap3A_780 = arith.constant 0 : i32
    %swap3A_781 = tpu.memref_slice %arg14[%swap3A_779, %swap3A_780] : memref<128x896xf32, #tpu.memory_space<vmem>> -> memref<1x896xf32, #tpu.memory_space<vmem>>
    %swap3A_782 = tpu.memref_squeeze %swap3A_781 : memref<1x896xf32, #tpu.memory_space<vmem>> -> memref<896xf32, #tpu.memory_space<vmem>>
    %swap3A_783 = arith.constant 768 : index
    %swap3A_784 = tpu.vector_load %swap3A_782[%swap3A_783] {strides = array<i32>} : memref<896xf32, #tpu.memory_space<vmem>>, vector<16xf32>,
    %swap3A_785 = vector.shape_cast %swap3A_784 : vector<16xf32> to vector<16xf32>
    %swap3A_786 = vector.shape_cast %gather3A_778 : vector<16xf32> to vector<16xf32>
    tpu.vector_store %swap3A_782[%swap3A_783], %swap3A_786 {strides = array<i32>} : memref<896xf32, #tpu.memory_space<vmem>>, vector<16xf32>,
    %broadcast_in_dim3A_787 = arith.constant 15 : i32
    %broadcast_in_dim3A_788 = vector.broadcast %broadcast_in_dim3A_787 : i32 to vector<16xi32>
    %lt3A_789 = arith.constant 0 : i32
    %lt3A_790 = vector.broadcast %lt3A_789 : i32 to vector<16xi32>
    %lt3A_791 = arith.cmpi slt, %broadcast_in_dim3A_788, %lt3A_790 : vector<16xi32>
    %add3A_792 = arith.constant 16 : i32
    %add3A_793 = vector.broadcast %add3A_792 : i32 to vector<16xi32>
    %add3A_794 = arith.addi %broadcast_in_dim3A_788, %add3A_793 : vector<16xi32>
    %select_n3A_795 = arith.select %lt3A_791, %add3A_794, %broadcast_in_dim3A_788 : vector<16xi1>, vector<16xi32>
    %broadcast_in_dim3A_796 = vector.shape_cast %select_n3A_795 : vector<16xi32> to vector<16x1xi32>
    %gather3A_797 = vector.shape_cast %broadcast_in_dim3A_796 : vector<16x1xi32> to vector<16xi32>
    %gather3A_798 = tpu.dynamic_gather %get3A_486[%gather3A_797] in [0] : vector<16xf32>, vector<16xi32> -> vector<16xf32>
    %swap3A_799 = arith.constant 31 : i32
    %swap3A_800 = arith.constant 0 : i32
    %swap3A_801 = tpu.memref_slice %arg14[%swap3A_799, %swap3A_800] : memref<128x896xf32, #tpu.memory_space<vmem>> -> memref<1x896xf32, #tpu.memory_space<vmem>>
    %swap3A_802 = tpu.memref_squeeze %swap3A_801 : memref<1x896xf32, #tpu.memory_space<vmem>> -> memref<896xf32, #tpu.memory_space<vmem>>
    %swap3A_803 = arith.constant 768 : index
    %swap3A_804 = tpu.vector_load %swap3A_802[%swap3A_803] {strides = array<i32>} : memref<896xf32, #tpu.memory_space<vmem>>, vector<16xf32>,
    %swap3A_805 = vector.shape_cast %swap3A_804 : vector<16xf32> to vector<16xf32>
    %swap3A_806 = vector.shape_cast %gather3A_798 : vector<16xf32> to vector<16xf32>
    tpu.vector_store %swap3A_802[%swap3A_803], %swap3A_806 {strides = array<i32>} : memref<896xf32, #tpu.memory_space<vmem>>, vector<16xf32>,
    %get3A_807 = arith.constant 32 : index
    %get3A_808 = tpu.vector_load %arg9[%get3A_807] {strides = array<i32>} : memref<128xi32, #tpu.memory_space<vmem>>, vector<16xi32>,
    %get3A_809 = vector.shape_cast %get3A_808 : vector<16xi32> to vector<16xi32>
    %lt3A_810 = arith.constant 0 : i32
    %lt3A_811 = vector.broadcast %lt3A_810 : i32 to vector<16xi32>
    %lt3A_812 = arith.cmpi slt, %get3A_809, %lt3A_811 : vector<16xi32>
    %add3A_813 = arith.constant 16 : i32
    %add3A_814 = vector.broadcast %add3A_813 : i32 to vector<16xi32>
    %add3A_815 = arith.addi %get3A_809, %add3A_814 : vector<16xi32>
    %select_n3A_816 = arith.select %lt3A_812, %add3A_815, %get3A_809 : vector<16xi1>, vector<16xi32>
    %broadcast_in_dim3A_817 = vector.shape_cast %select_n3A_816 : vector<16xi32> to vector<16x1xi32>
    %gather3A_818 = vector.shape_cast %broadcast_in_dim3A_817 : vector<16x1xi32> to vector<16xi32>
    %gather3A_819 = tpu.dynamic_gather %select_n3A_119[%gather3A_818] in [0] : vector<16xi32>, vector<16xi32> -> vector<16xi32>
    %get3A_820 = arith.constant 32 : index
    %get3A_821 = tpu.vector_load %arg10[%get3A_820] {strides = array<i32>} : memref<128xi32, #tpu.memory_space<vmem>>, vector<16xi32>,
    %get3A_822 = vector.shape_cast %get3A_821 : vector<16xi32> to vector<16xi32>
    %add3A_823 = arith.addi %gather3A_819, %get3A_822 : vector<16xi32>
    %swap3A_824 = arith.constant 32 : index
    %swap3A_825 = tpu.vector_load %arg13[%swap3A_824] {strides = array<i32>} : memref<128xi32, #tpu.memory_space<vmem>>, vector<16xi32>,
    %swap3A_826 = vector.shape_cast %swap3A_825 : vector<16xi32> to vector<16xi32>
    %swap3A_827 = vector.shape_cast %add3A_823 : vector<16xi32> to vector<16xi32>
    tpu.vector_store %arg13[%swap3A_824], %swap3A_827 {strides = array<i32>} : memref<128xi32, #tpu.memory_space<vmem>>, vector<16xi32>,
    %get3A_828 = arith.constant 32 : index
    %get3A_829 = tpu.vector_load %arg11[%get3A_828] {strides = array<i32>} : memref<128xf32, #tpu.memory_space<vmem>>, vector<16xf32>,
    %get3A_830 = vector.shape_cast %get3A_829 : vector<16xf32> to vector<16xf32>
    %broadcast_in_dim3A_831 = arith.constant 0 : i32
    %broadcast_in_dim3A_832 = vector.broadcast %broadcast_in_dim3A_831 : i32 to vector<16xi32>
    %lt3A_833 = arith.constant 0 : i32
    %lt3A_834 = vector.broadcast %lt3A_833 : i32 to vector<16xi32>
    %lt3A_835 = arith.cmpi slt, %broadcast_in_dim3A_832, %lt3A_834 : vector<16xi32>
    %add3A_836 = arith.constant 16 : i32
    %add3A_837 = vector.broadcast %add3A_836 : i32 to vector<16xi32>
    %add3A_838 = arith.addi %broadcast_in_dim3A_832, %add3A_837 : vector<16xi32>
    %select_n3A_839 = arith.select %lt3A_835, %add3A_838, %broadcast_in_dim3A_832 : vector<16xi1>, vector<16xi32>
    %broadcast_in_dim3A_840 = vector.shape_cast %select_n3A_839 : vector<16xi32> to vector<16x1xi32>
    %gather3A_841 = vector.shape_cast %broadcast_in_dim3A_840 : vector<16x1xi32> to vector<16xi32>
    %gather3A_842 = tpu.dynamic_gather %get3A_830[%gather3A_841] in [0] : vector<16xf32>, vector<16xi32> -> vector<16xf32>
    %swap3A_843 = arith.constant 32 : i32
    %swap3A_844 = arith.constant 0 : i32
    %swap3A_845 = tpu.memref_slice %arg14[%swap3A_843, %swap3A_844] : memref<128x896xf32, #tpu.memory_space<vmem>> -> memref<1x896xf32, #tpu.memory_space<vmem>>
    %swap3A_846 = tpu.memref_squeeze %swap3A_845 : memref<1x896xf32, #tpu.memory_space<vmem>> -> memref<896xf32, #tpu.memory_space<vmem>>
    %swap3A_847 = arith.constant 768 : index
    %swap3A_848 = tpu.vector_load %swap3A_846[%swap3A_847] {strides = array<i32>} : memref<896xf32, #tpu.memory_space<vmem>>, vector<16xf32>,
    %swap3A_849 = vector.shape_cast %swap3A_848 : vector<16xf32> to vector<16xf32>
    %swap3A_850 = vector.shape_cast %gather3A_842 : vector<16xf32> to vector<16xf32>
    tpu.vector_store %swap3A_846[%swap3A_847], %swap3A_850 {strides = array<i32>} : memref<896xf32, #tpu.memory_space<vmem>>, vector<16xf32>,
    %broadcast_in_dim3A_851 = arith.constant 1 : i32
    %broadcast_in_dim3A_852 = vector.broadcast %broadcast_in_dim3A_851 : i32 to vector<16xi32>
    %lt3A_853 = arith.constant 0 : i32
    %lt3A_854 = vector.broadcast %lt3A_853 : i32 to vector<16xi32>
    %lt3A_855 = arith.cmpi slt, %broadcast_in_dim3A_852, %lt3A_854 : vector<16xi32>
    %add3A_856 = arith.constant 16 : i32
    %add3A_857 = vector.broadcast %add3A_856 : i32 to vector<16xi32>
    %add3A_858 = arith.addi %broadcast_in_dim3A_852, %add3A_857 : vector<16xi32>
    %select_n3A_859 = arith.select %lt3A_855, %add3A_858, %broadcast_in_dim3A_852 : vector<16xi1>, vector<16xi32>
    %broadcast_in_dim3A_860 = vector.shape_cast %select_n3A_859 : vector<16xi32> to vector<16x1xi32>
    %gather3A_861 = vector.shape_cast %broadcast_in_dim3A_860 : vector<16x1xi32> to vector<16xi32>
    %gather3A_862 = tpu.dynamic_gather %get3A_830[%gather3A_861] in [0] : vector<16xf32>, vector<16xi32> -> vector<16xf32>
    %swap3A_863 = arith.constant 33 : i32
    %swap3A_864 = arith.constant 0 : i32
    %swap3A_865 = tpu.memref_slice %arg14[%swap3A_863, %swap3A_864] : memref<128x896xf32, #tpu.memory_space<vmem>> -> memref<1x896xf32, #tpu.memory_space<vmem>>
    %swap3A_866 = tpu.memref_squeeze %swap3A_865 : memref<1x896xf32, #tpu.memory_space<vmem>> -> memref<896xf32, #tpu.memory_space<vmem>>
    %swap3A_867 = arith.constant 768 : index
    %swap3A_868 = tpu.vector_load %swap3A_866[%swap3A_867] {strides = array<i32>} : memref<896xf32, #tpu.memory_space<vmem>>, vector<16xf32>,
    %swap3A_869 = vector.shape_cast %swap3A_868 : vector<16xf32> to vector<16xf32>
    %swap3A_870 = vector.shape_cast %gather3A_862 : vector<16xf32> to vector<16xf32>
    tpu.vector_store %swap3A_866[%swap3A_867], %swap3A_870 {strides = array<i32>} : memref<896xf32, #tpu.memory_space<vmem>>, vector<16xf32>,
    %broadcast_in_dim3A_871 = arith.constant 2 : i32
    %broadcast_in_dim3A_872 = vector.broadcast %broadcast_in_dim3A_871 : i32 to vector<16xi32>
    %lt3A_873 = arith.constant 0 : i32
    %lt3A_874 = vector.broadcast %lt3A_873 : i32 to vector<16xi32>
    %lt3A_875 = arith.cmpi slt, %broadcast_in_dim3A_872, %lt3A_874 : vector<16xi32>
    %add3A_876 = arith.constant 16 : i32
    %add3A_877 = vector.broadcast %add3A_876 : i32 to vector<16xi32>
    %add3A_878 = arith.addi %broadcast_in_dim3A_872, %add3A_877 : vector<16xi32>
    %select_n3A_879 = arith.select %lt3A_875, %add3A_878, %broadcast_in_dim3A_872 : vector<16xi1>, vector<16xi32>
    %broadcast_in_dim3A_880 = vector.shape_cast %select_n3A_879 : vector<16xi32> to vector<16x1xi32>
    %gather3A_881 = vector.shape_cast %broadcast_in_dim3A_880 : vector<16x1xi32> to vector<16xi32>
    %gather3A_882 = tpu.dynamic_gather %get3A_830[%gather3A_881] in [0] : vector<16xf32>, vector<16xi32> -> vector<16xf32>
    %swap3A_883 = arith.constant 34 : i32
    %swap3A_884 = arith.constant 0 : i32
    %swap3A_885 = tpu.memref_slice %arg14[%swap3A_883, %swap3A_884] : memref<128x896xf32, #tpu.memory_space<vmem>> -> memref<1x896xf32, #tpu.memory_space<vmem>>
    %swap3A_886 = tpu.memref_squeeze %swap3A_885 : memref<1x896xf32, #tpu.memory_space<vmem>> -> memref<896xf32, #tpu.memory_space<vmem>>
    %swap3A_887 = arith.constant 768 : index
    %swap3A_888 = tpu.vector_load %swap3A_886[%swap3A_887] {strides = array<i32>} : memref<896xf32, #tpu.memory_space<vmem>>, vector<16xf32>,
    %swap3A_889 = vector.shape_cast %swap3A_888 : vector<16xf32> to vector<16xf32>
    %swap3A_890 = vector.shape_cast %gather3A_882 : vector<16xf32> to vector<16xf32>
    tpu.vector_store %swap3A_886[%swap3A_887], %swap3A_890 {strides = array<i32>} : memref<896xf32, #tpu.memory_space<vmem>>, vector<16xf32>,
    %broadcast_in_dim3A_891 = arith.constant 3 : i32
    %broadcast_in_dim3A_892 = vector.broadcast %broadcast_in_dim3A_891 : i32 to vector<16xi32>
    %lt3A_893 = arith.constant 0 : i32
    %lt3A_894 = vector.broadcast %lt3A_893 : i32 to vector<16xi32>
    %lt3A_895 = arith.cmpi slt, %broadcast_in_dim3A_892, %lt3A_894 : vector<16xi32>
    %add3A_896 = arith.constant 16 : i32
    %add3A_897 = vector.broadcast %add3A_896 : i32 to vector<16xi32>
    %add3A_898 = arith.addi %broadcast_in_dim3A_892, %add3A_897 : vector<16xi32>
    %select_n3A_899 = arith.select %lt3A_895, %add3A_898, %broadcast_in_dim3A_892 : vector<16xi1>, vector<16xi32>
    %broadcast_in_dim3A_900 = vector.shape_cast %select_n3A_899 : vector<16xi32> to vector<16x1xi32>
    %gather3A_901 = vector.shape_cast %broadcast_in_dim3A_900 : vector<16x1xi32> to vector<16xi32>
    %gather3A_902 = tpu.dynamic_gather %get3A_830[%gather3A_901] in [0] : vector<16xf32>, vector<16xi32> -> vector<16xf32>
    %swap3A_903 = arith.constant 35 : i32
    %swap3A_904 = arith.constant 0 : i32
    %swap3A_905 = tpu.memref_slice %arg14[%swap3A_903, %swap3A_904] : memref<128x896xf32, #tpu.memory_space<vmem>> -> memref<1x896xf32, #tpu.memory_space<vmem>>
    %swap3A_906 = tpu.memref_squeeze %swap3A_905 : memref<1x896xf32, #tpu.memory_space<vmem>> -> memref<896xf32, #tpu.memory_space<vmem>>
    %swap3A_907 = arith.constant 768 : index
    %swap3A_908 = tpu.vector_load %swap3A_906[%swap3A_907] {strides = array<i32>} : memref<896xf32, #tpu.memory_space<vmem>>, vector<16xf32>,
    %swap3A_909 = vector.shape_cast %swap3A_908 : vector<16xf32> to vector<16xf32>
    %swap3A_910 = vector.shape_cast %gather3A_902 : vector<16xf32> to vector<16xf32>
    tpu.vector_store %swap3A_906[%swap3A_907], %swap3A_910 {strides = array<i32>} : memref<896xf32, #tpu.memory_space<vmem>>, vector<16xf32>,
    %broadcast_in_dim3A_911 = arith.constant 4 : i32
    %broadcast_in_dim3A_912 = vector.broadcast %broadcast_in_dim3A_911 : i32 to vector<16xi32>
    %lt3A_913 = arith.constant 0 : i32
    %lt3A_914 = vector.broadcast %lt3A_913 : i32 to vector<16xi32>
    %lt3A_915 = arith.cmpi slt, %broadcast_in_dim3A_912, %lt3A_914 : vector<16xi32>
    %add3A_916 = arith.constant 16 : i32
    %add3A_917 = vector.broadcast %add3A_916 : i32 to vector<16xi32>
    %add3A_918 = arith.addi %broadcast_in_dim3A_912, %add3A_917 : vector<16xi32>
    %select_n3A_919 = arith.select %lt3A_915, %add3A_918, %broadcast_in_dim3A_912 : vector<16xi1>, vector<16xi32>
    %broadcast_in_dim3A_920 = vector.shape_cast %select_n3A_919 : vector<16xi32> to vector<16x1xi32>
    %gather3A_921 = vector.shape_cast %broadcast_in_dim3A_920 : vector<16x1xi32> to vector<16xi32>
    %gather3A_922 = tpu.dynamic_gather %get3A_830[%gather3A_921] in [0] : vector<16xf32>, vector<16xi32> -> vector<16xf32>
    %swap3A_923 = arith.constant 36 : i32
    %swap3A_924 = arith.constant 0 : i32
    %swap3A_925 = tpu.memref_slice %arg14[%swap3A_923, %swap3A_924] : memref<128x896xf32, #tpu.memory_space<vmem>> -> memref<1x896xf32, #tpu.memory_space<vmem>>
    %swap3A_926 = tpu.memref_squeeze %swap3A_925 : memref<1x896xf32, #tpu.memory_space<vmem>> -> memref<896xf32, #tpu.memory_space<vmem>>
    %swap3A_927 = arith.constant 768 : index
    %swap3A_928 = tpu.vector_load %swap3A_926[%swap3A_927] {strides = array<i32>} : memref<896xf32, #tpu.memory_space<vmem>>, vector<16xf32>,
    %swap3A_929 = vector.shape_cast %swap3A_928 : vector<16xf32> to vector<16xf32>
    %swap3A_930 = vector.shape_cast %gather3A_922 : vector<16xf32> to vector<16xf32>
    tpu.vector_store %swap3A_926[%swap3A_927], %swap3A_930 {strides = array<i32>} : memref<896xf32, #tpu.memory_space<vmem>>, vector<16xf32>,
    %broadcast_in_dim3A_931 = arith.constant 5 : i32
    %broadcast_in_dim3A_932 = vector.broadcast %broadcast_in_dim3A_931 : i32 to vector<16xi32>
    %lt3A_933 = arith.constant 0 : i32
    %lt3A_934 = vector.broadcast %lt3A_933 : i32 to vector<16xi32>
    %lt3A_935 = arith.cmpi slt, %broadcast_in_dim3A_932, %lt3A_934 : vector<16xi32>
    %add3A_936 = arith.constant 16 : i32
    %add3A_937 = vector.broadcast %add3A_936 : i32 to vector<16xi32>
    %add3A_938 = arith.addi %broadcast_in_dim3A_932, %add3A_937 : vector<16xi32>
    %select_n3A_939 = arith.select %lt3A_935, %add3A_938, %broadcast_in_dim3A_932 : vector<16xi1>, vector<16xi32>
    %broadcast_in_dim3A_940 = vector.shape_cast %select_n3A_939 : vector<16xi32> to vector<16x1xi32>
    %gather3A_941 = vector.shape_cast %broadcast_in_dim3A_940 : vector<16x1xi32> to vector<16xi32>
    %gather3A_942 = tpu.dynamic_gather %get3A_830[%gather3A_941] in [0] : vector<16xf32>, vector<16xi32> -> vector<16xf32>
    %swap3A_943 = arith.constant 37 : i32
    %swap3A_944 = arith.constant 0 : i32
    %swap3A_945 = tpu.memref_slice %arg14[%swap3A_943, %swap3A_944] : memref<128x896xf32, #tpu.memory_space<vmem>> -> memref<1x896xf32, #tpu.memory_space<vmem>>
    %swap3A_946 = tpu.memref_squeeze %swap3A_945 : memref<1x896xf32, #tpu.memory_space<vmem>> -> memref<896xf32, #tpu.memory_space<vmem>>
    %swap3A_947 = arith.constant 768 : index
    %swap3A_948 = tpu.vector_load %swap3A_946[%swap3A_947] {strides = array<i32>} : memref<896xf32, #tpu.memory_space<vmem>>, vector<16xf32>,
    %swap3A_949 = vector.shape_cast %swap3A_948 : vector<16xf32> to vector<16xf32>
    %swap3A_950 = vector.shape_cast %gather3A_942 : vector<16xf32> to vector<16xf32>
    tpu.vector_store %swap3A_946[%swap3A_947], %swap3A_950 {strides = array<i32>} : memref<896xf32, #tpu.memory_space<vmem>>, vector<16xf32>,
    %broadcast_in_dim3A_951 = arith.constant 6 : i32
    %broadcast_in_dim3A_952 = vector.broadcast %broadcast_in_dim3A_951 : i32 to vector<16xi32>
    %lt3A_953 = arith.constant 0 : i32
    %lt3A_954 = vector.broadcast %lt3A_953 : i32 to vector<16xi32>
    %lt3A_955 = arith.cmpi slt, %broadcast_in_dim3A_952, %lt3A_954 : vector<16xi32>
    %add3A_956 = arith.constant 16 : i32
    %add3A_957 = vector.broadcast %add3A_956 : i32 to vector<16xi32>
    %add3A_958 = arith.addi %broadcast_in_dim3A_952, %add3A_957 : vector<16xi32>
    %select_n3A_959 = arith.select %lt3A_955, %add3A_958, %broadcast_in_dim3A_952 : vector<16xi1>, vector<16xi32>
    %broadcast_in_dim3A_960 = vector.shape_cast %select_n3A_959 : vector<16xi32> to vector<16x1xi32>
    %gather3A_961 = vector.shape_cast %broadcast_in_dim3A_960 : vector<16x1xi32> to vector<16xi32>
    %gather3A_962 = tpu.dynamic_gather %get3A_830[%gather3A_961] in [0] : vector<16xf32>, vector<16xi32> -> vector<16xf32>
    %swap3A_963 = arith.constant 38 : i32
    %swap3A_964 = arith.constant 0 : i32
    %swap3A_965 = tpu.memref_slice %arg14[%swap3A_963, %swap3A_964] : memref<128x896xf32, #tpu.memory_space<vmem>> -> memref<1x896xf32, #tpu.memory_space<vmem>>
    %swap3A_966 = tpu.memref_squeeze %swap3A_965 : memref<1x896xf32, #tpu.memory_space<vmem>> -> memref<896xf32, #tpu.memory_space<vmem>>
    %swap3A_967 = arith.constant 768 : index
    %swap3A_968 = tpu.vector_load %swap3A_966[%swap3A_967] {strides = array<i32>} : memref<896xf32, #tpu.memory_space<vmem>>, vector<16xf32>,
    %swap3A_969 = vector.shape_cast %swap3A_968 : vector<16xf32> to vector<16xf32>
    %swap3A_970 = vector.shape_cast %gather3A_962 : vector<16xf32> to vector<16xf32>
    tpu.vector_store %swap3A_966[%swap3A_967], %swap3A_970 {strides = array<i32>} : memref<896xf32, #tpu.memory_space<vmem>>, vector<16xf32>,
    %broadcast_in_dim3A_971 = arith.constant 7 : i32
    %broadcast_in_dim3A_972 = vector.broadcast %broadcast_in_dim3A_971 : i32 to vector<16xi32>
    %lt3A_973 = arith.constant 0 : i32
    %lt3A_974 = vector.broadcast %lt3A_973 : i32 to vector<16xi32>
    %lt3A_975 = arith.cmpi slt, %broadcast_in_dim3A_972, %lt3A_974 : vector<16xi32>
    %add3A_976 = arith.constant 16 : i32
    %add3A_977 = vector.broadcast %add3A_976 : i32 to vector<16xi32>
    %add3A_978 = arith.addi %broadcast_in_dim3A_972, %add3A_977 : vector<16xi32>
    %select_n3A_979 = arith.select %lt3A_975, %add3A_978, %broadcast_in_dim3A_972 : vector<16xi1>, vector<16xi32>
    %broadcast_in_dim3A_980 = vector.shape_cast %select_n3A_979 : vector<16xi32> to vector<16x1xi32>
    %gather3A_981 = vector.shape_cast %broadcast_in_dim3A_980 : vector<16x1xi32> to vector<16xi32>
    %gather3A_982 = tpu.dynamic_gather %get3A_830[%gather3A_981] in [0] : vector<16xf32>, vector<16xi32> -> vector<16xf32>
    %swap3A_983 = arith.constant 39 : i32
    %swap3A_984 = arith.constant 0 : i32
    %swap3A_985 = tpu.memref_slice %arg14[%swap3A_983, %swap3A_984] : memref<128x896xf32, #tpu.memory_space<vmem>> -> memref<1x896xf32, #tpu.memory_space<vmem>>
    %swap3A_986 = tpu.memref_squeeze %swap3A_985 : memref<1x896xf32, #tpu.memory_space<vmem>> -> memref<896xf32, #tpu.memory_space<vmem>>
    %swap3A_987 = arith.constant 768 : index
    %swap3A_988 = tpu.vector_load %swap3A_986[%swap3A_987] {strides = array<i32>} : memref<896xf32, #tpu.memory_space<vmem>>, vector<16xf32>,
    %swap3A_989 = vector.shape_cast %swap3A_988 : vector<16xf32> to vector<16xf32>
    %swap3A_990 = vector.shape_cast %gather3A_982 : vector<16xf32> to vector<16xf32>
    tpu.vector_store %swap3A_986[%swap3A_987], %swap3A_990 {strides = array<i32>} : memref<896xf32, #tpu.memory_space<vmem>>, vector<16xf32>,
    %broadcast_in_dim3A_991 = arith.constant 8 : i32
    %broadcast_in_dim3A_992 = vector.broadcast %broadcast_in_dim3A_991 : i32 to vector<16xi32>
    %lt3A_993 = arith.constant 0 : i32
    %lt3A_994 = vector.broadcast %lt3A_993 : i32 to vector<16xi32>
    %lt3A_995 = arith.cmpi slt, %broadcast_in_dim3A_992, %lt3A_994 : vector<16xi32>
    %add3A_996 = arith.constant 16 : i32
    %add3A_997 = vector.broadcast %add3A_996 : i32 to vector<16xi32>
    %add3A_998 = arith.addi %broadcast_in_dim3A_992, %add3A_997 : vector<16xi32>
    %select_n3A_999 = arith.select %lt3A_995, %add3A_998, %broadcast_in_dim3A_992 : vector<16xi1>, vector<16xi32>
    %broadcast_in_dim3A_1000 = vector.shape_cast %select_n3A_999 : vector<16xi32> to vector<16x1xi32>
    %gather3A_1001 = vector.shape_cast %broadcast_in_dim3A_1000 : vector<16x1xi32> to vector<16xi32>
    %gather3A_1002 = tpu.dynamic_gather %get3A_830[%gather3A_1001] in [0] : vector<16xf32>, vector<16xi32> -> vector<16xf32>
    %swap3A_1003 = arith.constant 40 : i32
    %swap3A_1004 = arith.constant 0 : i32
    %swap3A_1005 = tpu.memref_slice %arg14[%swap3A_1003, %swap3A_1004] : memref<128x896xf32, #tpu.memory_space<vmem>> -> memref<1x896xf32, #tpu.memory_space<vmem>>
    %swap3A_1006 = tpu.memref_squeeze %swap3A_1005 : memref<1x896xf32, #tpu.memory_space<vmem>> -> memref<896xf32, #tpu.memory_space<vmem>>
    %swap3A_1007 = arith.constant 768 : index
    %swap3A_1008 = tpu.vector_load %swap3A_1006[%swap3A_1007] {strides = array<i32>} : memref<896xf32, #tpu.memory_space<vmem>>, vector<16xf32>,
    %swap3A_1009 = vector.shape_cast %swap3A_1008 : vector<16xf32> to vector<16xf32>
    %swap3A_1010 = vector.shape_cast %gather3A_1002 : vector<16xf32> to vector<16xf32>
    tpu.vector_store %swap3A_1006[%swap3A_1007], %swap3A_1010 {strides = array<i32>} : memref<896xf32, #tpu.memory_space<vmem>>, vector<16xf32>,
    %broadcast_in_dim3A_1011 = arith.constant 9 : i32
    %broadcast_in_dim3A_1012 = vector.broadcast %broadcast_in_dim3A_1011 : i32 to vector<16xi32>
    %lt3A_1013 = arith.constant 0 : i32
    %lt3A_1014 = vector.broadcast %lt3A_1013 : i32 to vector<16xi32>
    %lt3A_1015 = arith.cmpi slt, %broadcast_in_dim3A_1012, %lt3A_1014 : vector<16xi32>
    %add3A_1016 = arith.constant 16 : i32
    %add3A_1017 = vector.broadcast %add3A_1016 : i32 to vector<16xi32>
    %add3A_1018 = arith.addi %broadcast_in_dim3A_1012, %add3A_1017 : vector<16xi32>
    %select_n3A_1019 = arith.select %lt3A_1015, %add3A_1018, %broadcast_in_dim3A_1012 : vector<16xi1>, vector<16xi32>
    %broadcast_in_dim3A_1020 = vector.shape_cast %select_n3A_1019 : vector<16xi32> to vector<16x1xi32>
    %gather3A_1021 = vector.shape_cast %broadcast_in_dim3A_1020 : vector<16x1xi32> to vector<16xi32>
    %gather3A_1022 = tpu.dynamic_gather %get3A_830[%gather3A_1021] in [0] : vector<16xf32>, vector<16xi32> -> vector<16xf32>
    %swap3A_1023 = arith.constant 41 : i32
    %swap3A_1024 = arith.constant 0 : i32
    %swap3A_1025 = tpu.memref_slice %arg14[%swap3A_1023, %swap3A_1024] : memref<128x896xf32, #tpu.memory_space<vmem>> -> memref<1x896xf32, #tpu.memory_space<vmem>>
    %swap3A_1026 = tpu.memref_squeeze %swap3A_1025 : memref<1x896xf32, #tpu.memory_space<vmem>> -> memref<896xf32, #tpu.memory_space<vmem>>
    %swap3A_1027 = arith.constant 768 : index
    %swap3A_1028 = tpu.vector_load %swap3A_1026[%swap3A_1027] {strides = array<i32>} : memref<896xf32, #tpu.memory_space<vmem>>, vector<16xf32>,
    %swap3A_1029 = vector.shape_cast %swap3A_1028 : vector<16xf32> to vector<16xf32>
    %swap3A_1030 = vector.shape_cast %gather3A_1022 : vector<16xf32> to vector<16xf32>
    tpu.vector_store %swap3A_1026[%swap3A_1027], %swap3A_1030 {strides = array<i32>} : memref<896xf32, #tpu.memory_space<vmem>>, vector<16xf32>,
    %broadcast_in_dim3A_1031 = arith.constant 10 : i32
    %broadcast_in_dim3A_1032 = vector.broadcast %broadcast_in_dim3A_1031 : i32 to vector<16xi32>
    %lt3A_1033 = arith.constant 0 : i32
    %lt3A_1034 = vector.broadcast %lt3A_1033 : i32 to vector<16xi32>
    %lt3A_1035 = arith.cmpi slt, %broadcast_in_dim3A_1032, %lt3A_1034 : vector<16xi32>
    %add3A_1036 = arith.constant 16 : i32
    %add3A_1037 = vector.broadcast %add3A_1036 : i32 to vector<16xi32>
    %add3A_1038 = arith.addi %broadcast_in_dim3A_1032, %add3A_1037 : vector<16xi32>
    %select_n3A_1039 = arith.select %lt3A_1035, %add3A_1038, %broadcast_in_dim3A_1032 : vector<16xi1>, vector<16xi32>
    %broadcast_in_dim3A_1040 = vector.shape_cast %select_n3A_1039 : vector<16xi32> to vector<16x1xi32>
    %gather3A_1041 = vector.shape_cast %broadcast_in_dim3A_1040 : vector<16x1xi32> to vector<16xi32>
    %gather3A_1042 = tpu.dynamic_gather %get3A_830[%gather3A_1041] in [0] : vector<16xf32>, vector<16xi32> -> vector<16xf32>
    %swap3A_1043 = arith.constant 42 : i32
    %swap3A_1044 = arith.constant 0 : i32
    %swap3A_1045 = tpu.memref_slice %arg14[%swap3A_1043, %swap3A_1044] : memref<128x896xf32, #tpu.memory_space<vmem>> -> memref<1x896xf32, #tpu.memory_space<vmem>>
    %swap3A_1046 = tpu.memref_squeeze %swap3A_1045 : memref<1x896xf32, #tpu.memory_space<vmem>> -> memref<896xf32, #tpu.memory_space<vmem>>
    %swap3A_1047 = arith.constant 768 : index
    %swap3A_1048 = tpu.vector_load %swap3A_1046[%swap3A_1047] {strides = array<i32>} : memref<896xf32, #tpu.memory_space<vmem>>, vector<16xf32>,
    %swap3A_1049 = vector.shape_cast %swap3A_1048 : vector<16xf32> to vector<16xf32>
    %swap3A_1050 = vector.shape_cast %gather3A_1042 : vector<16xf32> to vector<16xf32>
    tpu.vector_store %swap3A_1046[%swap3A_1047], %swap3A_1050 {strides = array<i32>} : memref<896xf32, #tpu.memory_space<vmem>>, vector<16xf32>,
    %broadcast_in_dim3A_1051 = arith.constant 11 : i32
    %broadcast_in_dim3A_1052 = vector.broadcast %broadcast_in_dim3A_1051 : i32 to vector<16xi32>
    %lt3A_1053 = arith.constant 0 : i32
    %lt3A_1054 = vector.broadcast %lt3A_1053 : i32 to vector<16xi32>
    %lt3A_1055 = arith.cmpi slt, %broadcast_in_dim3A_1052, %lt3A_1054 : vector<16xi32>
    %add3A_1056 = arith.constant 16 : i32
    %add3A_1057 = vector.broadcast %add3A_1056 : i32 to vector<16xi32>
    %add3A_1058 = arith.addi %broadcast_in_dim3A_1052, %add3A_1057 : vector<16xi32>
    %select_n3A_1059 = arith.select %lt3A_1055, %add3A_1058, %broadcast_in_dim3A_1052 : vector<16xi1>, vector<16xi32>
    %broadcast_in_dim3A_1060 = vector.shape_cast %select_n3A_1059 : vector<16xi32> to vector<16x1xi32>
    %gather3A_1061 = vector.shape_cast %broadcast_in_dim3A_1060 : vector<16x1xi32> to vector<16xi32>
    %gather3A_1062 = tpu.dynamic_gather %get3A_830[%gather3A_1061] in [0] : vector<16xf32>, vector<16xi32> -> vector<16xf32>
    %swap3A_1063 = arith.constant 43 : i32
    %swap3A_1064 = arith.constant 0 : i32
    %swap3A_1065 = tpu.memref_slice %arg14[%swap3A_1063, %swap3A_1064] : memref<128x896xf32, #tpu.memory_space<vmem>> -> memref<1x896xf32, #tpu.memory_space<vmem>>
    %swap3A_1066 = tpu.memref_squeeze %swap3A_1065 : memref<1x896xf32, #tpu.memory_space<vmem>> -> memref<896xf32, #tpu.memory_space<vmem>>
    %swap3A_1067 = arith.constant 768 : index
    %swap3A_1068 = tpu.vector_load %swap3A_1066[%swap3A_1067] {strides = array<i32>} : memref<896xf32, #tpu.memory_space<vmem>>, vector<16xf32>,
    %swap3A_1069 = vector.shape_cast %swap3A_1068 : vector<16xf32> to vector<16xf32>
    %swap3A_1070 = vector.shape_cast %gather3A_1062 : vector<16xf32> to vector<16xf32>
    tpu.vector_store %swap3A_1066[%swap3A_1067], %swap3A_1070 {strides = array<i32>} : memref<896xf32, #tpu.memory_space<vmem>>, vector<16xf32>,
    %broadcast_in_dim3A_1071 = arith.constant 12 : i32
    %broadcast_in_dim3A_1072 = vector.broadcast %broadcast_in_dim3A_1071 : i32 to vector<16xi32>
    %lt3A_1073 = arith.constant 0 : i32
    %lt3A_1074 = vector.broadcast %lt3A_1073 : i32 to vector<16xi32>
    %lt3A_1075 = arith.cmpi slt, %broadcast_in_dim3A_1072, %lt3A_1074 : vector<16xi32>
    %add3A_1076 = arith.constant 16 : i32
    %add3A_1077 = vector.broadcast %add3A_1076 : i32 to vector<16xi32>
    %add3A_1078 = arith.addi %broadcast_in_dim3A_1072, %add3A_1077 : vector<16xi32>
    %select_n3A_1079 = arith.select %lt3A_1075, %add3A_1078, %broadcast_in_dim3A_1072 : vector<16xi1>, vector<16xi32>
    %broadcast_in_dim3A_1080 = vector.shape_cast %select_n3A_1079 : vector<16xi32> to vector<16x1xi32>
    %gather3A_1081 = vector.shape_cast %broadcast_in_dim3A_1080 : vector<16x1xi32> to vector<16xi32>
    %gather3A_1082 = tpu.dynamic_gather %get3A_830[%gather3A_1081] in [0] : vector<16xf32>, vector<16xi32> -> vector<16xf32>
    %swap3A_1083 = arith.constant 44 : i32
    %swap3A_1084 = arith.constant 0 : i32
    %swap3A_1085 = tpu.memref_slice %arg14[%swap3A_1083, %swap3A_1084] : memref<128x896xf32, #tpu.memory_space<vmem>> -> memref<1x896xf32, #tpu.memory_space<vmem>>
    %swap3A_1086 = tpu.memref_squeeze %swap3A_1085 : memref<1x896xf32, #tpu.memory_space<vmem>> -> memref<896xf32, #tpu.memory_space<vmem>>
    %swap3A_1087 = arith.constant 768 : index
    %swap3A_1088 = tpu.vector_load %swap3A_1086[%swap3A_1087] {strides = array<i32>} : memref<896xf32, #tpu.memory_space<vmem>>, vector<16xf32>,
    %swap3A_1089 = vector.shape_cast %swap3A_1088 : vector<16xf32> to vector<16xf32>
    %swap3A_1090 = vector.shape_cast %gather3A_1082 : vector<16xf32> to vector<16xf32>
    tpu.vector_store %swap3A_1086[%swap3A_1087], %swap3A_1090 {strides = array<i32>} : memref<896xf32, #tpu.memory_space<vmem>>, vector<16xf32>,
    %broadcast_in_dim3A_1091 = arith.constant 13 : i32
    %broadcast_in_dim3A_1092 = vector.broadcast %broadcast_in_dim3A_1091 : i32 to vector<16xi32>
    %lt3A_1093 = arith.constant 0 : i32
    %lt3A_1094 = vector.broadcast %lt3A_1093 : i32 to vector<16xi32>
    %lt3A_1095 = arith.cmpi slt, %broadcast_in_dim3A_1092, %lt3A_1094 : vector<16xi32>
    %add3A_1096 = arith.constant 16 : i32
    %add3A_1097 = vector.broadcast %add3A_1096 : i32 to vector<16xi32>
    %add3A_1098 = arith.addi %broadcast_in_dim3A_1092, %add3A_1097 : vector<16xi32>
    %select_n3A_1099 = arith.select %lt3A_1095, %add3A_1098, %broadcast_in_dim3A_1092 : vector<16xi1>, vector<16xi32>
    %broadcast_in_dim3A_1100 = vector.shape_cast %select_n3A_1099 : vector<16xi32> to vector<16x1xi32>
    %gather3A_1101 = vector.shape_cast %broadcast_in_dim3A_1100 : vector<16x1xi32> to vector<16xi32>
    %gather3A_1102 = tpu.dynamic_gather %get3A_830[%gather3A_1101] in [0] : vector<16xf32>, vector<16xi32> -> vector<16xf32>
    %swap3A_1103 = arith.constant 45 : i32
    %swap3A_1104 = arith.constant 0 : i32
    %swap3A_1105 = tpu.memref_slice %arg14[%swap3A_1103, %swap3A_1104] : memref<128x896xf32, #tpu.memory_space<vmem>> -> memref<1x896xf32, #tpu.memory_space<vmem>>
    %swap3A_1106 = tpu.memref_squeeze %swap3A_1105 : memref<1x896xf32, #tpu.memory_space<vmem>> -> memref<896xf32, #tpu.memory_space<vmem>>
    %swap3A_1107 = arith.constant 768 : index
    %swap3A_1108 = tpu.vector_load %swap3A_1106[%swap3A_1107] {strides = array<i32>} : memref<896xf32, #tpu.memory_space<vmem>>, vector<16xf32>,
    %swap3A_1109 = vector.shape_cast %swap3A_1108 : vector<16xf32> to vector<16xf32>
    %swap3A_1110 = vector.shape_cast %gather3A_1102 : vector<16xf32> to vector<16xf32>
    tpu.vector_store %swap3A_1106[%swap3A_1107], %swap3A_1110 {strides = array<i32>} : memref<896xf32, #tpu.memory_space<vmem>>, vector<16xf32>,
    %broadcast_in_dim3A_1111 = arith.constant 14 : i32
    %broadcast_in_dim3A_1112 = vector.broadcast %broadcast_in_dim3A_1111 : i32 to vector<16xi32>
    %lt3A_1113 = arith.constant 0 : i32
    %lt3A_1114 = vector.broadcast %lt3A_1113 : i32 to vector<16xi32>
    %lt3A_1115 = arith.cmpi slt, %broadcast_in_dim3A_1112, %lt3A_1114 : vector<16xi32>
    %add3A_1116 = arith.constant 16 : i32
    %add3A_1117 = vector.broadcast %add3A_1116 : i32 to vector<16xi32>
    %add3A_1118 = arith.addi %broadcast_in_dim3A_1112, %add3A_1117 : vector<16xi32>
    %select_n3A_1119 = arith.select %lt3A_1115, %add3A_1118, %broadcast_in_dim3A_1112 : vector<16xi1>, vector<16xi32>
    %broadcast_in_dim3A_1120 = vector.shape_cast %select_n3A_1119 : vector<16xi32> to vector<16x1xi32>
    %gather3A_1121 = vector.shape_cast %broadcast_in_dim3A_1120 : vector<16x1xi32> to vector<16xi32>
    %gather3A_1122 = tpu.dynamic_gather %get3A_830[%gather3A_1121] in [0] : vector<16xf32>, vector<16xi32> -> vector<16xf32>
    %swap3A_1123 = arith.constant 46 : i32
    %swap3A_1124 = arith.constant 0 : i32
    %swap3A_1125 = tpu.memref_slice %arg14[%swap3A_1123, %swap3A_1124] : memref<128x896xf32, #tpu.memory_space<vmem>> -> memref<1x896xf32, #tpu.memory_space<vmem>>
    %swap3A_1126 = tpu.memref_squeeze %swap3A_1125 : memref<1x896xf32, #tpu.memory_space<vmem>> -> memref<896xf32, #tpu.memory_space<vmem>>
    %swap3A_1127 = arith.constant 768 : index
    %swap3A_1128 = tpu.vector_load %swap3A_1126[%swap3A_1127] {strides = array<i32>} : memref<896xf32, #tpu.memory_space<vmem>>, vector<16xf32>,
    %swap3A_1129 = vector.shape_cast %swap3A_1128 : vector<16xf32> to vector<16xf32>
    %swap3A_1130 = vector.shape_cast %gather3A_1122 : vector<16xf32> to vector<16xf32>
    tpu.vector_store %swap3A_1126[%swap3A_1127], %swap3A_1130 {strides = array<i32>} : memref<896xf32, #tpu.memory_space<vmem>>, vector<16xf32>,
    %broadcast_in_dim3A_1131 = arith.constant 15 : i32
    %broadcast_in_dim3A_1132 = vector.broadcast %broadcast_in_dim3A_1131 : i32 to vector<16xi32>
    %lt3A_1133 = arith.constant 0 : i32
    %lt3A_1134 = vector.broadcast %lt3A_1133 : i32 to vector<16xi32>
    %lt3A_1135 = arith.cmpi slt, %broadcast_in_dim3A_1132, %lt3A_1134 : vector<16xi32>
    %add3A_1136 = arith.constant 16 : i32
    %add3A_1137 = vector.broadcast %add3A_1136 : i32 to vector<16xi32>
    %add3A_1138 = arith.addi %broadcast_in_dim3A_1132, %add3A_1137 : vector<16xi32>
    %select_n3A_1139 = arith.select %lt3A_1135, %add3A_1138, %broadcast_in_dim3A_1132 : vector<16xi1>, vector<16xi32>
    %broadcast_in_dim3A_1140 = vector.shape_cast %select_n3A_1139 : vector<16xi32> to vector<16x1xi32>
    %gather3A_1141 = vector.shape_cast %broadcast_in_dim3A_1140 : vector<16x1xi32> to vector<16xi32>
    %gather3A_1142 = tpu.dynamic_gather %get3A_830[%gather3A_1141] in [0] : vector<16xf32>, vector<16xi32> -> vector<16xf32>
    %swap3A_1143 = arith.constant 47 : i32
    %swap3A_1144 = arith.constant 0 : i32
    %swap3A_1145 = tpu.memref_slice %arg14[%swap3A_1143, %swap3A_1144] : memref<128x896xf32, #tpu.memory_space<vmem>> -> memref<1x896xf32, #tpu.memory_space<vmem>>
    %swap3A_1146 = tpu.memref_squeeze %swap3A_1145 : memref<1x896xf32, #tpu.memory_space<vmem>> -> memref<896xf32, #tpu.memory_space<vmem>>
    %swap3A_1147 = arith.constant 768 : index
    %swap3A_1148 = tpu.vector_load %swap3A_1146[%swap3A_1147] {strides = array<i32>} : memref<896xf32, #tpu.memory_space<vmem>>, vector<16xf32>,
    %swap3A_1149 = vector.shape_cast %swap3A_1148 : vector<16xf32> to vector<16xf32>
    %swap3A_1150 = vector.shape_cast %gather3A_1142 : vector<16xf32> to vector<16xf32>
    tpu.vector_store %swap3A_1146[%swap3A_1147], %swap3A_1150 {strides = array<i32>} : memref<896xf32, #tpu.memory_space<vmem>>, vector<16xf32>,
    %get3A_1151 = arith.constant 48 : index
    %get3A_1152 = tpu.vector_load %arg9[%get3A_1151] {strides = array<i32>} : memref<128xi32, #tpu.memory_space<vmem>>, vector<16xi32>,
    %get3A_1153 = vector.shape_cast %get3A_1152 : vector<16xi32> to vector<16xi32>
    %lt3A_1154 = arith.constant 0 : i32
    %lt3A_1155 = vector.broadcast %lt3A_1154 : i32 to vector<16xi32>
    %lt3A_1156 = arith.cmpi slt, %get3A_1153, %lt3A_1155 : vector<16xi32>
    %add3A_1157 = arith.constant 16 : i32
    %add3A_1158 = vector.broadcast %add3A_1157 : i32 to vector<16xi32>
    %add3A_1159 = arith.addi %get3A_1153, %add3A_1158 : vector<16xi32>
    %select_n3A_1160 = arith.select %lt3A_1156, %add3A_1159, %get3A_1153 : vector<16xi1>, vector<16xi32>
    %broadcast_in_dim3A_1161 = vector.shape_cast %select_n3A_1160 : vector<16xi32> to vector<16x1xi32>
    %gather3A_1162 = vector.shape_cast %broadcast_in_dim3A_1161 : vector<16x1xi32> to vector<16xi32>
    %gather3A_1163 = tpu.dynamic_gather %select_n3A_119[%gather3A_1162] in [0] : vector<16xi32>, vector<16xi32> -> vector<16xi32>
    %get3A_1164 = arith.constant 48 : index
    %get3A_1165 = tpu.vector_load %arg10[%get3A_1164] {strides = array<i32>} : memref<128xi32, #tpu.memory_space<vmem>>, vector<16xi32>,
    %get3A_1166 = vector.shape_cast %get3A_1165 : vector<16xi32> to vector<16xi32>
    %add3A_1167 = arith.addi %gather3A_1163, %get3A_1166 : vector<16xi32>
    %swap3A_1168 = arith.constant 48 : index
    %swap3A_1169 = tpu.vector_load %arg13[%swap3A_1168] {strides = array<i32>} : memref<128xi32, #tpu.memory_space<vmem>>, vector<16xi32>,
    %swap3A_1170 = vector.shape_cast %swap3A_1169 : vector<16xi32> to vector<16xi32>
    %swap3A_1171 = vector.shape_cast %add3A_1167 : vector<16xi32> to vector<16xi32>
    tpu.vector_store %arg13[%swap3A_1168], %swap3A_1171 {strides = array<i32>} : memref<128xi32, #tpu.memory_space<vmem>>, vector<16xi32>,
    %get3A_1172 = arith.constant 48 : index
    %get3A_1173 = tpu.vector_load %arg11[%get3A_1172] {strides = array<i32>} : memref<128xf32, #tpu.memory_space<vmem>>, vector<16xf32>,
    %get3A_1174 = vector.shape_cast %get3A_1173 : vector<16xf32> to vector<16xf32>
    %broadcast_in_dim3A_1175 = arith.constant 0 : i32
    %broadcast_in_dim3A_1176 = vector.broadcast %broadcast_in_dim3A_1175 : i32 to vector<16xi32>
    %lt3A_1177 = arith.constant 0 : i32
    %lt3A_1178 = vector.broadcast %lt3A_1177 : i32 to vector<16xi32>
    %lt3A_1179 = arith.cmpi slt, %broadcast_in_dim3A_1176, %lt3A_1178 : vector<16xi32>
    %add3A_1180 = arith.constant 16 : i32
    %add3A_1181 = vector.broadcast %add3A_1180 : i32 to vector<16xi32>
    %add3A_1182 = arith.addi %broadcast_in_dim3A_1176, %add3A_1181 : vector<16xi32>
    %select_n3A_1183 = arith.select %lt3A_1179, %add3A_1182, %broadcast_in_dim3A_1176 : vector<16xi1>, vector<16xi32>
    %broadcast_in_dim3A_1184 = vector.shape_cast %select_n3A_1183 : vector<16xi32> to vector<16x1xi32>
    %gather3A_1185 = vector.shape_cast %broadcast_in_dim3A_1184 : vector<16x1xi32> to vector<16xi32>
    %gather3A_1186 = tpu.dynamic_gather %get3A_1174[%gather3A_1185] in [0] : vector<16xf32>, vector<16xi32> -> vector<16xf32>
    %swap3A_1187 = arith.constant 48 : i32
    %swap3A_1188 = arith.constant 0 : i32
    %swap3A_1189 = tpu.memref_slice %arg14[%swap3A_1187, %swap3A_1188] : memref<128x896xf32, #tpu.memory_space<vmem>> -> memref<1x896xf32, #tpu.memory_space<vmem>>
    %swap3A_1190 = tpu.memref_squeeze %swap3A_1189 : memref<1x896xf32, #tpu.memory_space<vmem>> -> memref<896xf32, #tpu.memory_space<vmem>>
    %swap3A_1191 = arith.constant 768 : index
    %swap3A_1192 = tpu.vector_load %swap3A_1190[%swap3A_1191] {strides = array<i32>} : memref<896xf32, #tpu.memory_space<vmem>>, vector<16xf32>,
    %swap3A_1193 = vector.shape_cast %swap3A_1192 : vector<16xf32> to vector<16xf32>
    %swap3A_1194 = vector.shape_cast %gather3A_1186 : vector<16xf32> to vector<16xf32>
    tpu.vector_store %swap3A_1190[%swap3A_1191], %swap3A_1194 {strides = array<i32>} : memref<896xf32, #tpu.memory_space<vmem>>, vector<16xf32>,
    %broadcast_in_dim3A_1195 = arith.constant 1 : i32
    %broadcast_in_dim3A_1196 = vector.broadcast %broadcast_in_dim3A_1195 : i32 to vector<16xi32>
    %lt3A_1197 = arith.constant 0 : i32
    %lt3A_1198 = vector.broadcast %lt3A_1197 : i32 to vector<16xi32>
    %lt3A_1199 = arith.cmpi slt, %broadcast_in_dim3A_1196, %lt3A_1198 : vector<16xi32>
    %add3A_1200 = arith.constant 16 : i32
    %add3A_1201 = vector.broadcast %add3A_1200 : i32 to vector<16xi32>
    %add3A_1202 = arith.addi %broadcast_in_dim3A_1196, %add3A_1201 : vector<16xi32>
    %select_n3A_1203 = arith.select %lt3A_1199, %add3A_1202, %broadcast_in_dim3A_1196 : vector<16xi1>, vector<16xi32>
    %broadcast_in_dim3A_1204 = vector.shape_cast %select_n3A_1203 : vector<16xi32> to vector<16x1xi32>
    %gather3A_1205 = vector.shape_cast %broadcast_in_dim3A_1204 : vector<16x1xi32> to vector<16xi32>
    %gather3A_1206 = tpu.dynamic_gather %get3A_1174[%gather3A_1205] in [0] : vector<16xf32>, vector<16xi32> -> vector<16xf32>
    %swap3A_1207 = arith.constant 49 : i32
    %swap3A_1208 = arith.constant 0 : i32
    %swap3A_1209 = tpu.memref_slice %arg14[%swap3A_1207, %swap3A_1208] : memref<128x896xf32, #tpu.memory_space<vmem>> -> memref<1x896xf32, #tpu.memory_space<vmem>>
    %swap3A_1210 = tpu.memref_squeeze %swap3A_1209 : memref<1x896xf32, #tpu.memory_space<vmem>> -> memref<896xf32, #tpu.memory_space<vmem>>
    %swap3A_1211 = arith.constant 768 : index
    %swap3A_1212 = tpu.vector_load %swap3A_1210[%swap3A_1211] {strides = array<i32>} : memref<896xf32, #tpu.memory_space<vmem>>, vector<16xf32>,
    %swap3A_1213 = vector.shape_cast %swap3A_1212 : vector<16xf32> to vector<16xf32>
    %swap3A_1214 = vector.shape_cast %gather3A_1206 : vector<16xf32> to vector<16xf32>
    tpu.vector_store %swap3A_1210[%swap3A_1211], %swap3A_1214 {strides = array<i32>} : memref<896xf32, #tpu.memory_space<vmem>>, vector<16xf32>,
    %broadcast_in_dim3A_1215 = arith.constant 2 : i32
    %broadcast_in_dim3A_1216 = vector.broadcast %broadcast_in_dim3A_1215 : i32 to vector<16xi32>
    %lt3A_1217 = arith.constant 0 : i32
    %lt3A_1218 = vector.broadcast %lt3A_1217 : i32 to vector<16xi32>
    %lt3A_1219 = arith.cmpi slt, %broadcast_in_dim3A_1216, %lt3A_1218 : vector<16xi32>
    %add3A_1220 = arith.constant 16 : i32
    %add3A_1221 = vector.broadcast %add3A_1220 : i32 to vector<16xi32>
    %add3A_1222 = arith.addi %broadcast_in_dim3A_1216, %add3A_1221 : vector<16xi32>
    %select_n3A_1223 = arith.select %lt3A_1219, %add3A_1222, %broadcast_in_dim3A_1216 : vector<16xi1>, vector<16xi32>
    %broadcast_in_dim3A_1224 = vector.shape_cast %select_n3A_1223 : vector<16xi32> to vector<16x1xi32>
    %gather3A_1225 = vector.shape_cast %broadcast_in_dim3A_1224 : vector<16x1xi32> to vector<16xi32>
    %gather3A_1226 = tpu.dynamic_gather %get3A_1174[%gather3A_1225] in [0] : vector<16xf32>, vector<16xi32> -> vector<16xf32>
    %swap3A_1227 = arith.constant 50 : i32
    %swap3A_1228 = arith.constant 0 : i32
    %swap3A_1229 = tpu.memref_slice %arg14[%swap3A_1227, %swap3A_1228] : memref<128x896xf32, #tpu.memory_space<vmem>> -> memref<1x896xf32, #tpu.memory_space<vmem>>
    %swap3A_1230 = tpu.memref_squeeze %swap3A_1229 : memref<1x896xf32, #tpu.memory_space<vmem>> -> memref<896xf32, #tpu.memory_space<vmem>>
    %swap3A_1231 = arith.constant 768 : index
    %swap3A_1232 = tpu.vector_load %swap3A_1230[%swap3A_1231] {strides = array<i32>} : memref<896xf32, #tpu.memory_space<vmem>>, vector<16xf32>,
    %swap3A_1233 = vector.shape_cast %swap3A_1232 : vector<16xf32> to vector<16xf32>
    %swap3A_1234 = vector.shape_cast %gather3A_1226 : vector<16xf32> to vector<16xf32>
    tpu.vector_store %swap3A_1230[%swap3A_1231], %swap3A_1234 {strides = array<i32>} : memref<896xf32, #tpu.memory_space<vmem>>, vector<16xf32>,
    %broadcast_in_dim3A_1235 = arith.constant 3 : i32
    %broadcast_in_dim3A_1236 = vector.broadcast %broadcast_in_dim3A_1235 : i32 to vector<16xi32>
    %lt3A_1237 = arith.constant 0 : i32
    %lt3A_1238 = vector.broadcast %lt3A_1237 : i32 to vector<16xi32>
    %lt3A_1239 = arith.cmpi slt, %broadcast_in_dim3A_1236, %lt3A_1238 : vector<16xi32>
    %add3A_1240 = arith.constant 16 : i32
    %add3A_1241 = vector.broadcast %add3A_1240 : i32 to vector<16xi32>
    %add3A_1242 = arith.addi %broadcast_in_dim3A_1236, %add3A_1241 : vector<16xi32>
    %select_n3A_1243 = arith.select %lt3A_1239, %add3A_1242, %broadcast_in_dim3A_1236 : vector<16xi1>, vector<16xi32>
    %broadcast_in_dim3A_1244 = vector.shape_cast %select_n3A_1243 : vector<16xi32> to vector<16x1xi32>
    %gather3A_1245 = vector.shape_cast %broadcast_in_dim3A_1244 : vector<16x1xi32> to vector<16xi32>
    %gather3A_1246 = tpu.dynamic_gather %get3A_1174[%gather3A_1245] in [0] : vector<16xf32>, vector<16xi32> -> vector<16xf32>
    %swap3A_1247 = arith.constant 51 : i32
    %swap3A_1248 = arith.constant 0 : i32
    %swap3A_1249 = tpu.memref_slice %arg14[%swap3A_1247, %swap3A_1248] : memref<128x896xf32, #tpu.memory_space<vmem>> -> memref<1x896xf32, #tpu.memory_space<vmem>>
    %swap3A_1250 = tpu.memref_squeeze %swap3A_1249 : memref<1x896xf32, #tpu.memory_space<vmem>> -> memref<896xf32, #tpu.memory_space<vmem>>
    %swap3A_1251 = arith.constant 768 : index
    %swap3A_1252 = tpu.vector_load %swap3A_1250[%swap3A_1251] {strides = array<i32>} : memref<896xf32, #tpu.memory_space<vmem>>, vector<16xf32>,
    %swap3A_1253 = vector.shape_cast %swap3A_1252 : vector<16xf32> to vector<16xf32>
    %swap3A_1254 = vector.shape_cast %gather3A_1246 : vector<16xf32> to vector<16xf32>
    tpu.vector_store %swap3A_1250[%swap3A_1251], %swap3A_1254 {strides = array<i32>} : memref<896xf32, #tpu.memory_space<vmem>>, vector<16xf32>,
    %broadcast_in_dim3A_1255 = arith.constant 4 : i32
    %broadcast_in_dim3A_1256 = vector.broadcast %broadcast_in_dim3A_1255 : i32 to vector<16xi32>
    %lt3A_1257 = arith.constant 0 : i32
    %lt3A_1258 = vector.broadcast %lt3A_1257 : i32 to vector<16xi32>
    %lt3A_1259 = arith.cmpi slt, %broadcast_in_dim3A_1256, %lt3A_1258 : vector<16xi32>
    %add3A_1260 = arith.constant 16 : i32
    %add3A_1261 = vector.broadcast %add3A_1260 : i32 to vector<16xi32>
    %add3A_1262 = arith.addi %broadcast_in_dim3A_1256, %add3A_1261 : vector<16xi32>
    %select_n3A_1263 = arith.select %lt3A_1259, %add3A_1262, %broadcast_in_dim3A_1256 : vector<16xi1>, vector<16xi32>
    %broadcast_in_dim3A_1264 = vector.shape_cast %select_n3A_1263 : vector<16xi32> to vector<16x1xi32>
    %gather3A_1265 = vector.shape_cast %broadcast_in_dim3A_1264 : vector<16x1xi32> to vector<16xi32>
    %gather3A_1266 = tpu.dynamic_gather %get3A_1174[%gather3A_1265] in [0] : vector<16xf32>, vector<16xi32> -> vector<16xf32>
    %swap3A_1267 = arith.constant 52 : i32
    %swap3A_1268 = arith.constant 0 : i32
    %swap3A_1269 = tpu.memref_slice %arg14[%swap3A_1267, %swap3A_1268] : memref<128x896xf32, #tpu.memory_space<vmem>> -> memref<1x896xf32, #tpu.memory_space<vmem>>
    %swap3A_1270 = tpu.memref_squeeze %swap3A_1269 : memref<1x896xf32, #tpu.memory_space<vmem>> -> memref<896xf32, #tpu.memory_space<vmem>>
    %swap3A_1271 = arith.constant 768 : index
    %swap3A_1272 = tpu.vector_load %swap3A_1270[%swap3A_1271] {strides = array<i32>} : memref<896xf32, #tpu.memory_space<vmem>>, vector<16xf32>,
    %swap3A_1273 = vector.shape_cast %swap3A_1272 : vector<16xf32> to vector<16xf32>
    %swap3A_1274 = vector.shape_cast %gather3A_1266 : vector<16xf32> to vector<16xf32>
    tpu.vector_store %swap3A_1270[%swap3A_1271], %swap3A_1274 {strides = array<i32>} : memref<896xf32, #tpu.memory_space<vmem>>, vector<16xf32>,
    %broadcast_in_dim3A_1275 = arith.constant 5 : i32
    %broadcast_in_dim3A_1276 = vector.broadcast %broadcast_in_dim3A_1275 : i32 to vector<16xi32>
    %lt3A_1277 = arith.constant 0 : i32
    %lt3A_1278 = vector.broadcast %lt3A_1277 : i32 to vector<16xi32>
    %lt3A_1279 = arith.cmpi slt, %broadcast_in_dim3A_1276, %lt3A_1278 : vector<16xi32>
    %add3A_1280 = arith.constant 16 : i32
    %add3A_1281 = vector.broadcast %add3A_1280 : i32 to vector<16xi32>
    %add3A_1282 = arith.addi %broadcast_in_dim3A_1276, %add3A_1281 : vector<16xi32>
    %select_n3A_1283 = arith.select %lt3A_1279, %add3A_1282, %broadcast_in_dim3A_1276 : vector<16xi1>, vector<16xi32>
    %broadcast_in_dim3A_1284 = vector.shape_cast %select_n3A_1283 : vector<16xi32> to vector<16x1xi32>
    %gather3A_1285 = vector.shape_cast %broadcast_in_dim3A_1284 : vector<16x1xi32> to vector<16xi32>
    %gather3A_1286 = tpu.dynamic_gather %get3A_1174[%gather3A_1285] in [0] : vector<16xf32>, vector<16xi32> -> vector<16xf32>
    %swap3A_1287 = arith.constant 53 : i32
    %swap3A_1288 = arith.constant 0 : i32
    %swap3A_1289 = tpu.memref_slice %arg14[%swap3A_1287, %swap3A_1288] : memref<128x896xf32, #tpu.memory_space<vmem>> -> memref<1x896xf32, #tpu.memory_space<vmem>>
    %swap3A_1290 = tpu.memref_squeeze %swap3A_1289 : memref<1x896xf32, #tpu.memory_space<vmem>> -> memref<896xf32, #tpu.memory_space<vmem>>
    %swap3A_1291 = arith.constant 768 : index
    %swap3A_1292 = tpu.vector_load %swap3A_1290[%swap3A_1291] {strides = array<i32>} : memref<896xf32, #tpu.memory_space<vmem>>, vector<16xf32>,
    %swap3A_1293 = vector.shape_cast %swap3A_1292 : vector<16xf32> to vector<16xf32>
    %swap3A_1294 = vector.shape_cast %gather3A_1286 : vector<16xf32> to vector<16xf32>
    tpu.vector_store %swap3A_1290[%swap3A_1291], %swap3A_1294 {strides = array<i32>} : memref<896xf32, #tpu.memory_space<vmem>>, vector<16xf32>,
    %broadcast_in_dim3A_1295 = arith.constant 6 : i32
    %broadcast_in_dim3A_1296 = vector.broadcast %broadcast_in_dim3A_1295 : i32 to vector<16xi32>
    %lt3A_1297 = arith.constant 0 : i32
    %lt3A_1298 = vector.broadcast %lt3A_1297 : i32 to vector<16xi32>
    %lt3A_1299 = arith.cmpi slt, %broadcast_in_dim3A_1296, %lt3A_1298 : vector<16xi32>
    %add3A_1300 = arith.constant 16 : i32
    %add3A_1301 = vector.broadcast %add3A_1300 : i32 to vector<16xi32>
    %add3A_1302 = arith.addi %broadcast_in_dim3A_1296, %add3A_1301 : vector<16xi32>
    %select_n3A_1303 = arith.select %lt3A_1299, %add3A_1302, %broadcast_in_dim3A_1296 : vector<16xi1>, vector<16xi32>
    %broadcast_in_dim3A_1304 = vector.shape_cast %select_n3A_1303 : vector<16xi32> to vector<16x1xi32>
    %gather3A_1305 = vector.shape_cast %broadcast_in_dim3A_1304 : vector<16x1xi32> to vector<16xi32>
    %gather3A_1306 = tpu.dynamic_gather %get3A_1174[%gather3A_1305] in [0] : vector<16xf32>, vector<16xi32> -> vector<16xf32>
    %swap3A_1307 = arith.constant 54 : i32
    %swap3A_1308 = arith.constant 0 : i32
    %swap3A_1309 = tpu.memref_slice %arg14[%swap3A_1307, %swap3A_1308] : memref<128x896xf32, #tpu.memory_space<vmem>> -> memref<1x896xf32, #tpu.memory_space<vmem>>
    %swap3A_1310 = tpu.memref_squeeze %swap3A_1309 : memref<1x896xf32, #tpu.memory_space<vmem>> -> memref<896xf32, #tpu.memory_space<vmem>>
    %swap3A_1311 = arith.constant 768 : index
    %swap3A_1312 = tpu.vector_load %swap3A_1310[%swap3A_1311] {strides = array<i32>} : memref<896xf32, #tpu.memory_space<vmem>>, vector<16xf32>,
    %swap3A_1313 = vector.shape_cast %swap3A_1312 : vector<16xf32> to vector<16xf32>
    %swap3A_1314 = vector.shape_cast %gather3A_1306 : vector<16xf32> to vector<16xf32>
    tpu.vector_store %swap3A_1310[%swap3A_1311], %swap3A_1314 {strides = array<i32>} : memref<896xf32, #tpu.memory_space<vmem>>, vector<16xf32>,
    %broadcast_in_dim3A_1315 = arith.constant 7 : i32
    %broadcast_in_dim3A_1316 = vector.broadcast %broadcast_in_dim3A_1315 : i32 to vector<16xi32>
    %lt3A_1317 = arith.constant 0 : i32
    %lt3A_1318 = vector.broadcast %lt3A_1317 : i32 to vector<16xi32>
    %lt3A_1319 = arith.cmpi slt, %broadcast_in_dim3A_1316, %lt3A_1318 : vector<16xi32>
    %add3A_1320 = arith.constant 16 : i32
    %add3A_1321 = vector.broadcast %add3A_1320 : i32 to vector<16xi32>
    %add3A_1322 = arith.addi %broadcast_in_dim3A_1316, %add3A_1321 : vector<16xi32>
    %select_n3A_1323 = arith.select %lt3A_1319, %add3A_1322, %broadcast_in_dim3A_1316 : vector<16xi1>, vector<16xi32>
    %broadcast_in_dim3A_1324 = vector.shape_cast %select_n3A_1323 : vector<16xi32> to vector<16x1xi32>
    %gather3A_1325 = vector.shape_cast %broadcast_in_dim3A_1324 : vector<16x1xi32> to vector<16xi32>
    %gather3A_1326 = tpu.dynamic_gather %get3A_1174[%gather3A_1325] in [0] : vector<16xf32>, vector<16xi32> -> vector<16xf32>
    %swap3A_1327 = arith.constant 55 : i32
    %swap3A_1328 = arith.constant 0 : i32
    %swap3A_1329 = tpu.memref_slice %arg14[%swap3A_1327, %swap3A_1328] : memref<128x896xf32, #tpu.memory_space<vmem>> -> memref<1x896xf32, #tpu.memory_space<vmem>>
    %swap3A_1330 = tpu.memref_squeeze %swap3A_1329 : memref<1x896xf32, #tpu.memory_space<vmem>> -> memref<896xf32, #tpu.memory_space<vmem>>
    %swap3A_1331 = arith.constant 768 : index
    %swap3A_1332 = tpu.vector_load %swap3A_1330[%swap3A_1331] {strides = array<i32>} : memref<896xf32, #tpu.memory_space<vmem>>, vector<16xf32>,
    %swap3A_1333 = vector.shape_cast %swap3A_1332 : vector<16xf32> to vector<16xf32>
    %swap3A_1334 = vector.shape_cast %gather3A_1326 : vector<16xf32> to vector<16xf32>
    tpu.vector_store %swap3A_1330[%swap3A_1331], %swap3A_1334 {strides = array<i32>} : memref<896xf32, #tpu.memory_space<vmem>>, vector<16xf32>,
    %broadcast_in_dim3A_1335 = arith.constant 8 : i32
    %broadcast_in_dim3A_1336 = vector.broadcast %broadcast_in_dim3A_1335 : i32 to vector<16xi32>
    %lt3A_1337 = arith.constant 0 : i32
    %lt3A_1338 = vector.broadcast %lt3A_1337 : i32 to vector<16xi32>
    %lt3A_1339 = arith.cmpi slt, %broadcast_in_dim3A_1336, %lt3A_1338 : vector<16xi32>
    %add3A_1340 = arith.constant 16 : i32
    %add3A_1341 = vector.broadcast %add3A_1340 : i32 to vector<16xi32>
    %add3A_1342 = arith.addi %broadcast_in_dim3A_1336, %add3A_1341 : vector<16xi32>
    %select_n3A_1343 = arith.select %lt3A_1339, %add3A_1342, %broadcast_in_dim3A_1336 : vector<16xi1>, vector<16xi32>
    %broadcast_in_dim3A_1344 = vector.shape_cast %select_n3A_1343 : vector<16xi32> to vector<16x1xi32>
    %gather3A_1345 = vector.shape_cast %broadcast_in_dim3A_1344 : vector<16x1xi32> to vector<16xi32>
    %gather3A_1346 = tpu.dynamic_gather %get3A_1174[%gather3A_1345] in [0] : vector<16xf32>, vector<16xi32> -> vector<16xf32>
    %swap3A_1347 = arith.constant 56 : i32
    %swap3A_1348 = arith.constant 0 : i32
    %swap3A_1349 = tpu.memref_slice %arg14[%swap3A_1347, %swap3A_1348] : memref<128x896xf32, #tpu.memory_space<vmem>> -> memref<1x896xf32, #tpu.memory_space<vmem>>
    %swap3A_1350 = tpu.memref_squeeze %swap3A_1349 : memref<1x896xf32, #tpu.memory_space<vmem>> -> memref<896xf32, #tpu.memory_space<vmem>>
    %swap3A_1351 = arith.constant 768 : index
    %swap3A_1352 = tpu.vector_load %swap3A_1350[%swap3A_1351] {strides = array<i32>} : memref<896xf32, #tpu.memory_space<vmem>>, vector<16xf32>,
    %swap3A_1353 = vector.shape_cast %swap3A_1352 : vector<16xf32> to vector<16xf32>
    %swap3A_1354 = vector.shape_cast %gather3A_1346 : vector<16xf32> to vector<16xf32>
    tpu.vector_store %swap3A_1350[%swap3A_1351], %swap3A_1354 {strides = array<i32>} : memref<896xf32, #tpu.memory_space<vmem>>, vector<16xf32>,
    %broadcast_in_dim3A_1355 = arith.constant 9 : i32
    %broadcast_in_dim3A_1356 = vector.broadcast %broadcast_in_dim3A_1355 : i32 to vector<16xi32>
    %lt3A_1357 = arith.constant 0 : i32
    %lt3A_1358 = vector.broadcast %lt3A_1357 : i32 to vector<16xi32>
    %lt3A_1359 = arith.cmpi slt, %broadcast_in_dim3A_1356, %lt3A_1358 : vector<16xi32>
    %add3A_1360 = arith.constant 16 : i32
    %add3A_1361 = vector.broadcast %add3A_1360 : i32 to vector<16xi32>
    %add3A_1362 = arith.addi %broadcast_in_dim3A_1356, %add3A_1361 : vector<16xi32>
    %select_n3A_1363 = arith.select %lt3A_1359, %add3A_1362, %broadcast_in_dim3A_1356 : vector<16xi1>, vector<16xi32>
    %broadcast_in_dim3A_1364 = vector.shape_cast %select_n3A_1363 : vector<16xi32> to vector<16x1xi32>
    %gather3A_1365 = vector.shape_cast %broadcast_in_dim3A_1364 : vector<16x1xi32> to vector<16xi32>
    %gather3A_1366 = tpu.dynamic_gather %get3A_1174[%gather3A_1365] in [0] : vector<16xf32>, vector<16xi32> -> vector<16xf32>
    %swap3A_1367 = arith.constant 57 : i32
    %swap3A_1368 = arith.constant 0 : i32
    %swap3A_1369 = tpu.memref_slice %arg14[%swap3A_1367, %swap3A_1368] : memref<128x896xf32, #tpu.memory_space<vmem>> -> memref<1x896xf32, #tpu.memory_space<vmem>>
    %swap3A_1370 = tpu.memref_squeeze %swap3A_1369 : memref<1x896xf32, #tpu.memory_space<vmem>> -> memref<896xf32, #tpu.memory_space<vmem>>
    %swap3A_1371 = arith.constant 768 : index
    %swap3A_1372 = tpu.vector_load %swap3A_1370[%swap3A_1371] {strides = array<i32>} : memref<896xf32, #tpu.memory_space<vmem>>, vector<16xf32>,
    %swap3A_1373 = vector.shape_cast %swap3A_1372 : vector<16xf32> to vector<16xf32>
    %swap3A_1374 = vector.shape_cast %gather3A_1366 : vector<16xf32> to vector<16xf32>
    tpu.vector_store %swap3A_1370[%swap3A_1371], %swap3A_1374 {strides = array<i32>} : memref<896xf32, #tpu.memory_space<vmem>>, vector<16xf32>,
    %broadcast_in_dim3A_1375 = arith.constant 10 : i32
    %broadcast_in_dim3A_1376 = vector.broadcast %broadcast_in_dim3A_1375 : i32 to vector<16xi32>
    %lt3A_1377 = arith.constant 0 : i32
    %lt3A_1378 = vector.broadcast %lt3A_1377 : i32 to vector<16xi32>
    %lt3A_1379 = arith.cmpi slt, %broadcast_in_dim3A_1376, %lt3A_1378 : vector<16xi32>
    %add3A_1380 = arith.constant 16 : i32
    %add3A_1381 = vector.broadcast %add3A_1380 : i32 to vector<16xi32>
    %add3A_1382 = arith.addi %broadcast_in_dim3A_1376, %add3A_1381 : vector<16xi32>
    %select_n3A_1383 = arith.select %lt3A_1379, %add3A_1382, %broadcast_in_dim3A_1376 : vector<16xi1>, vector<16xi32>
    %broadcast_in_dim3A_1384 = vector.shape_cast %select_n3A_1383 : vector<16xi32> to vector<16x1xi32>
    %gather3A_1385 = vector.shape_cast %broadcast_in_dim3A_1384 : vector<16x1xi32> to vector<16xi32>
    %gather3A_1386 = tpu.dynamic_gather %get3A_1174[%gather3A_1385] in [0] : vector<16xf32>, vector<16xi32> -> vector<16xf32>
    %swap3A_1387 = arith.constant 58 : i32
    %swap3A_1388 = arith.constant 0 : i32
    %swap3A_1389 = tpu.memref_slice %arg14[%swap3A_1387, %swap3A_1388] : memref<128x896xf32, #tpu.memory_space<vmem>> -> memref<1x896xf32, #tpu.memory_space<vmem>>
    %swap3A_1390 = tpu.memref_squeeze %swap3A_1389 : memref<1x896xf32, #tpu.memory_space<vmem>> -> memref<896xf32, #tpu.memory_space<vmem>>
    %swap3A_1391 = arith.constant 768 : index
    %swap3A_1392 = tpu.vector_load %swap3A_1390[%swap3A_1391] {strides = array<i32>} : memref<896xf32, #tpu.memory_space<vmem>>, vector<16xf32>,
    %swap3A_1393 = vector.shape_cast %swap3A_1392 : vector<16xf32> to vector<16xf32>
    %swap3A_1394 = vector.shape_cast %gather3A_1386 : vector<16xf32> to vector<16xf32>
    tpu.vector_store %swap3A_1390[%swap3A_1391], %swap3A_1394 {strides = array<i32>} : memref<896xf32, #tpu.memory_space<vmem>>, vector<16xf32>,
    %broadcast_in_dim3A_1395 = arith.constant 11 : i32
    %broadcast_in_dim3A_1396 = vector.broadcast %broadcast_in_dim3A_1395 : i32 to vector<16xi32>
    %lt3A_1397 = arith.constant 0 : i32
    %lt3A_1398 = vector.broadcast %lt3A_1397 : i32 to vector<16xi32>
    %lt3A_1399 = arith.cmpi slt, %broadcast_in_dim3A_1396, %lt3A_1398 : vector<16xi32>
    %add3A_1400 = arith.constant 16 : i32
    %add3A_1401 = vector.broadcast %add3A_1400 : i32 to vector<16xi32>
    %add3A_1402 = arith.addi %broadcast_in_dim3A_1396, %add3A_1401 : vector<16xi32>
    %select_n3A_1403 = arith.select %lt3A_1399, %add3A_1402, %broadcast_in_dim3A_1396 : vector<16xi1>, vector<16xi32>
    %broadcast_in_dim3A_1404 = vector.shape_cast %select_n3A_1403 : vector<16xi32> to vector<16x1xi32>
    %gather3A_1405 = vector.shape_cast %broadcast_in_dim3A_1404 : vector<16x1xi32> to vector<16xi32>
    %gather3A_1406 = tpu.dynamic_gather %get3A_1174[%gather3A_1405] in [0] : vector<16xf32>, vector<16xi32> -> vector<16xf32>
    %swap3A_1407 = arith.constant 59 : i32
    %swap3A_1408 = arith.constant 0 : i32
    %swap3A_1409 = tpu.memref_slice %arg14[%swap3A_1407, %swap3A_1408] : memref<128x896xf32, #tpu.memory_space<vmem>> -> memref<1x896xf32, #tpu.memory_space<vmem>>
    %swap3A_1410 = tpu.memref_squeeze %swap3A_1409 : memref<1x896xf32, #tpu.memory_space<vmem>> -> memref<896xf32, #tpu.memory_space<vmem>>
    %swap3A_1411 = arith.constant 768 : index
    %swap3A_1412 = tpu.vector_load %swap3A_1410[%swap3A_1411] {strides = array<i32>} : memref<896xf32, #tpu.memory_space<vmem>>, vector<16xf32>,
    %swap3A_1413 = vector.shape_cast %swap3A_1412 : vector<16xf32> to vector<16xf32>
    %swap3A_1414 = vector.shape_cast %gather3A_1406 : vector<16xf32> to vector<16xf32>
    tpu.vector_store %swap3A_1410[%swap3A_1411], %swap3A_1414 {strides = array<i32>} : memref<896xf32, #tpu.memory_space<vmem>>, vector<16xf32>,
    %broadcast_in_dim3A_1415 = arith.constant 12 : i32
    %broadcast_in_dim3A_1416 = vector.broadcast %broadcast_in_dim3A_1415 : i32 to vector<16xi32>
    %lt3A_1417 = arith.constant 0 : i32
    %lt3A_1418 = vector.broadcast %lt3A_1417 : i32 to vector<16xi32>
    %lt3A_1419 = arith.cmpi slt, %broadcast_in_dim3A_1416, %lt3A_1418 : vector<16xi32>
    %add3A_1420 = arith.constant 16 : i32
    %add3A_1421 = vector.broadcast %add3A_1420 : i32 to vector<16xi32>
    %add3A_1422 = arith.addi %broadcast_in_dim3A_1416, %add3A_1421 : vector<16xi32>
    %select_n3A_1423 = arith.select %lt3A_1419, %add3A_1422, %broadcast_in_dim3A_1416 : vector<16xi1>, vector<16xi32>
    %broadcast_in_dim3A_1424 = vector.shape_cast %select_n3A_1423 : vector<16xi32> to vector<16x1xi32>
    %gather3A_1425 = vector.shape_cast %broadcast_in_dim3A_1424 : vector<16x1xi32> to vector<16xi32>
    %gather3A_1426 = tpu.dynamic_gather %get3A_1174[%gather3A_1425] in [0] : vector<16xf32>, vector<16xi32> -> vector<16xf32>
    %swap3A_1427 = arith.constant 60 : i32
    %swap3A_1428 = arith.constant 0 : i32
    %swap3A_1429 = tpu.memref_slice %arg14[%swap3A_1427, %swap3A_1428] : memref<128x896xf32, #tpu.memory_space<vmem>> -> memref<1x896xf32, #tpu.memory_space<vmem>>
    %swap3A_1430 = tpu.memref_squeeze %swap3A_1429 : memref<1x896xf32, #tpu.memory_space<vmem>> -> memref<896xf32, #tpu.memory_space<vmem>>
    %swap3A_1431 = arith.constant 768 : index
    %swap3A_1432 = tpu.vector_load %swap3A_1430[%swap3A_1431] {strides = array<i32>} : memref<896xf32, #tpu.memory_space<vmem>>, vector<16xf32>,
    %swap3A_1433 = vector.shape_cast %swap3A_1432 : vector<16xf32> to vector<16xf32>
    %swap3A_1434 = vector.shape_cast %gather3A_1426 : vector<16xf32> to vector<16xf32>
    tpu.vector_store %swap3A_1430[%swap3A_1431], %swap3A_1434 {strides = array<i32>} : memref<896xf32, #tpu.memory_space<vmem>>, vector<16xf32>,
    %broadcast_in_dim3A_1435 = arith.constant 13 : i32
    %broadcast_in_dim3A_1436 = vector.broadcast %broadcast_in_dim3A_1435 : i32 to vector<16xi32>
    %lt3A_1437 = arith.constant 0 : i32
    %lt3A_1438 = vector.broadcast %lt3A_1437 : i32 to vector<16xi32>
    %lt3A_1439 = arith.cmpi slt, %broadcast_in_dim3A_1436, %lt3A_1438 : vector<16xi32>
    %add3A_1440 = arith.constant 16 : i32
    %add3A_1441 = vector.broadcast %add3A_1440 : i32 to vector<16xi32>
    %add3A_1442 = arith.addi %broadcast_in_dim3A_1436, %add3A_1441 : vector<16xi32>
    %select_n3A_1443 = arith.select %lt3A_1439, %add3A_1442, %broadcast_in_dim3A_1436 : vector<16xi1>, vector<16xi32>
    %broadcast_in_dim3A_1444 = vector.shape_cast %select_n3A_1443 : vector<16xi32> to vector<16x1xi32>
    %gather3A_1445 = vector.shape_cast %broadcast_in_dim3A_1444 : vector<16x1xi32> to vector<16xi32>
    %gather3A_1446 = tpu.dynamic_gather %get3A_1174[%gather3A_1445] in [0] : vector<16xf32>, vector<16xi32> -> vector<16xf32>
    %swap3A_1447 = arith.constant 61 : i32
    %swap3A_1448 = arith.constant 0 : i32
    %swap3A_1449 = tpu.memref_slice %arg14[%swap3A_1447, %swap3A_1448] : memref<128x896xf32, #tpu.memory_space<vmem>> -> memref<1x896xf32, #tpu.memory_space<vmem>>
    %swap3A_1450 = tpu.memref_squeeze %swap3A_1449 : memref<1x896xf32, #tpu.memory_space<vmem>> -> memref<896xf32, #tpu.memory_space<vmem>>
    %swap3A_1451 = arith.constant 768 : index
    %swap3A_1452 = tpu.vector_load %swap3A_1450[%swap3A_1451] {strides = array<i32>} : memref<896xf32, #tpu.memory_space<vmem>>, vector<16xf32>,
    %swap3A_1453 = vector.shape_cast %swap3A_1452 : vector<16xf32> to vector<16xf32>
    %swap3A_1454 = vector.shape_cast %gather3A_1446 : vector<16xf32> to vector<16xf32>
    tpu.vector_store %swap3A_1450[%swap3A_1451], %swap3A_1454 {strides = array<i32>} : memref<896xf32, #tpu.memory_space<vmem>>, vector<16xf32>,
    %broadcast_in_dim3A_1455 = arith.constant 14 : i32
    %broadcast_in_dim3A_1456 = vector.broadcast %broadcast_in_dim3A_1455 : i32 to vector<16xi32>
    %lt3A_1457 = arith.constant 0 : i32
    %lt3A_1458 = vector.broadcast %lt3A_1457 : i32 to vector<16xi32>
    %lt3A_1459 = arith.cmpi slt, %broadcast_in_dim3A_1456, %lt3A_1458 : vector<16xi32>
    %add3A_1460 = arith.constant 16 : i32
    %add3A_1461 = vector.broadcast %add3A_1460 : i32 to vector<16xi32>
    %add3A_1462 = arith.addi %broadcast_in_dim3A_1456, %add3A_1461 : vector<16xi32>
    %select_n3A_1463 = arith.select %lt3A_1459, %add3A_1462, %broadcast_in_dim3A_1456 : vector<16xi1>, vector<16xi32>
    %broadcast_in_dim3A_1464 = vector.shape_cast %select_n3A_1463 : vector<16xi32> to vector<16x1xi32>
    %gather3A_1465 = vector.shape_cast %broadcast_in_dim3A_1464 : vector<16x1xi32> to vector<16xi32>
    %gather3A_1466 = tpu.dynamic_gather %get3A_1174[%gather3A_1465] in [0] : vector<16xf32>, vector<16xi32> -> vector<16xf32>
    %swap3A_1467 = arith.constant 62 : i32
    %swap3A_1468 = arith.constant 0 : i32
    %swap3A_1469 = tpu.memref_slice %arg14[%swap3A_1467, %swap3A_1468] : memref<128x896xf32, #tpu.memory_space<vmem>> -> memref<1x896xf32, #tpu.memory_space<vmem>>
    %swap3A_1470 = tpu.memref_squeeze %swap3A_1469 : memref<1x896xf32, #tpu.memory_space<vmem>> -> memref<896xf32, #tpu.memory_space<vmem>>
    %swap3A_1471 = arith.constant 768 : index
    %swap3A_1472 = tpu.vector_load %swap3A_1470[%swap3A_1471] {strides = array<i32>} : memref<896xf32, #tpu.memory_space<vmem>>, vector<16xf32>,
    %swap3A_1473 = vector.shape_cast %swap3A_1472 : vector<16xf32> to vector<16xf32>
    %swap3A_1474 = vector.shape_cast %gather3A_1466 : vector<16xf32> to vector<16xf32>
    tpu.vector_store %swap3A_1470[%swap3A_1471], %swap3A_1474 {strides = array<i32>} : memref<896xf32, #tpu.memory_space<vmem>>, vector<16xf32>,
    %broadcast_in_dim3A_1475 = arith.constant 15 : i32
    %broadcast_in_dim3A_1476 = vector.broadcast %broadcast_in_dim3A_1475 : i32 to vector<16xi32>
    %lt3A_1477 = arith.constant 0 : i32
    %lt3A_1478 = vector.broadcast %lt3A_1477 : i32 to vector<16xi32>
    %lt3A_1479 = arith.cmpi slt, %broadcast_in_dim3A_1476, %lt3A_1478 : vector<16xi32>
    %add3A_1480 = arith.constant 16 : i32
    %add3A_1481 = vector.broadcast %add3A_1480 : i32 to vector<16xi32>
    %add3A_1482 = arith.addi %broadcast_in_dim3A_1476, %add3A_1481 : vector<16xi32>
    %select_n3A_1483 = arith.select %lt3A_1479, %add3A_1482, %broadcast_in_dim3A_1476 : vector<16xi1>, vector<16xi32>
    %broadcast_in_dim3A_1484 = vector.shape_cast %select_n3A_1483 : vector<16xi32> to vector<16x1xi32>
    %gather3A_1485 = vector.shape_cast %broadcast_in_dim3A_1484 : vector<16x1xi32> to vector<16xi32>
    %gather3A_1486 = tpu.dynamic_gather %get3A_1174[%gather3A_1485] in [0] : vector<16xf32>, vector<16xi32> -> vector<16xf32>
    %swap3A_1487 = arith.constant 63 : i32
    %swap3A_1488 = arith.constant 0 : i32
    %swap3A_1489 = tpu.memref_slice %arg14[%swap3A_1487, %swap3A_1488] : memref<128x896xf32, #tpu.memory_space<vmem>> -> memref<1x896xf32, #tpu.memory_space<vmem>>
    %swap3A_1490 = tpu.memref_squeeze %swap3A_1489 : memref<1x896xf32, #tpu.memory_space<vmem>> -> memref<896xf32, #tpu.memory_space<vmem>>
    %swap3A_1491 = arith.constant 768 : index
    %swap3A_1492 = tpu.vector_load %swap3A_1490[%swap3A_1491] {strides = array<i32>} : memref<896xf32, #tpu.memory_space<vmem>>, vector<16xf32>,
    %swap3A_1493 = vector.shape_cast %swap3A_1492 : vector<16xf32> to vector<16xf32>
    %swap3A_1494 = vector.shape_cast %gather3A_1486 : vector<16xf32> to vector<16xf32>
    tpu.vector_store %swap3A_1490[%swap3A_1491], %swap3A_1494 {strides = array<i32>} : memref<896xf32, #tpu.memory_space<vmem>>, vector<16xf32>,
    %get3A_1495 = arith.constant 64 : index
    %get3A_1496 = tpu.vector_load %arg9[%get3A_1495] {strides = array<i32>} : memref<128xi32, #tpu.memory_space<vmem>>, vector<16xi32>,
    %get3A_1497 = vector.shape_cast %get3A_1496 : vector<16xi32> to vector<16xi32>
    %lt3A_1498 = arith.constant 0 : i32
    %lt3A_1499 = vector.broadcast %lt3A_1498 : i32 to vector<16xi32>
    %lt3A_1500 = arith.cmpi slt, %get3A_1497, %lt3A_1499 : vector<16xi32>
    %add3A_1501 = arith.constant 16 : i32
    %add3A_1502 = vector.broadcast %add3A_1501 : i32 to vector<16xi32>
    %add3A_1503 = arith.addi %get3A_1497, %add3A_1502 : vector<16xi32>
    %select_n3A_1504 = arith.select %lt3A_1500, %add3A_1503, %get3A_1497 : vector<16xi1>, vector<16xi32>
    %broadcast_in_dim3A_1505 = vector.shape_cast %select_n3A_1504 : vector<16xi32> to vector<16x1xi32>
    %gather3A_1506 = vector.shape_cast %broadcast_in_dim3A_1505 : vector<16x1xi32> to vector<16xi32>
    %gather3A_1507 = tpu.dynamic_gather %select_n3A_119[%gather3A_1506] in [0] : vector<16xi32>, vector<16xi32> -> vector<16xi32>
    %get3A_1508 = arith.constant 64 : index
    %get3A_1509 = tpu.vector_load %arg10[%get3A_1508] {strides = array<i32>} : memref<128xi32, #tpu.memory_space<vmem>>, vector<16xi32>,
    %get3A_1510 = vector.shape_cast %get3A_1509 : vector<16xi32> to vector<16xi32>
    %add3A_1511 = arith.addi %gather3A_1507, %get3A_1510 : vector<16xi32>
    %swap3A_1512 = arith.constant 64 : index
    %swap3A_1513 = tpu.vector_load %arg13[%swap3A_1512] {strides = array<i32>} : memref<128xi32, #tpu.memory_space<vmem>>, vector<16xi32>,
    %swap3A_1514 = vector.shape_cast %swap3A_1513 : vector<16xi32> to vector<16xi32>
    %swap3A_1515 = vector.shape_cast %add3A_1511 : vector<16xi32> to vector<16xi32>
    tpu.vector_store %arg13[%swap3A_1512], %swap3A_1515 {strides = array<i32>} : memref<128xi32, #tpu.memory_space<vmem>>, vector<16xi32>,
    %get3A_1516 = arith.constant 64 : index
    %get3A_1517 = tpu.vector_load %arg11[%get3A_1516] {strides = array<i32>} : memref<128xf32, #tpu.memory_space<vmem>>, vector<16xf32>,
    %get3A_1518 = vector.shape_cast %get3A_1517 : vector<16xf32> to vector<16xf32>
    %broadcast_in_dim3A_1519 = arith.constant 0 : i32
    %broadcast_in_dim3A_1520 = vector.broadcast %broadcast_in_dim3A_1519 : i32 to vector<16xi32>
    %lt3A_1521 = arith.constant 0 : i32
    %lt3A_1522 = vector.broadcast %lt3A_1521 : i32 to vector<16xi32>
    %lt3A_1523 = arith.cmpi slt, %broadcast_in_dim3A_1520, %lt3A_1522 : vector<16xi32>
    %add3A_1524 = arith.constant 16 : i32
    %add3A_1525 = vector.broadcast %add3A_1524 : i32 to vector<16xi32>
    %add3A_1526 = arith.addi %broadcast_in_dim3A_1520, %add3A_1525 : vector<16xi32>
    %select_n3A_1527 = arith.select %lt3A_1523, %add3A_1526, %broadcast_in_dim3A_1520 : vector<16xi1>, vector<16xi32>
    %broadcast_in_dim3A_1528 = vector.shape_cast %select_n3A_1527 : vector<16xi32> to vector<16x1xi32>
    %gather3A_1529 = vector.shape_cast %broadcast_in_dim3A_1528 : vector<16x1xi32> to vector<16xi32>
    %gather3A_1530 = tpu.dynamic_gather %get3A_1518[%gather3A_1529] in [0] : vector<16xf32>, vector<16xi32> -> vector<16xf32>
    %swap3A_1531 = arith.constant 64 : i32
    %swap3A_1532 = arith.constant 0 : i32
    %swap3A_1533 = tpu.memref_slice %arg14[%swap3A_1531, %swap3A_1532] : memref<128x896xf32, #tpu.memory_space<vmem>> -> memref<1x896xf32, #tpu.memory_space<vmem>>
    %swap3A_1534 = tpu.memref_squeeze %swap3A_1533 : memref<1x896xf32, #tpu.memory_space<vmem>> -> memref<896xf32, #tpu.memory_space<vmem>>
    %swap3A_1535 = arith.constant 768 : index
    %swap3A_1536 = tpu.vector_load %swap3A_1534[%swap3A_1535] {strides = array<i32>} : memref<896xf32, #tpu.memory_space<vmem>>, vector<16xf32>,
    %swap3A_1537 = vector.shape_cast %swap3A_1536 : vector<16xf32> to vector<16xf32>
    %swap3A_1538 = vector.shape_cast %gather3A_1530 : vector<16xf32> to vector<16xf32>
    tpu.vector_store %swap3A_1534[%swap3A_1535], %swap3A_1538 {strides = array<i32>} : memref<896xf32, #tpu.memory_space<vmem>>, vector<16xf32>,
    %broadcast_in_dim3A_1539 = arith.constant 1 : i32
    %broadcast_in_dim3A_1540 = vector.broadcast %broadcast_in_dim3A_1539 : i32 to vector<16xi32>
    %lt3A_1541 = arith.constant 0 : i32
    %lt3A_1542 = vector.broadcast %lt3A_1541 : i32 to vector<16xi32>
    %lt3A_1543 = arith.cmpi slt, %broadcast_in_dim3A_1540, %lt3A_1542 : vector<16xi32>
    %add3A_1544 = arith.constant 16 : i32
    %add3A_1545 = vector.broadcast %add3A_1544 : i32 to vector<16xi32>
    %add3A_1546 = arith.addi %broadcast_in_dim3A_1540, %add3A_1545 : vector<16xi32>
    %select_n3A_1547 = arith.select %lt3A_1543, %add3A_1546, %broadcast_in_dim3A_1540 : vector<16xi1>, vector<16xi32>
    %broadcast_in_dim3A_1548 = vector.shape_cast %select_n3A_1547 : vector<16xi32> to vector<16x1xi32>
    %gather3A_1549 = vector.shape_cast %broadcast_in_dim3A_1548 : vector<16x1xi32> to vector<16xi32>
    %gather3A_1550 = tpu.dynamic_gather %get3A_1518[%gather3A_1549] in [0] : vector<16xf32>, vector<16xi32> -> vector<16xf32>
    %swap3A_1551 = arith.constant 65 : i32
    %swap3A_1552 = arith.constant 0 : i32
    %swap3A_1553 = tpu.memref_slice %arg14[%swap3A_1551, %swap3A_1552] : memref<128x896xf32, #tpu.memory_space<vmem>> -> memref<1x896xf32, #tpu.memory_space<vmem>>
    %swap3A_1554 = tpu.memref_squeeze %swap3A_1553 : memref<1x896xf32, #tpu.memory_space<vmem>> -> memref<896xf32, #tpu.memory_space<vmem>>
    %swap3A_1555 = arith.constant 768 : index
    %swap3A_1556 = tpu.vector_load %swap3A_1554[%swap3A_1555] {strides = array<i32>} : memref<896xf32, #tpu.memory_space<vmem>>, vector<16xf32>,
    %swap3A_1557 = vector.shape_cast %swap3A_1556 : vector<16xf32> to vector<16xf32>
    %swap3A_1558 = vector.shape_cast %gather3A_1550 : vector<16xf32> to vector<16xf32>
    tpu.vector_store %swap3A_1554[%swap3A_1555], %swap3A_1558 {strides = array<i32>} : memref<896xf32, #tpu.memory_space<vmem>>, vector<16xf32>,
    %broadcast_in_dim3A_1559 = arith.constant 2 : i32
    %broadcast_in_dim3A_1560 = vector.broadcast %broadcast_in_dim3A_1559 : i32 to vector<16xi32>
    %lt3A_1561 = arith.constant 0 : i32
    %lt3A_1562 = vector.broadcast %lt3A_1561 : i32 to vector<16xi32>
    %lt3A_1563 = arith.cmpi slt, %broadcast_in_dim3A_1560, %lt3A_1562 : vector<16xi32>
    %add3A_1564 = arith.constant 16 : i32
    %add3A_1565 = vector.broadcast %add3A_1564 : i32 to vector<16xi32>
    %add3A_1566 = arith.addi %broadcast_in_dim3A_1560, %add3A_1565 : vector<16xi32>
    %select_n3A_1567 = arith.select %lt3A_1563, %add3A_1566, %broadcast_in_dim3A_1560 : vector<16xi1>, vector<16xi32>
    %broadcast_in_dim3A_1568 = vector.shape_cast %select_n3A_1567 : vector<16xi32> to vector<16x1xi32>
    %gather3A_1569 = vector.shape_cast %broadcast_in_dim3A_1568 : vector<16x1xi32> to vector<16xi32>
    %gather3A_1570 = tpu.dynamic_gather %get3A_1518[%gather3A_1569] in [0] : vector<16xf32>, vector<16xi32> -> vector<16xf32>
    %swap3A_1571 = arith.constant 66 : i32
    %swap3A_1572 = arith.constant 0 : i32
    %swap3A_1573 = tpu.memref_slice %arg14[%swap3A_1571, %swap3A_1572] : memref<128x896xf32, #tpu.memory_space<vmem>> -> memref<1x896xf32, #tpu.memory_space<vmem>>
    %swap3A_1574 = tpu.memref_squeeze %swap3A_1573 : memref<1x896xf32, #tpu.memory_space<vmem>> -> memref<896xf32, #tpu.memory_space<vmem>>
    %swap3A_1575 = arith.constant 768 : index
    %swap3A_1576 = tpu.vector_load %swap3A_1574[%swap3A_1575] {strides = array<i32>} : memref<896xf32, #tpu.memory_space<vmem>>, vector<16xf32>,
    %swap3A_1577 = vector.shape_cast %swap3A_1576 : vector<16xf32> to vector<16xf32>
    %swap3A_1578 = vector.shape_cast %gather3A_1570 : vector<16xf32> to vector<16xf32>
    tpu.vector_store %swap3A_1574[%swap3A_1575], %swap3A_1578 {strides = array<i32>} : memref<896xf32, #tpu.memory_space<vmem>>, vector<16xf32>,
    %broadcast_in_dim3A_1579 = arith.constant 3 : i32
    %broadcast_in_dim3A_1580 = vector.broadcast %broadcast_in_dim3A_1579 : i32 to vector<16xi32>
    %lt3A_1581 = arith.constant 0 : i32
    %lt3A_1582 = vector.broadcast %lt3A_1581 : i32 to vector<16xi32>
    %lt3A_1583 = arith.cmpi slt, %broadcast_in_dim3A_1580, %lt3A_1582 : vector<16xi32>
    %add3A_1584 = arith.constant 16 : i32
    %add3A_1585 = vector.broadcast %add3A_1584 : i32 to vector<16xi32>
    %add3A_1586 = arith.addi %broadcast_in_dim3A_1580, %add3A_1585 : vector<16xi32>
    %select_n3A_1587 = arith.select %lt3A_1583, %add3A_1586, %broadcast_in_dim3A_1580 : vector<16xi1>, vector<16xi32>
    %broadcast_in_dim3A_1588 = vector.shape_cast %select_n3A_1587 : vector<16xi32> to vector<16x1xi32>
    %gather3A_1589 = vector.shape_cast %broadcast_in_dim3A_1588 : vector<16x1xi32> to vector<16xi32>
    %gather3A_1590 = tpu.dynamic_gather %get3A_1518[%gather3A_1589] in [0] : vector<16xf32>, vector<16xi32> -> vector<16xf32>
    %swap3A_1591 = arith.constant 67 : i32
    %swap3A_1592 = arith.constant 0 : i32
    %swap3A_1593 = tpu.memref_slice %arg14[%swap3A_1591, %swap3A_1592] : memref<128x896xf32, #tpu.memory_space<vmem>> -> memref<1x896xf32, #tpu.memory_space<vmem>>
    %swap3A_1594 = tpu.memref_squeeze %swap3A_1593 : memref<1x896xf32, #tpu.memory_space<vmem>> -> memref<896xf32, #tpu.memory_space<vmem>>
    %swap3A_1595 = arith.constant 768 : index
    %swap3A_1596 = tpu.vector_load %swap3A_1594[%swap3A_1595] {strides = array<i32>} : memref<896xf32, #tpu.memory_space<vmem>>, vector<16xf32>,
    %swap3A_1597 = vector.shape_cast %swap3A_1596 : vector<16xf32> to vector<16xf32>
    %swap3A_1598 = vector.shape_cast %gather3A_1590 : vector<16xf32> to vector<16xf32>
    tpu.vector_store %swap3A_1594[%swap3A_1595], %swap3A_1598 {strides = array<i32>} : memref<896xf32, #tpu.memory_space<vmem>>, vector<16xf32>,
    %broadcast_in_dim3A_1599 = arith.constant 4 : i32
    %broadcast_in_dim3A_1600 = vector.broadcast %broadcast_in_dim3A_1599 : i32 to vector<16xi32>
    %lt3A_1601 = arith.constant 0 : i32
    %lt3A_1602 = vector.broadcast %lt3A_1601 : i32 to vector<16xi32>
    %lt3A_1603 = arith.cmpi slt, %broadcast_in_dim3A_1600, %lt3A_1602 : vector<16xi32>
    %add3A_1604 = arith.constant 16 : i32
    %add3A_1605 = vector.broadcast %add3A_1604 : i32 to vector<16xi32>
    %add3A_1606 = arith.addi %broadcast_in_dim3A_1600, %add3A_1605 : vector<16xi32>
    %select_n3A_1607 = arith.select %lt3A_1603, %add3A_1606, %broadcast_in_dim3A_1600 : vector<16xi1>, vector<16xi32>
    %broadcast_in_dim3A_1608 = vector.shape_cast %select_n3A_1607 : vector<16xi32> to vector<16x1xi32>
    %gather3A_1609 = vector.shape_cast %broadcast_in_dim3A_1608 : vector<16x1xi32> to vector<16xi32>
    %gather3A_1610 = tpu.dynamic_gather %get3A_1518[%gather3A_1609] in [0] : vector<16xf32>, vector<16xi32> -> vector<16xf32>
    %swap3A_1611 = arith.constant 68 : i32
    %swap3A_1612 = arith.constant 0 : i32
    %swap3A_1613 = tpu.memref_slice %arg14[%swap3A_1611, %swap3A_1612] : memref<128x896xf32, #tpu.memory_space<vmem>> -> memref<1x896xf32, #tpu.memory_space<vmem>>
    %swap3A_1614 = tpu.memref_squeeze %swap3A_1613 : memref<1x896xf32, #tpu.memory_space<vmem>> -> memref<896xf32, #tpu.memory_space<vmem>>
    %swap3A_1615 = arith.constant 768 : index
    %swap3A_1616 = tpu.vector_load %swap3A_1614[%swap3A_1615] {strides = array<i32>} : memref<896xf32, #tpu.memory_space<vmem>>, vector<16xf32>,
    %swap3A_1617 = vector.shape_cast %swap3A_1616 : vector<16xf32> to vector<16xf32>
    %swap3A_1618 = vector.shape_cast %gather3A_1610 : vector<16xf32> to vector<16xf32>
    tpu.vector_store %swap3A_1614[%swap3A_1615], %swap3A_1618 {strides = array<i32>} : memref<896xf32, #tpu.memory_space<vmem>>, vector<16xf32>,
    %broadcast_in_dim3A_1619 = arith.constant 5 : i32
    %broadcast_in_dim3A_1620 = vector.broadcast %broadcast_in_dim3A_1619 : i32 to vector<16xi32>
    %lt3A_1621 = arith.constant 0 : i32
    %lt3A_1622 = vector.broadcast %lt3A_1621 : i32 to vector<16xi32>
    %lt3A_1623 = arith.cmpi slt, %broadcast_in_dim3A_1620, %lt3A_1622 : vector<16xi32>
    %add3A_1624 = arith.constant 16 : i32
    %add3A_1625 = vector.broadcast %add3A_1624 : i32 to vector<16xi32>
    %add3A_1626 = arith.addi %broadcast_in_dim3A_1620, %add3A_1625 : vector<16xi32>
    %select_n3A_1627 = arith.select %lt3A_1623, %add3A_1626, %broadcast_in_dim3A_1620 : vector<16xi1>, vector<16xi32>
    %broadcast_in_dim3A_1628 = vector.shape_cast %select_n3A_1627 : vector<16xi32> to vector<16x1xi32>
    %gather3A_1629 = vector.shape_cast %broadcast_in_dim3A_1628 : vector<16x1xi32> to vector<16xi32>
    %gather3A_1630 = tpu.dynamic_gather %get3A_1518[%gather3A_1629] in [0] : vector<16xf32>, vector<16xi32> -> vector<16xf32>
    %swap3A_1631 = arith.constant 69 : i32
    %swap3A_1632 = arith.constant 0 : i32
    %swap3A_1633 = tpu.memref_slice %arg14[%swap3A_1631, %swap3A_1632] : memref<128x896xf32, #tpu.memory_space<vmem>> -> memref<1x896xf32, #tpu.memory_space<vmem>>
    %swap3A_1634 = tpu.memref_squeeze %swap3A_1633 : memref<1x896xf32, #tpu.memory_space<vmem>> -> memref<896xf32, #tpu.memory_space<vmem>>
    %swap3A_1635 = arith.constant 768 : index
    %swap3A_1636 = tpu.vector_load %swap3A_1634[%swap3A_1635] {strides = array<i32>} : memref<896xf32, #tpu.memory_space<vmem>>, vector<16xf32>,
    %swap3A_1637 = vector.shape_cast %swap3A_1636 : vector<16xf32> to vector<16xf32>
    %swap3A_1638 = vector.shape_cast %gather3A_1630 : vector<16xf32> to vector<16xf32>
    tpu.vector_store %swap3A_1634[%swap3A_1635], %swap3A_1638 {strides = array<i32>} : memref<896xf32, #tpu.memory_space<vmem>>, vector<16xf32>,
    %broadcast_in_dim3A_1639 = arith.constant 6 : i32
    %broadcast_in_dim3A_1640 = vector.broadcast %broadcast_in_dim3A_1639 : i32 to vector<16xi32>
    %lt3A_1641 = arith.constant 0 : i32
    %lt3A_1642 = vector.broadcast %lt3A_1641 : i32 to vector<16xi32>
    %lt3A_1643 = arith.cmpi slt, %broadcast_in_dim3A_1640, %lt3A_1642 : vector<16xi32>
    %add3A_1644 = arith.constant 16 : i32
    %add3A_1645 = vector.broadcast %add3A_1644 : i32 to vector<16xi32>
    %add3A_1646 = arith.addi %broadcast_in_dim3A_1640, %add3A_1645 : vector<16xi32>
    %select_n3A_1647 = arith.select %lt3A_1643, %add3A_1646, %broadcast_in_dim3A_1640 : vector<16xi1>, vector<16xi32>
    %broadcast_in_dim3A_1648 = vector.shape_cast %select_n3A_1647 : vector<16xi32> to vector<16x1xi32>
    %gather3A_1649 = vector.shape_cast %broadcast_in_dim3A_1648 : vector<16x1xi32> to vector<16xi32>
    %gather3A_1650 = tpu.dynamic_gather %get3A_1518[%gather3A_1649] in [0] : vector<16xf32>, vector<16xi32> -> vector<16xf32>
    %swap3A_1651 = arith.constant 70 : i32
    %swap3A_1652 = arith.constant 0 : i32
    %swap3A_1653 = tpu.memref_slice %arg14[%swap3A_1651, %swap3A_1652] : memref<128x896xf32, #tpu.memory_space<vmem>> -> memref<1x896xf32, #tpu.memory_space<vmem>>
    %swap3A_1654 = tpu.memref_squeeze %swap3A_1653 : memref<1x896xf32, #tpu.memory_space<vmem>> -> memref<896xf32, #tpu.memory_space<vmem>>
    %swap3A_1655 = arith.constant 768 : index
    %swap3A_1656 = tpu.vector_load %swap3A_1654[%swap3A_1655] {strides = array<i32>} : memref<896xf32, #tpu.memory_space<vmem>>, vector<16xf32>,
    %swap3A_1657 = vector.shape_cast %swap3A_1656 : vector<16xf32> to vector<16xf32>
    %swap3A_1658 = vector.shape_cast %gather3A_1650 : vector<16xf32> to vector<16xf32>
    tpu.vector_store %swap3A_1654[%swap3A_1655], %swap3A_1658 {strides = array<i32>} : memref<896xf32, #tpu.memory_space<vmem>>, vector<16xf32>,
    %broadcast_in_dim3A_1659 = arith.constant 7 : i32
    %broadcast_in_dim3A_1660 = vector.broadcast %broadcast_in_dim3A_1659 : i32 to vector<16xi32>
    %lt3A_1661 = arith.constant 0 : i32
    %lt3A_1662 = vector.broadcast %lt3A_1661 : i32 to vector<16xi32>
    %lt3A_1663 = arith.cmpi slt, %broadcast_in_dim3A_1660, %lt3A_1662 : vector<16xi32>
    %add3A_1664 = arith.constant 16 : i32
    %add3A_1665 = vector.broadcast %add3A_1664 : i32 to vector<16xi32>
    %add3A_1666 = arith.addi %broadcast_in_dim3A_1660, %add3A_1665 : vector<16xi32>
    %select_n3A_1667 = arith.select %lt3A_1663, %add3A_1666, %broadcast_in_dim3A_1660 : vector<16xi1>, vector<16xi32>
    %broadcast_in_dim3A_1668 = vector.shape_cast %select_n3A_1667 : vector<16xi32> to vector<16x1xi32>
    %gather3A_1669 = vector.shape_cast %broadcast_in_dim3A_1668 : vector<16x1xi32> to vector<16xi32>
    %gather3A_1670 = tpu.dynamic_gather %get3A_1518[%gather3A_1669] in [0] : vector<16xf32>, vector<16xi32> -> vector<16xf32>
    %swap3A_1671 = arith.constant 71 : i32
    %swap3A_1672 = arith.constant 0 : i32
    %swap3A_1673 = tpu.memref_slice %arg14[%swap3A_1671, %swap3A_1672] : memref<128x896xf32, #tpu.memory_space<vmem>> -> memref<1x896xf32, #tpu.memory_space<vmem>>
    %swap3A_1674 = tpu.memref_squeeze %swap3A_1673 : memref<1x896xf32, #tpu.memory_space<vmem>> -> memref<896xf32, #tpu.memory_space<vmem>>
    %swap3A_1675 = arith.constant 768 : index
    %swap3A_1676 = tpu.vector_load %swap3A_1674[%swap3A_1675] {strides = array<i32>} : memref<896xf32, #tpu.memory_space<vmem>>, vector<16xf32>,
    %swap3A_1677 = vector.shape_cast %swap3A_1676 : vector<16xf32> to vector<16xf32>
    %swap3A_1678 = vector.shape_cast %gather3A_1670 : vector<16xf32> to vector<16xf32>
    tpu.vector_store %swap3A_1674[%swap3A_1675], %swap3A_1678 {strides = array<i32>} : memref<896xf32, #tpu.memory_space<vmem>>, vector<16xf32>,
    %broadcast_in_dim3A_1679 = arith.constant 8 : i32
    %broadcast_in_dim3A_1680 = vector.broadcast %broadcast_in_dim3A_1679 : i32 to vector<16xi32>
    %lt3A_1681 = arith.constant 0 : i32
    %lt3A_1682 = vector.broadcast %lt3A_1681 : i32 to vector<16xi32>
    %lt3A_1683 = arith.cmpi slt, %broadcast_in_dim3A_1680, %lt3A_1682 : vector<16xi32>
    %add3A_1684 = arith.constant 16 : i32
    %add3A_1685 = vector.broadcast %add3A_1684 : i32 to vector<16xi32>
    %add3A_1686 = arith.addi %broadcast_in_dim3A_1680, %add3A_1685 : vector<16xi32>
    %select_n3A_1687 = arith.select %lt3A_1683, %add3A_1686, %broadcast_in_dim3A_1680 : vector<16xi1>, vector<16xi32>
    %broadcast_in_dim3A_1688 = vector.shape_cast %select_n3A_1687 : vector<16xi32> to vector<16x1xi32>
    %gather3A_1689 = vector.shape_cast %broadcast_in_dim3A_1688 : vector<16x1xi32> to vector<16xi32>
    %gather3A_1690 = tpu.dynamic_gather %get3A_1518[%gather3A_1689] in [0] : vector<16xf32>, vector<16xi32> -> vector<16xf32>
    %swap3A_1691 = arith.constant 72 : i32
    %swap3A_1692 = arith.constant 0 : i32
    %swap3A_1693 = tpu.memref_slice %arg14[%swap3A_1691, %swap3A_1692] : memref<128x896xf32, #tpu.memory_space<vmem>> -> memref<1x896xf32, #tpu.memory_space<vmem>>
    %swap3A_1694 = tpu.memref_squeeze %swap3A_1693 : memref<1x896xf32, #tpu.memory_space<vmem>> -> memref<896xf32, #tpu.memory_space<vmem>>
    %swap3A_1695 = arith.constant 768 : index
    %swap3A_1696 = tpu.vector_load %swap3A_1694[%swap3A_1695] {strides = array<i32>} : memref<896xf32, #tpu.memory_space<vmem>>, vector<16xf32>,
    %swap3A_1697 = vector.shape_cast %swap3A_1696 : vector<16xf32> to vector<16xf32>
    %swap3A_1698 = vector.shape_cast %gather3A_1690 : vector<16xf32> to vector<16xf32>
    tpu.vector_store %swap3A_1694[%swap3A_1695], %swap3A_1698 {strides = array<i32>} : memref<896xf32, #tpu.memory_space<vmem>>, vector<16xf32>,
    %broadcast_in_dim3A_1699 = arith.constant 9 : i32
    %broadcast_in_dim3A_1700 = vector.broadcast %broadcast_in_dim3A_1699 : i32 to vector<16xi32>
    %lt3A_1701 = arith.constant 0 : i32
    %lt3A_1702 = vector.broadcast %lt3A_1701 : i32 to vector<16xi32>
    %lt3A_1703 = arith.cmpi slt, %broadcast_in_dim3A_1700, %lt3A_1702 : vector<16xi32>
    %add3A_1704 = arith.constant 16 : i32
    %add3A_1705 = vector.broadcast %add3A_1704 : i32 to vector<16xi32>
    %add3A_1706 = arith.addi %broadcast_in_dim3A_1700, %add3A_1705 : vector<16xi32>
    %select_n3A_1707 = arith.select %lt3A_1703, %add3A_1706, %broadcast_in_dim3A_1700 : vector<16xi1>, vector<16xi32>
    %broadcast_in_dim3A_1708 = vector.shape_cast %select_n3A_1707 : vector<16xi32> to vector<16x1xi32>
    %gather3A_1709 = vector.shape_cast %broadcast_in_dim3A_1708 : vector<16x1xi32> to vector<16xi32>
    %gather3A_1710 = tpu.dynamic_gather %get3A_1518[%gather3A_1709] in [0] : vector<16xf32>, vector<16xi32> -> vector<16xf32>
    %swap3A_1711 = arith.constant 73 : i32
    %swap3A_1712 = arith.constant 0 : i32
    %swap3A_1713 = tpu.memref_slice %arg14[%swap3A_1711, %swap3A_1712] : memref<128x896xf32, #tpu.memory_space<vmem>> -> memref<1x896xf32, #tpu.memory_space<vmem>>
    %swap3A_1714 = tpu.memref_squeeze %swap3A_1713 : memref<1x896xf32, #tpu.memory_space<vmem>> -> memref<896xf32, #tpu.memory_space<vmem>>
    %swap3A_1715 = arith.constant 768 : index
    %swap3A_1716 = tpu.vector_load %swap3A_1714[%swap3A_1715] {strides = array<i32>} : memref<896xf32, #tpu.memory_space<vmem>>, vector<16xf32>,
    %swap3A_1717 = vector.shape_cast %swap3A_1716 : vector<16xf32> to vector<16xf32>
    %swap3A_1718 = vector.shape_cast %gather3A_1710 : vector<16xf32> to vector<16xf32>
    tpu.vector_store %swap3A_1714[%swap3A_1715], %swap3A_1718 {strides = array<i32>} : memref<896xf32, #tpu.memory_space<vmem>>, vector<16xf32>,
    %broadcast_in_dim3A_1719 = arith.constant 10 : i32
    %broadcast_in_dim3A_1720 = vector.broadcast %broadcast_in_dim3A_1719 : i32 to vector<16xi32>
    %lt3A_1721 = arith.constant 0 : i32
    %lt3A_1722 = vector.broadcast %lt3A_1721 : i32 to vector<16xi32>
    %lt3A_1723 = arith.cmpi slt, %broadcast_in_dim3A_1720, %lt3A_1722 : vector<16xi32>
    %add3A_1724 = arith.constant 16 : i32
    %add3A_1725 = vector.broadcast %add3A_1724 : i32 to vector<16xi32>
    %add3A_1726 = arith.addi %broadcast_in_dim3A_1720, %add3A_1725 : vector<16xi32>
    %select_n3A_1727 = arith.select %lt3A_1723, %add3A_1726, %broadcast_in_dim3A_1720 : vector<16xi1>, vector<16xi32>
    %broadcast_in_dim3A_1728 = vector.shape_cast %select_n3A_1727 : vector<16xi32> to vector<16x1xi32>
    %gather3A_1729 = vector.shape_cast %broadcast_in_dim3A_1728 : vector<16x1xi32> to vector<16xi32>
    %gather3A_1730 = tpu.dynamic_gather %get3A_1518[%gather3A_1729] in [0] : vector<16xf32>, vector<16xi32> -> vector<16xf32>
    %swap3A_1731 = arith.constant 74 : i32
    %swap3A_1732 = arith.constant 0 : i32
    %swap3A_1733 = tpu.memref_slice %arg14[%swap3A_1731, %swap3A_1732] : memref<128x896xf32, #tpu.memory_space<vmem>> -> memref<1x896xf32, #tpu.memory_space<vmem>>
    %swap3A_1734 = tpu.memref_squeeze %swap3A_1733 : memref<1x896xf32, #tpu.memory_space<vmem>> -> memref<896xf32, #tpu.memory_space<vmem>>
    %swap3A_1735 = arith.constant 768 : index
    %swap3A_1736 = tpu.vector_load %swap3A_1734[%swap3A_1735] {strides = array<i32>} : memref<896xf32, #tpu.memory_space<vmem>>, vector<16xf32>,
    %swap3A_1737 = vector.shape_cast %swap3A_1736 : vector<16xf32> to vector<16xf32>
    %swap3A_1738 = vector.shape_cast %gather3A_1730 : vector<16xf32> to vector<16xf32>
    tpu.vector_store %swap3A_1734[%swap3A_1735], %swap3A_1738 {strides = array<i32>} : memref<896xf32, #tpu.memory_space<vmem>>, vector<16xf32>,
    %broadcast_in_dim3A_1739 = arith.constant 11 : i32
    %broadcast_in_dim3A_1740 = vector.broadcast %broadcast_in_dim3A_1739 : i32 to vector<16xi32>
    %lt3A_1741 = arith.constant 0 : i32
    %lt3A_1742 = vector.broadcast %lt3A_1741 : i32 to vector<16xi32>
    %lt3A_1743 = arith.cmpi slt, %broadcast_in_dim3A_1740, %lt3A_1742 : vector<16xi32>
    %add3A_1744 = arith.constant 16 : i32
    %add3A_1745 = vector.broadcast %add3A_1744 : i32 to vector<16xi32>
    %add3A_1746 = arith.addi %broadcast_in_dim3A_1740, %add3A_1745 : vector<16xi32>
    %select_n3A_1747 = arith.select %lt3A_1743, %add3A_1746, %broadcast_in_dim3A_1740 : vector<16xi1>, vector<16xi32>
    %broadcast_in_dim3A_1748 = vector.shape_cast %select_n3A_1747 : vector<16xi32> to vector<16x1xi32>
    %gather3A_1749 = vector.shape_cast %broadcast_in_dim3A_1748 : vector<16x1xi32> to vector<16xi32>
    %gather3A_1750 = tpu.dynamic_gather %get3A_1518[%gather3A_1749] in [0] : vector<16xf32>, vector<16xi32> -> vector<16xf32>
    %swap3A_1751 = arith.constant 75 : i32
    %swap3A_1752 = arith.constant 0 : i32
    %swap3A_1753 = tpu.memref_slice %arg14[%swap3A_1751, %swap3A_1752] : memref<128x896xf32, #tpu.memory_space<vmem>> -> memref<1x896xf32, #tpu.memory_space<vmem>>
    %swap3A_1754 = tpu.memref_squeeze %swap3A_1753 : memref<1x896xf32, #tpu.memory_space<vmem>> -> memref<896xf32, #tpu.memory_space<vmem>>
    %swap3A_1755 = arith.constant 768 : index
    %swap3A_1756 = tpu.vector_load %swap3A_1754[%swap3A_1755] {strides = array<i32>} : memref<896xf32, #tpu.memory_space<vmem>>, vector<16xf32>,
    %swap3A_1757 = vector.shape_cast %swap3A_1756 : vector<16xf32> to vector<16xf32>
    %swap3A_1758 = vector.shape_cast %gather3A_1750 : vector<16xf32> to vector<16xf32>
    tpu.vector_store %swap3A_1754[%swap3A_1755], %swap3A_1758 {strides = array<i32>} : memref<896xf32, #tpu.memory_space<vmem>>, vector<16xf32>,
    %broadcast_in_dim3A_1759 = arith.constant 12 : i32
    %broadcast_in_dim3A_1760 = vector.broadcast %broadcast_in_dim3A_1759 : i32 to vector<16xi32>
    %lt3A_1761 = arith.constant 0 : i32
    %lt3A_1762 = vector.broadcast %lt3A_1761 : i32 to vector<16xi32>
    %lt3A_1763 = arith.cmpi slt, %broadcast_in_dim3A_1760, %lt3A_1762 : vector<16xi32>
    %add3A_1764 = arith.constant 16 : i32
    %add3A_1765 = vector.broadcast %add3A_1764 : i32 to vector<16xi32>
    %add3A_1766 = arith.addi %broadcast_in_dim3A_1760, %add3A_1765 : vector<16xi32>
    %select_n3A_1767 = arith.select %lt3A_1763, %add3A_1766, %broadcast_in_dim3A_1760 : vector<16xi1>, vector<16xi32>
    %broadcast_in_dim3A_1768 = vector.shape_cast %select_n3A_1767 : vector<16xi32> to vector<16x1xi32>
    %gather3A_1769 = vector.shape_cast %broadcast_in_dim3A_1768 : vector<16x1xi32> to vector<16xi32>
    %gather3A_1770 = tpu.dynamic_gather %get3A_1518[%gather3A_1769] in [0] : vector<16xf32>, vector<16xi32> -> vector<16xf32>
    %swap3A_1771 = arith.constant 76 : i32
    %swap3A_1772 = arith.constant 0 : i32
    %swap3A_1773 = tpu.memref_slice %arg14[%swap3A_1771, %swap3A_1772] : memref<128x896xf32, #tpu.memory_space<vmem>> -> memref<1x896xf32, #tpu.memory_space<vmem>>
    %swap3A_1774 = tpu.memref_squeeze %swap3A_1773 : memref<1x896xf32, #tpu.memory_space<vmem>> -> memref<896xf32, #tpu.memory_space<vmem>>
    %swap3A_1775 = arith.constant 768 : index
    %swap3A_1776 = tpu.vector_load %swap3A_1774[%swap3A_1775] {strides = array<i32>} : memref<896xf32, #tpu.memory_space<vmem>>, vector<16xf32>,
    %swap3A_1777 = vector.shape_cast %swap3A_1776 : vector<16xf32> to vector<16xf32>
    %swap3A_1778 = vector.shape_cast %gather3A_1770 : vector<16xf32> to vector<16xf32>
    tpu.vector_store %swap3A_1774[%swap3A_1775], %swap3A_1778 {strides = array<i32>} : memref<896xf32, #tpu.memory_space<vmem>>, vector<16xf32>,
    %broadcast_in_dim3A_1779 = arith.constant 13 : i32
    %broadcast_in_dim3A_1780 = vector.broadcast %broadcast_in_dim3A_1779 : i32 to vector<16xi32>
    %lt3A_1781 = arith.constant 0 : i32
    %lt3A_1782 = vector.broadcast %lt3A_1781 : i32 to vector<16xi32>
    %lt3A_1783 = arith.cmpi slt, %broadcast_in_dim3A_1780, %lt3A_1782 : vector<16xi32>
    %add3A_1784 = arith.constant 16 : i32
    %add3A_1785 = vector.broadcast %add3A_1784 : i32 to vector<16xi32>
    %add3A_1786 = arith.addi %broadcast_in_dim3A_1780, %add3A_1785 : vector<16xi32>
    %select_n3A_1787 = arith.select %lt3A_1783, %add3A_1786, %broadcast_in_dim3A_1780 : vector<16xi1>, vector<16xi32>
    %broadcast_in_dim3A_1788 = vector.shape_cast %select_n3A_1787 : vector<16xi32> to vector<16x1xi32>
    %gather3A_1789 = vector.shape_cast %broadcast_in_dim3A_1788 : vector<16x1xi32> to vector<16xi32>
    %gather3A_1790 = tpu.dynamic_gather %get3A_1518[%gather3A_1789] in [0] : vector<16xf32>, vector<16xi32> -> vector<16xf32>
    %swap3A_1791 = arith.constant 77 : i32
    %swap3A_1792 = arith.constant 0 : i32
    %swap3A_1793 = tpu.memref_slice %arg14[%swap3A_1791, %swap3A_1792] : memref<128x896xf32, #tpu.memory_space<vmem>> -> memref<1x896xf32, #tpu.memory_space<vmem>>
    %swap3A_1794 = tpu.memref_squeeze %swap3A_1793 : memref<1x896xf32, #tpu.memory_space<vmem>> -> memref<896xf32, #tpu.memory_space<vmem>>
    %swap3A_1795 = arith.constant 768 : index
    %swap3A_1796 = tpu.vector_load %swap3A_1794[%swap3A_1795] {strides = array<i32>} : memref<896xf32, #tpu.memory_space<vmem>>, vector<16xf32>,
    %swap3A_1797 = vector.shape_cast %swap3A_1796 : vector<16xf32> to vector<16xf32>
    %swap3A_1798 = vector.shape_cast %gather3A_1790 : vector<16xf32> to vector<16xf32>
    tpu.vector_store %swap3A_1794[%swap3A_1795], %swap3A_1798 {strides = array<i32>} : memref<896xf32, #tpu.memory_space<vmem>>, vector<16xf32>,
    %broadcast_in_dim3A_1799 = arith.constant 14 : i32
    %broadcast_in_dim3A_1800 = vector.broadcast %broadcast_in_dim3A_1799 : i32 to vector<16xi32>
    %lt3A_1801 = arith.constant 0 : i32
    %lt3A_1802 = vector.broadcast %lt3A_1801 : i32 to vector<16xi32>
    %lt3A_1803 = arith.cmpi slt, %broadcast_in_dim3A_1800, %lt3A_1802 : vector<16xi32>
    %add3A_1804 = arith.constant 16 : i32
    %add3A_1805 = vector.broadcast %add3A_1804 : i32 to vector<16xi32>
    %add3A_1806 = arith.addi %broadcast_in_dim3A_1800, %add3A_1805 : vector<16xi32>
    %select_n3A_1807 = arith.select %lt3A_1803, %add3A_1806, %broadcast_in_dim3A_1800 : vector<16xi1>, vector<16xi32>
    %broadcast_in_dim3A_1808 = vector.shape_cast %select_n3A_1807 : vector<16xi32> to vector<16x1xi32>
    %gather3A_1809 = vector.shape_cast %broadcast_in_dim3A_1808 : vector<16x1xi32> to vector<16xi32>
    %gather3A_1810 = tpu.dynamic_gather %get3A_1518[%gather3A_1809] in [0] : vector<16xf32>, vector<16xi32> -> vector<16xf32>
    %swap3A_1811 = arith.constant 78 : i32
    %swap3A_1812 = arith.constant 0 : i32
    %swap3A_1813 = tpu.memref_slice %arg14[%swap3A_1811, %swap3A_1812] : memref<128x896xf32, #tpu.memory_space<vmem>> -> memref<1x896xf32, #tpu.memory_space<vmem>>
    %swap3A_1814 = tpu.memref_squeeze %swap3A_1813 : memref<1x896xf32, #tpu.memory_space<vmem>> -> memref<896xf32, #tpu.memory_space<vmem>>
    %swap3A_1815 = arith.constant 768 : index
    %swap3A_1816 = tpu.vector_load %swap3A_1814[%swap3A_1815] {strides = array<i32>} : memref<896xf32, #tpu.memory_space<vmem>>, vector<16xf32>,
    %swap3A_1817 = vector.shape_cast %swap3A_1816 : vector<16xf32> to vector<16xf32>
    %swap3A_1818 = vector.shape_cast %gather3A_1810 : vector<16xf32> to vector<16xf32>
    tpu.vector_store %swap3A_1814[%swap3A_1815], %swap3A_1818 {strides = array<i32>} : memref<896xf32, #tpu.memory_space<vmem>>, vector<16xf32>,
    %broadcast_in_dim3A_1819 = arith.constant 15 : i32
    %broadcast_in_dim3A_1820 = vector.broadcast %broadcast_in_dim3A_1819 : i32 to vector<16xi32>
    %lt3A_1821 = arith.constant 0 : i32
    %lt3A_1822 = vector.broadcast %lt3A_1821 : i32 to vector<16xi32>
    %lt3A_1823 = arith.cmpi slt, %broadcast_in_dim3A_1820, %lt3A_1822 : vector<16xi32>
    %add3A_1824 = arith.constant 16 : i32
    %add3A_1825 = vector.broadcast %add3A_1824 : i32 to vector<16xi32>
    %add3A_1826 = arith.addi %broadcast_in_dim3A_1820, %add3A_1825 : vector<16xi32>
    %select_n3A_1827 = arith.select %lt3A_1823, %add3A_1826, %broadcast_in_dim3A_1820 : vector<16xi1>, vector<16xi32>
    %broadcast_in_dim3A_1828 = vector.shape_cast %select_n3A_1827 : vector<16xi32> to vector<16x1xi32>
    %gather3A_1829 = vector.shape_cast %broadcast_in_dim3A_1828 : vector<16x1xi32> to vector<16xi32>
    %gather3A_1830 = tpu.dynamic_gather %get3A_1518[%gather3A_1829] in [0] : vector<16xf32>, vector<16xi32> -> vector<16xf32>
    %swap3A_1831 = arith.constant 79 : i32
    %swap3A_1832 = arith.constant 0 : i32
    %swap3A_1833 = tpu.memref_slice %arg14[%swap3A_1831, %swap3A_1832] : memref<128x896xf32, #tpu.memory_space<vmem>> -> memref<1x896xf32, #tpu.memory_space<vmem>>
    %swap3A_1834 = tpu.memref_squeeze %swap3A_1833 : memref<1x896xf32, #tpu.memory_space<vmem>> -> memref<896xf32, #tpu.memory_space<vmem>>
    %swap3A_1835 = arith.constant 768 : index
    %swap3A_1836 = tpu.vector_load %swap3A_1834[%swap3A_1835] {strides = array<i32>} : memref<896xf32, #tpu.memory_space<vmem>>, vector<16xf32>,
    %swap3A_1837 = vector.shape_cast %swap3A_1836 : vector<16xf32> to vector<16xf32>
    %swap3A_1838 = vector.shape_cast %gather3A_1830 : vector<16xf32> to vector<16xf32>
    tpu.vector_store %swap3A_1834[%swap3A_1835], %swap3A_1838 {strides = array<i32>} : memref<896xf32, #tpu.memory_space<vmem>>, vector<16xf32>,
    %get3A_1839 = arith.constant 80 : index
    %get3A_1840 = tpu.vector_load %arg9[%get3A_1839] {strides = array<i32>} : memref<128xi32, #tpu.memory_space<vmem>>, vector<16xi32>,
    %get3A_1841 = vector.shape_cast %get3A_1840 : vector<16xi32> to vector<16xi32>
    %lt3A_1842 = arith.constant 0 : i32
    %lt3A_1843 = vector.broadcast %lt3A_1842 : i32 to vector<16xi32>
    %lt3A_1844 = arith.cmpi slt, %get3A_1841, %lt3A_1843 : vector<16xi32>
    %add3A_1845 = arith.constant 16 : i32
    %add3A_1846 = vector.broadcast %add3A_1845 : i32 to vector<16xi32>
    %add3A_1847 = arith.addi %get3A_1841, %add3A_1846 : vector<16xi32>
    %select_n3A_1848 = arith.select %lt3A_1844, %add3A_1847, %get3A_1841 : vector<16xi1>, vector<16xi32>
    %broadcast_in_dim3A_1849 = vector.shape_cast %select_n3A_1848 : vector<16xi32> to vector<16x1xi32>
    %gather3A_1850 = vector.shape_cast %broadcast_in_dim3A_1849 : vector<16x1xi32> to vector<16xi32>
    %gather3A_1851 = tpu.dynamic_gather %select_n3A_119[%gather3A_1850] in [0] : vector<16xi32>, vector<16xi32> -> vector<16xi32>
    %get3A_1852 = arith.constant 80 : index
    %get3A_1853 = tpu.vector_load %arg10[%get3A_1852] {strides = array<i32>} : memref<128xi32, #tpu.memory_space<vmem>>, vector<16xi32>,
    %get3A_1854 = vector.shape_cast %get3A_1853 : vector<16xi32> to vector<16xi32>
    %add3A_1855 = arith.addi %gather3A_1851, %get3A_1854 : vector<16xi32>
    %swap3A_1856 = arith.constant 80 : index
    %swap3A_1857 = tpu.vector_load %arg13[%swap3A_1856] {strides = array<i32>} : memref<128xi32, #tpu.memory_space<vmem>>, vector<16xi32>,
    %swap3A_1858 = vector.shape_cast %swap3A_1857 : vector<16xi32> to vector<16xi32>
    %swap3A_1859 = vector.shape_cast %add3A_1855 : vector<16xi32> to vector<16xi32>
    tpu.vector_store %arg13[%swap3A_1856], %swap3A_1859 {strides = array<i32>} : memref<128xi32, #tpu.memory_space<vmem>>, vector<16xi32>,
    %get3A_1860 = arith.constant 80 : index
    %get3A_1861 = tpu.vector_load %arg11[%get3A_1860] {strides = array<i32>} : memref<128xf32, #tpu.memory_space<vmem>>, vector<16xf32>,
    %get3A_1862 = vector.shape_cast %get3A_1861 : vector<16xf32> to vector<16xf32>
    %broadcast_in_dim3A_1863 = arith.constant 0 : i32
    %broadcast_in_dim3A_1864 = vector.broadcast %broadcast_in_dim3A_1863 : i32 to vector<16xi32>
    %lt3A_1865 = arith.constant 0 : i32
    %lt3A_1866 = vector.broadcast %lt3A_1865 : i32 to vector<16xi32>
    %lt3A_1867 = arith.cmpi slt, %broadcast_in_dim3A_1864, %lt3A_1866 : vector<16xi32>
    %add3A_1868 = arith.constant 16 : i32
    %add3A_1869 = vector.broadcast %add3A_1868 : i32 to vector<16xi32>
    %add3A_1870 = arith.addi %broadcast_in_dim3A_1864, %add3A_1869 : vector<16xi32>
    %select_n3A_1871 = arith.select %lt3A_1867, %add3A_1870, %broadcast_in_dim3A_1864 : vector<16xi1>, vector<16xi32>
    %broadcast_in_dim3A_1872 = vector.shape_cast %select_n3A_1871 : vector<16xi32> to vector<16x1xi32>
    %gather3A_1873 = vector.shape_cast %broadcast_in_dim3A_1872 : vector<16x1xi32> to vector<16xi32>
    %gather3A_1874 = tpu.dynamic_gather %get3A_1862[%gather3A_1873] in [0] : vector<16xf32>, vector<16xi32> -> vector<16xf32>
    %swap3A_1875 = arith.constant 80 : i32
    %swap3A_1876 = arith.constant 0 : i32
    %swap3A_1877 = tpu.memref_slice %arg14[%swap3A_1875, %swap3A_1876] : memref<128x896xf32, #tpu.memory_space<vmem>> -> memref<1x896xf32, #tpu.memory_space<vmem>>
    %swap3A_1878 = tpu.memref_squeeze %swap3A_1877 : memref<1x896xf32, #tpu.memory_space<vmem>> -> memref<896xf32, #tpu.memory_space<vmem>>
    %swap3A_1879 = arith.constant 768 : index
    %swap3A_1880 = tpu.vector_load %swap3A_1878[%swap3A_1879] {strides = array<i32>} : memref<896xf32, #tpu.memory_space<vmem>>, vector<16xf32>,
    %swap3A_1881 = vector.shape_cast %swap3A_1880 : vector<16xf32> to vector<16xf32>
    %swap3A_1882 = vector.shape_cast %gather3A_1874 : vector<16xf32> to vector<16xf32>
    tpu.vector_store %swap3A_1878[%swap3A_1879], %swap3A_1882 {strides = array<i32>} : memref<896xf32, #tpu.memory_space<vmem>>, vector<16xf32>,
    %broadcast_in_dim3A_1883 = arith.constant 1 : i32
    %broadcast_in_dim3A_1884 = vector.broadcast %broadcast_in_dim3A_1883 : i32 to vector<16xi32>
    %lt3A_1885 = arith.constant 0 : i32
    %lt3A_1886 = vector.broadcast %lt3A_1885 : i32 to vector<16xi32>
    %lt3A_1887 = arith.cmpi slt, %broadcast_in_dim3A_1884, %lt3A_1886 : vector<16xi32>
    %add3A_1888 = arith.constant 16 : i32
    %add3A_1889 = vector.broadcast %add3A_1888 : i32 to vector<16xi32>
    %add3A_1890 = arith.addi %broadcast_in_dim3A_1884, %add3A_1889 : vector<16xi32>
    %select_n3A_1891 = arith.select %lt3A_1887, %add3A_1890, %broadcast_in_dim3A_1884 : vector<16xi1>, vector<16xi32>
    %broadcast_in_dim3A_1892 = vector.shape_cast %select_n3A_1891 : vector<16xi32> to vector<16x1xi32>
    %gather3A_1893 = vector.shape_cast %broadcast_in_dim3A_1892 : vector<16x1xi32> to vector<16xi32>
    %gather3A_1894 = tpu.dynamic_gather %get3A_1862[%gather3A_1893] in [0] : vector<16xf32>, vector<16xi32> -> vector<16xf32>
    %swap3A_1895 = arith.constant 81 : i32
    %swap3A_1896 = arith.constant 0 : i32
    %swap3A_1897 = tpu.memref_slice %arg14[%swap3A_1895, %swap3A_1896] : memref<128x896xf32, #tpu.memory_space<vmem>> -> memref<1x896xf32, #tpu.memory_space<vmem>>
    %swap3A_1898 = tpu.memref_squeeze %swap3A_1897 : memref<1x896xf32, #tpu.memory_space<vmem>> -> memref<896xf32, #tpu.memory_space<vmem>>
    %swap3A_1899 = arith.constant 768 : index
    %swap3A_1900 = tpu.vector_load %swap3A_1898[%swap3A_1899] {strides = array<i32>} : memref<896xf32, #tpu.memory_space<vmem>>, vector<16xf32>,
    %swap3A_1901 = vector.shape_cast %swap3A_1900 : vector<16xf32> to vector<16xf32>
    %swap3A_1902 = vector.shape_cast %gather3A_1894 : vector<16xf32> to vector<16xf32>
    tpu.vector_store %swap3A_1898[%swap3A_1899], %swap3A_1902 {strides = array<i32>} : memref<896xf32, #tpu.memory_space<vmem>>, vector<16xf32>,
    %broadcast_in_dim3A_1903 = arith.constant 2 : i32
    %broadcast_in_dim3A_1904 = vector.broadcast %broadcast_in_dim3A_1903 : i32 to vector<16xi32>
    %lt3A_1905 = arith.constant 0 : i32
    %lt3A_1906 = vector.broadcast %lt3A_1905 : i32 to vector<16xi32>
    %lt3A_1907 = arith.cmpi slt, %broadcast_in_dim3A_1904, %lt3A_1906 : vector<16xi32>
    %add3A_1908 = arith.constant 16 : i32
    %add3A_1909 = vector.broadcast %add3A_1908 : i32 to vector<16xi32>
    %add3A_1910 = arith.addi %broadcast_in_dim3A_1904, %add3A_1909 : vector<16xi32>
    %select_n3A_1911 = arith.select %lt3A_1907, %add3A_1910, %broadcast_in_dim3A_1904 : vector<16xi1>, vector<16xi32>
    %broadcast_in_dim3A_1912 = vector.shape_cast %select_n3A_1911 : vector<16xi32> to vector<16x1xi32>
    %gather3A_1913 = vector.shape_cast %broadcast_in_dim3A_1912 : vector<16x1xi32> to vector<16xi32>
    %gather3A_1914 = tpu.dynamic_gather %get3A_1862[%gather3A_1913] in [0] : vector<16xf32>, vector<16xi32> -> vector<16xf32>
    %swap3A_1915 = arith.constant 82 : i32
    %swap3A_1916 = arith.constant 0 : i32
    %swap3A_1917 = tpu.memref_slice %arg14[%swap3A_1915, %swap3A_1916] : memref<128x896xf32, #tpu.memory_space<vmem>> -> memref<1x896xf32, #tpu.memory_space<vmem>>
    %swap3A_1918 = tpu.memref_squeeze %swap3A_1917 : memref<1x896xf32, #tpu.memory_space<vmem>> -> memref<896xf32, #tpu.memory_space<vmem>>
    %swap3A_1919 = arith.constant 768 : index
    %swap3A_1920 = tpu.vector_load %swap3A_1918[%swap3A_1919] {strides = array<i32>} : memref<896xf32, #tpu.memory_space<vmem>>, vector<16xf32>,
    %swap3A_1921 = vector.shape_cast %swap3A_1920 : vector<16xf32> to vector<16xf32>
    %swap3A_1922 = vector.shape_cast %gather3A_1914 : vector<16xf32> to vector<16xf32>
    tpu.vector_store %swap3A_1918[%swap3A_1919], %swap3A_1922 {strides = array<i32>} : memref<896xf32, #tpu.memory_space<vmem>>, vector<16xf32>,
    %broadcast_in_dim3A_1923 = arith.constant 3 : i32
    %broadcast_in_dim3A_1924 = vector.broadcast %broadcast_in_dim3A_1923 : i32 to vector<16xi32>
    %lt3A_1925 = arith.constant 0 : i32
    %lt3A_1926 = vector.broadcast %lt3A_1925 : i32 to vector<16xi32>
    %lt3A_1927 = arith.cmpi slt, %broadcast_in_dim3A_1924, %lt3A_1926 : vector<16xi32>
    %add3A_1928 = arith.constant 16 : i32
    %add3A_1929 = vector.broadcast %add3A_1928 : i32 to vector<16xi32>
    %add3A_1930 = arith.addi %broadcast_in_dim3A_1924, %add3A_1929 : vector<16xi32>
    %select_n3A_1931 = arith.select %lt3A_1927, %add3A_1930, %broadcast_in_dim3A_1924 : vector<16xi1>, vector<16xi32>
    %broadcast_in_dim3A_1932 = vector.shape_cast %select_n3A_1931 : vector<16xi32> to vector<16x1xi32>
    %gather3A_1933 = vector.shape_cast %broadcast_in_dim3A_1932 : vector<16x1xi32> to vector<16xi32>
    %gather3A_1934 = tpu.dynamic_gather %get3A_1862[%gather3A_1933] in [0] : vector<16xf32>, vector<16xi32> -> vector<16xf32>
    %swap3A_1935 = arith.constant 83 : i32
    %swap3A_1936 = arith.constant 0 : i32
    %swap3A_1937 = tpu.memref_slice %arg14[%swap3A_1935, %swap3A_1936] : memref<128x896xf32, #tpu.memory_space<vmem>> -> memref<1x896xf32, #tpu.memory_space<vmem>>
    %swap3A_1938 = tpu.memref_squeeze %swap3A_1937 : memref<1x896xf32, #tpu.memory_space<vmem>> -> memref<896xf32, #tpu.memory_space<vmem>>
    %swap3A_1939 = arith.constant 768 : index
    %swap3A_1940 = tpu.vector_load %swap3A_1938[%swap3A_1939] {strides = array<i32>} : memref<896xf32, #tpu.memory_space<vmem>>, vector<16xf32>,
    %swap3A_1941 = vector.shape_cast %swap3A_1940 : vector<16xf32> to vector<16xf32>
    %swap3A_1942 = vector.shape_cast %gather3A_1934 : vector<16xf32> to vector<16xf32>
    tpu.vector_store %swap3A_1938[%swap3A_1939], %swap3A_1942 {strides = array<i32>} : memref<896xf32, #tpu.memory_space<vmem>>, vector<16xf32>,
    %broadcast_in_dim3A_1943 = arith.constant 4 : i32
    %broadcast_in_dim3A_1944 = vector.broadcast %broadcast_in_dim3A_1943 : i32 to vector<16xi32>
    %lt3A_1945 = arith.constant 0 : i32
    %lt3A_1946 = vector.broadcast %lt3A_1945 : i32 to vector<16xi32>
    %lt3A_1947 = arith.cmpi slt, %broadcast_in_dim3A_1944, %lt3A_1946 : vector<16xi32>
    %add3A_1948 = arith.constant 16 : i32
    %add3A_1949 = vector.broadcast %add3A_1948 : i32 to vector<16xi32>
    %add3A_1950 = arith.addi %broadcast_in_dim3A_1944, %add3A_1949 : vector<16xi32>
    %select_n3A_1951 = arith.select %lt3A_1947, %add3A_1950, %broadcast_in_dim3A_1944 : vector<16xi1>, vector<16xi32>
    %broadcast_in_dim3A_1952 = vector.shape_cast %select_n3A_1951 : vector<16xi32> to vector<16x1xi32>
    %gather3A_1953 = vector.shape_cast %broadcast_in_dim3A_1952 : vector<16x1xi32> to vector<16xi32>
    %gather3A_1954 = tpu.dynamic_gather %get3A_1862[%gather3A_1953] in [0] : vector<16xf32>, vector<16xi32> -> vector<16xf32>
    %swap3A_1955 = arith.constant 84 : i32
    %swap3A_1956 = arith.constant 0 : i32
    %swap3A_1957 = tpu.memref_slice %arg14[%swap3A_1955, %swap3A_1956] : memref<128x896xf32, #tpu.memory_space<vmem>> -> memref<1x896xf32, #tpu.memory_space<vmem>>
    %swap3A_1958 = tpu.memref_squeeze %swap3A_1957 : memref<1x896xf32, #tpu.memory_space<vmem>> -> memref<896xf32, #tpu.memory_space<vmem>>
    %swap3A_1959 = arith.constant 768 : index
    %swap3A_1960 = tpu.vector_load %swap3A_1958[%swap3A_1959] {strides = array<i32>} : memref<896xf32, #tpu.memory_space<vmem>>, vector<16xf32>,
    %swap3A_1961 = vector.shape_cast %swap3A_1960 : vector<16xf32> to vector<16xf32>
    %swap3A_1962 = vector.shape_cast %gather3A_1954 : vector<16xf32> to vector<16xf32>
    tpu.vector_store %swap3A_1958[%swap3A_1959], %swap3A_1962 {strides = array<i32>} : memref<896xf32, #tpu.memory_space<vmem>>, vector<16xf32>,
    %broadcast_in_dim3A_1963 = arith.constant 5 : i32
    %broadcast_in_dim3A_1964 = vector.broadcast %broadcast_in_dim3A_1963 : i32 to vector<16xi32>
    %lt3A_1965 = arith.constant 0 : i32
    %lt3A_1966 = vector.broadcast %lt3A_1965 : i32 to vector<16xi32>
    %lt3A_1967 = arith.cmpi slt, %broadcast_in_dim3A_1964, %lt3A_1966 : vector<16xi32>
    %add3A_1968 = arith.constant 16 : i32
    %add3A_1969 = vector.broadcast %add3A_1968 : i32 to vector<16xi32>
    %add3A_1970 = arith.addi %broadcast_in_dim3A_1964, %add3A_1969 : vector<16xi32>
    %select_n3A_1971 = arith.select %lt3A_1967, %add3A_1970, %broadcast_in_dim3A_1964 : vector<16xi1>, vector<16xi32>
    %broadcast_in_dim3A_1972 = vector.shape_cast %select_n3A_1971 : vector<16xi32> to vector<16x1xi32>
    %gather3A_1973 = vector.shape_cast %broadcast_in_dim3A_1972 : vector<16x1xi32> to vector<16xi32>
    %gather3A_1974 = tpu.dynamic_gather %get3A_1862[%gather3A_1973] in [0] : vector<16xf32>, vector<16xi32> -> vector<16xf32>
    %swap3A_1975 = arith.constant 85 : i32
    %swap3A_1976 = arith.constant 0 : i32
    %swap3A_1977 = tpu.memref_slice %arg14[%swap3A_1975, %swap3A_1976] : memref<128x896xf32, #tpu.memory_space<vmem>> -> memref<1x896xf32, #tpu.memory_space<vmem>>
    %swap3A_1978 = tpu.memref_squeeze %swap3A_1977 : memref<1x896xf32, #tpu.memory_space<vmem>> -> memref<896xf32, #tpu.memory_space<vmem>>
    %swap3A_1979 = arith.constant 768 : index
    %swap3A_1980 = tpu.vector_load %swap3A_1978[%swap3A_1979] {strides = array<i32>} : memref<896xf32, #tpu.memory_space<vmem>>, vector<16xf32>,
    %swap3A_1981 = vector.shape_cast %swap3A_1980 : vector<16xf32> to vector<16xf32>
    %swap3A_1982 = vector.shape_cast %gather3A_1974 : vector<16xf32> to vector<16xf32>
    tpu.vector_store %swap3A_1978[%swap3A_1979], %swap3A_1982 {strides = array<i32>} : memref<896xf32, #tpu.memory_space<vmem>>, vector<16xf32>,
    %broadcast_in_dim3A_1983 = arith.constant 6 : i32
    %broadcast_in_dim3A_1984 = vector.broadcast %broadcast_in_dim3A_1983 : i32 to vector<16xi32>
    %lt3A_1985 = arith.constant 0 : i32
    %lt3A_1986 = vector.broadcast %lt3A_1985 : i32 to vector<16xi32>
    %lt3A_1987 = arith.cmpi slt, %broadcast_in_dim3A_1984, %lt3A_1986 : vector<16xi32>
    %add3A_1988 = arith.constant 16 : i32
    %add3A_1989 = vector.broadcast %add3A_1988 : i32 to vector<16xi32>
    %add3A_1990 = arith.addi %broadcast_in_dim3A_1984, %add3A_1989 : vector<16xi32>
    %select_n3A_1991 = arith.select %lt3A_1987, %add3A_1990, %broadcast_in_dim3A_1984 : vector<16xi1>, vector<16xi32>
    %broadcast_in_dim3A_1992 = vector.shape_cast %select_n3A_1991 : vector<16xi32> to vector<16x1xi32>
    %gather3A_1993 = vector.shape_cast %broadcast_in_dim3A_1992 : vector<16x1xi32> to vector<16xi32>
    %gather3A_1994 = tpu.dynamic_gather %get3A_1862[%gather3A_1993] in [0] : vector<16xf32>, vector<16xi32> -> vector<16xf32>
    %swap3A_1995 = arith.constant 86 : i32
    %swap3A_1996 = arith.constant 0 : i32
    %swap3A_1997 = tpu.memref_slice %arg14[%swap3A_1995, %swap3A_1996] : memref<128x896xf32, #tpu.memory_space<vmem>> -> memref<1x896xf32, #tpu.memory_space<vmem>>
    %swap3A_1998 = tpu.memref_squeeze %swap3A_1997 : memref<1x896xf32, #tpu.memory_space<vmem>> -> memref<896xf32, #tpu.memory_space<vmem>>
    %swap3A_1999 = arith.constant 768 : index
    %swap3A_2000 = tpu.vector_load %swap3A_1998[%swap3A_1999] {strides = array<i32>} : memref<896xf32, #tpu.memory_space<vmem>>, vector<16xf32>,
    %swap3A_2001 = vector.shape_cast %swap3A_2000 : vector<16xf32> to vector<16xf32>
    %swap3A_2002 = vector.shape_cast %gather3A_1994 : vector<16xf32> to vector<16xf32>
    tpu.vector_store %swap3A_1998[%swap3A_1999], %swap3A_2002 {strides = array<i32>} : memref<896xf32, #tpu.memory_space<vmem>>, vector<16xf32>,
    %broadcast_in_dim3A_2003 = arith.constant 7 : i32
    %broadcast_in_dim3A_2004 = vector.broadcast %broadcast_in_dim3A_2003 : i32 to vector<16xi32>
    %lt3A_2005 = arith.constant 0 : i32
    %lt3A_2006 = vector.broadcast %lt3A_2005 : i32 to vector<16xi32>
    %lt3A_2007 = arith.cmpi slt, %broadcast_in_dim3A_2004, %lt3A_2006 : vector<16xi32>
    %add3A_2008 = arith.constant 16 : i32
    %add3A_2009 = vector.broadcast %add3A_2008 : i32 to vector<16xi32>
    %add3A_2010 = arith.addi %broadcast_in_dim3A_2004, %add3A_2009 : vector<16xi32>
    %select_n3A_2011 = arith.select %lt3A_2007, %add3A_2010, %broadcast_in_dim3A_2004 : vector<16xi1>, vector<16xi32>
    %broadcast_in_dim3A_2012 = vector.shape_cast %select_n3A_2011 : vector<16xi32> to vector<16x1xi32>
    %gather3A_2013 = vector.shape_cast %broadcast_in_dim3A_2012 : vector<16x1xi32> to vector<16xi32>
    %gather3A_2014 = tpu.dynamic_gather %get3A_1862[%gather3A_2013] in [0] : vector<16xf32>, vector<16xi32> -> vector<16xf32>
    %swap3A_2015 = arith.constant 87 : i32
    %swap3A_2016 = arith.constant 0 : i32
    %swap3A_2017 = tpu.memref_slice %arg14[%swap3A_2015, %swap3A_2016] : memref<128x896xf32, #tpu.memory_space<vmem>> -> memref<1x896xf32, #tpu.memory_space<vmem>>
    %swap3A_2018 = tpu.memref_squeeze %swap3A_2017 : memref<1x896xf32, #tpu.memory_space<vmem>> -> memref<896xf32, #tpu.memory_space<vmem>>
    %swap3A_2019 = arith.constant 768 : index
    %swap3A_2020 = tpu.vector_load %swap3A_2018[%swap3A_2019] {strides = array<i32>} : memref<896xf32, #tpu.memory_space<vmem>>, vector<16xf32>,
    %swap3A_2021 = vector.shape_cast %swap3A_2020 : vector<16xf32> to vector<16xf32>
    %swap3A_2022 = vector.shape_cast %gather3A_2014 : vector<16xf32> to vector<16xf32>
    tpu.vector_store %swap3A_2018[%swap3A_2019], %swap3A_2022 {strides = array<i32>} : memref<896xf32, #tpu.memory_space<vmem>>, vector<16xf32>,
    %broadcast_in_dim3A_2023 = arith.constant 8 : i32
    %broadcast_in_dim3A_2024 = vector.broadcast %broadcast_in_dim3A_2023 : i32 to vector<16xi32>
    %lt3A_2025 = arith.constant 0 : i32
    %lt3A_2026 = vector.broadcast %lt3A_2025 : i32 to vector<16xi32>
    %lt3A_2027 = arith.cmpi slt, %broadcast_in_dim3A_2024, %lt3A_2026 : vector<16xi32>
    %add3A_2028 = arith.constant 16 : i32
    %add3A_2029 = vector.broadcast %add3A_2028 : i32 to vector<16xi32>
    %add3A_2030 = arith.addi %broadcast_in_dim3A_2024, %add3A_2029 : vector<16xi32>
    %select_n3A_2031 = arith.select %lt3A_2027, %add3A_2030, %broadcast_in_dim3A_2024 : vector<16xi1>, vector<16xi32>
    %broadcast_in_dim3A_2032 = vector.shape_cast %select_n3A_2031 : vector<16xi32> to vector<16x1xi32>
    %gather3A_2033 = vector.shape_cast %broadcast_in_dim3A_2032 : vector<16x1xi32> to vector<16xi32>
    %gather3A_2034 = tpu.dynamic_gather %get3A_1862[%gather3A_2033] in [0] : vector<16xf32>, vector<16xi32> -> vector<16xf32>
    %swap3A_2035 = arith.constant 88 : i32
    %swap3A_2036 = arith.constant 0 : i32
    %swap3A_2037 = tpu.memref_slice %arg14[%swap3A_2035, %swap3A_2036] : memref<128x896xf32, #tpu.memory_space<vmem>> -> memref<1x896xf32, #tpu.memory_space<vmem>>
    %swap3A_2038 = tpu.memref_squeeze %swap3A_2037 : memref<1x896xf32, #tpu.memory_space<vmem>> -> memref<896xf32, #tpu.memory_space<vmem>>
    %swap3A_2039 = arith.constant 768 : index
    %swap3A_2040 = tpu.vector_load %swap3A_2038[%swap3A_2039] {strides = array<i32>} : memref<896xf32, #tpu.memory_space<vmem>>, vector<16xf32>,
    %swap3A_2041 = vector.shape_cast %swap3A_2040 : vector<16xf32> to vector<16xf32>
    %swap3A_2042 = vector.shape_cast %gather3A_2034 : vector<16xf32> to vector<16xf32>
    tpu.vector_store %swap3A_2038[%swap3A_2039], %swap3A_2042 {strides = array<i32>} : memref<896xf32, #tpu.memory_space<vmem>>, vector<16xf32>,
    %broadcast_in_dim3A_2043 = arith.constant 9 : i32
    %broadcast_in_dim3A_2044 = vector.broadcast %broadcast_in_dim3A_2043 : i32 to vector<16xi32>
    %lt3A_2045 = arith.constant 0 : i32
    %lt3A_2046 = vector.broadcast %lt3A_2045 : i32 to vector<16xi32>
    %lt3A_2047 = arith.cmpi slt, %broadcast_in_dim3A_2044, %lt3A_2046 : vector<16xi32>
    %add3A_2048 = arith.constant 16 : i32
    %add3A_2049 = vector.broadcast %add3A_2048 : i32 to vector<16xi32>
    %add3A_2050 = arith.addi %broadcast_in_dim3A_2044, %add3A_2049 : vector<16xi32>
    %select_n3A_2051 = arith.select %lt3A_2047, %add3A_2050, %broadcast_in_dim3A_2044 : vector<16xi1>, vector<16xi32>
    %broadcast_in_dim3A_2052 = vector.shape_cast %select_n3A_2051 : vector<16xi32> to vector<16x1xi32>
    %gather3A_2053 = vector.shape_cast %broadcast_in_dim3A_2052 : vector<16x1xi32> to vector<16xi32>
    %gather3A_2054 = tpu.dynamic_gather %get3A_1862[%gather3A_2053] in [0] : vector<16xf32>, vector<16xi32> -> vector<16xf32>
    %swap3A_2055 = arith.constant 89 : i32
    %swap3A_2056 = arith.constant 0 : i32
    %swap3A_2057 = tpu.memref_slice %arg14[%swap3A_2055, %swap3A_2056] : memref<128x896xf32, #tpu.memory_space<vmem>> -> memref<1x896xf32, #tpu.memory_space<vmem>>
    %swap3A_2058 = tpu.memref_squeeze %swap3A_2057 : memref<1x896xf32, #tpu.memory_space<vmem>> -> memref<896xf32, #tpu.memory_space<vmem>>
    %swap3A_2059 = arith.constant 768 : index
    %swap3A_2060 = tpu.vector_load %swap3A_2058[%swap3A_2059] {strides = array<i32>} : memref<896xf32, #tpu.memory_space<vmem>>, vector<16xf32>,
    %swap3A_2061 = vector.shape_cast %swap3A_2060 : vector<16xf32> to vector<16xf32>
    %swap3A_2062 = vector.shape_cast %gather3A_2054 : vector<16xf32> to vector<16xf32>
    tpu.vector_store %swap3A_2058[%swap3A_2059], %swap3A_2062 {strides = array<i32>} : memref<896xf32, #tpu.memory_space<vmem>>, vector<16xf32>,
    %broadcast_in_dim3A_2063 = arith.constant 10 : i32
    %broadcast_in_dim3A_2064 = vector.broadcast %broadcast_in_dim3A_2063 : i32 to vector<16xi32>
    %lt3A_2065 = arith.constant 0 : i32
    %lt3A_2066 = vector.broadcast %lt3A_2065 : i32 to vector<16xi32>
    %lt3A_2067 = arith.cmpi slt, %broadcast_in_dim3A_2064, %lt3A_2066 : vector<16xi32>
    %add3A_2068 = arith.constant 16 : i32
    %add3A_2069 = vector.broadcast %add3A_2068 : i32 to vector<16xi32>
    %add3A_2070 = arith.addi %broadcast_in_dim3A_2064, %add3A_2069 : vector<16xi32>
    %select_n3A_2071 = arith.select %lt3A_2067, %add3A_2070, %broadcast_in_dim3A_2064 : vector<16xi1>, vector<16xi32>
    %broadcast_in_dim3A_2072 = vector.shape_cast %select_n3A_2071 : vector<16xi32> to vector<16x1xi32>
    %gather3A_2073 = vector.shape_cast %broadcast_in_dim3A_2072 : vector<16x1xi32> to vector<16xi32>
    %gather3A_2074 = tpu.dynamic_gather %get3A_1862[%gather3A_2073] in [0] : vector<16xf32>, vector<16xi32> -> vector<16xf32>
    %swap3A_2075 = arith.constant 90 : i32
    %swap3A_2076 = arith.constant 0 : i32
    %swap3A_2077 = tpu.memref_slice %arg14[%swap3A_2075, %swap3A_2076] : memref<128x896xf32, #tpu.memory_space<vmem>> -> memref<1x896xf32, #tpu.memory_space<vmem>>
    %swap3A_2078 = tpu.memref_squeeze %swap3A_2077 : memref<1x896xf32, #tpu.memory_space<vmem>> -> memref<896xf32, #tpu.memory_space<vmem>>
    %swap3A_2079 = arith.constant 768 : index
    %swap3A_2080 = tpu.vector_load %swap3A_2078[%swap3A_2079] {strides = array<i32>} : memref<896xf32, #tpu.memory_space<vmem>>, vector<16xf32>,
    %swap3A_2081 = vector.shape_cast %swap3A_2080 : vector<16xf32> to vector<16xf32>
    %swap3A_2082 = vector.shape_cast %gather3A_2074 : vector<16xf32> to vector<16xf32>
    tpu.vector_store %swap3A_2078[%swap3A_2079], %swap3A_2082 {strides = array<i32>} : memref<896xf32, #tpu.memory_space<vmem>>, vector<16xf32>,
    %broadcast_in_dim3A_2083 = arith.constant 11 : i32
    %broadcast_in_dim3A_2084 = vector.broadcast %broadcast_in_dim3A_2083 : i32 to vector<16xi32>
    %lt3A_2085 = arith.constant 0 : i32
    %lt3A_2086 = vector.broadcast %lt3A_2085 : i32 to vector<16xi32>
    %lt3A_2087 = arith.cmpi slt, %broadcast_in_dim3A_2084, %lt3A_2086 : vector<16xi32>
    %add3A_2088 = arith.constant 16 : i32
    %add3A_2089 = vector.broadcast %add3A_2088 : i32 to vector<16xi32>
    %add3A_2090 = arith.addi %broadcast_in_dim3A_2084, %add3A_2089 : vector<16xi32>
    %select_n3A_2091 = arith.select %lt3A_2087, %add3A_2090, %broadcast_in_dim3A_2084 : vector<16xi1>, vector<16xi32>
    %broadcast_in_dim3A_2092 = vector.shape_cast %select_n3A_2091 : vector<16xi32> to vector<16x1xi32>
    %gather3A_2093 = vector.shape_cast %broadcast_in_dim3A_2092 : vector<16x1xi32> to vector<16xi32>
    %gather3A_2094 = tpu.dynamic_gather %get3A_1862[%gather3A_2093] in [0] : vector<16xf32>, vector<16xi32> -> vector<16xf32>
    %swap3A_2095 = arith.constant 91 : i32
    %swap3A_2096 = arith.constant 0 : i32
    %swap3A_2097 = tpu.memref_slice %arg14[%swap3A_2095, %swap3A_2096] : memref<128x896xf32, #tpu.memory_space<vmem>> -> memref<1x896xf32, #tpu.memory_space<vmem>>
    %swap3A_2098 = tpu.memref_squeeze %swap3A_2097 : memref<1x896xf32, #tpu.memory_space<vmem>> -> memref<896xf32, #tpu.memory_space<vmem>>
    %swap3A_2099 = arith.constant 768 : index
    %swap3A_2100 = tpu.vector_load %swap3A_2098[%swap3A_2099] {strides = array<i32>} : memref<896xf32, #tpu.memory_space<vmem>>, vector<16xf32>,
    %swap3A_2101 = vector.shape_cast %swap3A_2100 : vector<16xf32> to vector<16xf32>
    %swap3A_2102 = vector.shape_cast %gather3A_2094 : vector<16xf32> to vector<16xf32>
    tpu.vector_store %swap3A_2098[%swap3A_2099], %swap3A_2102 {strides = array<i32>} : memref<896xf32, #tpu.memory_space<vmem>>, vector<16xf32>,
    %broadcast_in_dim3A_2103 = arith.constant 12 : i32
    %broadcast_in_dim3A_2104 = vector.broadcast %broadcast_in_dim3A_2103 : i32 to vector<16xi32>
    %lt3A_2105 = arith.constant 0 : i32
    %lt3A_2106 = vector.broadcast %lt3A_2105 : i32 to vector<16xi32>
    %lt3A_2107 = arith.cmpi slt, %broadcast_in_dim3A_2104, %lt3A_2106 : vector<16xi32>
    %add3A_2108 = arith.constant 16 : i32
    %add3A_2109 = vector.broadcast %add3A_2108 : i32 to vector<16xi32>
    %add3A_2110 = arith.addi %broadcast_in_dim3A_2104, %add3A_2109 : vector<16xi32>
    %select_n3A_2111 = arith.select %lt3A_2107, %add3A_2110, %broadcast_in_dim3A_2104 : vector<16xi1>, vector<16xi32>
    %broadcast_in_dim3A_2112 = vector.shape_cast %select_n3A_2111 : vector<16xi32> to vector<16x1xi32>
    %gather3A_2113 = vector.shape_cast %broadcast_in_dim3A_2112 : vector<16x1xi32> to vector<16xi32>
    %gather3A_2114 = tpu.dynamic_gather %get3A_1862[%gather3A_2113] in [0] : vector<16xf32>, vector<16xi32> -> vector<16xf32>
    %swap3A_2115 = arith.constant 92 : i32
    %swap3A_2116 = arith.constant 0 : i32
    %swap3A_2117 = tpu.memref_slice %arg14[%swap3A_2115, %swap3A_2116] : memref<128x896xf32, #tpu.memory_space<vmem>> -> memref<1x896xf32, #tpu.memory_space<vmem>>
    %swap3A_2118 = tpu.memref_squeeze %swap3A_2117 : memref<1x896xf32, #tpu.memory_space<vmem>> -> memref<896xf32, #tpu.memory_space<vmem>>
    %swap3A_2119 = arith.constant 768 : index
    %swap3A_2120 = tpu.vector_load %swap3A_2118[%swap3A_2119] {strides = array<i32>} : memref<896xf32, #tpu.memory_space<vmem>>, vector<16xf32>,
    %swap3A_2121 = vector.shape_cast %swap3A_2120 : vector<16xf32> to vector<16xf32>
    %swap3A_2122 = vector.shape_cast %gather3A_2114 : vector<16xf32> to vector<16xf32>
    tpu.vector_store %swap3A_2118[%swap3A_2119], %swap3A_2122 {strides = array<i32>} : memref<896xf32, #tpu.memory_space<vmem>>, vector<16xf32>,
    %broadcast_in_dim3A_2123 = arith.constant 13 : i32
    %broadcast_in_dim3A_2124 = vector.broadcast %broadcast_in_dim3A_2123 : i32 to vector<16xi32>
    %lt3A_2125 = arith.constant 0 : i32
    %lt3A_2126 = vector.broadcast %lt3A_2125 : i32 to vector<16xi32>
    %lt3A_2127 = arith.cmpi slt, %broadcast_in_dim3A_2124, %lt3A_2126 : vector<16xi32>
    %add3A_2128 = arith.constant 16 : i32
    %add3A_2129 = vector.broadcast %add3A_2128 : i32 to vector<16xi32>
    %add3A_2130 = arith.addi %broadcast_in_dim3A_2124, %add3A_2129 : vector<16xi32>
    %select_n3A_2131 = arith.select %lt3A_2127, %add3A_2130, %broadcast_in_dim3A_2124 : vector<16xi1>, vector<16xi32>
    %broadcast_in_dim3A_2132 = vector.shape_cast %select_n3A_2131 : vector<16xi32> to vector<16x1xi32>
    %gather3A_2133 = vector.shape_cast %broadcast_in_dim3A_2132 : vector<16x1xi32> to vector<16xi32>
    %gather3A_2134 = tpu.dynamic_gather %get3A_1862[%gather3A_2133] in [0] : vector<16xf32>, vector<16xi32> -> vector<16xf32>
    %swap3A_2135 = arith.constant 93 : i32
    %swap3A_2136 = arith.constant 0 : i32
    %swap3A_2137 = tpu.memref_slice %arg14[%swap3A_2135, %swap3A_2136] : memref<128x896xf32, #tpu.memory_space<vmem>> -> memref<1x896xf32, #tpu.memory_space<vmem>>
    %swap3A_2138 = tpu.memref_squeeze %swap3A_2137 : memref<1x896xf32, #tpu.memory_space<vmem>> -> memref<896xf32, #tpu.memory_space<vmem>>
    %swap3A_2139 = arith.constant 768 : index
    %swap3A_2140 = tpu.vector_load %swap3A_2138[%swap3A_2139] {strides = array<i32>} : memref<896xf32, #tpu.memory_space<vmem>>, vector<16xf32>,
    %swap3A_2141 = vector.shape_cast %swap3A_2140 : vector<16xf32> to vector<16xf32>
    %swap3A_2142 = vector.shape_cast %gather3A_2134 : vector<16xf32> to vector<16xf32>
    tpu.vector_store %swap3A_2138[%swap3A_2139], %swap3A_2142 {strides = array<i32>} : memref<896xf32, #tpu.memory_space<vmem>>, vector<16xf32>,
    %broadcast_in_dim3A_2143 = arith.constant 14 : i32
    %broadcast_in_dim3A_2144 = vector.broadcast %broadcast_in_dim3A_2143 : i32 to vector<16xi32>
    %lt3A_2145 = arith.constant 0 : i32
    %lt3A_2146 = vector.broadcast %lt3A_2145 : i32 to vector<16xi32>
    %lt3A_2147 = arith.cmpi slt, %broadcast_in_dim3A_2144, %lt3A_2146 : vector<16xi32>
    %add3A_2148 = arith.constant 16 : i32
    %add3A_2149 = vector.broadcast %add3A_2148 : i32 to vector<16xi32>
    %add3A_2150 = arith.addi %broadcast_in_dim3A_2144, %add3A_2149 : vector<16xi32>
    %select_n3A_2151 = arith.select %lt3A_2147, %add3A_2150, %broadcast_in_dim3A_2144 : vector<16xi1>, vector<16xi32>
    %broadcast_in_dim3A_2152 = vector.shape_cast %select_n3A_2151 : vector<16xi32> to vector<16x1xi32>
    %gather3A_2153 = vector.shape_cast %broadcast_in_dim3A_2152 : vector<16x1xi32> to vector<16xi32>
    %gather3A_2154 = tpu.dynamic_gather %get3A_1862[%gather3A_2153] in [0] : vector<16xf32>, vector<16xi32> -> vector<16xf32>
    %swap3A_2155 = arith.constant 94 : i32
    %swap3A_2156 = arith.constant 0 : i32
    %swap3A_2157 = tpu.memref_slice %arg14[%swap3A_2155, %swap3A_2156] : memref<128x896xf32, #tpu.memory_space<vmem>> -> memref<1x896xf32, #tpu.memory_space<vmem>>
    %swap3A_2158 = tpu.memref_squeeze %swap3A_2157 : memref<1x896xf32, #tpu.memory_space<vmem>> -> memref<896xf32, #tpu.memory_space<vmem>>
    %swap3A_2159 = arith.constant 768 : index
    %swap3A_2160 = tpu.vector_load %swap3A_2158[%swap3A_2159] {strides = array<i32>} : memref<896xf32, #tpu.memory_space<vmem>>, vector<16xf32>,
    %swap3A_2161 = vector.shape_cast %swap3A_2160 : vector<16xf32> to vector<16xf32>
    %swap3A_2162 = vector.shape_cast %gather3A_2154 : vector<16xf32> to vector<16xf32>
    tpu.vector_store %swap3A_2158[%swap3A_2159], %swap3A_2162 {strides = array<i32>} : memref<896xf32, #tpu.memory_space<vmem>>, vector<16xf32>,
    %broadcast_in_dim3A_2163 = arith.constant 15 : i32
    %broadcast_in_dim3A_2164 = vector.broadcast %broadcast_in_dim3A_2163 : i32 to vector<16xi32>
    %lt3A_2165 = arith.constant 0 : i32
    %lt3A_2166 = vector.broadcast %lt3A_2165 : i32 to vector<16xi32>
    %lt3A_2167 = arith.cmpi slt, %broadcast_in_dim3A_2164, %lt3A_2166 : vector<16xi32>
    %add3A_2168 = arith.constant 16 : i32
    %add3A_2169 = vector.broadcast %add3A_2168 : i32 to vector<16xi32>
    %add3A_2170 = arith.addi %broadcast_in_dim3A_2164, %add3A_2169 : vector<16xi32>
    %select_n3A_2171 = arith.select %lt3A_2167, %add3A_2170, %broadcast_in_dim3A_2164 : vector<16xi1>, vector<16xi32>
    %broadcast_in_dim3A_2172 = vector.shape_cast %select_n3A_2171 : vector<16xi32> to vector<16x1xi32>
    %gather3A_2173 = vector.shape_cast %broadcast_in_dim3A_2172 : vector<16x1xi32> to vector<16xi32>
    %gather3A_2174 = tpu.dynamic_gather %get3A_1862[%gather3A_2173] in [0] : vector<16xf32>, vector<16xi32> -> vector<16xf32>
    %swap3A_2175 = arith.constant 95 : i32
    %swap3A_2176 = arith.constant 0 : i32
    %swap3A_2177 = tpu.memref_slice %arg14[%swap3A_2175, %swap3A_2176] : memref<128x896xf32, #tpu.memory_space<vmem>> -> memref<1x896xf32, #tpu.memory_space<vmem>>
    %swap3A_2178 = tpu.memref_squeeze %swap3A_2177 : memref<1x896xf32, #tpu.memory_space<vmem>> -> memref<896xf32, #tpu.memory_space<vmem>>
    %swap3A_2179 = arith.constant 768 : index
    %swap3A_2180 = tpu.vector_load %swap3A_2178[%swap3A_2179] {strides = array<i32>} : memref<896xf32, #tpu.memory_space<vmem>>, vector<16xf32>,
    %swap3A_2181 = vector.shape_cast %swap3A_2180 : vector<16xf32> to vector<16xf32>
    %swap3A_2182 = vector.shape_cast %gather3A_2174 : vector<16xf32> to vector<16xf32>
    tpu.vector_store %swap3A_2178[%swap3A_2179], %swap3A_2182 {strides = array<i32>} : memref<896xf32, #tpu.memory_space<vmem>>, vector<16xf32>,
    %get3A_2183 = arith.constant 96 : index
    %get3A_2184 = tpu.vector_load %arg9[%get3A_2183] {strides = array<i32>} : memref<128xi32, #tpu.memory_space<vmem>>, vector<16xi32>,
    %get3A_2185 = vector.shape_cast %get3A_2184 : vector<16xi32> to vector<16xi32>
    %lt3A_2186 = arith.constant 0 : i32
    %lt3A_2187 = vector.broadcast %lt3A_2186 : i32 to vector<16xi32>
    %lt3A_2188 = arith.cmpi slt, %get3A_2185, %lt3A_2187 : vector<16xi32>
    %add3A_2189 = arith.constant 16 : i32
    %add3A_2190 = vector.broadcast %add3A_2189 : i32 to vector<16xi32>
    %add3A_2191 = arith.addi %get3A_2185, %add3A_2190 : vector<16xi32>
    %select_n3A_2192 = arith.select %lt3A_2188, %add3A_2191, %get3A_2185 : vector<16xi1>, vector<16xi32>
    %broadcast_in_dim3A_2193 = vector.shape_cast %select_n3A_2192 : vector<16xi32> to vector<16x1xi32>
    %gather3A_2194 = vector.shape_cast %broadcast_in_dim3A_2193 : vector<16x1xi32> to vector<16xi32>
    %gather3A_2195 = tpu.dynamic_gather %select_n3A_119[%gather3A_2194] in [0] : vector<16xi32>, vector<16xi32> -> vector<16xi32>
    %get3A_2196 = arith.constant 96 : index
    %get3A_2197 = tpu.vector_load %arg10[%get3A_2196] {strides = array<i32>} : memref<128xi32, #tpu.memory_space<vmem>>, vector<16xi32>,
    %get3A_2198 = vector.shape_cast %get3A_2197 : vector<16xi32> to vector<16xi32>
    %add3A_2199 = arith.addi %gather3A_2195, %get3A_2198 : vector<16xi32>
    %swap3A_2200 = arith.constant 96 : index
    %swap3A_2201 = tpu.vector_load %arg13[%swap3A_2200] {strides = array<i32>} : memref<128xi32, #tpu.memory_space<vmem>>, vector<16xi32>,
    %swap3A_2202 = vector.shape_cast %swap3A_2201 : vector<16xi32> to vector<16xi32>
    %swap3A_2203 = vector.shape_cast %add3A_2199 : vector<16xi32> to vector<16xi32>
    tpu.vector_store %arg13[%swap3A_2200], %swap3A_2203 {strides = array<i32>} : memref<128xi32, #tpu.memory_space<vmem>>, vector<16xi32>,
    %get3A_2204 = arith.constant 96 : index
    %get3A_2205 = tpu.vector_load %arg11[%get3A_2204] {strides = array<i32>} : memref<128xf32, #tpu.memory_space<vmem>>, vector<16xf32>,
    %get3A_2206 = vector.shape_cast %get3A_2205 : vector<16xf32> to vector<16xf32>
    %broadcast_in_dim3A_2207 = arith.constant 0 : i32
    %broadcast_in_dim3A_2208 = vector.broadcast %broadcast_in_dim3A_2207 : i32 to vector<16xi32>
    %lt3A_2209 = arith.constant 0 : i32
    %lt3A_2210 = vector.broadcast %lt3A_2209 : i32 to vector<16xi32>
    %lt3A_2211 = arith.cmpi slt, %broadcast_in_dim3A_2208, %lt3A_2210 : vector<16xi32>
    %add3A_2212 = arith.constant 16 : i32
    %add3A_2213 = vector.broadcast %add3A_2212 : i32 to vector<16xi32>
    %add3A_2214 = arith.addi %broadcast_in_dim3A_2208, %add3A_2213 : vector<16xi32>
    %select_n3A_2215 = arith.select %lt3A_2211, %add3A_2214, %broadcast_in_dim3A_2208 : vector<16xi1>, vector<16xi32>
    %broadcast_in_dim3A_2216 = vector.shape_cast %select_n3A_2215 : vector<16xi32> to vector<16x1xi32>
    %gather3A_2217 = vector.shape_cast %broadcast_in_dim3A_2216 : vector<16x1xi32> to vector<16xi32>
    %gather3A_2218 = tpu.dynamic_gather %get3A_2206[%gather3A_2217] in [0] : vector<16xf32>, vector<16xi32> -> vector<16xf32>
    %swap3A_2219 = arith.constant 96 : i32
    %swap3A_2220 = arith.constant 0 : i32
    %swap3A_2221 = tpu.memref_slice %arg14[%swap3A_2219, %swap3A_2220] : memref<128x896xf32, #tpu.memory_space<vmem>> -> memref<1x896xf32, #tpu.memory_space<vmem>>
    %swap3A_2222 = tpu.memref_squeeze %swap3A_2221 : memref<1x896xf32, #tpu.memory_space<vmem>> -> memref<896xf32, #tpu.memory_space<vmem>>
    %swap3A_2223 = arith.constant 768 : index
    %swap3A_2224 = tpu.vector_load %swap3A_2222[%swap3A_2223] {strides = array<i32>} : memref<896xf32, #tpu.memory_space<vmem>>, vector<16xf32>,
    %swap3A_2225 = vector.shape_cast %swap3A_2224 : vector<16xf32> to vector<16xf32>
    %swap3A_2226 = vector.shape_cast %gather3A_2218 : vector<16xf32> to vector<16xf32>
    tpu.vector_store %swap3A_2222[%swap3A_2223], %swap3A_2226 {strides = array<i32>} : memref<896xf32, #tpu.memory_space<vmem>>, vector<16xf32>,
    %broadcast_in_dim3A_2227 = arith.constant 1 : i32
    %broadcast_in_dim3A_2228 = vector.broadcast %broadcast_in_dim3A_2227 : i32 to vector<16xi32>
    %lt3A_2229 = arith.constant 0 : i32
    %lt3A_2230 = vector.broadcast %lt3A_2229 : i32 to vector<16xi32>
    %lt3A_2231 = arith.cmpi slt, %broadcast_in_dim3A_2228, %lt3A_2230 : vector<16xi32>
    %add3A_2232 = arith.constant 16 : i32
    %add3A_2233 = vector.broadcast %add3A_2232 : i32 to vector<16xi32>
    %add3A_2234 = arith.addi %broadcast_in_dim3A_2228, %add3A_2233 : vector<16xi32>
    %select_n3A_2235 = arith.select %lt3A_2231, %add3A_2234, %broadcast_in_dim3A_2228 : vector<16xi1>, vector<16xi32>
    %broadcast_in_dim3A_2236 = vector.shape_cast %select_n3A_2235 : vector<16xi32> to vector<16x1xi32>
    %gather3A_2237 = vector.shape_cast %broadcast_in_dim3A_2236 : vector<16x1xi32> to vector<16xi32>
    %gather3A_2238 = tpu.dynamic_gather %get3A_2206[%gather3A_2237] in [0] : vector<16xf32>, vector<16xi32> -> vector<16xf32>
    %swap3A_2239 = arith.constant 97 : i32
    %swap3A_2240 = arith.constant 0 : i32
    %swap3A_2241 = tpu.memref_slice %arg14[%swap3A_2239, %swap3A_2240] : memref<128x896xf32, #tpu.memory_space<vmem>> -> memref<1x896xf32, #tpu.memory_space<vmem>>
    %swap3A_2242 = tpu.memref_squeeze %swap3A_2241 : memref<1x896xf32, #tpu.memory_space<vmem>> -> memref<896xf32, #tpu.memory_space<vmem>>
    %swap3A_2243 = arith.constant 768 : index
    %swap3A_2244 = tpu.vector_load %swap3A_2242[%swap3A_2243] {strides = array<i32>} : memref<896xf32, #tpu.memory_space<vmem>>, vector<16xf32>,
    %swap3A_2245 = vector.shape_cast %swap3A_2244 : vector<16xf32> to vector<16xf32>
    %swap3A_2246 = vector.shape_cast %gather3A_2238 : vector<16xf32> to vector<16xf32>
    tpu.vector_store %swap3A_2242[%swap3A_2243], %swap3A_2246 {strides = array<i32>} : memref<896xf32, #tpu.memory_space<vmem>>, vector<16xf32>,
    %broadcast_in_dim3A_2247 = arith.constant 2 : i32
    %broadcast_in_dim3A_2248 = vector.broadcast %broadcast_in_dim3A_2247 : i32 to vector<16xi32>
    %lt3A_2249 = arith.constant 0 : i32
    %lt3A_2250 = vector.broadcast %lt3A_2249 : i32 to vector<16xi32>
    %lt3A_2251 = arith.cmpi slt, %broadcast_in_dim3A_2248, %lt3A_2250 : vector<16xi32>
    %add3A_2252 = arith.constant 16 : i32
    %add3A_2253 = vector.broadcast %add3A_2252 : i32 to vector<16xi32>
    %add3A_2254 = arith.addi %broadcast_in_dim3A_2248, %add3A_2253 : vector<16xi32>
    %select_n3A_2255 = arith.select %lt3A_2251, %add3A_2254, %broadcast_in_dim3A_2248 : vector<16xi1>, vector<16xi32>
    %broadcast_in_dim3A_2256 = vector.shape_cast %select_n3A_2255 : vector<16xi32> to vector<16x1xi32>
    %gather3A_2257 = vector.shape_cast %broadcast_in_dim3A_2256 : vector<16x1xi32> to vector<16xi32>
    %gather3A_2258 = tpu.dynamic_gather %get3A_2206[%gather3A_2257] in [0] : vector<16xf32>, vector<16xi32> -> vector<16xf32>
    %swap3A_2259 = arith.constant 98 : i32
    %swap3A_2260 = arith.constant 0 : i32
    %swap3A_2261 = tpu.memref_slice %arg14[%swap3A_2259, %swap3A_2260] : memref<128x896xf32, #tpu.memory_space<vmem>> -> memref<1x896xf32, #tpu.memory_space<vmem>>
    %swap3A_2262 = tpu.memref_squeeze %swap3A_2261 : memref<1x896xf32, #tpu.memory_space<vmem>> -> memref<896xf32, #tpu.memory_space<vmem>>
    %swap3A_2263 = arith.constant 768 : index
    %swap3A_2264 = tpu.vector_load %swap3A_2262[%swap3A_2263] {strides = array<i32>} : memref<896xf32, #tpu.memory_space<vmem>>, vector<16xf32>,
    %swap3A_2265 = vector.shape_cast %swap3A_2264 : vector<16xf32> to vector<16xf32>
    %swap3A_2266 = vector.shape_cast %gather3A_2258 : vector<16xf32> to vector<16xf32>
    tpu.vector_store %swap3A_2262[%swap3A_2263], %swap3A_2266 {strides = array<i32>} : memref<896xf32, #tpu.memory_space<vmem>>, vector<16xf32>,
    %broadcast_in_dim3A_2267 = arith.constant 3 : i32
    %broadcast_in_dim3A_2268 = vector.broadcast %broadcast_in_dim3A_2267 : i32 to vector<16xi32>
    %lt3A_2269 = arith.constant 0 : i32
    %lt3A_2270 = vector.broadcast %lt3A_2269 : i32 to vector<16xi32>
    %lt3A_2271 = arith.cmpi slt, %broadcast_in_dim3A_2268, %lt3A_2270 : vector<16xi32>
    %add3A_2272 = arith.constant 16 : i32
    %add3A_2273 = vector.broadcast %add3A_2272 : i32 to vector<16xi32>
    %add3A_2274 = arith.addi %broadcast_in_dim3A_2268, %add3A_2273 : vector<16xi32>
    %select_n3A_2275 = arith.select %lt3A_2271, %add3A_2274, %broadcast_in_dim3A_2268 : vector<16xi1>, vector<16xi32>
    %broadcast_in_dim3A_2276 = vector.shape_cast %select_n3A_2275 : vector<16xi32> to vector<16x1xi32>
    %gather3A_2277 = vector.shape_cast %broadcast_in_dim3A_2276 : vector<16x1xi32> to vector<16xi32>
    %gather3A_2278 = tpu.dynamic_gather %get3A_2206[%gather3A_2277] in [0] : vector<16xf32>, vector<16xi32> -> vector<16xf32>
    %swap3A_2279 = arith.constant 99 : i32
    %swap3A_2280 = arith.constant 0 : i32
    %swap3A_2281 = tpu.memref_slice %arg14[%swap3A_2279, %swap3A_2280] : memref<128x896xf32, #tpu.memory_space<vmem>> -> memref<1x896xf32, #tpu.memory_space<vmem>>
    %swap3A_2282 = tpu.memref_squeeze %swap3A_2281 : memref<1x896xf32, #tpu.memory_space<vmem>> -> memref<896xf32, #tpu.memory_space<vmem>>
    %swap3A_2283 = arith.constant 768 : index
    %swap3A_2284 = tpu.vector_load %swap3A_2282[%swap3A_2283] {strides = array<i32>} : memref<896xf32, #tpu.memory_space<vmem>>, vector<16xf32>,
    %swap3A_2285 = vector.shape_cast %swap3A_2284 : vector<16xf32> to vector<16xf32>
    %swap3A_2286 = vector.shape_cast %gather3A_2278 : vector<16xf32> to vector<16xf32>
    tpu.vector_store %swap3A_2282[%swap3A_2283], %swap3A_2286 {strides = array<i32>} : memref<896xf32, #tpu.memory_space<vmem>>, vector<16xf32>,
    %broadcast_in_dim3A_2287 = arith.constant 4 : i32
    %broadcast_in_dim3A_2288 = vector.broadcast %broadcast_in_dim3A_2287 : i32 to vector<16xi32>
    %lt3A_2289 = arith.constant 0 : i32
    %lt3A_2290 = vector.broadcast %lt3A_2289 : i32 to vector<16xi32>
    %lt3A_2291 = arith.cmpi slt, %broadcast_in_dim3A_2288, %lt3A_2290 : vector<16xi32>
    %add3A_2292 = arith.constant 16 : i32
    %add3A_2293 = vector.broadcast %add3A_2292 : i32 to vector<16xi32>
    %add3A_2294 = arith.addi %broadcast_in_dim3A_2288, %add3A_2293 : vector<16xi32>
    %select_n3A_2295 = arith.select %lt3A_2291, %add3A_2294, %broadcast_in_dim3A_2288 : vector<16xi1>, vector<16xi32>
    %broadcast_in_dim3A_2296 = vector.shape_cast %select_n3A_2295 : vector<16xi32> to vector<16x1xi32>
    %gather3A_2297 = vector.shape_cast %broadcast_in_dim3A_2296 : vector<16x1xi32> to vector<16xi32>
    %gather3A_2298 = tpu.dynamic_gather %get3A_2206[%gather3A_2297] in [0] : vector<16xf32>, vector<16xi32> -> vector<16xf32>
    %swap3A_2299 = arith.constant 100 : i32
    %swap3A_2300 = arith.constant 0 : i32
    %swap3A_2301 = tpu.memref_slice %arg14[%swap3A_2299, %swap3A_2300] : memref<128x896xf32, #tpu.memory_space<vmem>> -> memref<1x896xf32, #tpu.memory_space<vmem>>
    %swap3A_2302 = tpu.memref_squeeze %swap3A_2301 : memref<1x896xf32, #tpu.memory_space<vmem>> -> memref<896xf32, #tpu.memory_space<vmem>>
    %swap3A_2303 = arith.constant 768 : index
    %swap3A_2304 = tpu.vector_load %swap3A_2302[%swap3A_2303] {strides = array<i32>} : memref<896xf32, #tpu.memory_space<vmem>>, vector<16xf32>,
    %swap3A_2305 = vector.shape_cast %swap3A_2304 : vector<16xf32> to vector<16xf32>
    %swap3A_2306 = vector.shape_cast %gather3A_2298 : vector<16xf32> to vector<16xf32>
    tpu.vector_store %swap3A_2302[%swap3A_2303], %swap3A_2306 {strides = array<i32>} : memref<896xf32, #tpu.memory_space<vmem>>, vector<16xf32>,
    %broadcast_in_dim3A_2307 = arith.constant 5 : i32
    %broadcast_in_dim3A_2308 = vector.broadcast %broadcast_in_dim3A_2307 : i32 to vector<16xi32>
    %lt3A_2309 = arith.constant 0 : i32
    %lt3A_2310 = vector.broadcast %lt3A_2309 : i32 to vector<16xi32>
    %lt3A_2311 = arith.cmpi slt, %broadcast_in_dim3A_2308, %lt3A_2310 : vector<16xi32>
    %add3A_2312 = arith.constant 16 : i32
    %add3A_2313 = vector.broadcast %add3A_2312 : i32 to vector<16xi32>
    %add3A_2314 = arith.addi %broadcast_in_dim3A_2308, %add3A_2313 : vector<16xi32>
    %select_n3A_2315 = arith.select %lt3A_2311, %add3A_2314, %broadcast_in_dim3A_2308 : vector<16xi1>, vector<16xi32>
    %broadcast_in_dim3A_2316 = vector.shape_cast %select_n3A_2315 : vector<16xi32> to vector<16x1xi32>
    %gather3A_2317 = vector.shape_cast %broadcast_in_dim3A_2316 : vector<16x1xi32> to vector<16xi32>
    %gather3A_2318 = tpu.dynamic_gather %get3A_2206[%gather3A_2317] in [0] : vector<16xf32>, vector<16xi32> -> vector<16xf32>
    %swap3A_2319 = arith.constant 101 : i32
    %swap3A_2320 = arith.constant 0 : i32
    %swap3A_2321 = tpu.memref_slice %arg14[%swap3A_2319, %swap3A_2320] : memref<128x896xf32, #tpu.memory_space<vmem>> -> memref<1x896xf32, #tpu.memory_space<vmem>>
    %swap3A_2322 = tpu.memref_squeeze %swap3A_2321 : memref<1x896xf32, #tpu.memory_space<vmem>> -> memref<896xf32, #tpu.memory_space<vmem>>
    %swap3A_2323 = arith.constant 768 : index
    %swap3A_2324 = tpu.vector_load %swap3A_2322[%swap3A_2323] {strides = array<i32>} : memref<896xf32, #tpu.memory_space<vmem>>, vector<16xf32>,
    %swap3A_2325 = vector.shape_cast %swap3A_2324 : vector<16xf32> to vector<16xf32>
    %swap3A_2326 = vector.shape_cast %gather3A_2318 : vector<16xf32> to vector<16xf32>
    tpu.vector_store %swap3A_2322[%swap3A_2323], %swap3A_2326 {strides = array<i32>} : memref<896xf32, #tpu.memory_space<vmem>>, vector<16xf32>,
    %broadcast_in_dim3A_2327 = arith.constant 6 : i32
    %broadcast_in_dim3A_2328 = vector.broadcast %broadcast_in_dim3A_2327 : i32 to vector<16xi32>
    %lt3A_2329 = arith.constant 0 : i32
    %lt3A_2330 = vector.broadcast %lt3A_2329 : i32 to vector<16xi32>
    %lt3A_2331 = arith.cmpi slt, %broadcast_in_dim3A_2328, %lt3A_2330 : vector<16xi32>
    %add3A_2332 = arith.constant 16 : i32
    %add3A_2333 = vector.broadcast %add3A_2332 : i32 to vector<16xi32>
    %add3A_2334 = arith.addi %broadcast_in_dim3A_2328, %add3A_2333 : vector<16xi32>
    %select_n3A_2335 = arith.select %lt3A_2331, %add3A_2334, %broadcast_in_dim3A_2328 : vector<16xi1>, vector<16xi32>
    %broadcast_in_dim3A_2336 = vector.shape_cast %select_n3A_2335 : vector<16xi32> to vector<16x1xi32>
    %gather3A_2337 = vector.shape_cast %broadcast_in_dim3A_2336 : vector<16x1xi32> to vector<16xi32>
    %gather3A_2338 = tpu.dynamic_gather %get3A_2206[%gather3A_2337] in [0] : vector<16xf32>, vector<16xi32> -> vector<16xf32>
    %swap3A_2339 = arith.constant 102 : i32
    %swap3A_2340 = arith.constant 0 : i32
    %swap3A_2341 = tpu.memref_slice %arg14[%swap3A_2339, %swap3A_2340] : memref<128x896xf32, #tpu.memory_space<vmem>> -> memref<1x896xf32, #tpu.memory_space<vmem>>
    %swap3A_2342 = tpu.memref_squeeze %swap3A_2341 : memref<1x896xf32, #tpu.memory_space<vmem>> -> memref<896xf32, #tpu.memory_space<vmem>>
    %swap3A_2343 = arith.constant 768 : index
    %swap3A_2344 = tpu.vector_load %swap3A_2342[%swap3A_2343] {strides = array<i32>} : memref<896xf32, #tpu.memory_space<vmem>>, vector<16xf32>,
    %swap3A_2345 = vector.shape_cast %swap3A_2344 : vector<16xf32> to vector<16xf32>
    %swap3A_2346 = vector.shape_cast %gather3A_2338 : vector<16xf32> to vector<16xf32>
    tpu.vector_store %swap3A_2342[%swap3A_2343], %swap3A_2346 {strides = array<i32>} : memref<896xf32, #tpu.memory_space<vmem>>, vector<16xf32>,
    %broadcast_in_dim3A_2347 = arith.constant 7 : i32
    %broadcast_in_dim3A_2348 = vector.broadcast %broadcast_in_dim3A_2347 : i32 to vector<16xi32>
    %lt3A_2349 = arith.constant 0 : i32
    %lt3A_2350 = vector.broadcast %lt3A_2349 : i32 to vector<16xi32>
    %lt3A_2351 = arith.cmpi slt, %broadcast_in_dim3A_2348, %lt3A_2350 : vector<16xi32>
    %add3A_2352 = arith.constant 16 : i32
    %add3A_2353 = vector.broadcast %add3A_2352 : i32 to vector<16xi32>
    %add3A_2354 = arith.addi %broadcast_in_dim3A_2348, %add3A_2353 : vector<16xi32>
    %select_n3A_2355 = arith.select %lt3A_2351, %add3A_2354, %broadcast_in_dim3A_2348 : vector<16xi1>, vector<16xi32>
    %broadcast_in_dim3A_2356 = vector.shape_cast %select_n3A_2355 : vector<16xi32> to vector<16x1xi32>
    %gather3A_2357 = vector.shape_cast %broadcast_in_dim3A_2356 : vector<16x1xi32> to vector<16xi32>
    %gather3A_2358 = tpu.dynamic_gather %get3A_2206[%gather3A_2357] in [0] : vector<16xf32>, vector<16xi32> -> vector<16xf32>
    %swap3A_2359 = arith.constant 103 : i32
    %swap3A_2360 = arith.constant 0 : i32
    %swap3A_2361 = tpu.memref_slice %arg14[%swap3A_2359, %swap3A_2360] : memref<128x896xf32, #tpu.memory_space<vmem>> -> memref<1x896xf32, #tpu.memory_space<vmem>>
    %swap3A_2362 = tpu.memref_squeeze %swap3A_2361 : memref<1x896xf32, #tpu.memory_space<vmem>> -> memref<896xf32, #tpu.memory_space<vmem>>
    %swap3A_2363 = arith.constant 768 : index
    %swap3A_2364 = tpu.vector_load %swap3A_2362[%swap3A_2363] {strides = array<i32>} : memref<896xf32, #tpu.memory_space<vmem>>, vector<16xf32>,
    %swap3A_2365 = vector.shape_cast %swap3A_2364 : vector<16xf32> to vector<16xf32>
    %swap3A_2366 = vector.shape_cast %gather3A_2358 : vector<16xf32> to vector<16xf32>
    tpu.vector_store %swap3A_2362[%swap3A_2363], %swap3A_2366 {strides = array<i32>} : memref<896xf32, #tpu.memory_space<vmem>>, vector<16xf32>,
    %broadcast_in_dim3A_2367 = arith.constant 8 : i32
    %broadcast_in_dim3A_2368 = vector.broadcast %broadcast_in_dim3A_2367 : i32 to vector<16xi32>
    %lt3A_2369 = arith.constant 0 : i32
    %lt3A_2370 = vector.broadcast %lt3A_2369 : i32 to vector<16xi32>
    %lt3A_2371 = arith.cmpi slt, %broadcast_in_dim3A_2368, %lt3A_2370 : vector<16xi32>
    %add3A_2372 = arith.constant 16 : i32
    %add3A_2373 = vector.broadcast %add3A_2372 : i32 to vector<16xi32>
    %add3A_2374 = arith.addi %broadcast_in_dim3A_2368, %add3A_2373 : vector<16xi32>
    %select_n3A_2375 = arith.select %lt3A_2371, %add3A_2374, %broadcast_in_dim3A_2368 : vector<16xi1>, vector<16xi32>
    %broadcast_in_dim3A_2376 = vector.shape_cast %select_n3A_2375 : vector<16xi32> to vector<16x1xi32>
    %gather3A_2377 = vector.shape_cast %broadcast_in_dim3A_2376 : vector<16x1xi32> to vector<16xi32>
    %gather3A_2378 = tpu.dynamic_gather %get3A_2206[%gather3A_2377] in [0] : vector<16xf32>, vector<16xi32> -> vector<16xf32>
    %swap3A_2379 = arith.constant 104 : i32
    %swap3A_2380 = arith.constant 0 : i32
    %swap3A_2381 = tpu.memref_slice %arg14[%swap3A_2379, %swap3A_2380] : memref<128x896xf32, #tpu.memory_space<vmem>> -> memref<1x896xf32, #tpu.memory_space<vmem>>
    %swap3A_2382 = tpu.memref_squeeze %swap3A_2381 : memref<1x896xf32, #tpu.memory_space<vmem>> -> memref<896xf32, #tpu.memory_space<vmem>>
    %swap3A_2383 = arith.constant 768 : index
    %swap3A_2384 = tpu.vector_load %swap3A_2382[%swap3A_2383] {strides = array<i32>} : memref<896xf32, #tpu.memory_space<vmem>>, vector<16xf32>,
    %swap3A_2385 = vector.shape_cast %swap3A_2384 : vector<16xf32> to vector<16xf32>
    %swap3A_2386 = vector.shape_cast %gather3A_2378 : vector<16xf32> to vector<16xf32>
    tpu.vector_store %swap3A_2382[%swap3A_2383], %swap3A_2386 {strides = array<i32>} : memref<896xf32, #tpu.memory_space<vmem>>, vector<16xf32>,
    %broadcast_in_dim3A_2387 = arith.constant 9 : i32
    %broadcast_in_dim3A_2388 = vector.broadcast %broadcast_in_dim3A_2387 : i32 to vector<16xi32>
    %lt3A_2389 = arith.constant 0 : i32
    %lt3A_2390 = vector.broadcast %lt3A_2389 : i32 to vector<16xi32>
    %lt3A_2391 = arith.cmpi slt, %broadcast_in_dim3A_2388, %lt3A_2390 : vector<16xi32>
    %add3A_2392 = arith.constant 16 : i32
    %add3A_2393 = vector.broadcast %add3A_2392 : i32 to vector<16xi32>
    %add3A_2394 = arith.addi %broadcast_in_dim3A_2388, %add3A_2393 : vector<16xi32>
    %select_n3A_2395 = arith.select %lt3A_2391, %add3A_2394, %broadcast_in_dim3A_2388 : vector<16xi1>, vector<16xi32>
    %broadcast_in_dim3A_2396 = vector.shape_cast %select_n3A_2395 : vector<16xi32> to vector<16x1xi32>
    %gather3A_2397 = vector.shape_cast %broadcast_in_dim3A_2396 : vector<16x1xi32> to vector<16xi32>
    %gather3A_2398 = tpu.dynamic_gather %get3A_2206[%gather3A_2397] in [0] : vector<16xf32>, vector<16xi32> -> vector<16xf32>
    %swap3A_2399 = arith.constant 105 : i32
    %swap3A_2400 = arith.constant 0 : i32
    %swap3A_2401 = tpu.memref_slice %arg14[%swap3A_2399, %swap3A_2400] : memref<128x896xf32, #tpu.memory_space<vmem>> -> memref<1x896xf32, #tpu.memory_space<vmem>>
    %swap3A_2402 = tpu.memref_squeeze %swap3A_2401 : memref<1x896xf32, #tpu.memory_space<vmem>> -> memref<896xf32, #tpu.memory_space<vmem>>
    %swap3A_2403 = arith.constant 768 : index
    %swap3A_2404 = tpu.vector_load %swap3A_2402[%swap3A_2403] {strides = array<i32>} : memref<896xf32, #tpu.memory_space<vmem>>, vector<16xf32>,
    %swap3A_2405 = vector.shape_cast %swap3A_2404 : vector<16xf32> to vector<16xf32>
    %swap3A_2406 = vector.shape_cast %gather3A_2398 : vector<16xf32> to vector<16xf32>
    tpu.vector_store %swap3A_2402[%swap3A_2403], %swap3A_2406 {strides = array<i32>} : memref<896xf32, #tpu.memory_space<vmem>>, vector<16xf32>,
    %broadcast_in_dim3A_2407 = arith.constant 10 : i32
    %broadcast_in_dim3A_2408 = vector.broadcast %broadcast_in_dim3A_2407 : i32 to vector<16xi32>
    %lt3A_2409 = arith.constant 0 : i32
    %lt3A_2410 = vector.broadcast %lt3A_2409 : i32 to vector<16xi32>
    %lt3A_2411 = arith.cmpi slt, %broadcast_in_dim3A_2408, %lt3A_2410 : vector<16xi32>
    %add3A_2412 = arith.constant 16 : i32
    %add3A_2413 = vector.broadcast %add3A_2412 : i32 to vector<16xi32>
    %add3A_2414 = arith.addi %broadcast_in_dim3A_2408, %add3A_2413 : vector<16xi32>
    %select_n3A_2415 = arith.select %lt3A_2411, %add3A_2414, %broadcast_in_dim3A_2408 : vector<16xi1>, vector<16xi32>
    %broadcast_in_dim3A_2416 = vector.shape_cast %select_n3A_2415 : vector<16xi32> to vector<16x1xi32>
    %gather3A_2417 = vector.shape_cast %broadcast_in_dim3A_2416 : vector<16x1xi32> to vector<16xi32>
    %gather3A_2418 = tpu.dynamic_gather %get3A_2206[%gather3A_2417] in [0] : vector<16xf32>, vector<16xi32> -> vector<16xf32>
    %swap3A_2419 = arith.constant 106 : i32
    %swap3A_2420 = arith.constant 0 : i32
    %swap3A_2421 = tpu.memref_slice %arg14[%swap3A_2419, %swap3A_2420] : memref<128x896xf32, #tpu.memory_space<vmem>> -> memref<1x896xf32, #tpu.memory_space<vmem>>
    %swap3A_2422 = tpu.memref_squeeze %swap3A_2421 : memref<1x896xf32, #tpu.memory_space<vmem>> -> memref<896xf32, #tpu.memory_space<vmem>>
    %swap3A_2423 = arith.constant 768 : index
    %swap3A_2424 = tpu.vector_load %swap3A_2422[%swap3A_2423] {strides = array<i32>} : memref<896xf32, #tpu.memory_space<vmem>>, vector<16xf32>,
    %swap3A_2425 = vector.shape_cast %swap3A_2424 : vector<16xf32> to vector<16xf32>
    %swap3A_2426 = vector.shape_cast %gather3A_2418 : vector<16xf32> to vector<16xf32>
    tpu.vector_store %swap3A_2422[%swap3A_2423], %swap3A_2426 {strides = array<i32>} : memref<896xf32, #tpu.memory_space<vmem>>, vector<16xf32>,
    %broadcast_in_dim3A_2427 = arith.constant 11 : i32
    %broadcast_in_dim3A_2428 = vector.broadcast %broadcast_in_dim3A_2427 : i32 to vector<16xi32>
    %lt3A_2429 = arith.constant 0 : i32
    %lt3A_2430 = vector.broadcast %lt3A_2429 : i32 to vector<16xi32>
    %lt3A_2431 = arith.cmpi slt, %broadcast_in_dim3A_2428, %lt3A_2430 : vector<16xi32>
    %add3A_2432 = arith.constant 16 : i32
    %add3A_2433 = vector.broadcast %add3A_2432 : i32 to vector<16xi32>
    %add3A_2434 = arith.addi %broadcast_in_dim3A_2428, %add3A_2433 : vector<16xi32>
    %select_n3A_2435 = arith.select %lt3A_2431, %add3A_2434, %broadcast_in_dim3A_2428 : vector<16xi1>, vector<16xi32>
    %broadcast_in_dim3A_2436 = vector.shape_cast %select_n3A_2435 : vector<16xi32> to vector<16x1xi32>
    %gather3A_2437 = vector.shape_cast %broadcast_in_dim3A_2436 : vector<16x1xi32> to vector<16xi32>
    %gather3A_2438 = tpu.dynamic_gather %get3A_2206[%gather3A_2437] in [0] : vector<16xf32>, vector<16xi32> -> vector<16xf32>
    %swap3A_2439 = arith.constant 107 : i32
    %swap3A_2440 = arith.constant 0 : i32
    %swap3A_2441 = tpu.memref_slice %arg14[%swap3A_2439, %swap3A_2440] : memref<128x896xf32, #tpu.memory_space<vmem>> -> memref<1x896xf32, #tpu.memory_space<vmem>>
    %swap3A_2442 = tpu.memref_squeeze %swap3A_2441 : memref<1x896xf32, #tpu.memory_space<vmem>> -> memref<896xf32, #tpu.memory_space<vmem>>
    %swap3A_2443 = arith.constant 768 : index
    %swap3A_2444 = tpu.vector_load %swap3A_2442[%swap3A_2443] {strides = array<i32>} : memref<896xf32, #tpu.memory_space<vmem>>, vector<16xf32>,
    %swap3A_2445 = vector.shape_cast %swap3A_2444 : vector<16xf32> to vector<16xf32>
    %swap3A_2446 = vector.shape_cast %gather3A_2438 : vector<16xf32> to vector<16xf32>
    tpu.vector_store %swap3A_2442[%swap3A_2443], %swap3A_2446 {strides = array<i32>} : memref<896xf32, #tpu.memory_space<vmem>>, vector<16xf32>,
    %broadcast_in_dim3A_2447 = arith.constant 12 : i32
    %broadcast_in_dim3A_2448 = vector.broadcast %broadcast_in_dim3A_2447 : i32 to vector<16xi32>
    %lt3A_2449 = arith.constant 0 : i32
    %lt3A_2450 = vector.broadcast %lt3A_2449 : i32 to vector<16xi32>
    %lt3A_2451 = arith.cmpi slt, %broadcast_in_dim3A_2448, %lt3A_2450 : vector<16xi32>
    %add3A_2452 = arith.constant 16 : i32
    %add3A_2453 = vector.broadcast %add3A_2452 : i32 to vector<16xi32>
    %add3A_2454 = arith.addi %broadcast_in_dim3A_2448, %add3A_2453 : vector<16xi32>
    %select_n3A_2455 = arith.select %lt3A_2451, %add3A_2454, %broadcast_in_dim3A_2448 : vector<16xi1>, vector<16xi32>
    %broadcast_in_dim3A_2456 = vector.shape_cast %select_n3A_2455 : vector<16xi32> to vector<16x1xi32>
    %gather3A_2457 = vector.shape_cast %broadcast_in_dim3A_2456 : vector<16x1xi32> to vector<16xi32>
    %gather3A_2458 = tpu.dynamic_gather %get3A_2206[%gather3A_2457] in [0] : vector<16xf32>, vector<16xi32> -> vector<16xf32>
    %swap3A_2459 = arith.constant 108 : i32
    %swap3A_2460 = arith.constant 0 : i32
    %swap3A_2461 = tpu.memref_slice %arg14[%swap3A_2459, %swap3A_2460] : memref<128x896xf32, #tpu.memory_space<vmem>> -> memref<1x896xf32, #tpu.memory_space<vmem>>
    %swap3A_2462 = tpu.memref_squeeze %swap3A_2461 : memref<1x896xf32, #tpu.memory_space<vmem>> -> memref<896xf32, #tpu.memory_space<vmem>>
    %swap3A_2463 = arith.constant 768 : index
    %swap3A_2464 = tpu.vector_load %swap3A_2462[%swap3A_2463] {strides = array<i32>} : memref<896xf32, #tpu.memory_space<vmem>>, vector<16xf32>,
    %swap3A_2465 = vector.shape_cast %swap3A_2464 : vector<16xf32> to vector<16xf32>
    %swap3A_2466 = vector.shape_cast %gather3A_2458 : vector<16xf32> to vector<16xf32>
    tpu.vector_store %swap3A_2462[%swap3A_2463], %swap3A_2466 {strides = array<i32>} : memref<896xf32, #tpu.memory_space<vmem>>, vector<16xf32>,
    %broadcast_in_dim3A_2467 = arith.constant 13 : i32
    %broadcast_in_dim3A_2468 = vector.broadcast %broadcast_in_dim3A_2467 : i32 to vector<16xi32>
    %lt3A_2469 = arith.constant 0 : i32
    %lt3A_2470 = vector.broadcast %lt3A_2469 : i32 to vector<16xi32>
    %lt3A_2471 = arith.cmpi slt, %broadcast_in_dim3A_2468, %lt3A_2470 : vector<16xi32>
    %add3A_2472 = arith.constant 16 : i32
    %add3A_2473 = vector.broadcast %add3A_2472 : i32 to vector<16xi32>
    %add3A_2474 = arith.addi %broadcast_in_dim3A_2468, %add3A_2473 : vector<16xi32>
    %select_n3A_2475 = arith.select %lt3A_2471, %add3A_2474, %broadcast_in_dim3A_2468 : vector<16xi1>, vector<16xi32>
    %broadcast_in_dim3A_2476 = vector.shape_cast %select_n3A_2475 : vector<16xi32> to vector<16x1xi32>
    %gather3A_2477 = vector.shape_cast %broadcast_in_dim3A_2476 : vector<16x1xi32> to vector<16xi32>
    %gather3A_2478 = tpu.dynamic_gather %get3A_2206[%gather3A_2477] in [0] : vector<16xf32>, vector<16xi32> -> vector<16xf32>
    %swap3A_2479 = arith.constant 109 : i32
    %swap3A_2480 = arith.constant 0 : i32
    %swap3A_2481 = tpu.memref_slice %arg14[%swap3A_2479, %swap3A_2480] : memref<128x896xf32, #tpu.memory_space<vmem>> -> memref<1x896xf32, #tpu.memory_space<vmem>>
    %swap3A_2482 = tpu.memref_squeeze %swap3A_2481 : memref<1x896xf32, #tpu.memory_space<vmem>> -> memref<896xf32, #tpu.memory_space<vmem>>
    %swap3A_2483 = arith.constant 768 : index
    %swap3A_2484 = tpu.vector_load %swap3A_2482[%swap3A_2483] {strides = array<i32>} : memref<896xf32, #tpu.memory_space<vmem>>, vector<16xf32>,
    %swap3A_2485 = vector.shape_cast %swap3A_2484 : vector<16xf32> to vector<16xf32>
    %swap3A_2486 = vector.shape_cast %gather3A_2478 : vector<16xf32> to vector<16xf32>
    tpu.vector_store %swap3A_2482[%swap3A_2483], %swap3A_2486 {strides = array<i32>} : memref<896xf32, #tpu.memory_space<vmem>>, vector<16xf32>,
    %broadcast_in_dim3A_2487 = arith.constant 14 : i32
    %broadcast_in_dim3A_2488 = vector.broadcast %broadcast_in_dim3A_2487 : i32 to vector<16xi32>
    %lt3A_2489 = arith.constant 0 : i32
    %lt3A_2490 = vector.broadcast %lt3A_2489 : i32 to vector<16xi32>
    %lt3A_2491 = arith.cmpi slt, %broadcast_in_dim3A_2488, %lt3A_2490 : vector<16xi32>
    %add3A_2492 = arith.constant 16 : i32
    %add3A_2493 = vector.broadcast %add3A_2492 : i32 to vector<16xi32>
    %add3A_2494 = arith.addi %broadcast_in_dim3A_2488, %add3A_2493 : vector<16xi32>
    %select_n3A_2495 = arith.select %lt3A_2491, %add3A_2494, %broadcast_in_dim3A_2488 : vector<16xi1>, vector<16xi32>
    %broadcast_in_dim3A_2496 = vector.shape_cast %select_n3A_2495 : vector<16xi32> to vector<16x1xi32>
    %gather3A_2497 = vector.shape_cast %broadcast_in_dim3A_2496 : vector<16x1xi32> to vector<16xi32>
    %gather3A_2498 = tpu.dynamic_gather %get3A_2206[%gather3A_2497] in [0] : vector<16xf32>, vector<16xi32> -> vector<16xf32>
    %swap3A_2499 = arith.constant 110 : i32
    %swap3A_2500 = arith.constant 0 : i32
    %swap3A_2501 = tpu.memref_slice %arg14[%swap3A_2499, %swap3A_2500] : memref<128x896xf32, #tpu.memory_space<vmem>> -> memref<1x896xf32, #tpu.memory_space<vmem>>
    %swap3A_2502 = tpu.memref_squeeze %swap3A_2501 : memref<1x896xf32, #tpu.memory_space<vmem>> -> memref<896xf32, #tpu.memory_space<vmem>>
    %swap3A_2503 = arith.constant 768 : index
    %swap3A_2504 = tpu.vector_load %swap3A_2502[%swap3A_2503] {strides = array<i32>} : memref<896xf32, #tpu.memory_space<vmem>>, vector<16xf32>,
    %swap3A_2505 = vector.shape_cast %swap3A_2504 : vector<16xf32> to vector<16xf32>
    %swap3A_2506 = vector.shape_cast %gather3A_2498 : vector<16xf32> to vector<16xf32>
    tpu.vector_store %swap3A_2502[%swap3A_2503], %swap3A_2506 {strides = array<i32>} : memref<896xf32, #tpu.memory_space<vmem>>, vector<16xf32>,
    %broadcast_in_dim3A_2507 = arith.constant 15 : i32
    %broadcast_in_dim3A_2508 = vector.broadcast %broadcast_in_dim3A_2507 : i32 to vector<16xi32>
    %lt3A_2509 = arith.constant 0 : i32
    %lt3A_2510 = vector.broadcast %lt3A_2509 : i32 to vector<16xi32>
    %lt3A_2511 = arith.cmpi slt, %broadcast_in_dim3A_2508, %lt3A_2510 : vector<16xi32>
    %add3A_2512 = arith.constant 16 : i32
    %add3A_2513 = vector.broadcast %add3A_2512 : i32 to vector<16xi32>
    %add3A_2514 = arith.addi %broadcast_in_dim3A_2508, %add3A_2513 : vector<16xi32>
    %select_n3A_2515 = arith.select %lt3A_2511, %add3A_2514, %broadcast_in_dim3A_2508 : vector<16xi1>, vector<16xi32>
    %broadcast_in_dim3A_2516 = vector.shape_cast %select_n3A_2515 : vector<16xi32> to vector<16x1xi32>
    %gather3A_2517 = vector.shape_cast %broadcast_in_dim3A_2516 : vector<16x1xi32> to vector<16xi32>
    %gather3A_2518 = tpu.dynamic_gather %get3A_2206[%gather3A_2517] in [0] : vector<16xf32>, vector<16xi32> -> vector<16xf32>
    %swap3A_2519 = arith.constant 111 : i32
    %swap3A_2520 = arith.constant 0 : i32
    %swap3A_2521 = tpu.memref_slice %arg14[%swap3A_2519, %swap3A_2520] : memref<128x896xf32, #tpu.memory_space<vmem>> -> memref<1x896xf32, #tpu.memory_space<vmem>>
    %swap3A_2522 = tpu.memref_squeeze %swap3A_2521 : memref<1x896xf32, #tpu.memory_space<vmem>> -> memref<896xf32, #tpu.memory_space<vmem>>
    %swap3A_2523 = arith.constant 768 : index
    %swap3A_2524 = tpu.vector_load %swap3A_2522[%swap3A_2523] {strides = array<i32>} : memref<896xf32, #tpu.memory_space<vmem>>, vector<16xf32>,
    %swap3A_2525 = vector.shape_cast %swap3A_2524 : vector<16xf32> to vector<16xf32>
    %swap3A_2526 = vector.shape_cast %gather3A_2518 : vector<16xf32> to vector<16xf32>
    tpu.vector_store %swap3A_2522[%swap3A_2523], %swap3A_2526 {strides = array<i32>} : memref<896xf32, #tpu.memory_space<vmem>>, vector<16xf32>,
    %get3A_2527 = arith.constant 112 : index
    %get3A_2528 = tpu.vector_load %arg9[%get3A_2527] {strides = array<i32>} : memref<128xi32, #tpu.memory_space<vmem>>, vector<16xi32>,
    %get3A_2529 = vector.shape_cast %get3A_2528 : vector<16xi32> to vector<16xi32>
    %lt3A_2530 = arith.constant 0 : i32
    %lt3A_2531 = vector.broadcast %lt3A_2530 : i32 to vector<16xi32>
    %lt3A_2532 = arith.cmpi slt, %get3A_2529, %lt3A_2531 : vector<16xi32>
    %add3A_2533 = arith.constant 16 : i32
    %add3A_2534 = vector.broadcast %add3A_2533 : i32 to vector<16xi32>
    %add3A_2535 = arith.addi %get3A_2529, %add3A_2534 : vector<16xi32>
    %select_n3A_2536 = arith.select %lt3A_2532, %add3A_2535, %get3A_2529 : vector<16xi1>, vector<16xi32>
    %broadcast_in_dim3A_2537 = vector.shape_cast %select_n3A_2536 : vector<16xi32> to vector<16x1xi32>
    %gather3A_2538 = vector.shape_cast %broadcast_in_dim3A_2537 : vector<16x1xi32> to vector<16xi32>
    %gather3A_2539 = tpu.dynamic_gather %select_n3A_119[%gather3A_2538] in [0] : vector<16xi32>, vector<16xi32> -> vector<16xi32>
    %get3A_2540 = arith.constant 112 : index
    %get3A_2541 = tpu.vector_load %arg10[%get3A_2540] {strides = array<i32>} : memref<128xi32, #tpu.memory_space<vmem>>, vector<16xi32>,
    %get3A_2542 = vector.shape_cast %get3A_2541 : vector<16xi32> to vector<16xi32>
    %add3A_2543 = arith.addi %gather3A_2539, %get3A_2542 : vector<16xi32>
    %swap3A_2544 = arith.constant 112 : index
    %swap3A_2545 = tpu.vector_load %arg13[%swap3A_2544] {strides = array<i32>} : memref<128xi32, #tpu.memory_space<vmem>>, vector<16xi32>,
    %swap3A_2546 = vector.shape_cast %swap3A_2545 : vector<16xi32> to vector<16xi32>
    %swap3A_2547 = vector.shape_cast %add3A_2543 : vector<16xi32> to vector<16xi32>
    tpu.vector_store %arg13[%swap3A_2544], %swap3A_2547 {strides = array<i32>} : memref<128xi32, #tpu.memory_space<vmem>>, vector<16xi32>,
    %get3A_2548 = arith.constant 112 : index
    %get3A_2549 = tpu.vector_load %arg11[%get3A_2548] {strides = array<i32>} : memref<128xf32, #tpu.memory_space<vmem>>, vector<16xf32>,
    %get3A_2550 = vector.shape_cast %get3A_2549 : vector<16xf32> to vector<16xf32>
    %broadcast_in_dim3A_2551 = arith.constant 0 : i32
    %broadcast_in_dim3A_2552 = vector.broadcast %broadcast_in_dim3A_2551 : i32 to vector<16xi32>
    %lt3A_2553 = arith.constant 0 : i32
    %lt3A_2554 = vector.broadcast %lt3A_2553 : i32 to vector<16xi32>
    %lt3A_2555 = arith.cmpi slt, %broadcast_in_dim3A_2552, %lt3A_2554 : vector<16xi32>
    %add3A_2556 = arith.constant 16 : i32
    %add3A_2557 = vector.broadcast %add3A_2556 : i32 to vector<16xi32>
    %add3A_2558 = arith.addi %broadcast_in_dim3A_2552, %add3A_2557 : vector<16xi32>
    %select_n3A_2559 = arith.select %lt3A_2555, %add3A_2558, %broadcast_in_dim3A_2552 : vector<16xi1>, vector<16xi32>
    %broadcast_in_dim3A_2560 = vector.shape_cast %select_n3A_2559 : vector<16xi32> to vector<16x1xi32>
    %gather3A_2561 = vector.shape_cast %broadcast_in_dim3A_2560 : vector<16x1xi32> to vector<16xi32>
    %gather3A_2562 = tpu.dynamic_gather %get3A_2550[%gather3A_2561] in [0] : vector<16xf32>, vector<16xi32> -> vector<16xf32>
    %swap3A_2563 = arith.constant 112 : i32
    %swap3A_2564 = arith.constant 0 : i32
    %swap3A_2565 = tpu.memref_slice %arg14[%swap3A_2563, %swap3A_2564] : memref<128x896xf32, #tpu.memory_space<vmem>> -> memref<1x896xf32, #tpu.memory_space<vmem>>
    %swap3A_2566 = tpu.memref_squeeze %swap3A_2565 : memref<1x896xf32, #tpu.memory_space<vmem>> -> memref<896xf32, #tpu.memory_space<vmem>>
    %swap3A_2567 = arith.constant 768 : index
    %swap3A_2568 = tpu.vector_load %swap3A_2566[%swap3A_2567] {strides = array<i32>} : memref<896xf32, #tpu.memory_space<vmem>>, vector<16xf32>,
    %swap3A_2569 = vector.shape_cast %swap3A_2568 : vector<16xf32> to vector<16xf32>
    %swap3A_2570 = vector.shape_cast %gather3A_2562 : vector<16xf32> to vector<16xf32>
    tpu.vector_store %swap3A_2566[%swap3A_2567], %swap3A_2570 {strides = array<i32>} : memref<896xf32, #tpu.memory_space<vmem>>, vector<16xf32>,
    %broadcast_in_dim3A_2571 = arith.constant 1 : i32
    %broadcast_in_dim3A_2572 = vector.broadcast %broadcast_in_dim3A_2571 : i32 to vector<16xi32>
    %lt3A_2573 = arith.constant 0 : i32
    %lt3A_2574 = vector.broadcast %lt3A_2573 : i32 to vector<16xi32>
    %lt3A_2575 = arith.cmpi slt, %broadcast_in_dim3A_2572, %lt3A_2574 : vector<16xi32>
    %add3A_2576 = arith.constant 16 : i32
    %add3A_2577 = vector.broadcast %add3A_2576 : i32 to vector<16xi32>
    %add3A_2578 = arith.addi %broadcast_in_dim3A_2572, %add3A_2577 : vector<16xi32>
    %select_n3A_2579 = arith.select %lt3A_2575, %add3A_2578, %broadcast_in_dim3A_2572 : vector<16xi1>, vector<16xi32>
    %broadcast_in_dim3A_2580 = vector.shape_cast %select_n3A_2579 : vector<16xi32> to vector<16x1xi32>
    %gather3A_2581 = vector.shape_cast %broadcast_in_dim3A_2580 : vector<16x1xi32> to vector<16xi32>
    %gather3A_2582 = tpu.dynamic_gather %get3A_2550[%gather3A_2581] in [0] : vector<16xf32>, vector<16xi32> -> vector<16xf32>
    %swap3A_2583 = arith.constant 113 : i32
    %swap3A_2584 = arith.constant 0 : i32
    %swap3A_2585 = tpu.memref_slice %arg14[%swap3A_2583, %swap3A_2584] : memref<128x896xf32, #tpu.memory_space<vmem>> -> memref<1x896xf32, #tpu.memory_space<vmem>>
    %swap3A_2586 = tpu.memref_squeeze %swap3A_2585 : memref<1x896xf32, #tpu.memory_space<vmem>> -> memref<896xf32, #tpu.memory_space<vmem>>
    %swap3A_2587 = arith.constant 768 : index
    %swap3A_2588 = tpu.vector_load %swap3A_2586[%swap3A_2587] {strides = array<i32>} : memref<896xf32, #tpu.memory_space<vmem>>, vector<16xf32>,
    %swap3A_2589 = vector.shape_cast %swap3A_2588 : vector<16xf32> to vector<16xf32>
    %swap3A_2590 = vector.shape_cast %gather3A_2582 : vector<16xf32> to vector<16xf32>
    tpu.vector_store %swap3A_2586[%swap3A_2587], %swap3A_2590 {strides = array<i32>} : memref<896xf32, #tpu.memory_space<vmem>>, vector<16xf32>,
    %broadcast_in_dim3A_2591 = arith.constant 2 : i32
    %broadcast_in_dim3A_2592 = vector.broadcast %broadcast_in_dim3A_2591 : i32 to vector<16xi32>
    %lt3A_2593 = arith.constant 0 : i32
    %lt3A_2594 = vector.broadcast %lt3A_2593 : i32 to vector<16xi32>
    %lt3A_2595 = arith.cmpi slt, %broadcast_in_dim3A_2592, %lt3A_2594 : vector<16xi32>
    %add3A_2596 = arith.constant 16 : i32
    %add3A_2597 = vector.broadcast %add3A_2596 : i32 to vector<16xi32>
    %add3A_2598 = arith.addi %broadcast_in_dim3A_2592, %add3A_2597 : vector<16xi32>
    %select_n3A_2599 = arith.select %lt3A_2595, %add3A_2598, %broadcast_in_dim3A_2592 : vector<16xi1>, vector<16xi32>
    %broadcast_in_dim3A_2600 = vector.shape_cast %select_n3A_2599 : vector<16xi32> to vector<16x1xi32>
    %gather3A_2601 = vector.shape_cast %broadcast_in_dim3A_2600 : vector<16x1xi32> to vector<16xi32>
    %gather3A_2602 = tpu.dynamic_gather %get3A_2550[%gather3A_2601] in [0] : vector<16xf32>, vector<16xi32> -> vector<16xf32>
    %swap3A_2603 = arith.constant 114 : i32
    %swap3A_2604 = arith.constant 0 : i32
    %swap3A_2605 = tpu.memref_slice %arg14[%swap3A_2603, %swap3A_2604] : memref<128x896xf32, #tpu.memory_space<vmem>> -> memref<1x896xf32, #tpu.memory_space<vmem>>
    %swap3A_2606 = tpu.memref_squeeze %swap3A_2605 : memref<1x896xf32, #tpu.memory_space<vmem>> -> memref<896xf32, #tpu.memory_space<vmem>>
    %swap3A_2607 = arith.constant 768 : index
    %swap3A_2608 = tpu.vector_load %swap3A_2606[%swap3A_2607] {strides = array<i32>} : memref<896xf32, #tpu.memory_space<vmem>>, vector<16xf32>,
    %swap3A_2609 = vector.shape_cast %swap3A_2608 : vector<16xf32> to vector<16xf32>
    %swap3A_2610 = vector.shape_cast %gather3A_2602 : vector<16xf32> to vector<16xf32>
    tpu.vector_store %swap3A_2606[%swap3A_2607], %swap3A_2610 {strides = array<i32>} : memref<896xf32, #tpu.memory_space<vmem>>, vector<16xf32>,
    %broadcast_in_dim3A_2611 = arith.constant 3 : i32
    %broadcast_in_dim3A_2612 = vector.broadcast %broadcast_in_dim3A_2611 : i32 to vector<16xi32>
    %lt3A_2613 = arith.constant 0 : i32
    %lt3A_2614 = vector.broadcast %lt3A_2613 : i32 to vector<16xi32>
    %lt3A_2615 = arith.cmpi slt, %broadcast_in_dim3A_2612, %lt3A_2614 : vector<16xi32>
    %add3A_2616 = arith.constant 16 : i32
    %add3A_2617 = vector.broadcast %add3A_2616 : i32 to vector<16xi32>
    %add3A_2618 = arith.addi %broadcast_in_dim3A_2612, %add3A_2617 : vector<16xi32>
    %select_n3A_2619 = arith.select %lt3A_2615, %add3A_2618, %broadcast_in_dim3A_2612 : vector<16xi1>, vector<16xi32>
    %broadcast_in_dim3A_2620 = vector.shape_cast %select_n3A_2619 : vector<16xi32> to vector<16x1xi32>
    %gather3A_2621 = vector.shape_cast %broadcast_in_dim3A_2620 : vector<16x1xi32> to vector<16xi32>
    %gather3A_2622 = tpu.dynamic_gather %get3A_2550[%gather3A_2621] in [0] : vector<16xf32>, vector<16xi32> -> vector<16xf32>
    %swap3A_2623 = arith.constant 115 : i32
    %swap3A_2624 = arith.constant 0 : i32
    %swap3A_2625 = tpu.memref_slice %arg14[%swap3A_2623, %swap3A_2624] : memref<128x896xf32, #tpu.memory_space<vmem>> -> memref<1x896xf32, #tpu.memory_space<vmem>>
    %swap3A_2626 = tpu.memref_squeeze %swap3A_2625 : memref<1x896xf32, #tpu.memory_space<vmem>> -> memref<896xf32, #tpu.memory_space<vmem>>
    %swap3A_2627 = arith.constant 768 : index
    %swap3A_2628 = tpu.vector_load %swap3A_2626[%swap3A_2627] {strides = array<i32>} : memref<896xf32, #tpu.memory_space<vmem>>, vector<16xf32>,
    %swap3A_2629 = vector.shape_cast %swap3A_2628 : vector<16xf32> to vector<16xf32>
    %swap3A_2630 = vector.shape_cast %gather3A_2622 : vector<16xf32> to vector<16xf32>
    tpu.vector_store %swap3A_2626[%swap3A_2627], %swap3A_2630 {strides = array<i32>} : memref<896xf32, #tpu.memory_space<vmem>>, vector<16xf32>,
    %broadcast_in_dim3A_2631 = arith.constant 4 : i32
    %broadcast_in_dim3A_2632 = vector.broadcast %broadcast_in_dim3A_2631 : i32 to vector<16xi32>
    %lt3A_2633 = arith.constant 0 : i32
    %lt3A_2634 = vector.broadcast %lt3A_2633 : i32 to vector<16xi32>
    %lt3A_2635 = arith.cmpi slt, %broadcast_in_dim3A_2632, %lt3A_2634 : vector<16xi32>
    %add3A_2636 = arith.constant 16 : i32
    %add3A_2637 = vector.broadcast %add3A_2636 : i32 to vector<16xi32>
    %add3A_2638 = arith.addi %broadcast_in_dim3A_2632, %add3A_2637 : vector<16xi32>
    %select_n3A_2639 = arith.select %lt3A_2635, %add3A_2638, %broadcast_in_dim3A_2632 : vector<16xi1>, vector<16xi32>
    %broadcast_in_dim3A_2640 = vector.shape_cast %select_n3A_2639 : vector<16xi32> to vector<16x1xi32>
    %gather3A_2641 = vector.shape_cast %broadcast_in_dim3A_2640 : vector<16x1xi32> to vector<16xi32>
    %gather3A_2642 = tpu.dynamic_gather %get3A_2550[%gather3A_2641] in [0] : vector<16xf32>, vector<16xi32> -> vector<16xf32>
    %swap3A_2643 = arith.constant 116 : i32
    %swap3A_2644 = arith.constant 0 : i32
    %swap3A_2645 = tpu.memref_slice %arg14[%swap3A_2643, %swap3A_2644] : memref<128x896xf32, #tpu.memory_space<vmem>> -> memref<1x896xf32, #tpu.memory_space<vmem>>
    %swap3A_2646 = tpu.memref_squeeze %swap3A_2645 : memref<1x896xf32, #tpu.memory_space<vmem>> -> memref<896xf32, #tpu.memory_space<vmem>>
    %swap3A_2647 = arith.constant 768 : index
    %swap3A_2648 = tpu.vector_load %swap3A_2646[%swap3A_2647] {strides = array<i32>} : memref<896xf32, #tpu.memory_space<vmem>>, vector<16xf32>,
    %swap3A_2649 = vector.shape_cast %swap3A_2648 : vector<16xf32> to vector<16xf32>
    %swap3A_2650 = vector.shape_cast %gather3A_2642 : vector<16xf32> to vector<16xf32>
    tpu.vector_store %swap3A_2646[%swap3A_2647], %swap3A_2650 {strides = array<i32>} : memref<896xf32, #tpu.memory_space<vmem>>, vector<16xf32>,
    %broadcast_in_dim3A_2651 = arith.constant 5 : i32
    %broadcast_in_dim3A_2652 = vector.broadcast %broadcast_in_dim3A_2651 : i32 to vector<16xi32>
    %lt3A_2653 = arith.constant 0 : i32
    %lt3A_2654 = vector.broadcast %lt3A_2653 : i32 to vector<16xi32>
    %lt3A_2655 = arith.cmpi slt, %broadcast_in_dim3A_2652, %lt3A_2654 : vector<16xi32>
    %add3A_2656 = arith.constant 16 : i32
    %add3A_2657 = vector.broadcast %add3A_2656 : i32 to vector<16xi32>
    %add3A_2658 = arith.addi %broadcast_in_dim3A_2652, %add3A_2657 : vector<16xi32>
    %select_n3A_2659 = arith.select %lt3A_2655, %add3A_2658, %broadcast_in_dim3A_2652 : vector<16xi1>, vector<16xi32>
    %broadcast_in_dim3A_2660 = vector.shape_cast %select_n3A_2659 : vector<16xi32> to vector<16x1xi32>
    %gather3A_2661 = vector.shape_cast %broadcast_in_dim3A_2660 : vector<16x1xi32> to vector<16xi32>
    %gather3A_2662 = tpu.dynamic_gather %get3A_2550[%gather3A_2661] in [0] : vector<16xf32>, vector<16xi32> -> vector<16xf32>
    %swap3A_2663 = arith.constant 117 : i32
    %swap3A_2664 = arith.constant 0 : i32
    %swap3A_2665 = tpu.memref_slice %arg14[%swap3A_2663, %swap3A_2664] : memref<128x896xf32, #tpu.memory_space<vmem>> -> memref<1x896xf32, #tpu.memory_space<vmem>>
    %swap3A_2666 = tpu.memref_squeeze %swap3A_2665 : memref<1x896xf32, #tpu.memory_space<vmem>> -> memref<896xf32, #tpu.memory_space<vmem>>
    %swap3A_2667 = arith.constant 768 : index
    %swap3A_2668 = tpu.vector_load %swap3A_2666[%swap3A_2667] {strides = array<i32>} : memref<896xf32, #tpu.memory_space<vmem>>, vector<16xf32>,
    %swap3A_2669 = vector.shape_cast %swap3A_2668 : vector<16xf32> to vector<16xf32>
    %swap3A_2670 = vector.shape_cast %gather3A_2662 : vector<16xf32> to vector<16xf32>
    tpu.vector_store %swap3A_2666[%swap3A_2667], %swap3A_2670 {strides = array<i32>} : memref<896xf32, #tpu.memory_space<vmem>>, vector<16xf32>,
    %broadcast_in_dim3A_2671 = arith.constant 6 : i32
    %broadcast_in_dim3A_2672 = vector.broadcast %broadcast_in_dim3A_2671 : i32 to vector<16xi32>
    %lt3A_2673 = arith.constant 0 : i32
    %lt3A_2674 = vector.broadcast %lt3A_2673 : i32 to vector<16xi32>
    %lt3A_2675 = arith.cmpi slt, %broadcast_in_dim3A_2672, %lt3A_2674 : vector<16xi32>
    %add3A_2676 = arith.constant 16 : i32
    %add3A_2677 = vector.broadcast %add3A_2676 : i32 to vector<16xi32>
    %add3A_2678 = arith.addi %broadcast_in_dim3A_2672, %add3A_2677 : vector<16xi32>
    %select_n3A_2679 = arith.select %lt3A_2675, %add3A_2678, %broadcast_in_dim3A_2672 : vector<16xi1>, vector<16xi32>
    %broadcast_in_dim3A_2680 = vector.shape_cast %select_n3A_2679 : vector<16xi32> to vector<16x1xi32>
    %gather3A_2681 = vector.shape_cast %broadcast_in_dim3A_2680 : vector<16x1xi32> to vector<16xi32>
    %gather3A_2682 = tpu.dynamic_gather %get3A_2550[%gather3A_2681] in [0] : vector<16xf32>, vector<16xi32> -> vector<16xf32>
    %swap3A_2683 = arith.constant 118 : i32
    %swap3A_2684 = arith.constant 0 : i32
    %swap3A_2685 = tpu.memref_slice %arg14[%swap3A_2683, %swap3A_2684] : memref<128x896xf32, #tpu.memory_space<vmem>> -> memref<1x896xf32, #tpu.memory_space<vmem>>
    %swap3A_2686 = tpu.memref_squeeze %swap3A_2685 : memref<1x896xf32, #tpu.memory_space<vmem>> -> memref<896xf32, #tpu.memory_space<vmem>>
    %swap3A_2687 = arith.constant 768 : index
    %swap3A_2688 = tpu.vector_load %swap3A_2686[%swap3A_2687] {strides = array<i32>} : memref<896xf32, #tpu.memory_space<vmem>>, vector<16xf32>,
    %swap3A_2689 = vector.shape_cast %swap3A_2688 : vector<16xf32> to vector<16xf32>
    %swap3A_2690 = vector.shape_cast %gather3A_2682 : vector<16xf32> to vector<16xf32>
    tpu.vector_store %swap3A_2686[%swap3A_2687], %swap3A_2690 {strides = array<i32>} : memref<896xf32, #tpu.memory_space<vmem>>, vector<16xf32>,
    %broadcast_in_dim3A_2691 = arith.constant 7 : i32
    %broadcast_in_dim3A_2692 = vector.broadcast %broadcast_in_dim3A_2691 : i32 to vector<16xi32>
    %lt3A_2693 = arith.constant 0 : i32
    %lt3A_2694 = vector.broadcast %lt3A_2693 : i32 to vector<16xi32>
    %lt3A_2695 = arith.cmpi slt, %broadcast_in_dim3A_2692, %lt3A_2694 : vector<16xi32>
    %add3A_2696 = arith.constant 16 : i32
    %add3A_2697 = vector.broadcast %add3A_2696 : i32 to vector<16xi32>
    %add3A_2698 = arith.addi %broadcast_in_dim3A_2692, %add3A_2697 : vector<16xi32>
    %select_n3A_2699 = arith.select %lt3A_2695, %add3A_2698, %broadcast_in_dim3A_2692 : vector<16xi1>, vector<16xi32>
    %broadcast_in_dim3A_2700 = vector.shape_cast %select_n3A_2699 : vector<16xi32> to vector<16x1xi32>
    %gather3A_2701 = vector.shape_cast %broadcast_in_dim3A_2700 : vector<16x1xi32> to vector<16xi32>
    %gather3A_2702 = tpu.dynamic_gather %get3A_2550[%gather3A_2701] in [0] : vector<16xf32>, vector<16xi32> -> vector<16xf32>
    %swap3A_2703 = arith.constant 119 : i32
    %swap3A_2704 = arith.constant 0 : i32
    %swap3A_2705 = tpu.memref_slice %arg14[%swap3A_2703, %swap3A_2704] : memref<128x896xf32, #tpu.memory_space<vmem>> -> memref<1x896xf32, #tpu.memory_space<vmem>>
    %swap3A_2706 = tpu.memref_squeeze %swap3A_2705 : memref<1x896xf32, #tpu.memory_space<vmem>> -> memref<896xf32, #tpu.memory_space<vmem>>
    %swap3A_2707 = arith.constant 768 : index
    %swap3A_2708 = tpu.vector_load %swap3A_2706[%swap3A_2707] {strides = array<i32>} : memref<896xf32, #tpu.memory_space<vmem>>, vector<16xf32>,
    %swap3A_2709 = vector.shape_cast %swap3A_2708 : vector<16xf32> to vector<16xf32>
    %swap3A_2710 = vector.shape_cast %gather3A_2702 : vector<16xf32> to vector<16xf32>
    tpu.vector_store %swap3A_2706[%swap3A_2707], %swap3A_2710 {strides = array<i32>} : memref<896xf32, #tpu.memory_space<vmem>>, vector<16xf32>,
    %broadcast_in_dim3A_2711 = arith.constant 8 : i32
    %broadcast_in_dim3A_2712 = vector.broadcast %broadcast_in_dim3A_2711 : i32 to vector<16xi32>
    %lt3A_2713 = arith.constant 0 : i32
    %lt3A_2714 = vector.broadcast %lt3A_2713 : i32 to vector<16xi32>
    %lt3A_2715 = arith.cmpi slt, %broadcast_in_dim3A_2712, %lt3A_2714 : vector<16xi32>
    %add3A_2716 = arith.constant 16 : i32
    %add3A_2717 = vector.broadcast %add3A_2716 : i32 to vector<16xi32>
    %add3A_2718 = arith.addi %broadcast_in_dim3A_2712, %add3A_2717 : vector<16xi32>
    %select_n3A_2719 = arith.select %lt3A_2715, %add3A_2718, %broadcast_in_dim3A_2712 : vector<16xi1>, vector<16xi32>
    %broadcast_in_dim3A_2720 = vector.shape_cast %select_n3A_2719 : vector<16xi32> to vector<16x1xi32>
    %gather3A_2721 = vector.shape_cast %broadcast_in_dim3A_2720 : vector<16x1xi32> to vector<16xi32>
    %gather3A_2722 = tpu.dynamic_gather %get3A_2550[%gather3A_2721] in [0] : vector<16xf32>, vector<16xi32> -> vector<16xf32>
    %swap3A_2723 = arith.constant 120 : i32
    %swap3A_2724 = arith.constant 0 : i32
    %swap3A_2725 = tpu.memref_slice %arg14[%swap3A_2723, %swap3A_2724] : memref<128x896xf32, #tpu.memory_space<vmem>> -> memref<1x896xf32, #tpu.memory_space<vmem>>
    %swap3A_2726 = tpu.memref_squeeze %swap3A_2725 : memref<1x896xf32, #tpu.memory_space<vmem>> -> memref<896xf32, #tpu.memory_space<vmem>>
    %swap3A_2727 = arith.constant 768 : index
    %swap3A_2728 = tpu.vector_load %swap3A_2726[%swap3A_2727] {strides = array<i32>} : memref<896xf32, #tpu.memory_space<vmem>>, vector<16xf32>,
    %swap3A_2729 = vector.shape_cast %swap3A_2728 : vector<16xf32> to vector<16xf32>
    %swap3A_2730 = vector.shape_cast %gather3A_2722 : vector<16xf32> to vector<16xf32>
    tpu.vector_store %swap3A_2726[%swap3A_2727], %swap3A_2730 {strides = array<i32>} : memref<896xf32, #tpu.memory_space<vmem>>, vector<16xf32>,
    %broadcast_in_dim3A_2731 = arith.constant 9 : i32
    %broadcast_in_dim3A_2732 = vector.broadcast %broadcast_in_dim3A_2731 : i32 to vector<16xi32>
    %lt3A_2733 = arith.constant 0 : i32
    %lt3A_2734 = vector.broadcast %lt3A_2733 : i32 to vector<16xi32>
    %lt3A_2735 = arith.cmpi slt, %broadcast_in_dim3A_2732, %lt3A_2734 : vector<16xi32>
    %add3A_2736 = arith.constant 16 : i32
    %add3A_2737 = vector.broadcast %add3A_2736 : i32 to vector<16xi32>
    %add3A_2738 = arith.addi %broadcast_in_dim3A_2732, %add3A_2737 : vector<16xi32>
    %select_n3A_2739 = arith.select %lt3A_2735, %add3A_2738, %broadcast_in_dim3A_2732 : vector<16xi1>, vector<16xi32>
    %broadcast_in_dim3A_2740 = vector.shape_cast %select_n3A_2739 : vector<16xi32> to vector<16x1xi32>
    %gather3A_2741 = vector.shape_cast %broadcast_in_dim3A_2740 : vector<16x1xi32> to vector<16xi32>
    %gather3A_2742 = tpu.dynamic_gather %get3A_2550[%gather3A_2741] in [0] : vector<16xf32>, vector<16xi32> -> vector<16xf32>
    %swap3A_2743 = arith.constant 121 : i32
    %swap3A_2744 = arith.constant 0 : i32
    %swap3A_2745 = tpu.memref_slice %arg14[%swap3A_2743, %swap3A_2744] : memref<128x896xf32, #tpu.memory_space<vmem>> -> memref<1x896xf32, #tpu.memory_space<vmem>>
    %swap3A_2746 = tpu.memref_squeeze %swap3A_2745 : memref<1x896xf32, #tpu.memory_space<vmem>> -> memref<896xf32, #tpu.memory_space<vmem>>
    %swap3A_2747 = arith.constant 768 : index
    %swap3A_2748 = tpu.vector_load %swap3A_2746[%swap3A_2747] {strides = array<i32>} : memref<896xf32, #tpu.memory_space<vmem>>, vector<16xf32>,
    %swap3A_2749 = vector.shape_cast %swap3A_2748 : vector<16xf32> to vector<16xf32>
    %swap3A_2750 = vector.shape_cast %gather3A_2742 : vector<16xf32> to vector<16xf32>
    tpu.vector_store %swap3A_2746[%swap3A_2747], %swap3A_2750 {strides = array<i32>} : memref<896xf32, #tpu.memory_space<vmem>>, vector<16xf32>,
    %broadcast_in_dim3A_2751 = arith.constant 10 : i32
    %broadcast_in_dim3A_2752 = vector.broadcast %broadcast_in_dim3A_2751 : i32 to vector<16xi32>
    %lt3A_2753 = arith.constant 0 : i32
    %lt3A_2754 = vector.broadcast %lt3A_2753 : i32 to vector<16xi32>
    %lt3A_2755 = arith.cmpi slt, %broadcast_in_dim3A_2752, %lt3A_2754 : vector<16xi32>
    %add3A_2756 = arith.constant 16 : i32
    %add3A_2757 = vector.broadcast %add3A_2756 : i32 to vector<16xi32>
    %add3A_2758 = arith.addi %broadcast_in_dim3A_2752, %add3A_2757 : vector<16xi32>
    %select_n3A_2759 = arith.select %lt3A_2755, %add3A_2758, %broadcast_in_dim3A_2752 : vector<16xi1>, vector<16xi32>
    %broadcast_in_dim3A_2760 = vector.shape_cast %select_n3A_2759 : vector<16xi32> to vector<16x1xi32>
    %gather3A_2761 = vector.shape_cast %broadcast_in_dim3A_2760 : vector<16x1xi32> to vector<16xi32>
    %gather3A_2762 = tpu.dynamic_gather %get3A_2550[%gather3A_2761] in [0] : vector<16xf32>, vector<16xi32> -> vector<16xf32>
    %swap3A_2763 = arith.constant 122 : i32
    %swap3A_2764 = arith.constant 0 : i32
    %swap3A_2765 = tpu.memref_slice %arg14[%swap3A_2763, %swap3A_2764] : memref<128x896xf32, #tpu.memory_space<vmem>> -> memref<1x896xf32, #tpu.memory_space<vmem>>
    %swap3A_2766 = tpu.memref_squeeze %swap3A_2765 : memref<1x896xf32, #tpu.memory_space<vmem>> -> memref<896xf32, #tpu.memory_space<vmem>>
    %swap3A_2767 = arith.constant 768 : index
    %swap3A_2768 = tpu.vector_load %swap3A_2766[%swap3A_2767] {strides = array<i32>} : memref<896xf32, #tpu.memory_space<vmem>>, vector<16xf32>,
    %swap3A_2769 = vector.shape_cast %swap3A_2768 : vector<16xf32> to vector<16xf32>
    %swap3A_2770 = vector.shape_cast %gather3A_2762 : vector<16xf32> to vector<16xf32>
    tpu.vector_store %swap3A_2766[%swap3A_2767], %swap3A_2770 {strides = array<i32>} : memref<896xf32, #tpu.memory_space<vmem>>, vector<16xf32>,
    %broadcast_in_dim3A_2771 = arith.constant 11 : i32
    %broadcast_in_dim3A_2772 = vector.broadcast %broadcast_in_dim3A_2771 : i32 to vector<16xi32>
    %lt3A_2773 = arith.constant 0 : i32
    %lt3A_2774 = vector.broadcast %lt3A_2773 : i32 to vector<16xi32>
    %lt3A_2775 = arith.cmpi slt, %broadcast_in_dim3A_2772, %lt3A_2774 : vector<16xi32>
    %add3A_2776 = arith.constant 16 : i32
    %add3A_2777 = vector.broadcast %add3A_2776 : i32 to vector<16xi32>
    %add3A_2778 = arith.addi %broadcast_in_dim3A_2772, %add3A_2777 : vector<16xi32>
    %select_n3A_2779 = arith.select %lt3A_2775, %add3A_2778, %broadcast_in_dim3A_2772 : vector<16xi1>, vector<16xi32>
    %broadcast_in_dim3A_2780 = vector.shape_cast %select_n3A_2779 : vector<16xi32> to vector<16x1xi32>
    %gather3A_2781 = vector.shape_cast %broadcast_in_dim3A_2780 : vector<16x1xi32> to vector<16xi32>
    %gather3A_2782 = tpu.dynamic_gather %get3A_2550[%gather3A_2781] in [0] : vector<16xf32>, vector<16xi32> -> vector<16xf32>
    %swap3A_2783 = arith.constant 123 : i32
    %swap3A_2784 = arith.constant 0 : i32
    %swap3A_2785 = tpu.memref_slice %arg14[%swap3A_2783, %swap3A_2784] : memref<128x896xf32, #tpu.memory_space<vmem>> -> memref<1x896xf32, #tpu.memory_space<vmem>>
    %swap3A_2786 = tpu.memref_squeeze %swap3A_2785 : memref<1x896xf32, #tpu.memory_space<vmem>> -> memref<896xf32, #tpu.memory_space<vmem>>
    %swap3A_2787 = arith.constant 768 : index
    %swap3A_2788 = tpu.vector_load %swap3A_2786[%swap3A_2787] {strides = array<i32>} : memref<896xf32, #tpu.memory_space<vmem>>, vector<16xf32>,
    %swap3A_2789 = vector.shape_cast %swap3A_2788 : vector<16xf32> to vector<16xf32>
    %swap3A_2790 = vector.shape_cast %gather3A_2782 : vector<16xf32> to vector<16xf32>
    tpu.vector_store %swap3A_2786[%swap3A_2787], %swap3A_2790 {strides = array<i32>} : memref<896xf32, #tpu.memory_space<vmem>>, vector<16xf32>,
    %broadcast_in_dim3A_2791 = arith.constant 12 : i32
    %broadcast_in_dim3A_2792 = vector.broadcast %broadcast_in_dim3A_2791 : i32 to vector<16xi32>
    %lt3A_2793 = arith.constant 0 : i32
    %lt3A_2794 = vector.broadcast %lt3A_2793 : i32 to vector<16xi32>
    %lt3A_2795 = arith.cmpi slt, %broadcast_in_dim3A_2792, %lt3A_2794 : vector<16xi32>
    %add3A_2796 = arith.constant 16 : i32
    %add3A_2797 = vector.broadcast %add3A_2796 : i32 to vector<16xi32>
    %add3A_2798 = arith.addi %broadcast_in_dim3A_2792, %add3A_2797 : vector<16xi32>
    %select_n3A_2799 = arith.select %lt3A_2795, %add3A_2798, %broadcast_in_dim3A_2792 : vector<16xi1>, vector<16xi32>
    %broadcast_in_dim3A_2800 = vector.shape_cast %select_n3A_2799 : vector<16xi32> to vector<16x1xi32>
    %gather3A_2801 = vector.shape_cast %broadcast_in_dim3A_2800 : vector<16x1xi32> to vector<16xi32>
    %gather3A_2802 = tpu.dynamic_gather %get3A_2550[%gather3A_2801] in [0] : vector<16xf32>, vector<16xi32> -> vector<16xf32>
    %swap3A_2803 = arith.constant 124 : i32
    %swap3A_2804 = arith.constant 0 : i32
    %swap3A_2805 = tpu.memref_slice %arg14[%swap3A_2803, %swap3A_2804] : memref<128x896xf32, #tpu.memory_space<vmem>> -> memref<1x896xf32, #tpu.memory_space<vmem>>
    %swap3A_2806 = tpu.memref_squeeze %swap3A_2805 : memref<1x896xf32, #tpu.memory_space<vmem>> -> memref<896xf32, #tpu.memory_space<vmem>>
    %swap3A_2807 = arith.constant 768 : index
    %swap3A_2808 = tpu.vector_load %swap3A_2806[%swap3A_2807] {strides = array<i32>} : memref<896xf32, #tpu.memory_space<vmem>>, vector<16xf32>,
    %swap3A_2809 = vector.shape_cast %swap3A_2808 : vector<16xf32> to vector<16xf32>
    %swap3A_2810 = vector.shape_cast %gather3A_2802 : vector<16xf32> to vector<16xf32>
    tpu.vector_store %swap3A_2806[%swap3A_2807], %swap3A_2810 {strides = array<i32>} : memref<896xf32, #tpu.memory_space<vmem>>, vector<16xf32>,
    %broadcast_in_dim3A_2811 = arith.constant 13 : i32
    %broadcast_in_dim3A_2812 = vector.broadcast %broadcast_in_dim3A_2811 : i32 to vector<16xi32>
    %lt3A_2813 = arith.constant 0 : i32
    %lt3A_2814 = vector.broadcast %lt3A_2813 : i32 to vector<16xi32>
    %lt3A_2815 = arith.cmpi slt, %broadcast_in_dim3A_2812, %lt3A_2814 : vector<16xi32>
    %add3A_2816 = arith.constant 16 : i32
    %add3A_2817 = vector.broadcast %add3A_2816 : i32 to vector<16xi32>
    %add3A_2818 = arith.addi %broadcast_in_dim3A_2812, %add3A_2817 : vector<16xi32>
    %select_n3A_2819 = arith.select %lt3A_2815, %add3A_2818, %broadcast_in_dim3A_2812 : vector<16xi1>, vector<16xi32>
    %broadcast_in_dim3A_2820 = vector.shape_cast %select_n3A_2819 : vector<16xi32> to vector<16x1xi32>
    %gather3A_2821 = vector.shape_cast %broadcast_in_dim3A_2820 : vector<16x1xi32> to vector<16xi32>
    %gather3A_2822 = tpu.dynamic_gather %get3A_2550[%gather3A_2821] in [0] : vector<16xf32>, vector<16xi32> -> vector<16xf32>
    %swap3A_2823 = arith.constant 125 : i32
    %swap3A_2824 = arith.constant 0 : i32
    %swap3A_2825 = tpu.memref_slice %arg14[%swap3A_2823, %swap3A_2824] : memref<128x896xf32, #tpu.memory_space<vmem>> -> memref<1x896xf32, #tpu.memory_space<vmem>>
    %swap3A_2826 = tpu.memref_squeeze %swap3A_2825 : memref<1x896xf32, #tpu.memory_space<vmem>> -> memref<896xf32, #tpu.memory_space<vmem>>
    %swap3A_2827 = arith.constant 768 : index
    %swap3A_2828 = tpu.vector_load %swap3A_2826[%swap3A_2827] {strides = array<i32>} : memref<896xf32, #tpu.memory_space<vmem>>, vector<16xf32>,
    %swap3A_2829 = vector.shape_cast %swap3A_2828 : vector<16xf32> to vector<16xf32>
    %swap3A_2830 = vector.shape_cast %gather3A_2822 : vector<16xf32> to vector<16xf32>
    tpu.vector_store %swap3A_2826[%swap3A_2827], %swap3A_2830 {strides = array<i32>} : memref<896xf32, #tpu.memory_space<vmem>>, vector<16xf32>,
    %broadcast_in_dim3A_2831 = arith.constant 14 : i32
    %broadcast_in_dim3A_2832 = vector.broadcast %broadcast_in_dim3A_2831 : i32 to vector<16xi32>
    %lt3A_2833 = arith.constant 0 : i32
    %lt3A_2834 = vector.broadcast %lt3A_2833 : i32 to vector<16xi32>
    %lt3A_2835 = arith.cmpi slt, %broadcast_in_dim3A_2832, %lt3A_2834 : vector<16xi32>
    %add3A_2836 = arith.constant 16 : i32
    %add3A_2837 = vector.broadcast %add3A_2836 : i32 to vector<16xi32>
    %add3A_2838 = arith.addi %broadcast_in_dim3A_2832, %add3A_2837 : vector<16xi32>
    %select_n3A_2839 = arith.select %lt3A_2835, %add3A_2838, %broadcast_in_dim3A_2832 : vector<16xi1>, vector<16xi32>
    %broadcast_in_dim3A_2840 = vector.shape_cast %select_n3A_2839 : vector<16xi32> to vector<16x1xi32>
    %gather3A_2841 = vector.shape_cast %broadcast_in_dim3A_2840 : vector<16x1xi32> to vector<16xi32>
    %gather3A_2842 = tpu.dynamic_gather %get3A_2550[%gather3A_2841] in [0] : vector<16xf32>, vector<16xi32> -> vector<16xf32>
    %swap3A_2843 = arith.constant 126 : i32
    %swap3A_2844 = arith.constant 0 : i32
    %swap3A_2845 = tpu.memref_slice %arg14[%swap3A_2843, %swap3A_2844] : memref<128x896xf32, #tpu.memory_space<vmem>> -> memref<1x896xf32, #tpu.memory_space<vmem>>
    %swap3A_2846 = tpu.memref_squeeze %swap3A_2845 : memref<1x896xf32, #tpu.memory_space<vmem>> -> memref<896xf32, #tpu.memory_space<vmem>>
    %swap3A_2847 = arith.constant 768 : index
    %swap3A_2848 = tpu.vector_load %swap3A_2846[%swap3A_2847] {strides = array<i32>} : memref<896xf32, #tpu.memory_space<vmem>>, vector<16xf32>,
    %swap3A_2849 = vector.shape_cast %swap3A_2848 : vector<16xf32> to vector<16xf32>
    %swap3A_2850 = vector.shape_cast %gather3A_2842 : vector<16xf32> to vector<16xf32>
    tpu.vector_store %swap3A_2846[%swap3A_2847], %swap3A_2850 {strides = array<i32>} : memref<896xf32, #tpu.memory_space<vmem>>, vector<16xf32>,
    %broadcast_in_dim3A_2851 = arith.constant 15 : i32
    %broadcast_in_dim3A_2852 = vector.broadcast %broadcast_in_dim3A_2851 : i32 to vector<16xi32>
    %lt3A_2853 = arith.constant 0 : i32
    %lt3A_2854 = vector.broadcast %lt3A_2853 : i32 to vector<16xi32>
    %lt3A_2855 = arith.cmpi slt, %broadcast_in_dim3A_2852, %lt3A_2854 : vector<16xi32>
    %add3A_2856 = arith.constant 16 : i32
    %add3A_2857 = vector.broadcast %add3A_2856 : i32 to vector<16xi32>
    %add3A_2858 = arith.addi %broadcast_in_dim3A_2852, %add3A_2857 : vector<16xi32>
    %select_n3A_2859 = arith.select %lt3A_2855, %add3A_2858, %broadcast_in_dim3A_2852 : vector<16xi1>, vector<16xi32>
    %broadcast_in_dim3A_2860 = vector.shape_cast %select_n3A_2859 : vector<16xi32> to vector<16x1xi32>
    %gather3A_2861 = vector.shape_cast %broadcast_in_dim3A_2860 : vector<16x1xi32> to vector<16xi32>
    %gather3A_2862 = tpu.dynamic_gather %get3A_2550[%gather3A_2861] in [0] : vector<16xf32>, vector<16xi32> -> vector<16xf32>
    %swap3A_2863 = arith.constant 127 : i32
    %swap3A_2864 = arith.constant 0 : i32
    %swap3A_2865 = tpu.memref_slice %arg14[%swap3A_2863, %swap3A_2864] : memref<128x896xf32, #tpu.memory_space<vmem>> -> memref<1x896xf32, #tpu.memory_space<vmem>>
    %swap3A_2866 = tpu.memref_squeeze %swap3A_2865 : memref<1x896xf32, #tpu.memory_space<vmem>> -> memref<896xf32, #tpu.memory_space<vmem>>
    %swap3A_2867 = arith.constant 768 : index
    %swap3A_2868 = tpu.vector_load %swap3A_2866[%swap3A_2867] {strides = array<i32>} : memref<896xf32, #tpu.memory_space<vmem>>, vector<16xf32>,
    %swap3A_2869 = vector.shape_cast %swap3A_2868 : vector<16xf32> to vector<16xf32>
    %swap3A_2870 = vector.shape_cast %gather3A_2862 : vector<16xf32> to vector<16xf32>
    tpu.vector_store %swap3A_2866[%swap3A_2867], %swap3A_2870 {strides = array<i32>} : memref<896xf32, #tpu.memory_space<vmem>>, vector<16xf32>,
    "tpu.region"() ({
      %run_scoped3A = tpu.sem_alloc : memref<!tpu.dma_semaphore, #tpu.memory_space<semaphore_mem>>
      %dma_start3A_2886 = tpu.memref_slice %arg8[%mul3A_2] : memref<4096xi32, #tpu.memory_space<hbm>> -> memref<128xi32, #tpu.memory_space<hbm>>
      %dma_start3A_2887 = tpu.memref_slice %arg8[%mul3A_2] : memref<4096xi32, #tpu.memory_space<hbm>> -> memref<128xi32, #tpu.memory_space<hbm>>
      tpu.enqueue_dma source(%arg13 : memref<128xi32, #tpu.memory_space<vmem>>) target(%dma_start3A_2887 : memref<128xi32, #tpu.memory_space<hbm>>) target_semaphore(%run_scoped3A : memref<!tpu.dma_semaphore, #tpu.memory_space<semaphore_mem>>)
      %dma_wait3A_2888 = tpu.memref_slice %arg8[%mul3A_2] : memref<4096xi32, #tpu.memory_space<hbm>> -> memref<128xi32, #tpu.memory_space<hbm>>
      %dma_wait3A_2889 = tpu.memref_slice %arg8[%mul3A_2] : memref<4096xi32, #tpu.memory_space<hbm>> -> memref<128xi32, #tpu.memory_space<hbm>>
      tpu.wait_dma2 semaphore(%run_scoped3A : memref<!tpu.dma_semaphore, #tpu.memory_space<semaphore_mem>>) src(%arg13 : memref<128xi32, #tpu.memory_space<vmem>>) dst(%dma_wait3A_2889 : memref<128xi32, #tpu.memory_space<hbm>>)
      tpu.yield
    }) : () -> ()
    %dma_wait3A = arith.constant 0 : i32
    %dma_wait3A_2871 = arith.constant 0 : i32
    %dma_wait3A_2872 = tpu.memref_slice %arg14[%dma_wait3A, %dma_wait3A_2871] : memref<128x896xf32, #tpu.memory_space<vmem>> -> memref<128x768xf32, #tpu.memory_space<vmem>>
    %dma_wait3A_2873 = arith.constant 0 : i32
    %dma_wait3A_2874 = tpu.memref_slice %arg2[%mul3A_2, %dma_wait3A_2873] : memref<4096x768xf32, #tpu.memory_space<hbm>> -> memref<128x768xf32, #tpu.memory_space<hbm>>
    %dma_wait3A_2875 = arith.constant 0 : i32
    %dma_wait3A_2876 = arith.constant 0 : i32
    %dma_wait3A_2877 = tpu.memref_slice %arg14[%dma_wait3A_2875, %dma_wait3A_2876] : memref<128x896xf32, #tpu.memory_space<vmem>> -> memref<128x768xf32, #tpu.memory_space<vmem>>
    %dma_wait3A_2878 = arith.constant 0 : i32
    %dma_wait3A_2879 = tpu.memref_slice %arg2[%mul3A_2, %dma_wait3A_2878] : memref<4096x768xf32, #tpu.memory_space<hbm>> -> memref<128x768xf32, #tpu.memory_space<hbm>>
    tpu.wait_dma2 semaphore(%arg16 : memref<!tpu.dma_semaphore, #tpu.memory_space<semaphore_mem>>) src(%dma_wait3A_2879 : memref<128x768xf32, #tpu.memory_space<hbm>>) dst(%dma_wait3A_2877 : memref<128x768xf32, #tpu.memory_space<vmem>>)
    %dma_start3A_2880 = arith.constant 0 : i32
    %dma_start3A_2881 = arith.constant 0 : i32
    %dma_start3A_2882 = tpu.memref_slice %arg7[%dma_start3A_2880, %dma_start3A_2881] : memref<4096x896xf32, #tpu.memory_space<hbm>> -> memref<4096x896xf32, #tpu.memory_space<hbm>>
    tpu.enqueue_indirect_dma source(%arg14 : memref<128x896xf32, #tpu.memory_space<vmem>>) target(%dma_start3A_2882 : memref<4096x896xf32, #tpu.memory_space<hbm>>) offsets(%arg13 : memref<128xi32, #tpu.memory_space<vmem>>) semaphore(%arg15 : memref<!tpu.dma_semaphore, #tpu.memory_space<semaphore_mem>>)
    %dma_wait3A_2883 = arith.constant 0 : i32
    %dma_wait3A_2884 = arith.constant 0 : i32
    %dma_wait3A_2885 = tpu.memref_slice %arg7[%dma_wait3A_2883, %dma_wait3A_2884] : memref<4096x896xf32, #tpu.memory_space<hbm>> -> memref<4096x896xf32, #tpu.memory_space<hbm>>
    tpu.wait_indirect_dma semaphore(%arg15 : memref<!tpu.dma_semaphore, #tpu.memory_space<semaphore_mem>>) src(%arg14 : memref<128x896xf32, #tpu.memory_space<vmem>>) dst(%dma_wait3A_2885 : memref<4096x896xf32, #tpu.memory_space<hbm>>)
    return
  }
}

module attributes {stable_mosaic.version = 14 : i64} {
  func.func @_gate_body(%arg0: i32, %arg1: memref<1xi32, #tpu.memory_space<smem>>, %arg2: memref<256x768xf32, #tpu.memory_space<vmem>>, %arg3: memref<1x16x768xf32, #tpu.memory_space<vmem>>, %arg4: memref<256x1xi32, #tpu.memory_space<vmem>>, %arg5: memref<256x1xf32, #tpu.memory_space<vmem>>, %arg6: memref<256x1xi32, #tpu.memory_space<vmem>>, %arg7: memref<1x16xi32, #tpu.memory_space<vmem>>, %arg8: memref<8x128xf32, #tpu.memory_space<vmem>>) attributes {dimension_semantics = [#tpu.dimension_semantics<arbitrary>], iteration_bounds = array<i64: 16>, scalar_prefetch = 1 : i64, scratch_operands = 1 : i64, tpu.core_type = #tpu.core_type<tc>, window_params = [{transform_indices = @transform_0, window_bounds = array<i64: 256, 768>}, {transform_indices = @transform_1, window_bounds = array<i64: 1, 16, 768>}, {transform_indices = @transform_2, window_bounds = array<i64: 256, 1>}, {transform_indices = @transform_3, window_bounds = array<i64: 256, 1>}, {transform_indices = @transform_4, window_bounds = array<i64: 256, 1>}, {pipeline_mode = #tpu.pipeline_mode<synchronous>, transform_indices = @transform_5, window_bounds = array<i64: 1, 16>}]} {
    %get3A = arith.constant 0 : index
    %get3A_0 = arith.constant 0 : index
    %get3A_1 = vector.load %arg2[%get3A, %get3A_0] : memref<256x768xf32, #tpu.memory_space<vmem>>, vector<256x768xf32>
    %get3A_2 = arith.constant 0 : index
    %get3A_3 = arith.constant 0 : index
    %get3A_4 = arith.constant 0 : index
    %get3A_5 = vector.load %arg3[%get3A_2, %get3A_3, %get3A_4] : memref<1x16x768xf32, #tpu.memory_space<vmem>>, vector<1x16x768xf32>
    %get3A_6 = vector.shape_cast %get3A_5 : vector<1x16x768xf32> to vector<16x768xf32>
    %dot_general3A = arith.constant dense<0.000000e+00> : vector<256x16xf32>
    %dot_general3A_7 = tpu.matmul %get3A_1, %get3A_6, %dot_general3A {dimension_numbers = #tpu.dot_dimension_numbers<[1], [1], [0], [0], [0, 0, 1, 0], [], []>, transpose_lhs_hint = false} : vector<256x768xf32>, vector<16x768xf32>, vector<256x16xf32> -> vector<256x16xf32>
    %reduce_max3A = arith.constant dense<0xFF800000> : vector<256xf32>
    %reduce_max3A_8 = vector.multi_reduction <maximumf>, %dot_general3A_7, %reduce_max3A [1] : vector<256x16xf32> to vector<256xf32>
    %broadcast_in_dim3A = vector.shape_cast %reduce_max3A_8 : vector<256xf32> to vector<256x1xf32>
    %sub3A = vector.broadcast %broadcast_in_dim3A : vector<256x1xf32> to vector<256x16xf32>
    %sub3A_9 = arith.subf %dot_general3A_7, %sub3A : vector<256x16xf32>
    %exp3A = math.exp %sub3A_9 : vector<256x16xf32>
    %reduce_sum3A = arith.constant dense<0.000000e+00> : vector<256xf32>
    %reduce_sum3A_10 = vector.multi_reduction <add>, %exp3A, %reduce_sum3A [1] : vector<256x16xf32> to vector<256xf32>
    %broadcast_in_dim3A_11 = vector.shape_cast %reduce_sum3A_10 : vector<256xf32> to vector<256x1xf32>
    %div3A = vector.broadcast %broadcast_in_dim3A_11 : vector<256x1xf32> to vector<256x16xf32>
    %div3A_12 = arith.divf %exp3A, %div3A : vector<256x16xf32>
    %reduce_max3A_13 = arith.constant dense<0xFF800000> : vector<256xf32>
    %reduce_max3A_14 = vector.multi_reduction <maximumf>, %div3A_12, %reduce_max3A_13 [1] : vector<256x16xf32> to vector<256xf32>
    %broadcast_in_dim3A_15 = vector.shape_cast %reduce_max3A_14 : vector<256xf32> to vector<256x1xf32>
    %add3A = arith.constant 9.99999997E-7 : f32
    %add3A_16 = vector.broadcast %add3A : f32 to vector<256x1xf32>
    %add3A_17 = arith.addf %broadcast_in_dim3A_15, %add3A_16 : vector<256x1xf32>
    %div3A_18 = arith.divf %broadcast_in_dim3A_15, %add3A_17 : vector<256x1xf32>
    %swap3A = arith.constant 0 : index
    %swap3A_19 = arith.constant 0 : index
    %swap3A_20 = vector.load %arg5[%swap3A, %swap3A_19] : memref<256x1xf32, #tpu.memory_space<vmem>>, vector<256x1xf32>
    tpu.vector_store %arg5[%swap3A, %swap3A_19], %div3A_18 {strides = array<i32>} : memref<256x1xf32, #tpu.memory_space<vmem>>, vector<256x1xf32>,
    %argmax3A = tpu.reduce_index %div3A_12 {axis = 1 : i32, kind = #tpu.reduction_kind<arg_max>} : vector<256x16xf32> -> vector<256xi32>
    %reshape3A = vector.shape_cast %argmax3A : vector<256xi32> to vector<256x1xi32>
    %swap3A_21 = arith.constant 0 : index
    %swap3A_22 = arith.constant 0 : index
    %swap3A_23 = vector.load %arg4[%swap3A_21, %swap3A_22] : memref<256x1xi32, #tpu.memory_space<vmem>>, vector<256x1xi32>
    tpu.vector_store %arg4[%swap3A_21, %swap3A_22], %reshape3A {strides = array<i32>} : memref<256x1xi32, #tpu.memory_space<vmem>>, vector<256x1xi32>,
    %iota3A = tpu.iota {dimensions = array<i32: 1>} : vector<256x16xi32>
    %eq3A = vector.broadcast %reshape3A : vector<256x1xi32> to vector<256x16xi32>
    %eq3A_24 = arith.cmpi eq, %eq3A, %iota3A : vector<256x16xi32>
    %jit3A = arith.constant 1.000000e+00 : f32
    %jit3A_25 = arith.constant 0.000000e+00 : f32
    %broadcast_in_dim3A_26 = vector.broadcast %jit3A : f32 to vector<256x16xf32>
    %broadcast_in_dim3A_27 = vector.broadcast %jit3A_25 : f32 to vector<256x16xf32>
    %select_n3A = arith.select %eq3A_24, %broadcast_in_dim3A_26, %broadcast_in_dim3A_27 : vector<256x16xi1>, vector<256x16xf32>
    %iota3A_28 = tpu.iota {dimensions = array<i32: 0>} : vector<256x256xi32>
    %iota3A_29 = tpu.iota {dimensions = array<i32: 1>} : vector<256x256xi32>
    %gt3A = arith.cmpi sgt, %iota3A_28, %iota3A_29 : vector<256x256xi32>
    %jit3A_30 = arith.constant 1.000000e+00 : f32
    %jit3A_31 = arith.constant 0.000000e+00 : f32
    %broadcast_in_dim3A_32 = vector.broadcast %jit3A_30 : f32 to vector<256x256xf32>
    %broadcast_in_dim3A_33 = vector.broadcast %jit3A_31 : f32 to vector<256x256xf32>
    %select_n3A_34 = arith.select %gt3A, %broadcast_in_dim3A_32, %broadcast_in_dim3A_33 : vector<256x256xi1>, vector<256x256xf32>
    %dot_general3A_35 = arith.constant dense<0.000000e+00> : vector<256x16xf32>
    %dot_general3A_36 = tpu.matmul %select_n3A_34, %select_n3A, %dot_general3A_35 {dimension_numbers = #tpu.dot_dimension_numbers<[1], [0], [0], [1], [0, 0, 1, 1], [], []>, transpose_lhs_hint = false} : vector<256x256xf32>, vector<256x16xf32>, vector<256x16xf32> -> vector<256x16xf32>
    %mul3A = arith.mulf %dot_general3A_36, %select_n3A : vector<256x16xf32>
    %reduce_sum3A_37 = arith.constant dense<0.000000e+00> : vector<256xf32>
    %reduce_sum3A_38 = vector.multi_reduction <add>, %mul3A, %reduce_sum3A_37 [1] : vector<256x16xf32> to vector<256xf32>
    %broadcast_in_dim3A_39 = vector.shape_cast %reduce_sum3A_38 : vector<256xf32> to vector<256x1xf32>
    %eq3A_40 = arith.constant 0 : i32
    %eq3A_41 = arith.cmpi eq, %arg0, %eq3A_40 : i32
    %convert_element_type3A = arith.extui %eq3A_41 : i1 to i32
    %cond3A = arith.constant 0 : i32
    %cond3A_42 = arith.cmpi ne, %convert_element_type3A, %cond3A : i32
    scf.if %cond3A_42 {
      %broadcast_in_dim3A_68 = arith.constant 0.000000e+00 : f32
      %broadcast_in_dim3A_69 = vector.broadcast %broadcast_in_dim3A_68 : f32 to vector<8x128xf32>
      %swap3A_70 = arith.constant 0 : index
      %swap3A_71 = arith.constant 0 : index
      %swap3A_72 = vector.load %arg8[%swap3A_70, %swap3A_71] : memref<8x128xf32, #tpu.memory_space<vmem>>, vector<8x128xf32>
      tpu.vector_store %arg8[%swap3A_70, %swap3A_71], %broadcast_in_dim3A_69 {strides = array<i32>} : memref<8x128xf32, #tpu.memory_space<vmem>>, vector<8x128xf32>,
    } else {
    }
    %get3A_43 = arith.constant 0 : index
    %get3A_44 = arith.constant 0 : index
    %get3A_45 = vector.load %arg8[%get3A_43, %get3A_44] : memref<8x128xf32, #tpu.memory_space<vmem>>, vector<1x16xf32>
    %mul3A_46 = vector.broadcast %get3A_45 : vector<1x16xf32> to vector<256x16xf32>
    %mul3A_47 = arith.mulf %mul3A_46, %select_n3A : vector<256x16xf32>
    %reduce_sum3A_48 = arith.constant dense<0.000000e+00> : vector<256xf32>
    %reduce_sum3A_49 = vector.multi_reduction <add>, %mul3A_47, %reduce_sum3A_48 [1] : vector<256x16xf32> to vector<256xf32>
    %broadcast_in_dim3A_50 = vector.shape_cast %reduce_sum3A_49 : vector<256xf32> to vector<256x1xf32>
    %add3A_51 = arith.addf %broadcast_in_dim3A_39, %broadcast_in_dim3A_50 : vector<256x1xf32>
    %convert_element_type3A_52 = arith.fptosi %add3A_51 : vector<256x1xf32> to vector<256x1xi32>
    %swap3A_53 = arith.constant 0 : index
    %swap3A_54 = arith.constant 0 : index
    %swap3A_55 = vector.load %arg6[%swap3A_53, %swap3A_54] : memref<256x1xi32, #tpu.memory_space<vmem>>, vector<256x1xi32>
    tpu.vector_store %arg6[%swap3A_53, %swap3A_54], %convert_element_type3A_52 {strides = array<i32>} : memref<256x1xi32, #tpu.memory_space<vmem>>, vector<256x1xi32>,
    %reduce_sum3A_56 = arith.constant dense<0.000000e+00> : vector<16xf32>
    %reduce_sum3A_57 = vector.multi_reduction <add>, %select_n3A, %reduce_sum3A_56 [0] : vector<256x16xf32> to vector<16xf32>
    %broadcast_in_dim3A_58 = vector.shape_cast %reduce_sum3A_57 : vector<16xf32> to vector<1x16xf32>
    %add3A_59 = arith.addf %get3A_45, %broadcast_in_dim3A_58 : vector<1x16xf32>
    %swap3A_60 = arith.constant 0 : index
    %swap3A_61 = arith.constant 0 : index
    %swap3A_62 = vector.load %arg8[%swap3A_60, %swap3A_61] : memref<8x128xf32, #tpu.memory_space<vmem>>, vector<1x16xf32>
    tpu.vector_store %arg8[%swap3A_60, %swap3A_61], %add3A_59 {strides = array<i32>} : memref<8x128xf32, #tpu.memory_space<vmem>>, vector<1x16xf32>,
    %add3A_63 = arith.addf %get3A_45, %broadcast_in_dim3A_58 : vector<1x16xf32>
    %convert_element_type3A_64 = arith.fptosi %add3A_63 : vector<1x16xf32> to vector<1x16xi32>
    %swap3A_65 = arith.constant 0 : index
    %swap3A_66 = arith.constant 0 : index
    %swap3A_67 = vector.load %arg7[%swap3A_65, %swap3A_66] : memref<1x16xi32, #tpu.memory_space<vmem>>, vector<1x16xi32>
    tpu.vector_store %arg7[%swap3A_65, %swap3A_66], %convert_element_type3A_64 {strides = array<i32>} : memref<1x16xi32, #tpu.memory_space<vmem>>, vector<1x16xi32>,
    return
  }
  func.func @transform_0(%arg0: i32, %arg1: memref<1xi32, #tpu.memory_space<smem>>) -> (i32, i32) {
    %c0_i32 = arith.constant 0 : i32
    %c0_i32_0 = arith.constant 0 : i32
    return %arg0, %c0_i32 : i32, i32
  }
  func.func @transform_1(%arg0: i32, %arg1: memref<1xi32, #tpu.memory_space<smem>>) -> (i32, i32, i32) {
    %get3A = arith.constant 0 : index
    %get3A_0 = memref.load %arg1[%get3A] : memref<1xi32, #tpu.memory_space<smem>>
    %c0_i32 = arith.constant 0 : i32
    %c0_i32_1 = arith.constant 0 : i32
    %c0_i32_2 = arith.constant 0 : i32
    return %get3A_0, %c0_i32, %c0_i32_1 : i32, i32, i32
  }
  func.func @transform_2(%arg0: i32, %arg1: memref<1xi32, #tpu.memory_space<smem>>) -> (i32, i32) {
    %c0_i32 = arith.constant 0 : i32
    %c0_i32_0 = arith.constant 0 : i32
    return %arg0, %c0_i32 : i32, i32
  }
  func.func @transform_3(%arg0: i32, %arg1: memref<1xi32, #tpu.memory_space<smem>>) -> (i32, i32) {
    %c0_i32 = arith.constant 0 : i32
    %c0_i32_0 = arith.constant 0 : i32
    return %arg0, %c0_i32 : i32, i32
  }
  func.func @transform_4(%arg0: i32, %arg1: memref<1xi32, #tpu.memory_space<smem>>) -> (i32, i32) {
    %c0_i32 = arith.constant 0 : i32
    %c0_i32_0 = arith.constant 0 : i32
    return %arg0, %c0_i32 : i32, i32
  }
  func.func @transform_5(%arg0: i32, %arg1: memref<1xi32, #tpu.memory_space<smem>>) -> (i32, i32) {
    %c0_i32 = arith.constant 0 : i32
    %c0_i32_0 = arith.constant 0 : i32
    %c0_i32_1 = arith.constant 0 : i32
    return %c0_i32, %c0_i32_0 : i32, i32
  }
}

module attributes {stable_mosaic.version = 14 : i64} {
  func.func @_ffn_body(%arg0: i32, %arg1: memref<31xi32, #tpu.memory_space<smem>>, %arg2: memref<31xi32, #tpu.memory_space<smem>>, %arg3: memref<31xi32, #tpu.memory_space<smem>>, %arg4: memref<31xi32, #tpu.memory_space<smem>>, %arg5: memref<256x896xf32, #tpu.memory_space<vmem>>, %arg6: memref<1x768x128xf32, #tpu.memory_space<vmem>>, %arg7: memref<1x1x128xf32, #tpu.memory_space<vmem>>, %arg8: memref<1x128x768xf32, #tpu.memory_space<vmem>>, %arg9: memref<1x1x768xf32, #tpu.memory_space<vmem>>, %arg10: memref<256x768xf32, #tpu.memory_space<vmem>>) attributes {dimension_semantics = [#tpu.dimension_semantics<arbitrary>], iteration_bounds = array<i64: 31>, scalar_prefetch = 4 : i64, scratch_operands = 0 : i64, tpu.core_type = #tpu.core_type<tc>, window_params = [{transform_indices = @transform_0, window_bounds = array<i64: 256, 896>}, {transform_indices = @transform_1, window_bounds = array<i64: 1, 768, 128>}, {transform_indices = @transform_2, window_bounds = array<i64: 1, 1, 128>}, {transform_indices = @transform_3, window_bounds = array<i64: 1, 128, 768>}, {transform_indices = @transform_4, window_bounds = array<i64: 1, 1, 768>}, {transform_indices = @transform_5, window_bounds = array<i64: 256, 768>}]} {
    %get3A = arith.constant 0 : index
    %get3A_0 = arith.constant 0 : index
    %get3A_1 = vector.load %arg5[%get3A, %get3A_0] : memref<256x896xf32, #tpu.memory_space<vmem>>, vector<256x768xf32>
    %get3A_2 = arith.constant 0 : index
    %get3A_3 = arith.constant 768 : index
    %get3A_4 = vector.load %arg5[%get3A_2, %get3A_3] : memref<256x896xf32, #tpu.memory_space<vmem>>, vector<256x1xf32>
    %get3A_5 = arith.constant 0 : index
    %get3A_6 = arith.constant 0 : index
    %get3A_7 = arith.constant 0 : index
    %get3A_8 = vector.load %arg6[%get3A_5, %get3A_6, %get3A_7] : memref<1x768x128xf32, #tpu.memory_space<vmem>>, vector<1x768x128xf32>
    %get3A_9 = vector.shape_cast %get3A_8 : vector<1x768x128xf32> to vector<768x128xf32>
    %dot_general3A = arith.constant dense<0.000000e+00> : vector<256x128xf32>
    %dot_general3A_10 = tpu.matmul %get3A_1, %get3A_9, %dot_general3A {dimension_numbers = #tpu.dot_dimension_numbers<[1], [0], [0], [1], [0, 0, 1, 1], [], []>, transpose_lhs_hint = false} : vector<256x768xf32>, vector<768x128xf32>, vector<256x128xf32> -> vector<256x128xf32>
    %get3A_11 = arith.constant 0 : index
    %get3A_12 = arith.constant 0 : index
    %get3A_13 = arith.constant 0 : index
    %get3A_14 = vector.load %arg7[%get3A_11, %get3A_12, %get3A_13] : memref<1x1x128xf32, #tpu.memory_space<vmem>>, vector<1x1x128xf32>
    %get3A_15 = vector.shape_cast %get3A_14 : vector<1x1x128xf32> to vector<128xf32>
    %broadcast_in_dim3A = vector.shape_cast %get3A_15 : vector<128xf32> to vector<1x128xf32>
    %add3A = vector.broadcast %broadcast_in_dim3A : vector<1x128xf32> to vector<256x128xf32>
    %add3A_16 = arith.addf %dot_general3A_10, %add3A : vector<256x128xf32>
    %mul3A = arith.constant 5.000000e-01 : f32
    %mul3A_17 = vector.broadcast %mul3A : f32 to vector<256x128xf32>
    %mul3A_18 = arith.mulf %add3A_16, %mul3A_17 : vector<256x128xf32>
    %mul3A_19 = arith.constant 0.707106769 : f32
    %mul3A_20 = vector.broadcast %mul3A_19 : f32 to vector<256x128xf32>
    %mul3A_21 = arith.mulf %add3A_16, %mul3A_20 : vector<256x128xf32>
    %erf3A = math.erf %mul3A_21 : vector<256x128xf32>
    %add3A_22 = arith.constant 1.000000e+00 : f32
    %add3A_23 = vector.broadcast %add3A_22 : f32 to vector<256x128xf32>
    %add3A_24 = arith.addf %add3A_23, %erf3A : vector<256x128xf32>
    %mul3A_25 = arith.mulf %mul3A_18, %add3A_24 : vector<256x128xf32>
    %get3A_26 = arith.constant 0 : index
    %get3A_27 = arith.constant 0 : index
    %get3A_28 = arith.constant 0 : index
    %get3A_29 = vector.load %arg8[%get3A_26, %get3A_27, %get3A_28] : memref<1x128x768xf32, #tpu.memory_space<vmem>>, vector<1x128x768xf32>
    %get3A_30 = vector.shape_cast %get3A_29 : vector<1x128x768xf32> to vector<128x768xf32>
    %dot_general3A_31 = arith.constant dense<0.000000e+00> : vector<256x768xf32>
    %dot_general3A_32 = tpu.matmul %mul3A_25, %get3A_30, %dot_general3A_31 {dimension_numbers = #tpu.dot_dimension_numbers<[1], [0], [0], [1], [0, 0, 1, 1], [], []>, transpose_lhs_hint = false} : vector<256x128xf32>, vector<128x768xf32>, vector<256x768xf32> -> vector<256x768xf32>
    %get3A_33 = arith.constant 0 : index
    %get3A_34 = arith.constant 0 : index
    %get3A_35 = arith.constant 0 : index
    %get3A_36 = vector.load %arg9[%get3A_33, %get3A_34, %get3A_35] : memref<1x1x768xf32, #tpu.memory_space<vmem>>, vector<1x1x768xf32>
    %get3A_37 = vector.shape_cast %get3A_36 : vector<1x1x768xf32> to vector<768xf32>
    %broadcast_in_dim3A_38 = vector.shape_cast %get3A_37 : vector<768xf32> to vector<1x768xf32>
    %add3A_39 = vector.broadcast %broadcast_in_dim3A_38 : vector<1x768xf32> to vector<256x768xf32>
    %add3A_40 = arith.addf %dot_general3A_32, %add3A_39 : vector<256x768xf32>
    %mul3A_41 = vector.broadcast %get3A_4 : vector<256x1xf32> to vector<256x768xf32>
    %mul3A_42 = arith.mulf %add3A_40, %mul3A_41 : vector<256x768xf32>
    %iota3A = tpu.iota {dimensions = array<i32: 0>} : vector<256x1xi32>
    %get3A_43 = arith.index_cast %arg0 : i32 to index
    %get3A_44 = memref.load %arg3[%get3A_43] : memref<31xi32, #tpu.memory_space<smem>>
    %ge3A = vector.broadcast %get3A_44 : i32 to vector<256x1xi32>
    %ge3A_45 = arith.cmpi sge, %iota3A, %ge3A : vector<256x1xi32>
    %get3A_46 = arith.index_cast %arg0 : i32 to index
    %get3A_47 = memref.load %arg4[%get3A_46] : memref<31xi32, #tpu.memory_space<smem>>
    %lt3A = vector.broadcast %get3A_47 : i32 to vector<256x1xi32>
    %lt3A_48 = arith.cmpi slt, %iota3A, %lt3A : vector<256x1xi32>
    %and3A = arith.andi %ge3A_45, %lt3A_48 : vector<256x1xi1>
    %jit3A = arith.constant 0.000000e+00 : f32
    %broadcast_in_dim3A_49 = vector.shape_cast %and3A : vector<256x1xi1> to vector<256x1xi1>
    %broadcast_in_dim3A_50 = vector.broadcast %broadcast_in_dim3A_49 : vector<256x1xi1> to vector<256x768xi1>
    %broadcast_in_dim3A_51 = vector.broadcast %jit3A : f32 to vector<256x768xf32>
    %select_n3A = arith.select %broadcast_in_dim3A_50, %mul3A_42, %broadcast_in_dim3A_51 : vector<256x768xi1>, vector<256x768xf32>
    %eq3A = arith.constant 0 : i32
    %eq3A_52 = arith.cmpi eq, %arg0, %eq3A : i32
    %get3A_53 = arith.index_cast %arg0 : i32 to index
    %get3A_54 = memref.load %arg1[%get3A_53] : memref<31xi32, #tpu.memory_space<smem>>
    %sub3A = arith.constant 1 : i32
    %sub3A_55 = arith.subi %arg0, %sub3A : i32
    %max3A = arith.constant 0 : i32
    %max3A_56 = arith.maxsi %sub3A_55, %max3A : i32
    %get3A_57 = arith.index_cast %max3A_56 : i32 to index
    %get3A_58 = memref.load %arg1[%get3A_57] : memref<31xi32, #tpu.memory_space<smem>>
    %ne3A = arith.cmpi ne, %get3A_54, %get3A_58 : i32
    %or3A = arith.ori %eq3A_52, %ne3A : i1
    %convert_element_type3A = arith.extui %or3A : i1 to i32
    %cond3A = arith.constant 0 : i32
    %cond3A_59 = arith.cmpi ne, %convert_element_type3A, %cond3A : i32
    scf.if %cond3A_59 {
      %swap3A = arith.constant 0 : index
      %swap3A_64 = arith.constant 0 : index
      %swap3A_65 = vector.load %arg10[%swap3A, %swap3A_64] : memref<256x768xf32, #tpu.memory_space<vmem>>, vector<256x768xf32>
      tpu.vector_store %arg10[%swap3A, %swap3A_64], %select_n3A {strides = array<i32>} : memref<256x768xf32, #tpu.memory_space<vmem>>, vector<256x768xf32>,
    } else {
    }
    %not3A = arith.constant true
    %not3A_60 = arith.xori %or3A, %not3A : i1
    %convert_element_type3A_61 = arith.extui %not3A_60 : i1 to i32
    %cond3A_62 = arith.constant 0 : i32
    %cond3A_63 = arith.cmpi ne, %convert_element_type3A_61, %cond3A_62 : i32
    scf.if %cond3A_63 {
      %get3A_64 = arith.constant 0 : index
      %get3A_65 = arith.constant 0 : index
      %get3A_66 = vector.load %arg10[%get3A_64, %get3A_65] : memref<256x768xf32, #tpu.memory_space<vmem>>, vector<256x768xf32>
      %add3A_67 = arith.addf %get3A_66, %select_n3A : vector<256x768xf32>
      %swap3A = arith.constant 0 : index
      %swap3A_68 = arith.constant 0 : index
      %swap3A_69 = vector.load %arg10[%swap3A, %swap3A_68] : memref<256x768xf32, #tpu.memory_space<vmem>>, vector<256x768xf32>
      tpu.vector_store %arg10[%swap3A, %swap3A_68], %add3A_67 {strides = array<i32>} : memref<256x768xf32, #tpu.memory_space<vmem>>, vector<256x768xf32>,
    } else {
    }
    return
  }
  func.func @transform_0(%arg0: i32, %arg1: memref<31xi32, #tpu.memory_space<smem>>, %arg2: memref<31xi32, #tpu.memory_space<smem>>, %arg3: memref<31xi32, #tpu.memory_space<smem>>, %arg4: memref<31xi32, #tpu.memory_space<smem>>) -> (i32, i32) {
    %get3A = arith.index_cast %arg0 : i32 to index
    %get3A_0 = memref.load %arg1[%get3A] : memref<31xi32, #tpu.memory_space<smem>>
    %c0_i32 = arith.constant 0 : i32
    %c0_i32_1 = arith.constant 0 : i32
    return %get3A_0, %c0_i32 : i32, i32
  }
  func.func @transform_1(%arg0: i32, %arg1: memref<31xi32, #tpu.memory_space<smem>>, %arg2: memref<31xi32, #tpu.memory_space<smem>>, %arg3: memref<31xi32, #tpu.memory_space<smem>>, %arg4: memref<31xi32, #tpu.memory_space<smem>>) -> (i32, i32, i32) {
    %get3A = arith.index_cast %arg0 : i32 to index
    %get3A_0 = memref.load %arg2[%get3A] : memref<31xi32, #tpu.memory_space<smem>>
    %c0_i32 = arith.constant 0 : i32
    %c0_i32_1 = arith.constant 0 : i32
    %c0_i32_2 = arith.constant 0 : i32
    return %get3A_0, %c0_i32, %c0_i32_1 : i32, i32, i32
  }
  func.func @transform_2(%arg0: i32, %arg1: memref<31xi32, #tpu.memory_space<smem>>, %arg2: memref<31xi32, #tpu.memory_space<smem>>, %arg3: memref<31xi32, #tpu.memory_space<smem>>, %arg4: memref<31xi32, #tpu.memory_space<smem>>) -> (i32, i32, i32) {
    %get3A = arith.index_cast %arg0 : i32 to index
    %get3A_0 = memref.load %arg2[%get3A] : memref<31xi32, #tpu.memory_space<smem>>
    %c0_i32 = arith.constant 0 : i32
    %c0_i32_1 = arith.constant 0 : i32
    %c0_i32_2 = arith.constant 0 : i32
    return %get3A_0, %c0_i32, %c0_i32_1 : i32, i32, i32
  }
  func.func @transform_3(%arg0: i32, %arg1: memref<31xi32, #tpu.memory_space<smem>>, %arg2: memref<31xi32, #tpu.memory_space<smem>>, %arg3: memref<31xi32, #tpu.memory_space<smem>>, %arg4: memref<31xi32, #tpu.memory_space<smem>>) -> (i32, i32, i32) {
    %get3A = arith.index_cast %arg0 : i32 to index
    %get3A_0 = memref.load %arg2[%get3A] : memref<31xi32, #tpu.memory_space<smem>>
    %c0_i32 = arith.constant 0 : i32
    %c0_i32_1 = arith.constant 0 : i32
    %c0_i32_2 = arith.constant 0 : i32
    return %get3A_0, %c0_i32, %c0_i32_1 : i32, i32, i32
  }
  func.func @transform_4(%arg0: i32, %arg1: memref<31xi32, #tpu.memory_space<smem>>, %arg2: memref<31xi32, #tpu.memory_space<smem>>, %arg3: memref<31xi32, #tpu.memory_space<smem>>, %arg4: memref<31xi32, #tpu.memory_space<smem>>) -> (i32, i32, i32) {
    %get3A = arith.index_cast %arg0 : i32 to index
    %get3A_0 = memref.load %arg2[%get3A] : memref<31xi32, #tpu.memory_space<smem>>
    %c0_i32 = arith.constant 0 : i32
    %c0_i32_1 = arith.constant 0 : i32
    %c0_i32_2 = arith.constant 0 : i32
    return %get3A_0, %c0_i32, %c0_i32_1 : i32, i32, i32
  }
  func.func @transform_5(%arg0: i32, %arg1: memref<31xi32, #tpu.memory_space<smem>>, %arg2: memref<31xi32, #tpu.memory_space<smem>>, %arg3: memref<31xi32, #tpu.memory_space<smem>>, %arg4: memref<31xi32, #tpu.memory_space<smem>>) -> (i32, i32) {
    %get3A = arith.index_cast %arg0 : i32 to index
    %get3A_0 = memref.load %arg1[%get3A] : memref<31xi32, #tpu.memory_space<smem>>
    %c0_i32 = arith.constant 0 : i32
    %c0_i32_1 = arith.constant 0 : i32
    return %get3A_0, %c0_i32 : i32, i32
  }
}

</mosaic_0001>

<sc_bundles>
// kernel: kernel.6.cloned.1.call-start
scs
__scs_entry_jumppad:
0x0: {  	(pc) =	sbr.rel $0x88, $3  }
0x1: {  	(tag) =	ssettag $0x0;
	lr =	simm.s32 $0x1  }
0x2: {  	[smem:$0x3F9A] =	sst lr;
	_ =	strace $0xD0000000  }
0x3: {  	_ = 	snop  }
0x4: {  	_ = 	snop  }
0x5: {  	_ = 	snop  }
0x6: {  	_ = 	snop  }
0x7: {  	_ = 	snop  }
__scs_overlays_trampoline_lowered:
0x8: {  	[smem:$0x3FA9] =	sst s0  }
0x9: {  	[smem:$0x3FAA] =	sst s1  }
0xa: {  	[smem:$0x3FAB] =	sst s2  }
0xb: {  	[smem:$0x3FAC] =	sst s3  }
0xc: {  	[smem:$0x3FAD] =	sst s4  }
0xd: {  	[smem:$0x3FAE] =	sst s5  }
0xe: {  	[smem:$0x3FAF] =	sst s6  }
0xf: {  	[smem:$0x3FB0] =	sst s7  }
0x10: {  	[smem:$0x3FB1] =	sst s8  }
0x11: {  	[smem:$0x3FB2] =	sst s9;
	s0 =	simm.s32 @!p0 $0x0  }
0x12: {  	s1 =	sld [smem:$0x3F98];
	s0 =	simm.s32 @p0 $0x1  }
0x13: {  	[smem:$0x3FB3] =	sst s0;
	s0 =	simm.s32 @!p1 $0x0  }
0x14: {  	s2 =	sld [smem:$0x3F97];
	s0 =	simm.s32 @p1 $0x1  }
0x15: {  	[smem:$0x3FB4] =	sst s0;
	s0 =	simm.s32 @!p2 $0x0  }
0x16: {  	s3 =	sld [smem:$0x3FDB];
	s0 =	simm.s32 @p2 $0x1  }
0x17: {  	s4 =	simm.s32 $0x1BF5;
	[smem:$0x3FB6] =	sst s0  }
0x18: {  	s0 =	sld [smem:$0x3F99];
	_ =	swait.ge [sflag:s4], $0x0  }
0x19: {  	s7 =	sld [smem:$0x3F9A]  }
0x1a: {  	s8 =	sadd.s32 $0xFFFFE003, lr  }
0x1b: {  	s9 =	sadd.s32 $0xFFFFFEF7, lr;
	s5 =	simm.s32 $0xFFFFFFFF;
	p2 =	slt.u32 s8, $0xFFFFF086  }
0x1c: {  	p1 =	slt.u32 s9, $0xF7A;
	s5 =	simm.s32 @!p2 $0x0  }
0x1d: {  	s5 =	simm.s32 @p1 $0x1;
	p0 =	seq.s32 s7, s2  }
0x1e: {  	s7 =	smul.u32 @!p0 $0xF7A, s2;
	p2 =	seq.s32 @!p0 s5, $0x0  }
0x1f: {  	s9 =	smul.u32 $0xF7A, s1;
	s8 =	simm.s32 @!p0 $0x1BF5;
	p2 =	por !p2, p0  }
0x20: {  	[sflag:s8] =	ssyncset.s32 @!p0 $0xFFFFF086;
	s6 =	sadd.s32 @!p0 s3, s7;
	s7 =	simm.s32 @!p0 $0x108  }
0x21: {  	s3 =	sadd.s32 s3, s9;
	s6 =	sadd.s32 @!p0 $0x88, s6;
	s7 =	simm.s32 @p2 $0x1082  }
0x22: {  	[simem:s7], [sflag:s8] =	dma.local @!p0 [hbm:s6], $0xF7A  }
0x23: {  	s9 =	sor.u32 $0xD0000000, s2;
	s6 =	simm.s32 $0x108;
	_ =	swait.ge @!p0 [sflag:s8], $0x0  }
0x24: {  	s3 =	sadd.s32 $0x88, s3;
	s6 =	simm.s32 @!p1 $0x1082;
	[sflag:s4] =	ssyncset.s32 $0xFFFFF086  }
0x25: {  	[simem:s6], [sflag:s4] =	dma.local [hbm:s3], $0xF7A  }
0x26: {  	[smem:$0x3F9A] =	sst s1;
	(tag) =	ssettag s2;
	_ =	strace s9  }
0x27: {  	s1 =	sld [smem:$0x3FAA]  }
0x28: {  	s2 =	sld [smem:$0x3FAB]  }
0x29: {  	s4 =	sld [smem:$0x3FAD]  }
0x2a: {  	p0 =	seq.s32 s5, $0x0;
	s5 =	sld [smem:$0x3FAE]  }
0x2b: {  	s6 =	sld [smem:$0x3FAF]  }
0x2c: {  	s7 =	sld [smem:$0x3FB0]  }
0x2d: {  	s3 =	simm.s32 $0x108;
	s8 =	sld [smem:$0x3FB1]  }
0x2e: {  	s3 =	simm.s32 @!p0 $0x1082;
	s9 =	sld [smem:$0x3FB2]  }
0x2f: {  	lr =	sadd.s32 s0, s3;
	s0 =	sld [smem:$0x3FA9]  }
0x30: {  	s3 =	sld [smem:$0x3FAC]  }
0x31: {  	[smem:$0x3FB5] =	sst s10  }
0x32: {  	s10 =	sld [smem:$0x3FB3];
	_ =	sdelay $0x3  }
0x33: {  	p0 =	seq.s32 s10, $0x1;
	s10 =	sld [smem:$0x3FB5];
	_ =	sdelay $0x3  }
0x34: {  	[smem:$0x3FB5] =	sst s10  }
0x35: {  	s10 =	sld [smem:$0x3FB4];
	_ =	sdelay $0x3  }
0x36: {  	p1 =	seq.s32 s10, $0x1;
	s10 =	sld [smem:$0x3FB5];
	_ =	sdelay $0x3  }
0x37: {  	[smem:$0x3FB5] =	sst s10  }
0x38: {  	s10 =	sld [smem:$0x3FB6]  }
0x39: {  	_ = 	snop;
	(pc) =	sbr.ind lr, $3  }
0x3a: {  	_ = 	snop  }
0x3b: {  	_ = 	snop  }
0x3c: {  	p2 =	seq.s32 s10, $0x1;
	s10 =	sld [smem:$0x3FB5]  }
0x3d: {  	_ =	shalt  }
0x3e: {  	_ =	shalt  }
0x3f: {  	_ =	shalt  }
0x40: {  	_ =	shalt  }
0x41: {  	_ =	shalt  }
0x42: {  	_ =	shalt  }
0x43: {  	_ =	shalt  }
0x44: {  	_ =	shalt  }
0x45: {  	_ =	shalt  }
0x46: {  	_ =	shalt  }
0x47: {  	_ =	shalt  }
0x48: {  	_ =	shalt  }
0x49: {  	_ =	shalt  }
0x4a: {  	_ =	shalt  }
0x4b: {  	_ =	shalt  }
0x4c: {  	_ =	shalt  }
0x4d: {  	_ =	shalt  }
0x4e: {  	_ =	shalt  }
0x4f: {  	_ =	shalt  }
0x50: {  	_ =	shalt  }
0x51: {  	_ =	shalt  }
0x52: {  	_ =	shalt  }
0x53: {  	_ =	shalt  }
0x54: {  	_ =	shalt  }
0x55: {  	_ =	shalt  }
0x56: {  	_ =	shalt  }
0x57: {  	_ =	shalt  }
0x58: {  	_ =	shalt  }
0x59: {  	_ =	shalt  }
0x5a: {  	_ =	shalt  }
0x5b: {  	_ =	shalt  }
0x5c: {  	_ =	shalt  }
0x5d: {  	_ =	shalt  }
0x5e: {  	_ =	shalt  }
0x5f: {  	_ =	shalt  }
0x60: {  	_ =	shalt  }
0x61: {  	_ =	shalt  }
0x62: {  	_ =	shalt  }
0x63: {  	_ =	shalt  }
0x64: {  	_ =	shalt  }
0x65: {  	_ =	shalt  }
0x66: {  	_ =	shalt  }
0x67: {  	_ =	shalt  }
0x68: {  	_ =	shalt  }
0x69: {  	_ =	shalt  }
0x6a: {  	_ =	shalt  }
0x6b: {  	_ =	shalt  }
0x6c: {  	_ =	shalt  }
0x6d: {  	_ =	shalt  }
0x6e: {  	_ =	shalt  }
0x6f: {  	_ =	shalt  }
0x70: {  	_ =	shalt  }
0x71: {  	_ =	shalt  }
0x72: {  	_ =	shalt  }
0x73: {  	_ =	shalt  }
0x74: {  	_ =	shalt  }
0x75: {  	_ =	shalt  }
0x76: {  	_ =	shalt  }
0x77: {  	_ =	shalt  }
0x78: {  	_ =	shalt  }
0x79: {  	_ =	shalt  }
0x7a: {  	_ =	shalt  }
0x7b: {  	_ =	shalt  }
0x7c: {  	_ =	shalt  }
0x7d: {  	_ =	shalt  }
0x7e: {  	_ =	shalt  }
0x7f: {  	_ =	shalt  }
0x80: {  	_ =	shalt  }
0x81: {  	_ =	shalt  }
0x82: {  	_ =	shalt  }
0x83: {  	_ =	shalt  }
0x84: {  	_ =	shalt  }
0x85: {  	_ =	shalt  }
0x86: {  	_ =	shalt  }
0x87: {  	_ =	shalt  }
.Lfunc_end0:
.L_simem_size_0:
called_computation_lowered:
.L_overlay_start_0:
0x88: {  	s2 =	sld [smem:$0x3FD9]  }
0x89: {  	s3 =	sld [smem:$0x3FFE];
	_ =	sdelay $0x1  }
0x8a: {  	s1 =	srdreg.scid  }
0x8b: {  	s0 =	sand.u32 $0x1, s1  }
0x8c: {  	s17 =	sshll.u32 s0, $0xA;
	s2 =	sadd.s32 s3, s2  }
0x8d: {  	s2 =	sadd.s32 s2, s17  }
0x8e: {  	[smem:$0x3FC1] =	sst s2  }
0x8f: {  	_ = 	snop  }
0x90: {  	s2 =	sld [smem:$0x3FC9]  }
0x91: {  	s18 =	sld [smem:$0x3FD0];
	(tm) =	ssettm $0x1  }
0x92: {  	s4 =	sld [smem:$0x3FFB];
	_ =	sdelay $0x3  }
0x93: {  	_ =	strace s4  }
0x94: {  	s4 =	sld [smem:$0x3FFC];
	_ =	sdelay $0x3  }
0x95: {  	_ =	strace s4  }
0x96: {  	s4 =	sld [smem:$0x3FFD];
	_ =	sdelay $0x3  }
0x97: {  	_ =	strace s4  }
0x98: {  	_ =	strace $0x8FFFFFFF  }
0x99: {  	s19 =	sld [smem:$0x3FDB];
	_ =	sdelay $0x1  }
0x9a: {  	s5 =	simm.s32 $_scs_section_size  }
0x9b: {  	s6 =	simm.s32 $_size__tile_overlayer_lowered;
	s7 =	simm.s32 $_tile_overlayer_lowered  }
0x9c: {  	s22 =	simm.s32 $0x1BFF;
	s21 =	sshll.u32 s7, $0x1;
	s4 =	sadd.s32 s5, s19  }
0x9d: {  	s8 =	simm.s32 $0x0;
	s20 =	sshll.u32 s6, $0x1;
	s6 =	sadd.s32 s21, s4  }
0x9e: {  	[timem:s8], [sflag:s22] =	dma.local [hbm:s6], s20  }
0x9f: {  	_ =	swait.ge [sflag:s22], s20  }
0xa0: {  	s5 =	ssub.s32 $0x0, s20;
	[sflag:s22] =	ssyncset.done $0x0  }
0xa1: {  	[sflag:s22] =	ssyncadd.s32 s5;
	_ =	sdelay $0x1  }
0xa2: {  	s23 =	simm.s32 $0x1B8B  }
0xa3: {  	_ =	swait.ge [sflag:s23], $0x1  }
0xa4: {  	[sflag:s23] =	ssyncset.done $0x0  }
0xa5: {  	s25 =	simm.s32 $0x1B8E;
	s24 =	sld [smem:$0x3FFE];
	[sflag:s23] =	ssyncadd.s32 $0xFFFFFFFF  }
0xa6: {  	s26 =	simm.s32 $execute0_lowered;
	[smem:$0x3FD2] =	sst s25  }
0xa7: {  	s6 =	sshll.u32 s26, $0x1;
	_ =	strace $0x80000046;
	[dreg:$0x1] =	wrdreg $0xFFFFFFFF  }
0xa8: {  	s28 =	simm.s32 $_size_execute0_lowered;
	s4 =	sadd.s32 s4, s6;
	[dreg:$0x0] =	wrdreg $0x0  }
0xa9: {  	s6 =	sshll.u32 s28, $0x1;
	[dreg:$0x2] =	wrdreg s4  }
0xaa: {  	[dreg:$0x3] =	wrdreg s6  }
0xab: {  	[dreg:$0x4] =	wrdreg $0xC0  }
0xac: {  	_ =	task [dreg:s8], $0x5FFFF  }
0xad: {  	[dreg:$0x1] =	wrdreg $0xFFFFFFFF  }
0xae: {  	[dreg:$0x0] =	wrdreg $0x60  }
0xaf: {  	[dreg:$0x2] =	wrdreg s2  }
0xb0: {  	[dreg:$0x3] =	wrdreg s18  }
0xb1: {  	[dreg:$0x4] =	wrdreg s24  }
0xb2: {  	[dreg:$0x5] =	wrdreg $0x9  }
0xb3: {  	_ =	task.clear_ibuf [dreg:s8], $0x6FFFF;
	_ =	strace $0x90000046  }
0xb4: {  	s29 =	simm.s32 $0x9;
	_ =	strace $0x80000048  }
0xb5: {  	_ =	swait.ge [sflag:s29], $0x1  }
0xb6: {  	[sflag:s29] =	ssyncadd.s32 $0xFFFFFFFF  }
0xb7: {  	_ =	strace $0x90000048  }
0xb8: {  	_ =	sfence  }
0xb9: {  	s30 =	sld [smem:$0x0];
	_ =	sdelay $0x2  }
0xba: {  	s31 =	sshll.u32 s1, $0xD;
	s1 =	sshrl.u32 s1, $0x2  }
0xbb: {  	s3 =	sand.u32 $0x4000, s31;
	s1 =	sadd.s32 s1, s30  }
0xbc: {  	s0 =	sor.u32 s3, s0;
	s1 =	sshll.u32 s1, $0x11  }
0xbd: {  	s0 =	sor.u32 s1, s0  }
0xbe: {  	s0 =	sadd.s32 $0x8F2B, s0  }
0xbf: {  	[sflag:s0] =	ssyncadd.remote.s32 $0x1  }
0xc0: {  	_ =	sfence.sel $0xFFFF  }
0xc1: {  	[dreg:$0x0] =	wrdreg $0xFFFFFFFF;
	(pc) =	sbr.abs _section_cstart, $3  }
0xc2: {  	[dreg:$0x1] =	wrdreg $0xFFFFFFFF  }
0xc3: {  	_ =	task.clear_ibuf [dreg:s8], $0x2FFFF;
	_ =	strace $0x9FFFFFFF  }
0xc4: {  	(tm) =	ssettm $0x7FFFFFFF  }
0xc5: {  	_ =	shalt  }
tec
execute0_lowered:
.L_overlay_start_1:
0x0: {  	(tag) =	ssettag $0x1  }
0x1: {  	s4 =	rddreg [dreg:$0x0]  }
0x2: {  	s5 =	rddreg [dreg:$0x1]  }
0x3: {  	s2 =	rddreg [dreg:$0x2];
	s3 =	simm.s32 $0x0  }
0x4: {  	s23 =	simm.s32 $0x80;
	[smem:$0x7FF] =	sst s3  }
0x5: {  	s24 =	simm.s32 $0x100;
	_ =	strace $0x80000047;
	[dreg:$0x17] =	wrdreg s23  }
0x6: {  	s25 =	simm.s32 $0x180;
	[dreg:$0x18] =	wrdreg s24  }
0x7: {  	s0 =	srdreg.scid;
	[dreg:$0x19] =	wrdreg s25;
	s23 =	simm.s32 $0xB280  }
0x8: {  	s1 =	stileid.u32;
	s24 =	simm.s32 $0xBA80;
	[smem:$0x7E3] =	sst s23  }
0x9: {  	s0 =	sand.u32 $0x1, s0;
	s25 =	simm.s32 $0xC280;
	[smem:$0x7E4] =	sst s24  }
0xa: {  	s6 =	sshll.u32 s1, $0x5;
	[smem:$0x7E5] =	sst s25;
	s23 =	simm.s32 $0x18680  }
0xb: {  	s7 =	sshll.u32 s0, $0x4;
	s24 =	simm.s32 $0x19280;
	[smem:$0x7FA] =	sst s23  }
0xc: {  	s6 =	sor.u32 s7, s6;
	s25 =	simm.s32 $0x19A80;
	[smem:$0x7FB] =	sst s24  }
0xd: {  	s7 =	sadd.s32 s6, s2;
	s5 =	sadd.s32 s5, s6;
	[smem:$0x7FC] =	sst s25  }
0xe: {  	[dreg:$0x16] =	wrdreg s5;
	s26 =	sadd.s32 $0x200, s7  }
0xf: {  	s1 =	sadd.s32 $0x400, s7;
	[dreg:$0x4] =	wrdreg s26  }
0x10: {  	s7 =	sadd.s32 $0x70600, s7;
	[dreg:$0x5] =	wrdreg s1  }
0x11: {  	s6 =	smul.u32 $0x300, s6;
	[dreg:$0x6] =	wrdreg s7;
	s26 =	simm.s32 $0x200  }
0x12: {  	s1 =	simm.s32 $0xA80;
	[dreg:$0x1a] =	wrdreg s26  }
0x13: {  	s4 =	sadd.s32 s4, s6;
	s6 =	simm.s32 $0x1280;
	[dreg:$0x1b] =	wrdreg s1  }
0x14: {  	s7 =	simm.s32 $0x1A80;
	[dreg:$0x1c] =	wrdreg s6  }
0x15: {  	s8 =	sadd.s32 $0x300, s4;
	[dreg:$0x1d] =	wrdreg s7  }
0x16: {  	s9 =	sadd.s32 $0x600, s4;
	[dreg:$0x7] =	wrdreg s8  }
0x17: {  	s10 =	sadd.s32 $0x900, s4;
	[dreg:$0x8] =	wrdreg s9  }
0x18: {  	s11 =	sadd.s32 $0xC00, s4;
	[dreg:$0x9] =	wrdreg s10  }
0x19: {  	s12 =	sadd.s32 $0xF00, s4;
	[dreg:$0xa] =	wrdreg s11  }
0x1a: {  	s13 =	sadd.s32 $0x1200, s4;
	[dreg:$0xb] =	wrdreg s12  }
0x1b: {  	s14 =	sadd.s32 $0x1500, s4;
	[dreg:$0xc] =	wrdreg s13  }
0x1c: {  	s15 =	sadd.s32 $0x1800, s4;
	[dreg:$0xd] =	wrdreg s14  }
0x1d: {  	s16 =	sadd.s32 $0x1B00, s4;
	[dreg:$0xe] =	wrdreg s15  }
0x1e: {  	s17 =	sadd.s32 $0x1E00, s4;
	[dreg:$0xf] =	wrdreg s16  }
0x1f: {  	s18 =	sadd.s32 $0x2100, s4;
	[dreg:$0x10] =	wrdreg s17  }
0x20: {  	s19 =	sadd.s32 $0x2400, s4;
	[dreg:$0x11] =	wrdreg s18  }
0x21: {  	s20 =	sadd.s32 $0x2700, s4;
	[dreg:$0x12] =	wrdreg s19  }
0x22: {  	s21 =	sadd.s32 $0x2A00, s4;
	[dreg:$0x13] =	wrdreg s20  }
0x23: {  	s22 =	sadd.s32 $0x2D00, s4;
	[dreg:$0x14] =	wrdreg s21  }
0x24: {  	s26 =	simm.s32 $0xCE80;
	[dreg:$0x15] =	wrdreg s22  }
0x25: {  	s1 =	simm.s32 $0xD680;
	[smem:$0x7E6] =	sst s26  }
0x26: {  	s7 =	simm.s32 $0xDE80;
	[smem:$0x7E7] =	sst s1  }
0x27: {  	s8 =	simm.s32 $0x2680;
	[smem:$0x7E8] =	sst s7  }
0x28: {  	s9 =	simm.s32 $0x2E80;
	[dreg:$0x1e] =	wrdreg s8  }
0x29: {  	s10 =	simm.s32 $0x3680;
	[dreg:$0x1f] =	wrdreg s9  }
0x2a: {  	s11 =	simm.s32 $0x4280;
	[smem:$0x7D6] =	sst s10  }
0x2b: {  	s12 =	simm.s32 $0x4A80;
	[smem:$0x7D7] =	sst s11  }
0x2c: {  	s28 =	simm.s32 $0x2;
	s13 =	simm.s32 $0x5280;
	[smem:$0x7D8] =	sst s12  }
0x2d: {  	s29 =	simm.s32 $0x1AE80;
	s14 =	simm.s32 $0x5E80;
	[smem:$0x7D9] =	sst s13  }
0x2e: {  	s30 =	simm.s32 $0x1B680;
	s15 =	simm.s32 $0x6680;
	[smem:$0x7DA] =	sst s14  }
0x2f: {  	s31 =	simm.s32 $0x1BE80;
	s16 =	simm.s32 $0x6E80;
	[smem:$0x7DB] =	sst s15  }
0x30: {  	s0 =	ssub.s32 $0x2, s0;
	s17 =	simm.s32 $0x7A80;
	[smem:$0x7DC] =	sst s16  }
0x31: {  	s23 =	simm.s32 $0x16E80;
	s18 =	simm.s32 $0x8280;
	[smem:$0x7DD] =	sst s17  }
0x32: {  	s24 =	simm.s32 $0x18A80;
	s19 =	simm.s32 $0x8A80;
	[smem:$0x7DE] =	sst s18  }
0x33: {  	v0 =	vimm.s32 $0xEDCBA987;
	s25 =	simm.s32 $0x1A680;
	s20 =	simm.s32 $0x9680;
	[smem:$0x7DF] =	sst s19  }
0x34: {  	v1 =	vimm.s32 $0x65432100;
	s5 =	sadd.s32 $0x600, s2;
	s21 =	simm.s32 $0x9E80;
	[smem:$0x7E0] =	sst s20  }
0x35: {  	v2 =	vimm.s32 $0xDCBA9876;
	s6 =	sadd.s32 $0x700, s2;
	s22 =	simm.s32 $0xA680;
	[smem:$0x7E1] =	sst s21  }
0x36: {  	v3 =	vimm.s32 $0x54321000;
	s7 =	sadd.s32 $0x800, s2;
	s26 =	simm.s32 $0x1A280;
	[smem:$0x7E2] =	sst s22  }
0x37: {  	v4 =	vimm.s32 $0xBA987654;
	vm0 =	vmmov $0x3;
	vm2 =	vcmask $0x3F30;
	s8 =	simm.s32 $0xEA80;
	s9 =	sshrl.u32 s0, $0x1;
	[smem:$0x7FD] =	sst s26  }
0x38: {  	vm1 =	vmmov $0xf;
	v8 =	vimm.s32 $0x2;
	v9 =	vimm.s32 $0x3;
	s10 =	simm.s32 $0xF280;
	s11 =	simm.s32 $0xFA80;
	[smem:$0x7E9] =	sst s8  }
0x39: {  	v10 =	vimm.s32 $0x4;
	v11 =	vimm.s32 $0x5;
	v12 =	vimm.s32 $0x6;
	s12 =	simm.s32 $0x12280;
	s13 =	simm.s32 $0x12A80;
	[smem:$0x7EA] =	sst s10  }
0x3a: {  	v13 =	vimm.s32 $0x7;
	v14 =	vimm.s32 $0x8;
	v0 =	vunpack.c.l.s4.s8 v0;
	s14 =	simm.s32 $0x13280;
	s15 =	simm.s32 $0x13E80;
	[smem:$0x7EB] =	sst s11  }
0x3b: {  	v15 =	vimm.s32 $0x9;
	v16 =	vimm.s32 $0xA;
	v1 =	vunpack.c.l.s4.s8 v1;
	s16 =	simm.s32 $0x14680;
	s17 =	simm.s32 $0x14E80;
	[smem:$0x7EF] =	sst s12  }
0x3c: {  	v17 =	vimm.s32 $0xB;
	v18 =	vimm.s32 $0xC;
	v0 =	vunpack.c.0.s8.s32 v0;
	s18 =	simm.s32 $0x15A80;
	s19 =	simm.s32 $0x16280;
	[smem:$0x7F0] =	sst s13  }
0x3d: {  	v19 =	vimm.s32 $0xD;
	v20 =	vimm.s32 $0xE;
	v1 =	vunpack.c.0.s8.s32 v1;
	s20 =	simm.s32 $0x16A80;
	s21 =	simm.s32 $0x17680;
	[smem:$0x7F1] =	sst s14  }
0x3e: {  	v2 =	vunpack.c.l.s4.s8 v2;
	v4 =	vunpack.c.l.s4.s8 v4;
	v0 =	vand.u32 $0xF, v0;
	s22 =	simm.s32 $0x17E80;
	s0 =	ssub.s32 s0, s9;
	[smem:$0x7F2] =	sst s15  }
0x3f: {  	vm3 =	vmmov $0xffff;
	v0 =	vcombine.low v1, v0;
	v1 =	vunpack.c.l.s4.s8 v3;
	s8 =	simm.s32 $0x10680;
	s9 =	simm.s32 $0x10E80;
	[smem:$0x7F3] =	sst s16  }
0x40: {  	v2 =	vunpack.c.0.s8.s32 v2;
	v4 =	vunpack.c.0.s8.s32 v4;
	v3 =	vimm.s32 $0xE40000;
	s10 =	simm.s32 $0x11680;
	s11 =	simm.s32 $0x1E80;
	[smem:$0x7F4] =	sst s17  }
0x41: {  	v3 =	vunpack.c.l.s2.s4 v3;
	v5 =	vunpack.c.0.s8.s32 v1;
	v1 =	vimm.s32 $0x32100000;
	s12 =	simm.s32 $0x3A80;
	s13 =	simm.s32 $0x5680;
	[smem:$0x7F5] =	sst s18  }
0x42: {  	v2 =	vand.u32 $0xF, v2;
	v6 =	vunpack.c.l.s4.s8 v1;
	v1 =	vlaneseq.u32;
	s14 =	simm.s32 $0x7280;
	s15 =	simm.s32 $0x8E80;
	[smem:$0x7F6] =	sst s19  }
0x43: {  	v3 =	vunpack.c.l.s4.s8 v3;
	v2 =	vcombine.low v5, v2;
	s16 =	simm.s32 $0xAA80;
	s17 =	simm.s32 $0xC680;
	[smem:$0x7F7] =	sst s20;
	v21 =	vand.u32 $0x7, v1  }
0x44: {  	s18 =	simm.s32 $0xE280;
	s19 =	simm.s32 $0xFE80;
	[smem:$0x7F8] =	sst s21;
	v22 =	vshrl.u32 v1, $0x3;
	v23 =	vor.u32 $0x8, v1;
	v5 =	vunpack.c.0.s8.s32 v6  }
0x45: {  	s26 =	simm.s32 $0x3;
	s20 =	simm.s32 $0x11A80;
	[smem:$0x7F9] =	sst s22;
	v6 =	vimm.s32 $0x7060504;
	v7 =	vunpack.c.0.s8.s32 v3;
	v3 =	vand.u32 $0xF, v4  }
0x46: {  	s21 =	simm.s32 $0x13680;
	s22 =	simm.s32 $0x15280;
	[smem:$0x7EC] =	sst s8;
	v22 =	vmul.u32 $0x8, v22;
	v4 =	vunpack.c.0.s8.s32 v6;
	v6 =	vimm.s32 $0x0  }
0x47: {  	s8 =	sadd.s32 $0x900, s2;
	[smem:$0x7ED] =	sst s9;
	s9 =	smax.u32 s0, $0x1;
	v3 =	vcombine.low v5, v3;
	v5 =	vand.u32 $0x3, v7;
	v7 =	vimm.s32 $0x1  }
0x48: {  	[smem:$0x7EE] =	sst s10;
	s10 =	simm.s32 $0x280;
	s0 =	simm.s32 $0x1;
	v4 =	vsel vm2, v4, v5;
	vm2 =	vmmov $0xff;
	v5 =	vimm.s32 $0xF  }
.LBB2_1:
0x49: {  	[tilespmem:s10], [sflag:$0x2] =	stream.linear.gather [hbm4b:s4+s3], $0x1800, $0x38;
	[tilespmem:$0x1C280] =	vst v63  }
0x4a: {  	s1 =	rddreg [dreg:$0x7]  }
0x4b: {  	[tilespmem:s11], [sflag:$0x2] =	stream.linear.gather [hbm4b:s1+s3], $0x1800, $0x38;
	[tilespmem:$0x1C280] =	vst v63  }
0x4c: {  	s2 =	rddreg [dreg:$0x8]  }
0x4d: {  	[tilespmem:s12], [sflag:$0x2] =	stream.linear.gather [hbm4b:s2+s3], $0x1800, $0x38;
	[tilespmem:$0x1C280] =	vst v63  }
0x4e: {  	s1 =	rddreg [dreg:$0x9]  }
0x4f: {  	[tilespmem:s13], [sflag:$0x2] =	stream.linear.gather [hbm4b:s1+s3], $0x1800, $0x38;
	[tilespmem:$0x1C280] =	vst v63  }
0x50: {  	s2 =	rddreg [dreg:$0xa]  }
0x51: {  	[tilespmem:s14], [sflag:$0x2] =	stream.linear.gather [hbm4b:s2+s3], $0x1800, $0x38;
	[tilespmem:$0x1C280] =	vst v63  }
0x52: {  	s1 =	rddreg [dreg:$0xb]  }
0x53: {  	[tilespmem:s15], [sflag:$0x2] =	stream.linear.gather [hbm4b:s1+s3], $0x1800, $0x38;
	[tilespmem:$0x1C280] =	vst v63  }
0x54: {  	s2 =	rddreg [dreg:$0xc]  }
0x55: {  	[tilespmem:s16], [sflag:$0x2] =	stream.linear.gather [hbm4b:s2+s3], $0x1800, $0x38;
	[tilespmem:$0x1C280] =	vst v63  }
0x56: {  	s1 =	rddreg [dreg:$0xd]  }
0x57: {  	[tilespmem:s17], [sflag:$0x2] =	stream.linear.gather [hbm4b:s1+s3], $0x1800, $0x38;
	[tilespmem:$0x1C280] =	vst v63  }
0x58: {  	s2 =	rddreg [dreg:$0xe]  }
0x59: {  	[tilespmem:s18], [sflag:$0x2] =	stream.linear.gather [hbm4b:s2+s3], $0x1800, $0x38;
	[tilespmem:$0x1C280] =	vst v63  }
0x5a: {  	s1 =	rddreg [dreg:$0xf]  }
0x5b: {  	[tilespmem:s19], [sflag:$0x2] =	stream.linear.gather [hbm4b:s1+s3], $0x1800, $0x38;
	[tilespmem:$0x1C280] =	vst v63  }
0x5c: {  	s2 =	rddreg [dreg:$0x10]  }
0x5d: {  	[tilespmem:s20], [sflag:$0x2] =	stream.linear.gather [hbm4b:s2+s3], $0x1800, $0x38;
	[tilespmem:$0x1C280] =	vst v63  }
0x5e: {  	s1 =	rddreg [dreg:$0x11]  }
0x5f: {  	[tilespmem:s21], [sflag:$0x2] =	stream.linear.gather [hbm4b:s1+s3], $0x1800, $0x38;
	[tilespmem:$0x1C280] =	vst v63  }
0x60: {  	s2 =	rddreg [dreg:$0x12]  }
0x61: {  	[tilespmem:s22], [sflag:$0x2] =	stream.linear.gather [hbm4b:s2+s3], $0x1800, $0x38;
	[tilespmem:$0x1C280] =	vst v63  }
0x62: {  	s1 =	rddreg [dreg:$0x13]  }
0x63: {  	[tilespmem:s23], [sflag:$0x2] =	stream.linear.gather [hbm4b:s1+s3], $0x1800, $0x38;
	[tilespmem:$0x1C280] =	vst v63  }
0x64: {  	s2 =	rddreg [dreg:$0x14]  }
0x65: {  	[tilespmem:s24], [sflag:$0x2] =	stream.linear.gather [hbm4b:s2+s3], $0x1800, $0x38;
	[tilespmem:$0x1C280] =	vst v63  }
0x66: {  	s1 =	rddreg [dreg:$0x15]  }
0x67: {  	[tilespmem:s25], [sflag:$0x2] =	stream.linear.gather [hbm4b:s1+s3], $0x1800, $0x38;
	[tilespmem:$0x1C280] =	vst v63  }
0x68: {  	s2 =	rddreg [dreg:$0x16]  }
0x69: {  	[tilespmem:s3], [sflag:$0x3] =	stream.linear.gather [hbm4b:s2+s3], $0x80, $0x38;
	[tilespmem:$0x1C280] =	vst v63  }
0x6a: {  	_ =	swait.ge [sflag:s26], $0x80  }
0x6b: {  	s1 =	rddreg [dreg:$0x4];
	[sflag:s26] =	ssyncset.done $0x0  }
0x6c: {  	s2 =	rddreg [dreg:$0x17];
	[sflag:s26] =	ssyncadd.s32 $0xFFFFFF80  }
0x6d: {  	[tilespmem:s2], [sflag:$0x3] =	stream.linear.gather [hbm4b:s1+s3], $0x80, $0x38;
	[tilespmem:$0x1C280] =	vst v63  }
0x6e: {  	_ =	swait.ge [sflag:s26], $0x80  }
0x6f: {  	s1 =	rddreg [dreg:$0x5];
	[sflag:s26] =	ssyncset.done $0x0  }
0x70: {  	s2 =	rddreg [dreg:$0x18];
	[sflag:s26] =	ssyncadd.s32 $0xFFFFFF80  }
0x71: {  	[tilespmem:s2], [sflag:$0x3] =	stream.linear.gather [hbm4b:s1+s3], $0x80, $0x38;
	[tilespmem:$0x1C280] =	vst v63  }
0x72: {  	_ =	swait.ge [sflag:s26], $0x80  }
0x73: {  	[sflag:s26] =	ssyncset.done $0x0  }
0x74: {  	s1 =	rddreg [dreg:$0x19];
	[sflag:s26] =	ssyncadd.s32 $0xFFFFFF80  }
0x75: {  	s2 =	rddreg [dreg:$0x2]  }
0x76: {  	[tilespmem:s1], [sflag:$0x3] =	stream.linear.gather [hbm4b:s2+s3], $0x80, $0x38;
	[tilespmem:$0x1C280] =	vst v63  }
0x77: {  	_ =	swait.ge [sflag:s26], $0x80  }
0x78: {  	[sflag:s26] =	ssyncset.done $0x0  }
0x79: {  	[sflag:s26] =	ssyncadd.s32 $0xFFFFFF80  }
0x7a: {  	v27 =	vld [tilespmem:$0x100];
	_ =	sdelay $0x4  }
0x7b: {  	v34 =	vperm.xlane v27, v6  }
0x7c: {  	v35 =	vperm.xlane v27, v7  }
0x7d: {  	v36 =	vperm.xlane v27, v8;
	[tilespmem:$0x1A80] =	vst v34  }
0x7e: {  	v37 =	vperm.xlane v27, v9;
	[tilespmem:$0x1B00] =	vst v35  }
0x7f: {  	v38 =	vperm.xlane v27, v10;
	[tilespmem:$0x1B80] =	vst v36  }
0x80: {  	v39 =	vperm.xlane v27, v11;
	[tilespmem:$0x1C00] =	vst v37  }
0x81: {  	v40 =	vperm.xlane v27, v12;
	[tilespmem:$0x1C80] =	vst v38  }
0x82: {  	v41 =	vperm.xlane v27, v13;
	[tilespmem:$0x1D00] =	vst v39  }
0x83: {  	v42 =	vperm.xlane v27, v14;
	[tilespmem:$0x1D80] =	vst v40  }
0x84: {  	v43 =	vperm.xlane v27, v15;
	[tilespmem:$0x1E00] =	vst v41  }
0x85: {  	v44 =	vperm.xlane v27, v16;
	[tilespmem:$0x3680] =	vst v42  }
0x86: {  	v30 =	vld [tilespmem:$0x110];
	v45 =	vperm.xlane v27, v17;
	[tilespmem:$0x3700] =	vst v43  }
0x87: {  	v46 =	vperm.xlane v27, v18;
	[tilespmem:$0x3780] =	vst v44  }
0x88: {  	v47 =	vperm.xlane v27, v19;
	[tilespmem:$0x3800] =	vst v45  }
0x89: {  	v48 =	vperm.xlane v27, v20;
	[tilespmem:$0x3880] =	vst v46  }
0x8a: {  	v49 =	vperm.xlane v27, v5;
	[tilespmem:$0x3900] =	vst v47  }
0x8b: {  	v52 =	vperm.xlane v30, v6;
	[tilespmem:$0x3980] =	vst v48  }
0x8c: {  	v53 =	vperm.xlane v30, v7;
	[tilespmem:$0x3A00] =	vst v49  }
0x8d: {  	v54 =	vperm.xlane v30, v8;
	[tilespmem:$0x5280] =	vst v52  }
0x8e: {  	v55 =	vperm.xlane v30, v9;
	[tilespmem:$0x5300] =	vst v53  }
0x8f: {  	v56 =	vperm.xlane v30, v10;
	[tilespmem:$0x5380] =	vst v54  }
0x90: {  	v57 =	vperm.xlane v30, v11;
	[tilespmem:$0x5400] =	vst v55  }
0x91: {  	v58 =	vperm.xlane v30, v12;
	[tilespmem:$0x5480] =	vst v56  }
0x92: {  	v59 =	vperm.xlane v30, v13;
	[tilespmem:$0x5500] =	vst v57  }
0x93: {  	v60 =	vperm.xlane v30, v14;
	[tilespmem:$0x5580] =	vst v58  }
0x94: {  	v61 =	vperm.xlane v30, v15;
	[tilespmem:$0x5600] =	vst v59  }
0x95: {  	v62 =	vperm.xlane v30, v16;
	[tilespmem:$0x6E80] =	vst v60  }
0x96: {  	v32 =	vperm.xlane v30, v17;
	[tilespmem:$0x6F00] =	vst v61;
	v35 =	vld [tilespmem:$0x120]  }
0x97: {  	[tilespmem:$0x6F80] =	vst v62;
	v34 =	vperm.xlane v30, v18  }
0x98: {  	[tilespmem:$0x7000] =	vst v32;
	v36 =	vperm.xlane v30, v19  }
0x99: {  	v37 =	vperm.xlane v30, v20;
	[tilespmem:$0x7080] =	vst v34  }
0x9a: {  	v38 =	vperm.xlane v30, v5;
	[tilespmem:$0x7100] =	vst v36  }
0x9b: {  	[tilespmem:$0x7180] =	vst v37;
	v40 =	vperm.xlane v35, v6  }
0x9c: {  	[tilespmem:$0x7200] =	vst v38;
	v41 =	vperm.xlane v35, v7  }
0x9d: {  	v42 =	vperm.xlane v35, v8;
	[tilespmem:$0x8A80] =	vst v40  }
0x9e: {  	v43 =	vperm.xlane v35, v9;
	[tilespmem:$0x8B00] =	vst v41  }
0x9f: {  	v44 =	vperm.xlane v35, v10;
	[tilespmem:$0x8B80] =	vst v42  }
0xa0: {  	v45 =	vperm.xlane v35, v11;
	[tilespmem:$0x8C00] =	vst v43  }
0xa1: {  	v46 =	vperm.xlane v35, v12;
	[tilespmem:$0x8C80] =	vst v44  }
0xa2: {  	v47 =	vperm.xlane v35, v13;
	[tilespmem:$0x8D00] =	vst v45  }
0xa3: {  	v48 =	vperm.xlane v35, v14;
	[tilespmem:$0x8D80] =	vst v46  }
0xa4: {  	v49 =	vperm.xlane v35, v15;
	[tilespmem:$0x8E00] =	vst v47  }
0xa5: {  	v55 =	vld [tilespmem:$0x130];
	v52 =	vperm.xlane v35, v17;
	[tilespmem:$0xA680] =	vst v48  }
0xa6: {  	v54 =	vperm.xlane v35, v18;
	[tilespmem:$0xA700] =	vst v49  }
0xa7: {  	v56 =	vperm.xlane v35, v19;
	[tilespmem:$0xA800] =	vst v52  }
0xa8: {  	v57 =	vperm.xlane v35, v20;
	[tilespmem:$0xA880] =	vst v54  }
0xa9: {  	v58 =	vperm.xlane v35, v5;
	[tilespmem:$0xA900] =	vst v56  }
0xaa: {  	v60 =	vperm.xlane v55, v6;
	[tilespmem:$0xA980] =	vst v57  }
0xab: {  	v61 =	vperm.xlane v55, v7;
	[tilespmem:$0xAA00] =	vst v58  }
0xac: {  	v62 =	vperm.xlane v55, v8;
	[tilespmem:$0xC280] =	vst v60  }
0xad: {  	v31 =	vperm.xlane v55, v12;
	[tilespmem:$0xC300] =	vst v61  }
0xae: {  	v24 =	vld [tilespmem:$0x180];
	v32 =	vperm.xlane v55, v13;
	[tilespmem:$0xC380] =	vst v62  }
0xaf: {  	v34 =	vperm.xlane v55, v15;
	[tilespmem:$0xC580] =	vst v31;
	v40 =	vld [tilespmem:$0x140]  }
0xb0: {  	v37 =	vperm.xlane v55, v17;
	[tilespmem:$0xC600] =	vst v32  }
0xb1: {  	[tilespmem:$0xDF00] =	vst v34;
	v41 =	vperm.xlane v55, v19  }
0xb2: {  	[tilespmem:$0xE000] =	vst v37;
	v42 =	vperm.xlane v55, v20  }
0xb3: {  	v43 =	vperm.xlane v55, v5;
	[tilespmem:$0xE100] =	vst v41  }
0xb4: {  	v25 =	vperm.xlane v24, v0;
	[tilespmem:$0xE180] =	vst v42;
	v45 =	vperm.xlane v40, v6  }
0xb5: {  	vm4 =	veq.s32 v1, $0x0;
	[tilespmem:$0xE200] =	vst v43;
	v46 =	vperm.xlane v40, v7  }
0xb6: {  	v25 =	vsel vm4, $0x0, v25;
	v47 =	vperm.xlane v40, v8;
	[tilespmem:$0xFA80] =	vst v45  }
0xb7: {  	v24 =	vadd.s32 v24, v25;
	v48 =	vperm.xlane v40, v9;
	[tilespmem:$0xFB00] =	vst v46  }
0xb8: {  	v25 =	vperm.xlane v24, v2;
	v49 =	vperm.xlane v40, v10;
	[tilespmem:$0xFB80] =	vst v47  }
0xb9: {  	v60 =	vld [tilespmem:$0x150];
	v52 =	vperm.xlane v40, v13;
	[tilespmem:$0xFC00] =	vst v48  }
0xba: {  	v25 =	vsel vm0, $0x0, v25;
	v54 =	vperm.xlane v40, v15;
	[tilespmem:$0xFC80] =	vst v49  }
0xbb: {  	v24 =	vadd.s32 v25, v24;
	v57 =	vperm.xlane v40, v17;
	[tilespmem:$0xFE00] =	vst v52  }
0xbc: {  	v25 =	vperm.xlane v24, v3;
	v61 =	vperm.xlane v40, v19;
	[tilespmem:$0x11700] =	vst v54  }
0xbd: {  	v62 =	vperm.xlane v40, v20;
	[tilespmem:$0x11800] =	vst v57  }
0xbe: {  	v25 =	vsel vm1, $0x0, v25;
	v31 =	vperm.xlane v60, v6;
	[tilespmem:$0x11900] =	vst v61  }
0xbf: {  	v24 =	vadd.s32 v25, v24;
	v32 =	vperm.xlane v60, v7;
	[tilespmem:$0x11980] =	vst v62  }
0xc0: {  	v25 =	vperm.xlane v24, v4;
	v34 =	vperm.xlane v60, v9;
	[tilespmem:$0x13280] =	vst v31  }
0xc1: {  	v37 =	vperm.xlane v60, v12;
	[tilespmem:$0x13300] =	vst v32  }
0xc2: {  	v26 =	vld [tilespmem:$0x0];
	v25 =	vsel vm2, $0x0, v25;
	v41 =	vperm.xlane v60, v16;
	[tilespmem:$0x13400] =	vst v34  }
0xc3: {  	v63 =	vld [tilespmem:$0x20];
	v43 =	vperm.xlane v60, v17;
	v24 =	vadd.s32 v25, v24;
	[tilespmem:$0x13580] =	vst v37  }
0xc4: {  	v28 =	vld [tilespmem:$0x10];
	v24 =	vperm.xlane v24, v0;
	[tilespmem:$0x14F80] =	vst v41;
	v45 =	vperm.xlane v60, v18  }
0xc5: {  	[tilespmem:$0x15000] =	vst v43;
	v47 =	vperm.xlane v60, v19  }
0xc6: {  	v33 =	vld [tilespmem:$0x80];
	v48 =	vperm.xlane v60, v20;
	v24 =	vsel vm4, $0x0, v24;
	[tilespmem:$0x15080] =	vst v45  }
0xc7: {  	v29 =	vld [tilespmem:$0x90];
	v49 =	vperm.xlane v60, v5;
	[tilespmem:$0x15100] =	vst v47;
	v26 =	vperm.xlane v24, v26  }
0xc8: {  	[tilespmem:$0x15180] =	vst v48;
	v27 =	vperm.xlane v24, v63;
	v63 =	vperm.xlane v55, v9  }
0xc9: {  	[tilespmem:$0x15200] =	vst v49;
	v50 =	vperm.xlane v24, v28;
	v28 =	vperm.xlane v55, v10  }
0xca: {  	[tilespmem:$0xC400] =	vst v63  }
0xcb: {  	v46 =	vld [tilespmem:$0x160];
	v25 =	vadd.s32 v26, v33;
	[tilespmem:$0xC480] =	vst v28  }
0xcc: {  	v51 =	vadd.s32 v50, v29;
	v50 =	vperm.xlane v35, v16;
	[tilespmem:$0x200] =	vst v25  }
0xcd: {  	v29 =	vperm.xlane v55, v11;
	[tilespmem:$0x210] =	vst v51  }
0xce: {  	v35 =	vperm.xlane v55, v16;
	[tilespmem:$0xA780] =	vst v50  }
0xcf: {  	v63 =	vperm.xlane v40, v5;
	[tilespmem:$0xC500] =	vst v29  }
0xd0: {  	v52 =	vperm.xlane v46, v7;
	[tilespmem:$0xDF80] =	vst v35  }
0xd1: {  	v54 =	vperm.xlane v46, v9;
	[tilespmem:$0x11A00] =	vst v63  }
0xd2: {  	v57 =	vperm.xlane v46, v12;
	[tilespmem:$0x16B00] =	vst v52  }
0xd3: {  	v61 =	vperm.xlane v46, v16;
	[tilespmem:$0x16C00] =	vst v54  }
0xd4: {  	v34 =	vperm.xlane v46, v18;
	[tilespmem:$0x16D80] =	vst v57  }
0xd5: {  	v33 =	vld [tilespmem:$0xA0];
	v37 =	vperm.xlane v46, v20;
	[tilespmem:$0x18780] =	vst v61  }
0xd6: {  	v50 =	vperm.xlane v40, v11;
	[tilespmem:$0x18880] =	vst v34  }
0xd7: {  	v51 =	vld [tilespmem:$0x30];
	v35 =	vperm.xlane v60, v10;
	[tilespmem:$0x18980] =	vst v37  }
0xd8: {  	v63 =	vperm.xlane v46, v17;
	[tilespmem:$0xFD00] =	vst v50  }
0xd9: {  	[tilespmem:$0x13480] =	vst v35  }
0xda: {  	v53 =	vld [tilespmem:$0xB0];
	[tilespmem:$0x18800] =	vst v63;
	v39 =	vadd.s32 v27, v33;
	v33 =	vperm.xlane v55, v14  }
0xdb: {  	[tilespmem:$0x220] =	vst v39;
	v39 =	vperm.xlane v55, v18  }
0xdc: {  	v36 =	vld [tilespmem:$0x40];
	v27 =	vperm.xlane v24, v51;
	v51 =	vperm.xlane v40, v12;
	[tilespmem:$0xDE80] =	vst v33  }
0xdd: {  	v55 =	vperm.xlane v40, v16;
	[tilespmem:$0xE080] =	vst v39  }
0xde: {  	[tilespmem:$0xFD80] =	vst v51  }
0xdf: {  	v33 =	vperm.xlane v60, v8;
	v59 =	vadd.s32 v27, v53;
	[tilespmem:$0x11780] =	vst v55  }
0xe0: {  	v53 =	vperm.xlane v40, v14;
	[tilespmem:$0x230] =	vst v59  }
0xe1: {  	v38 =	vld [tilespmem:$0xC0];
	v27 =	vperm.xlane v24, v36;
	v36 =	vperm.xlane v60, v11;
	[tilespmem:$0x13380] =	vst v33  }
0xe2: {  	v39 =	vperm.xlane v60, v14;
	[tilespmem:$0x11680] =	vst v53  }
0xe3: {  	v35 =	vld [tilespmem:$0x170];
	v51 =	vperm.xlane v46, v6;
	[tilespmem:$0x13500] =	vst v36  }
0xe4: {  	v55 =	vperm.xlane v46, v10;
	[tilespmem:$0x14E80] =	vst v39  }
0xe5: {  	[tilespmem:$0x16A80] =	vst v51  }
0xe6: {  	v59 =	vperm.xlane v40, v18;
	v44 =	vadd.s32 v27, v38;
	[tilespmem:$0x16C80] =	vst v55  }
0xe7: {  	v40 =	vperm.xlane v60, v15;
	[tilespmem:$0x240] =	vst v44  }
0xe8: {  	v41 =	vperm.xlane v35, v8;
	[tilespmem:$0x11880] =	vst v59  }
0xe9: {  	v43 =	vperm.xlane v35, v10;
	[tilespmem:$0x14F00] =	vst v40  }
0xea: {  	v45 =	vperm.xlane v35, v12;
	[tilespmem:$0x1A380] =	vst v41  }
0xeb: {  	v47 =	vperm.xlane v35, v14;
	[tilespmem:$0x1A480] =	vst v43  }
0xec: {  	v48 =	vperm.xlane v35, v15;
	[tilespmem:$0x1A580] =	vst v45  }
0xed: {  	v56 =	vld [tilespmem:$0x50];
	v49 =	vperm.xlane v35, v16;
	[tilespmem:$0x1BE80] =	vst v47  }
0xee: {  	v52 =	vperm.xlane v35, v19;
	[tilespmem:$0x1BF00] =	vst v48  }
0xef: {  	v54 =	vperm.xlane v35, v5;
	[tilespmem:$0x1BF80] =	vst v49  }
0xf0: {  	v38 =	vperm.xlane v60, v13;
	[tilespmem:$0x1C100] =	vst v52  }
0xf1: {  	v53 =	vperm.xlane v46, v8;
	[tilespmem:$0x1C200] =	vst v54  }
0xf2: {  	v27 =	vperm.xlane v24, v56;
	v56 =	vperm.xlane v46, v11;
	[tilespmem:$0x13600] =	vst v38  }
0xf3: {  	v58 =	vld [tilespmem:$0xD0];
	v60 =	vperm.xlane v46, v15;
	[tilespmem:$0x16B80] =	vst v53  }
0xf4: {  	v36 =	vperm.xlane v46, v19;
	[tilespmem:$0x16D00] =	vst v56  }
0xf5: {  	v39 =	vperm.xlane v35, v6;
	[tilespmem:$0x18700] =	vst v60  }
0xf6: {  	v51 =	vperm.xlane v35, v18;
	[tilespmem:$0x18900] =	vst v36  }
0xf7: {  	v42 =	vld [tilespmem:$0x60];
	[tilespmem:$0x1A280] =	vst v39  }
0xf8: {  	v59 =	vperm.xlane v46, v14;
	v29 =	vadd.s32 v27, v58;
	[tilespmem:$0x1C080] =	vst v51  }
0xf9: {  	v62 =	vld [tilespmem:$0x70];
	v40 =	vperm.xlane v35, v7;
	[tilespmem:$0x250] =	vst v29  }
0xfa: {  	v58 =	vperm.xlane v46, v13;
	[tilespmem:$0x18680] =	vst v59  }
0xfb: {  	v33 =	vld [tilespmem:$0xF0];
	v38 =	vperm.xlane v46, v5;
	[tilespmem:$0x1A300] =	vst v40  }
0xfc: {  	v44 =	vld [tilespmem:$0xE0];
	v27 =	vperm.xlane v24, v42;
	v42 =	vperm.xlane v35, v9;
	[tilespmem:$0x16E00] =	vst v58  }
0xfd: {  	v46 =	vperm.xlane v35, v13;
	[tilespmem:$0x18A00] =	vst v38  }
0xfe: {  	v24 =	vperm.xlane v24, v62;
	v53 =	vperm.xlane v35, v20;
	[tilespmem:$0x1A400] =	vst v42  }
0xff: {  	[tilespmem:$0x1A600] =	vst v46  }
0x100: {  	v24 =	vadd.s32 v24, v33;
	[tilespmem:$0x1C180] =	vst v53  }
0x101: {  	[tilespmem:$0x270] =	vst v24;
	v50 =	vadd.s32 v27, v44;
	v44 =	vperm.xlane v35, v11  }
0x102: {  	[tilespmem:$0x260] =	vst v50;
	v50 =	vperm.xlane v35, v17  }
0x103: {  	s1 =	rddreg [dreg:$0x6];
	[tilespmem:$0x1A500] =	vst v44  }
0x104: {  	s2 =	rddreg [dreg:$0x1a];
	[tilespmem:$0x1C000] =	vst v50  }
0x105: {  	[hbm4b:s1+s3] =	stream.linear.scatter [tilespmem:s2], [sflag:$0x3], $0x80, $0x38;
	[tilespmem:$0x1C280] =	vst v63  }
0x106: {  	_ =	swait.ge [sflag:s26], $0x80  }
0x107: {  	[sflag:s26] =	ssyncset.done $0x0  }
0x108: {  	[sflag:s26] =	ssyncadd.s32 $0xFFFFFF80  }
0x109: {  	_ =	swait.ge [sflag:s28], $0x18000  }
0x10a: {  	[sflag:s28] =	ssyncset.done $0x0  }
0x10b: {  	[sflag:s28] =	ssyncadd.s32 $0xFFFE8000  }
0x10c: {  	v55 =	vld [tilespmem:$0x200];
	_ =	sdelay $0x4  }
0x10d: {  	v56 =	vshrl.u32 v55, $0x3  }
0x10e: {  	v25 =	vmul.u32 $0x38, v56  }
0x10f: {  	v24 =	vand.u32 $0x7, v55  }
0x110: {  	v24 =	vor.u32 v24, v25  }
0x111: {  	v25 =	vperm.xlane v24, v21;
	_ =	sdelay $0x1  }
0x112: {  	v25 =	vadd.s32 v22, v25;
	_ =	sdelay $0x4  }
0x113: {  	[hbm4b:s5+s3] =	stream.indirect_vreg.scatter [tilespmem:s10], [sflag:$0x1], $0x80, v25, vm3, $0xb8;
	[tilespmem:$0x1C280] =	vst v63  }
0x114: {  	s1 =	rddreg [dreg:$0x1b];
	v24 =	vperm.xlane v24, v23  }
0x115: {  	[hbm4b:s6+s3] =	stream.indirect_vreg.scatter [tilespmem:s1], [sflag:$0x1], $0x80, v25, vm3, $0xb8;
	[tilespmem:$0x1C280] =	vst v63  }
0x116: {  	s2 =	rddreg [dreg:$0x1c];
	v24 =	vadd.s32 v22, v24  }
0x117: {  	[hbm4b:s7+s3] =	stream.indirect_vreg.scatter [tilespmem:s2], [sflag:$0x1], $0x80, v25, vm3, $0xb8;
	[tilespmem:$0x1C280] =	vst v63  }
0x118: {  	s1 =	rddreg [dreg:$0x1d]  }
0x119: {  	[hbm4b:s8+s3] =	stream.indirect_vreg.scatter [tilespmem:s1], [sflag:$0x1], $0x80, v25, vm2, $0xb8;
	[tilespmem:$0x1C280] =	vst v63  }
0x11a: {  	s2 =	rddreg [dreg:$0x1f]  }
0x11b: {  	[hbm4b:s5+s3] =	stream.indirect_vreg.scatter [tilespmem:s11], [sflag:$0x1], $0x80, v24, vm3, $0xb8;
	[tilespmem:$0x1C280] =	vst v63  }
0x11c: {  	s1 =	rddreg [dreg:$0x1e]  }
0x11d: {  	[hbm4b:s6+s3] =	stream.indirect_vreg.scatter [tilespmem:s1], [sflag:$0x1], $0x80, v24, vm3, $0xb8;
	[tilespmem:$0x1C280] =	vst v63  }
0x11e: {  	s1 =	sld [smem:$0x7D6]  }
0x11f: {  	[hbm4b:s7+s3] =	stream.indirect_vreg.scatter [tilespmem:s2], [sflag:$0x1], $0x80, v24, vm3, $0xb8;
	[tilespmem:$0x1C280] =	vst v63  }
0x120: {  	_ = 	snop  }
0x121: {  	[hbm4b:s8+s3] =	stream.indirect_vreg.scatter [tilespmem:s1], [sflag:$0x1], $0x80, v24, vm2, $0xb8;
	[tilespmem:$0x1C280] =	vst v63  }
0x122: {  	v24 =	vld [tilespmem:$0x210];
	_ =	sdelay $0x4  }
0x123: {  	v57 =	vshrl.u32 v24, $0x3  }
0x124: {  	v25 =	vmul.u32 $0x38, v57  }
0x125: {  	v24 =	vand.u32 $0x7, v24  }
0x126: {  	v24 =	vor.u32 v24, v25  }
0x127: {  	v25 =	vperm.xlane v24, v21;
	_ =	sdelay $0x1  }
0x128: {  	v25 =	vadd.s32 v22, v25;
	_ =	sdelay $0x3  }
0x129: {  	s1 =	sld [smem:$0x7D7]  }
0x12a: {  	[hbm4b:s5+s3] =	stream.indirect_vreg.scatter [tilespmem:s12], [sflag:$0x1], $0x80, v25, vm3, $0xb8;
	[tilespmem:$0x1C280] =	vst v63  }
0x12b: {  	s2 =	sld [smem:$0x7D8];
	v24 =	vperm.xlane v24, v23  }
0x12c: {  	[hbm4b:s6+s3] =	stream.indirect_vreg.scatter [tilespmem:s1], [sflag:$0x1], $0x80, v25, vm3, $0xb8;
	[tilespmem:$0x1C280] =	vst v63  }
0x12d: {  	v24 =	vadd.s32 v22, v24;
	s1 =	sld [smem:$0x7D9]  }
0x12e: {  	[hbm4b:s7+s3] =	stream.indirect_vreg.scatter [tilespmem:s2], [sflag:$0x1], $0x80, v25, vm3, $0xb8;
	[tilespmem:$0x1C280] =	vst v63  }
0x12f: {  	_ = 	snop  }
0x130: {  	[hbm4b:s8+s3] =	stream.indirect_vreg.scatter [tilespmem:s1], [sflag:$0x1], $0x80, v25, vm2, $0xb8;
	[tilespmem:$0x1C280] =	vst v63  }
0x131: {  	s1 =	sld [smem:$0x7DA]  }
0x132: {  	[hbm4b:s5+s3] =	stream.indirect_vreg.scatter [tilespmem:s13], [sflag:$0x1], $0x80, v24, vm3, $0xb8;
	[tilespmem:$0x1C280] =	vst v63  }
0x133: {  	s2 =	sld [smem:$0x7DB]  }
0x134: {  	[hbm4b:s6+s3] =	stream.indirect_vreg.scatter [tilespmem:s1], [sflag:$0x1], $0x80, v24, vm3, $0xb8;
	[tilespmem:$0x1C280] =	vst v63  }
0x135: {  	s1 =	sld [smem:$0x7DC]  }
0x136: {  	[hbm4b:s7+s3] =	stream.indirect_vreg.scatter [tilespmem:s2], [sflag:$0x1], $0x80, v24, vm3, $0xb8;
	[tilespmem:$0x1C280] =	vst v63  }
0x137: {  	_ = 	snop  }
0x138: {  	[hbm4b:s8+s3] =	stream.indirect_vreg.scatter [tilespmem:s1], [sflag:$0x1], $0x80, v24, vm2, $0xb8;
	[tilespmem:$0x1C280] =	vst v63  }
0x139: {  	v24 =	vld [tilespmem:$0x220];
	_ =	sdelay $0x4  }
0x13a: {  	v58 =	vshrl.u32 v24, $0x3  }
0x13b: {  	v25 =	vmul.u32 $0x38, v58  }
0x13c: {  	v24 =	vand.u32 $0x7, v24  }
0x13d: {  	v24 =	vor.u32 v24, v25  }
0x13e: {  	v25 =	vperm.xlane v24, v21;
	_ =	sdelay $0x1  }
0x13f: {  	v25 =	vadd.s32 v22, v25;
	_ =	sdelay $0x3  }
0x140: {  	s1 =	sld [smem:$0x7DD]  }
0x141: {  	[hbm4b:s5+s3] =	stream.indirect_vreg.scatter [tilespmem:s14], [sflag:$0x1], $0x80, v25, vm3, $0xb8;
	[tilespmem:$0x1C280] =	vst v63  }
0x142: {  	s2 =	sld [smem:$0x7DE];
	v24 =	vperm.xlane v24, v23  }
0x143: {  	[hbm4b:s6+s3] =	stream.indirect_vreg.scatter [tilespmem:s1], [sflag:$0x1], $0x80, v25, vm3, $0xb8;
	[tilespmem:$0x1C280] =	vst v63  }
0x144: {  	v24 =	vadd.s32 v22, v24;
	s1 =	sld [smem:$0x7DF]  }
0x145: {  	[hbm4b:s7+s3] =	stream.indirect_vreg.scatter [tilespmem:s2], [sflag:$0x1], $0x80, v25, vm3, $0xb8;
	[tilespmem:$0x1C280] =	vst v63  }
0x146: {  	_ = 	snop  }
0x147: {  	[hbm4b:s8+s3] =	stream.indirect_vreg.scatter [tilespmem:s1], [sflag:$0x1], $0x80, v25, vm2, $0xb8;
	[tilespmem:$0x1C280] =	vst v63  }
0x148: {  	s1 =	sld [smem:$0x7E0]  }
0x149: {  	[hbm4b:s5+s3] =	stream.indirect_vreg.scatter [tilespmem:s15], [sflag:$0x1], $0x80, v24, vm3, $0xb8;
	[tilespmem:$0x1C280] =	vst v63  }
0x14a: {  	s2 =	sld [smem:$0x7E1]  }
0x14b: {  	[hbm4b:s6+s3] =	stream.indirect_vreg.scatter [tilespmem:s1], [sflag:$0x1], $0x80, v24, vm3, $0xb8;
	[tilespmem:$0x1C280] =	vst v63  }
0x14c: {  	s1 =	sld [smem:$0x7E2]  }
0x14d: {  	[hbm4b:s7+s3] =	stream.indirect_vreg.scatter [tilespmem:s2], [sflag:$0x1], $0x80, v24, vm3, $0xb8;
	[tilespmem:$0x1C280] =	vst v63  }
0x14e: {  	_ = 	snop  }
0x14f: {  	[hbm4b:s8+s3] =	stream.indirect_vreg.scatter [tilespmem:s1], [sflag:$0x1], $0x80, v24, vm2, $0xb8;
	[tilespmem:$0x1C280] =	vst v63  }
0x150: {  	v24 =	vld [tilespmem:$0x230];
	_ =	sdelay $0x4  }
0x151: {  	v59 =	vshrl.u32 v24, $0x3  }
0x152: {  	v25 =	vmul.u32 $0x38, v59  }
0x153: {  	v24 =	vand.u32 $0x7, v24  }
0x154: {  	v24 =	vor.u32 v24, v25  }
0x155: {  	v25 =	vperm.xlane v24, v21;
	_ =	sdelay $0x1  }
0x156: {  	v25 =	vadd.s32 v22, v25;
	_ =	sdelay $0x3  }
0x157: {  	s1 =	sld [smem:$0x7E3]  }
0x158: {  	[hbm4b:s5+s3] =	stream.indirect_vreg.scatter [tilespmem:s16], [sflag:$0x1], $0x80, v25, vm3, $0xb8;
	[tilespmem:$0x1C280] =	vst v63  }
0x159: {  	s2 =	sld [smem:$0x7E4];
	v24 =	vperm.xlane v24, v23  }
0x15a: {  	[hbm4b:s6+s3] =	stream.indirect_vreg.scatter [tilespmem:s1], [sflag:$0x1], $0x80, v25, vm3, $0xb8;
	[tilespmem:$0x1C280] =	vst v63  }
0x15b: {  	v24 =	vadd.s32 v22, v24;
	s1 =	sld [smem:$0x7E5]  }
0x15c: {  	[hbm4b:s7+s3] =	stream.indirect_vreg.scatter [tilespmem:s2], [sflag:$0x1], $0x80, v25, vm3, $0xb8;
	[tilespmem:$0x1C280] =	vst v63  }
0x15d: {  	_ = 	snop  }
0x15e: {  	[hbm4b:s8+s3] =	stream.indirect_vreg.scatter [tilespmem:s1], [sflag:$0x1], $0x80, v25, vm2, $0xb8;
	[tilespmem:$0x1C280] =	vst v63  }
0x15f: {  	s1 =	sld [smem:$0x7E6]  }
0x160: {  	[hbm4b:s5+s3] =	stream.indirect_vreg.scatter [tilespmem:s17], [sflag:$0x1], $0x80, v24, vm3, $0xb8;
	[tilespmem:$0x1C280] =	vst v63  }
0x161: {  	s2 =	sld [smem:$0x7E7]  }
0x162: {  	[hbm4b:s6+s3] =	stream.indirect_vreg.scatter [tilespmem:s1], [sflag:$0x1], $0x80, v24, vm3, $0xb8;
	[tilespmem:$0x1C280] =	vst v63  }
0x163: {  	s1 =	sld [smem:$0x7E8]  }
0x164: {  	[hbm4b:s7+s3] =	stream.indirect_vreg.scatter [tilespmem:s2], [sflag:$0x1], $0x80, v24, vm3, $0xb8;
	[tilespmem:$0x1C280] =	vst v63  }
0x165: {  	_ = 	snop  }
0x166: {  	[hbm4b:s8+s3] =	stream.indirect_vreg.scatter [tilespmem:s1], [sflag:$0x1], $0x80, v24, vm2, $0xb8;
	[tilespmem:$0x1C280] =	vst v63  }
0x167: {  	v24 =	vld [tilespmem:$0x240];
	_ =	sdelay $0x4  }
0x168: {  	v60 =	vshrl.u32 v24, $0x3  }
0x169: {  	v25 =	vmul.u32 $0x38, v60  }
0x16a: {  	v24 =	vand.u32 $0x7, v24  }
0x16b: {  	v24 =	vor.u32 v24, v25  }
0x16c: {  	v25 =	vperm.xlane v24, v21;
	_ =	sdelay $0x1  }
0x16d: {  	v25 =	vadd.s32 v22, v25;
	_ =	sdelay $0x3  }
0x16e: {  	s1 =	sld [smem:$0x7E9]  }
0x16f: {  	[hbm4b:s5+s3] =	stream.indirect_vreg.scatter [tilespmem:s18], [sflag:$0x1], $0x80, v25, vm3, $0xb8;
	[tilespmem:$0x1C280] =	vst v63  }
0x170: {  	s2 =	sld [smem:$0x7EA];
	v24 =	vperm.xlane v24, v23  }
0x171: {  	[hbm4b:s6+s3] =	stream.indirect_vreg.scatter [tilespmem:s1], [sflag:$0x1], $0x80, v25, vm3, $0xb8;
	[tilespmem:$0x1C280] =	vst v63  }
0x172: {  	v24 =	vadd.s32 v22, v24;
	s1 =	sld [smem:$0x7EB]  }
0x173: {  	[hbm4b:s7+s3] =	stream.indirect_vreg.scatter [tilespmem:s2], [sflag:$0x1], $0x80, v25, vm3, $0xb8;
	[tilespmem:$0x1C280] =	vst v63  }
0x174: {  	_ = 	snop  }
0x175: {  	[hbm4b:s8+s3] =	stream.indirect_vreg.scatter [tilespmem:s1], [sflag:$0x1], $0x80, v25, vm2, $0xb8;
	[tilespmem:$0x1C280] =	vst v63  }
0x176: {  	s1 =	sld [smem:$0x7EC]  }
0x177: {  	[hbm4b:s5+s3] =	stream.indirect_vreg.scatter [tilespmem:s19], [sflag:$0x1], $0x80, v24, vm3, $0xb8;
	[tilespmem:$0x1C280] =	vst v63  }
0x178: {  	s2 =	sld [smem:$0x7ED]  }
0x179: {  	[hbm4b:s6+s3] =	stream.indirect_vreg.scatter [tilespmem:s1], [sflag:$0x1], $0x80, v24, vm3, $0xb8;
	[tilespmem:$0x1C280] =	vst v63  }
0x17a: {  	s1 =	sld [smem:$0x7EE]  }
0x17b: {  	[hbm4b:s7+s3] =	stream.indirect_vreg.scatter [tilespmem:s2], [sflag:$0x1], $0x80, v24, vm3, $0xb8;
	[tilespmem:$0x1C280] =	vst v63  }
0x17c: {  	_ = 	snop  }
0x17d: {  	[hbm4b:s8+s3] =	stream.indirect_vreg.scatter [tilespmem:s1], [sflag:$0x1], $0x80, v24, vm2, $0xb8;
	[tilespmem:$0x1C280] =	vst v63  }
0x17e: {  	v24 =	vld [tilespmem:$0x250];
	_ =	sdelay $0x4  }
0x17f: {  	v61 =	vshrl.u32 v24, $0x3  }
0x180: {  	v25 =	vmul.u32 $0x38, v61  }
0x181: {  	v24 =	vand.u32 $0x7, v24  }
0x182: {  	v24 =	vor.u32 v24, v25  }
0x183: {  	v25 =	vperm.xlane v24, v21;
	_ =	sdelay $0x1  }
0x184: {  	v25 =	vadd.s32 v22, v25;
	_ =	sdelay $0x3  }
0x185: {  	s1 =	sld [smem:$0x7EF]  }
0x186: {  	[hbm4b:s5+s3] =	stream.indirect_vreg.scatter [tilespmem:s20], [sflag:$0x1], $0x80, v25, vm3, $0xb8;
	[tilespmem:$0x1C280] =	vst v63  }
0x187: {  	s2 =	sld [smem:$0x7F0];
	v24 =	vperm.xlane v24, v23  }
0x188: {  	[hbm4b:s6+s3] =	stream.indirect_vreg.scatter [tilespmem:s1], [sflag:$0x1], $0x80, v25, vm3, $0xb8;
	[tilespmem:$0x1C280] =	vst v63  }
0x189: {  	v24 =	vadd.s32 v22, v24;
	s1 =	sld [smem:$0x7F1]  }
0x18a: {  	[hbm4b:s7+s3] =	stream.indirect_vreg.scatter [tilespmem:s2], [sflag:$0x1], $0x80, v25, vm3, $0xb8;
	[tilespmem:$0x1C280] =	vst v63  }
0x18b: {  	_ = 	snop  }
0x18c: {  	[hbm4b:s8+s3] =	stream.indirect_vreg.scatter [tilespmem:s1], [sflag:$0x1], $0x80, v25, vm2, $0xb8;
	[tilespmem:$0x1C280] =	vst v63  }
0x18d: {  	s1 =	sld [smem:$0x7F2]  }
0x18e: {  	[hbm4b:s5+s3] =	stream.indirect_vreg.scatter [tilespmem:s21], [sflag:$0x1], $0x80, v24, vm3, $0xb8;
	[tilespmem:$0x1C280] =	vst v63  }
0x18f: {  	s2 =	sld [smem:$0x7F3]  }
0x190: {  	[hbm4b:s6+s3] =	stream.indirect_vreg.scatter [tilespmem:s1], [sflag:$0x1], $0x80, v24, vm3, $0xb8;
	[tilespmem:$0x1C280] =	vst v63  }
0x191: {  	s1 =	sld [smem:$0x7F4]  }
0x192: {  	[hbm4b:s7+s3] =	stream.indirect_vreg.scatter [tilespmem:s2], [sflag:$0x1], $0x80, v24, vm3, $0xb8;
	[tilespmem:$0x1C280] =	vst v63  }
0x193: {  	_ = 	snop  }
0x194: {  	[hbm4b:s8+s3] =	stream.indirect_vreg.scatter [tilespmem:s1], [sflag:$0x1], $0x80, v24, vm2, $0xb8;
	[tilespmem:$0x1C280] =	vst v63  }
0x195: {  	v24 =	vld [tilespmem:$0x260];
	_ =	sdelay $0x4  }
0x196: {  	v62 =	vshrl.u32 v24, $0x3  }
0x197: {  	v25 =	vmul.u32 $0x38, v62  }
0x198: {  	v24 =	vand.u32 $0x7, v24  }
0x199: {  	v24 =	vor.u32 v24, v25  }
0x19a: {  	v25 =	vperm.xlane v24, v21;
	_ =	sdelay $0x1  }
0x19b: {  	v25 =	vadd.s32 v22, v25;
	_ =	sdelay $0x3  }
0x19c: {  	s1 =	sld [smem:$0x7F5]  }
0x19d: {  	[hbm4b:s5+s3] =	stream.indirect_vreg.scatter [tilespmem:s22], [sflag:$0x1], $0x80, v25, vm3, $0xb8;
	[tilespmem:$0x1C280] =	vst v63  }
0x19e: {  	s2 =	sld [smem:$0x7F6];
	v24 =	vperm.xlane v24, v23  }
0x19f: {  	[hbm4b:s6+s3] =	stream.indirect_vreg.scatter [tilespmem:s1], [sflag:$0x1], $0x80, v25, vm3, $0xb8;
	[tilespmem:$0x1C280] =	vst v63  }
0x1a0: {  	v24 =	vadd.s32 v22, v24;
	s1 =	sld [smem:$0x7F7]  }
0x1a1: {  	[hbm4b:s7+s3] =	stream.indirect_vreg.scatter [tilespmem:s2], [sflag:$0x1], $0x80, v25, vm3, $0xb8;
	[tilespmem:$0x1C280] =	vst v63  }
0x1a2: {  	_ = 	snop  }
0x1a3: {  	[hbm4b:s8+s3] =	stream.indirect_vreg.scatter [tilespmem:s1], [sflag:$0x1], $0x80, v25, vm2, $0xb8;
	[tilespmem:$0x1C280] =	vst v63  }
0x1a4: {  	s1 =	sld [smem:$0x7F8]  }
0x1a5: {  	[hbm4b:s5+s3] =	stream.indirect_vreg.scatter [tilespmem:s23], [sflag:$0x1], $0x80, v24, vm3, $0xb8;
	[tilespmem:$0x1C280] =	vst v63  }
0x1a6: {  	s2 =	sld [smem:$0x7F9]  }
0x1a7: {  	[hbm4b:s6+s3] =	stream.indirect_vreg.scatter [tilespmem:s1], [sflag:$0x1], $0x80, v24, vm3, $0xb8;
	[tilespmem:$0x1C280] =	vst v63  }
0x1a8: {  	s1 =	sld [smem:$0x7FA]  }
0x1a9: {  	[hbm4b:s7+s3] =	stream.indirect_vreg.scatter [tilespmem:s2], [sflag:$0x1], $0x80, v24, vm3, $0xb8;
	[tilespmem:$0x1C280] =	vst v63  }
0x1aa: {  	_ = 	snop  }
0x1ab: {  	[hbm4b:s8+s3] =	stream.indirect_vreg.scatter [tilespmem:s1], [sflag:$0x1], $0x80, v24, vm2, $0xb8;
	[tilespmem:$0x1C280] =	vst v63  }
0x1ac: {  	v24 =	vld [tilespmem:$0x270];
	_ =	sdelay $0x4  }
0x1ad: {  	v63 =	vshrl.u32 v24, $0x3  }
0x1ae: {  	v25 =	vmul.u32 $0x38, v63  }
0x1af: {  	v24 =	vand.u32 $0x7, v24  }
0x1b0: {  	v24 =	vor.u32 v24, v25  }
0x1b1: {  	v25 =	vperm.xlane v24, v21;
	_ =	sdelay $0x1  }
0x1b2: {  	v25 =	vadd.s32 v22, v25;
	_ =	sdelay $0x3  }
0x1b3: {  	s1 =	sld [smem:$0x7FB]  }
0x1b4: {  	[hbm4b:s5+s3] =	stream.indirect_vreg.scatter [tilespmem:s24], [sflag:$0x1], $0x80, v25, vm3, $0xb8;
	[tilespmem:$0x1C280] =	vst v63  }
0x1b5: {  	s2 =	sld [smem:$0x7FC];
	v24 =	vperm.xlane v24, v23  }
0x1b6: {  	[hbm4b:s6+s3] =	stream.indirect_vreg.scatter [tilespmem:s1], [sflag:$0x1], $0x80, v25, vm3, $0xb8;
	[tilespmem:$0x1C280] =	vst v63  }
0x1b7: {  	v24 =	vadd.s32 v22, v24;
	s1 =	sld [smem:$0x7FD]  }
0x1b8: {  	[hbm4b:s7+s3] =	stream.indirect_vreg.scatter [tilespmem:s2], [sflag:$0x1], $0x80, v25, vm3, $0xb8;
	[tilespmem:$0x1C280] =	vst v63  }
0x1b9: {  	_ = 	snop  }
0x1ba: {  	[hbm4b:s8+s3] =	stream.indirect_vreg.scatter [tilespmem:s1], [sflag:$0x1], $0x80, v25, vm2, $0xb8;
	[tilespmem:$0x1C280] =	vst v63  }
0x1bb: {  	_ = 	snop  }
0x1bc: {  	[hbm4b:s5+s3] =	stream.indirect_vreg.scatter [tilespmem:s25], [sflag:$0x1], $0x80, v24, vm3, $0xb8;
	[tilespmem:$0x1C280] =	vst v63  }
0x1bd: {  	_ = 	snop  }
0x1be: {  	[hbm4b:s6+s3] =	stream.indirect_vreg.scatter [tilespmem:s29], [sflag:$0x1], $0x80, v24, vm3, $0xb8;
	[tilespmem:$0x1C280] =	vst v63  }
0x1bf: {  	p0 =	sne.s32 s9, $0x1  }
0x1c0: {  	[hbm4b:s7+s3] =	stream.indirect_vreg.scatter [tilespmem:s30], [sflag:$0x1], $0x80, v24, vm3, $0xb8;
	[tilespmem:$0x1C280] =	vst v63  }
.Ltmp0:
0x1c1: {  	_ = 	snop;
	(pc) =	sbr.rel @p0 .LBB2_1-.Ltmp0, $4  }
0x1c2: {  	[hbm4b:s8+s3] =	stream.indirect_vreg.scatter [tilespmem:s31], [sflag:$0x1], $0x80, v24, vm2, $0xb8;
	[tilespmem:$0x1C280] =	vst v63  }
0x1c3: {  	_ =	swait.ge [sflag:s0], $0x1C000  }
0x1c4: {  	[sflag:s0] =	ssyncset.done $0x0  }
0x1c5: {  	s9 =	sadd.s32 $0xFFFFFFFF, s9;
	[sflag:s0] =	ssyncadd.s32 $0xFFFE4000  }
0x1c6: {  	_ =	sfence.sel $0x180000  }
0x1c7: {  	[bflag:$0x0] =	sbarrier.arrive $0xFFFF  }
0x1c8: {  	_ =	strace $0x90000047  }
0x1c9: {  	s0 =	stileid.u32;
	[bflag:$0x2] =	sbarrier.arrive $0xFFFF  }
0x1ca: {  	p0 =	sne.s32 s0, $0x0;
	s0 =	rddreg [dreg:$0x3]  }
0x1cb: {  	s0 =	sadd.s32 @!p0 $0x100000, s0  }
0x1cc: {  	[sflag:s0] =	ssyncadd.tile.s32 @!p0 $0x1;
	_ =	shalt  }
.Lfunc_end2:
_tile_overlayer_lowered:
.L_overlay_start_2:
0x1cd: {  	(tag) =	ssettag $0x2  }
0x1ce: {  	s0 =	rddreg [dreg:$0x0];
	s2 =	stileid.u32  }
0x1cf: {  	s1 =	rddreg [dreg:$0x1];
	p0 =	sne.s32 s2, $0x0  }
0x1d0: {  	s3 =	rddreg [dreg:$0x2];
	[bflag:$0x3] =	sbarrier.arrive $0xFFFF;
	s2 =	simm.s32 @!p0 $0x1C03  }
0x1d1: {  	[timem:s3], [sflag:s2] =	dma.local @!p0 [hbm:s0], s1  }
0x1d2: {  	s0 =	simm.s32 @!p0 $0x3  }
0x1d3: {  	_ =	swait.ge @!p0 [sflag:s0], s1  }
0x1d4: {  	s1 =	ssub.s32 @!p0 $0x0, s1;
	[sflag:s0] =	ssyncset.done @!p0 $0x0  }
0x1d5: {  	[sflag:s0] =	ssyncadd.s32 @!p0 s1  }
0x1d6: {  	[bflag:$0x3] =	sbarrier.arrive $0xFFFF  }
0x1d7: {  	_ =	shalt  }

// kernel: kernel.9.cloned.1.call-start
scs
__scs_entry_jumppad:
0x0: {  	(pc) =	sbr.rel $0x88, $3  }
0x1: {  	(tag) =	ssettag $0x0;
	lr =	simm.s32 $0x1  }
0x2: {  	[smem:$0x3F9A] =	sst lr;
	_ =	strace $0xD0000000  }
0x3: {  	_ = 	snop  }
0x4: {  	_ = 	snop  }
0x5: {  	_ = 	snop  }
0x6: {  	_ = 	snop  }
0x7: {  	_ = 	snop  }
__scs_overlays_trampoline_lowered:
0x8: {  	[smem:$0x3FA9] =	sst s0  }
0x9: {  	[smem:$0x3FAA] =	sst s1  }
0xa: {  	[smem:$0x3FAB] =	sst s2  }
0xb: {  	[smem:$0x3FAC] =	sst s3  }
0xc: {  	[smem:$0x3FAD] =	sst s4  }
0xd: {  	[smem:$0x3FAE] =	sst s5  }
0xe: {  	[smem:$0x3FAF] =	sst s6  }
0xf: {  	[smem:$0x3FB0] =	sst s7  }
0x10: {  	[smem:$0x3FB1] =	sst s8  }
0x11: {  	[smem:$0x3FB2] =	sst s9;
	s0 =	simm.s32 @!p0 $0x0  }
0x12: {  	s1 =	sld [smem:$0x3F98];
	s0 =	simm.s32 @p0 $0x1  }
0x13: {  	[smem:$0x3FB3] =	sst s0;
	s0 =	simm.s32 @!p1 $0x0  }
0x14: {  	s2 =	sld [smem:$0x3F97];
	s0 =	simm.s32 @p1 $0x1  }
0x15: {  	[smem:$0x3FB4] =	sst s0;
	s0 =	simm.s32 @!p2 $0x0  }
0x16: {  	s3 =	sld [smem:$0x3FDB];
	s0 =	simm.s32 @p2 $0x1  }
0x17: {  	s4 =	simm.s32 $0x1BF5;
	[smem:$0x3FB6] =	sst s0  }
0x18: {  	s0 =	sld [smem:$0x3F99];
	_ =	swait.ge [sflag:s4], $0x0  }
0x19: {  	s7 =	sld [smem:$0x3F9A]  }
0x1a: {  	s8 =	sadd.s32 $0xFFFFE003, lr  }
0x1b: {  	s9 =	sadd.s32 $0xFFFFFEF7, lr;
	s5 =	simm.s32 $0xFFFFFFFF;
	p2 =	slt.u32 s8, $0xFFFFF086  }
0x1c: {  	p1 =	slt.u32 s9, $0xF7A;
	s5 =	simm.s32 @!p2 $0x0  }
0x1d: {  	s5 =	simm.s32 @p1 $0x1;
	p0 =	seq.s32 s7, s2  }
0x1e: {  	s7 =	smul.u32 @!p0 $0xF7A, s2;
	p2 =	seq.s32 @!p0 s5, $0x0  }
0x1f: {  	s9 =	smul.u32 $0xF7A, s1;
	s8 =	simm.s32 @!p0 $0x1BF5;
	p2 =	por !p2, p0  }
0x20: {  	[sflag:s8] =	ssyncset.s32 @!p0 $0xFFFFF086;
	s6 =	sadd.s32 @!p0 s3, s7;
	s7 =	simm.s32 @!p0 $0x108  }
0x21: {  	s3 =	sadd.s32 s3, s9;
	s6 =	sadd.s32 @!p0 $0x88, s6;
	s7 =	simm.s32 @p2 $0x1082  }
0x22: {  	[simem:s7], [sflag:s8] =	dma.local @!p0 [hbm:s6], $0xF7A  }
0x23: {  	s9 =	sor.u32 $0xD0000000, s2;
	s6 =	simm.s32 $0x108;
	_ =	swait.ge @!p0 [sflag:s8], $0x0  }
0x24: {  	s3 =	sadd.s32 $0x88, s3;
	s6 =	simm.s32 @!p1 $0x1082;
	[sflag:s4] =	ssyncset.s32 $0xFFFFF086  }
0x25: {  	[simem:s6], [sflag:s4] =	dma.local [hbm:s3], $0xF7A  }
0x26: {  	[smem:$0x3F9A] =	sst s1;
	(tag) =	ssettag s2;
	_ =	strace s9  }
0x27: {  	s1 =	sld [smem:$0x3FAA]  }
0x28: {  	s2 =	sld [smem:$0x3FAB]  }
0x29: {  	s4 =	sld [smem:$0x3FAD]  }
0x2a: {  	p0 =	seq.s32 s5, $0x0;
	s5 =	sld [smem:$0x3FAE]  }
0x2b: {  	s6 =	sld [smem:$0x3FAF]  }
0x2c: {  	s7 =	sld [smem:$0x3FB0]  }
0x2d: {  	s3 =	simm.s32 $0x108;
	s8 =	sld [smem:$0x3FB1]  }
0x2e: {  	s3 =	simm.s32 @!p0 $0x1082;
	s9 =	sld [smem:$0x3FB2]  }
0x2f: {  	lr =	sadd.s32 s0, s3;
	s0 =	sld [smem:$0x3FA9]  }
0x30: {  	s3 =	sld [smem:$0x3FAC]  }
0x31: {  	[smem:$0x3FB5] =	sst s10  }
0x32: {  	s10 =	sld [smem:$0x3FB3];
	_ =	sdelay $0x3  }
0x33: {  	p0 =	seq.s32 s10, $0x1;
	s10 =	sld [smem:$0x3FB5];
	_ =	sdelay $0x3  }
0x34: {  	[smem:$0x3FB5] =	sst s10  }
0x35: {  	s10 =	sld [smem:$0x3FB4];
	_ =	sdelay $0x3  }
0x36: {  	p1 =	seq.s32 s10, $0x1;
	s10 =	sld [smem:$0x3FB5];
	_ =	sdelay $0x3  }
0x37: {  	[smem:$0x3FB5] =	sst s10  }
0x38: {  	s10 =	sld [smem:$0x3FB6]  }
0x39: {  	_ = 	snop;
	(pc) =	sbr.ind lr, $3  }
0x3a: {  	_ = 	snop  }
0x3b: {  	_ = 	snop  }
0x3c: {  	p2 =	seq.s32 s10, $0x1;
	s10 =	sld [smem:$0x3FB5]  }
0x3d: {  	_ =	shalt  }
0x3e: {  	_ =	shalt  }
0x3f: {  	_ =	shalt  }
0x40: {  	_ =	shalt  }
0x41: {  	_ =	shalt  }
0x42: {  	_ =	shalt  }
0x43: {  	_ =	shalt  }
0x44: {  	_ =	shalt  }
0x45: {  	_ =	shalt  }
0x46: {  	_ =	shalt  }
0x47: {  	_ =	shalt  }
0x48: {  	_ =	shalt  }
0x49: {  	_ =	shalt  }
0x4a: {  	_ =	shalt  }
0x4b: {  	_ =	shalt  }
0x4c: {  	_ =	shalt  }
0x4d: {  	_ =	shalt  }
0x4e: {  	_ =	shalt  }
0x4f: {  	_ =	shalt  }
0x50: {  	_ =	shalt  }
0x51: {  	_ =	shalt  }
0x52: {  	_ =	shalt  }
0x53: {  	_ =	shalt  }
0x54: {  	_ =	shalt  }
0x55: {  	_ =	shalt  }
0x56: {  	_ =	shalt  }
0x57: {  	_ =	shalt  }
0x58: {  	_ =	shalt  }
0x59: {  	_ =	shalt  }
0x5a: {  	_ =	shalt  }
0x5b: {  	_ =	shalt  }
0x5c: {  	_ =	shalt  }
0x5d: {  	_ =	shalt  }
0x5e: {  	_ =	shalt  }
0x5f: {  	_ =	shalt  }
0x60: {  	_ =	shalt  }
0x61: {  	_ =	shalt  }
0x62: {  	_ =	shalt  }
0x63: {  	_ =	shalt  }
0x64: {  	_ =	shalt  }
0x65: {  	_ =	shalt  }
0x66: {  	_ =	shalt  }
0x67: {  	_ =	shalt  }
0x68: {  	_ =	shalt  }
0x69: {  	_ =	shalt  }
0x6a: {  	_ =	shalt  }
0x6b: {  	_ =	shalt  }
0x6c: {  	_ =	shalt  }
0x6d: {  	_ =	shalt  }
0x6e: {  	_ =	shalt  }
0x6f: {  	_ =	shalt  }
0x70: {  	_ =	shalt  }
0x71: {  	_ =	shalt  }
0x72: {  	_ =	shalt  }
0x73: {  	_ =	shalt  }
0x74: {  	_ =	shalt  }
0x75: {  	_ =	shalt  }
0x76: {  	_ =	shalt  }
0x77: {  	_ =	shalt  }
0x78: {  	_ =	shalt  }
0x79: {  	_ =	shalt  }
0x7a: {  	_ =	shalt  }
0x7b: {  	_ =	shalt  }
0x7c: {  	_ =	shalt  }
0x7d: {  	_ =	shalt  }
0x7e: {  	_ =	shalt  }
0x7f: {  	_ =	shalt  }
0x80: {  	_ =	shalt  }
0x81: {  	_ =	shalt  }
0x82: {  	_ =	shalt  }
0x83: {  	_ =	shalt  }
0x84: {  	_ =	shalt  }
0x85: {  	_ =	shalt  }
0x86: {  	_ =	shalt  }
0x87: {  	_ =	shalt  }
.Lfunc_end0:
.L_simem_size_0:
called_computation.1_lowered:
.L_overlay_start_0:
0x88: {  	s2 =	sld [smem:$0x3FD9]  }
0x89: {  	s3 =	sld [smem:$0x3FFE];
	_ =	sdelay $0x1  }
0x8a: {  	s1 =	srdreg.scid  }
0x8b: {  	s0 =	sand.u32 $0x1, s1  }
0x8c: {  	s17 =	sshll.u32 s0, $0xA;
	s2 =	sadd.s32 s3, s2  }
0x8d: {  	s2 =	sadd.s32 s2, s17  }
0x8e: {  	[smem:$0x3FC1] =	sst s2  }
0x8f: {  	_ = 	snop  }
0x90: {  	s2 =	sld [smem:$0x3FD0];
	(tm) =	ssettm $0x1  }
0x91: {  	s18 =	sld [smem:$0x3FFB];
	_ =	sdelay $0x3  }
0x92: {  	_ =	strace s18  }
0x93: {  	s3 =	sld [smem:$0x3FFC];
	_ =	sdelay $0x3  }
0x94: {  	_ =	strace s3  }
0x95: {  	s3 =	sld [smem:$0x3FFD];
	_ =	sdelay $0x3  }
0x96: {  	_ =	strace s3  }
0x97: {  	_ =	strace $0x8FFFFFFF  }
0x98: {  	s19 =	sld [smem:$0x3FDB];
	_ =	sdelay $0x1  }
0x99: {  	s4 =	simm.s32 $_scs_section_size  }
0x9a: {  	s5 =	simm.s32 $_size__tile_overlayer_lowered;
	s6 =	simm.s32 $_tile_overlayer_lowered  }
0x9b: {  	s22 =	simm.s32 $0x1BFF;
	s21 =	sshll.u32 s6, $0x1;
	s3 =	sadd.s32 s4, s19  }
0x9c: {  	s7 =	simm.s32 $0x0;
	s20 =	sshll.u32 s5, $0x1;
	s5 =	sadd.s32 s21, s3  }
0x9d: {  	[timem:s7], [sflag:s22] =	dma.local [hbm:s5], s20  }
0x9e: {  	_ =	swait.ge [sflag:s22], s20  }
0x9f: {  	s4 =	ssub.s32 $0x0, s20;
	[sflag:s22] =	ssyncset.done $0x0  }
0xa0: {  	[sflag:s22] =	ssyncadd.s32 s4;
	_ =	sdelay $0x1  }
0xa1: {  	s23 =	simm.s32 $0x1B8B  }
0xa2: {  	_ =	swait.ge [sflag:s23], $0x1  }
0xa3: {  	[sflag:s23] =	ssyncset.done $0x0  }
0xa4: {  	s25 =	simm.s32 $0x1B8E;
	s24 =	sld [smem:$0x3FFE];
	[sflag:s23] =	ssyncadd.s32 $0xFFFFFFFF  }
0xa5: {  	s26 =	simm.s32 $execute0_lowered;
	[smem:$0x3FD2] =	sst s25  }
0xa6: {  	s5 =	sshll.u32 s26, $0x1;
	_ =	strace $0x80000049;
	[dreg:$0x1] =	wrdreg $0xFFFFFFFF  }
0xa7: {  	s28 =	simm.s32 $_size_execute0_lowered;
	s3 =	sadd.s32 s3, s5;
	[dreg:$0x0] =	wrdreg $0x0  }
0xa8: {  	s5 =	sshll.u32 s28, $0x1;
	[dreg:$0x2] =	wrdreg s3  }
0xa9: {  	[dreg:$0x3] =	wrdreg s5  }
0xaa: {  	[dreg:$0x4] =	wrdreg $0xC0  }
0xab: {  	_ =	task [dreg:s7], $0x5FFFF  }
0xac: {  	[dreg:$0x1] =	wrdreg $0xFFFFFFFF  }
0xad: {  	[dreg:$0x0] =	wrdreg $0x60  }
0xae: {  	[dreg:$0x2] =	wrdreg s24  }
0xaf: {  	[dreg:$0x3] =	wrdreg s2  }
0xb0: {  	[dreg:$0x4] =	wrdreg $0x9  }
0xb1: {  	_ =	task.clear_ibuf [dreg:s7], $0x5FFFF;
	_ =	strace $0x90000049  }
0xb2: {  	s29 =	simm.s32 $0x9;
	_ =	strace $0x8000004B  }
0xb3: {  	_ =	swait.ge [sflag:s29], $0x1  }
0xb4: {  	[sflag:s29] =	ssyncadd.s32 $0xFFFFFFFF  }
0xb5: {  	_ =	strace $0x9000004B  }
0xb6: {  	_ =	sfence  }
0xb7: {  	s30 =	sld [smem:$0x0];
	_ =	sdelay $0x2  }
0xb8: {  	s31 =	sshll.u32 s1, $0xD;
	s1 =	sshrl.u32 s1, $0x2  }
0xb9: {  	s3 =	sand.u32 $0x4000, s31;
	s1 =	sadd.s32 s1, s30  }
0xba: {  	s0 =	sor.u32 s3, s0;
	s1 =	sshll.u32 s1, $0x11  }
0xbb: {  	s0 =	sor.u32 s1, s0  }
0xbc: {  	s0 =	sadd.s32 $0x8F2B, s0  }
0xbd: {  	[sflag:s0] =	ssyncadd.remote.s32 $0x1  }
0xbe: {  	_ =	sfence.sel $0xFFFF  }
0xbf: {  	[dreg:$0x0] =	wrdreg $0xFFFFFFFF;
	(pc) =	sbr.abs _section_cstart, $3  }
0xc0: {  	[dreg:$0x1] =	wrdreg $0xFFFFFFFF  }
0xc1: {  	_ =	task.clear_ibuf [dreg:s7], $0x2FFFF;
	_ =	strace $0x9FFFFFFF  }
0xc2: {  	(tm) =	ssettm $0x7FFFFFFF  }
0xc3: {  	_ =	shalt  }
tec
execute0_lowered:
.L_overlay_start_1:
0x0: {  	(tag) =	ssettag $0x1  }
0x1: {  	s2 =	srdreg.scid;
	s1 =	rddreg [dreg:$0x0]  }
0x2: {  	s3 =	rddreg [dreg:$0x1];
	s4 =	sand.u32 $0x1, s2;
	s2 =	simm.s32 $0x0  }
0x3: {  	s0 =	stileid.u32;
	s25 =	simm.s32 $0x880;
	[smem:$0x7FF] =	sst s2  }
0x4: {  	s26 =	simm.s32 $0x1080;
	_ =	strace $0x8000004A;
	[dreg:$0x5] =	wrdreg s25  }
0x5: {  	s5 =	sshll.u32 s0, $0x5;
	s0 =	simm.s32 $0x1880;
	[dreg:$0x6] =	wrdreg s26  }
0x6: {  	s7 =	simm.s32 $0x3080;
	[dreg:$0x7] =	wrdreg s0  }
0x7: {  	s8 =	simm.s32 $0x3880;
	[dreg:$0xa] =	wrdreg s7  }
0x8: {  	s9 =	simm.s32 $0x4080;
	[dreg:$0xb] =	wrdreg s8  }
0x9: {  	s10 =	simm.s32 $0x4880;
	[dreg:$0xc] =	wrdreg s9  }
0xa: {  	s11 =	simm.s32 $0x5080;
	[dreg:$0xd] =	wrdreg s10  }
0xb: {  	s12 =	simm.s32 $0x5880;
	[dreg:$0xe] =	wrdreg s11  }
0xc: {  	s13 =	simm.s32 $0x6080;
	[dreg:$0xf] =	wrdreg s12  }
0xd: {  	s14 =	simm.s32 $0x6880;
	[dreg:$0x10] =	wrdreg s13  }
0xe: {  	s15 =	simm.s32 $0x7080;
	[dreg:$0x11] =	wrdreg s14  }
0xf: {  	s16 =	simm.s32 $0x7880;
	s17 =	simm.s32 $0x8080;
	[dreg:$0x12] =	wrdreg s15  }
0x10: {  	s18 =	simm.s32 $0x8880;
	s19 =	simm.s32 $0x9080;
	[dreg:$0x13] =	wrdreg s16  }
0x11: {  	s21 =	simm.s32 $0x9880;
	s22 =	simm.s32 $0xA080;
	[dreg:$0x14] =	wrdreg s17  }
0x12: {  	s23 =	simm.s32 $0xB080;
	s24 =	simm.s32 $0xB880;
	[dreg:$0x15] =	wrdreg s18  }
0x13: {  	s28 =	simm.s32 $0x16080;
	s29 =	simm.s32 $0x16880;
	[dreg:$0x16] =	wrdreg s19  }
0x14: {  	s30 =	simm.s32 $0x17080;
	s31 =	simm.s32 $0x17880;
	[dreg:$0x17] =	wrdreg s21  }
0x15: {  	s6 =	sshll.u32 s4, $0x4;
	s4 =	ssub.s32 $0x2, s4;
	[dreg:$0x18] =	wrdreg s22  }
0x16: {  	s5 =	sor.u32 s6, s5;
	s20 =	sshrl.u32 s4, $0x1;
	[dreg:$0x1a] =	wrdreg s23  }
0x17: {  	s7 =	simm.s32 $0xA880;
	[dreg:$0x1b] =	wrdreg s24;
	s25 =	simm.s32 $0xC080  }
0x18: {  	s8 =	simm.s32 $0x80;
	s26 =	simm.s32 $0xC880;
	s10 =	simm.s32 $0xD880  }
0x19: {  	s11 =	simm.s32 $0xE080;
	s12 =	simm.s32 $0xE880;
	s13 =	simm.s32 $0xF080  }
0x1a: {  	s14 =	simm.s32 $0xF880;
	s15 =	simm.s32 $0x10080;
	s16 =	simm.s32 $0x10880  }
0x1b: {  	s17 =	simm.s32 $0x11080;
	s18 =	simm.s32 $0x11880;
	s19 =	simm.s32 $0x12080  }
0x1c: {  	s21 =	simm.s32 $0x13080;
	s22 =	simm.s32 $0x13880;
	[dreg:$0x19] =	wrdreg s7  }
0x1d: {  	s6 =	sadd.s32 s5, s1;
	s5 =	smul.u32 $0x300, s5;
	[dreg:$0x1c] =	wrdreg s25  }
0x1e: {  	s23 =	simm.s32 $0x14080;
	[dreg:$0x1d] =	wrdreg s26;
	s6 =	sadd.s32 $0x70600, s6  }
0x1f: {  	s24 =	simm.s32 $0x14880;
	[dreg:$0x3] =	wrdreg s6;
	s3 =	sadd.s32 s3, s5  }
0x20: {  	s7 =	simm.s32 $0x2;
	s5 =	simm.s32 $0x2080;
	[dreg:$0x4] =	wrdreg s3  }
0x21: {  	s25 =	simm.s32 $0x15080;
	s6 =	simm.s32 $0x2880;
	[dreg:$0x8] =	wrdreg s5  }
0x22: {  	v2 =	vlaneseq.u32;
	s26 =	simm.s32 $0x15880;
	[dreg:$0x9] =	wrdreg s6;
	s3 =	sadd.s32 $0x70800, s1  }
0x23: {  	vm0 =	vmmov $0xffff;
	v1 =	vshrl.u32 v2, $0x3;
	s6 =	ssub.s32 s4, s20;
	s4 =	sadd.s32 $0x70900, s1;
	s5 =	sadd.s32 $0x70A00, s1  }
0x24: {  	v0 =	vand.u32 $0x7, v2;
	v2 =	vor.u32 $0x8, v2;
	v1 =	vmul.u32 $0x8, v1;
	s20 =	simm.s32 $0x12880;
	s1 =	simm.s32 $0x1;
	s6 =	smax.u32 s6, $0x1  }
.LBB2_1:
0x25: {  	s0 =	rddreg [dreg:$0x3]  }
0x26: {  	[tilespmem:s2], [sflag:$0x2] =	stream.linear.gather [hbm4b:s0+s2], $0x80, $0x38;
	[tilespmem:$0x18080] =	vst v63  }
0x27: {  	_ =	swait.ge [sflag:s7], $0x80  }
0x28: {  	[sflag:s7] =	ssyncset.done $0x0  }
0x29: {  	[sflag:s7] =	ssyncadd.s32 $0xFFFFFF80  }
0x2a: {  	v3 =	vld [tilespmem:$0x0];
	_ =	sdelay $0x4  }
0x2b: {  	v4 =	vshrl.u32 v3, $0x3  }
0x2c: {  	v4 =	vmul.u32 $0x30, v4  }
0x2d: {  	v3 =	vand.u32 $0x7, v3  }
0x2e: {  	v3 =	vor.u32 v3, v4  }
0x2f: {  	v4 =	vperm.xlane v3, v0;
	_ =	sdelay $0x1  }
0x30: {  	v4 =	vadd.s32 v1, v4;
	_ =	sdelay $0x3  }
0x31: {  	v3 =	vperm.xlane v3, v2  }
0x32: {  	[tilespmem:s8], [sflag:$0x1] =	stream.indirect_vreg.gather [hbm4b:s3+s2], $0x80, v4, vm0, $0xb8;
	[tilespmem:$0x18080] =	vst v63  }
0x33: {  	s0 =	rddreg [dreg:$0x5];
	v3 =	vadd.s32 v1, v3  }
0x34: {  	[tilespmem:s0], [sflag:$0x1] =	stream.indirect_vreg.gather [hbm4b:s4+s2], $0x80, v4, vm0, $0xb8;
	[tilespmem:$0x18080] =	vst v63  }
0x35: {  	s9 =	rddreg [dreg:$0x6]  }
0x36: {  	[tilespmem:s9], [sflag:$0x1] =	stream.indirect_vreg.gather [hbm4b:s5+s2], $0x80, v4, vm0, $0xb8;
	[tilespmem:$0x18080] =	vst v63  }
0x37: {  	s0 =	rddreg [dreg:$0x7]  }
0x38: {  	[tilespmem:s0], [sflag:$0x1] =	stream.indirect_vreg.gather [hbm4b:s3+s2], $0x80, v3, vm0, $0xb8;
	[tilespmem:$0x18080] =	vst v63  }
0x39: {  	s9 =	rddreg [dreg:$0x8]  }
0x3a: {  	[tilespmem:s9], [sflag:$0x1] =	stream.indirect_vreg.gather [hbm4b:s4+s2], $0x80, v3, vm0, $0xb8;
	[tilespmem:$0x18080] =	vst v63  }
0x3b: {  	s0 =	rddreg [dreg:$0x9]  }
0x3c: {  	[tilespmem:s0], [sflag:$0x1] =	stream.indirect_vreg.gather [hbm4b:s5+s2], $0x80, v3, vm0, $0xb8;
	[tilespmem:$0x18080] =	vst v63  }
0x3d: {  	v3 =	vld [tilespmem:$0x10];
	_ =	sdelay $0x4  }
0x3e: {  	v57 =	vshrl.u32 v3, $0x3  }
0x3f: {  	v4 =	vmul.u32 $0x30, v57  }
0x40: {  	v3 =	vand.u32 $0x7, v3  }
0x41: {  	v3 =	vor.u32 v3, v4  }
0x42: {  	v4 =	vperm.xlane v3, v0;
	_ =	sdelay $0x1  }
0x43: {  	v4 =	vadd.s32 v1, v4;
	_ =	sdelay $0x3  }
0x44: {  	s0 =	rddreg [dreg:$0xa];
	v3 =	vperm.xlane v3, v2  }
0x45: {  	[tilespmem:s0], [sflag:$0x1] =	stream.indirect_vreg.gather [hbm4b:s3+s2], $0x80, v4, vm0, $0xb8;
	[tilespmem:$0x18080] =	vst v63  }
0x46: {  	s9 =	rddreg [dreg:$0xb];
	v3 =	vadd.s32 v1, v3  }
0x47: {  	[tilespmem:s9], [sflag:$0x1] =	stream.indirect_vreg.gather [hbm4b:s4+s2], $0x80, v4, vm0, $0xb8;
	[tilespmem:$0x18080] =	vst v63  }
0x48: {  	s0 =	rddreg [dreg:$0xc]  }
0x49: {  	[tilespmem:s0], [sflag:$0x1] =	stream.indirect_vreg.gather [hbm4b:s5+s2], $0x80, v4, vm0, $0xb8;
	[tilespmem:$0x18080] =	vst v63  }
0x4a: {  	s9 =	rddreg [dreg:$0xd]  }
0x4b: {  	[tilespmem:s9], [sflag:$0x1] =	stream.indirect_vreg.gather [hbm4b:s3+s2], $0x80, v3, vm0, $0xb8;
	[tilespmem:$0x18080] =	vst v63  }
0x4c: {  	s0 =	rddreg [dreg:$0xe]  }
0x4d: {  	[tilespmem:s0], [sflag:$0x1] =	stream.indirect_vreg.gather [hbm4b:s4+s2], $0x80, v3, vm0, $0xb8;
	[tilespmem:$0x18080] =	vst v63  }
0x4e: {  	s9 =	rddreg [dreg:$0xf]  }
0x4f: {  	[tilespmem:s9], [sflag:$0x1] =	stream.indirect_vreg.gather [hbm4b:s5+s2], $0x80, v3, vm0, $0xb8;
	[tilespmem:$0x18080] =	vst v63  }
0x50: {  	v3 =	vld [tilespmem:$0x20];
	_ =	sdelay $0x4  }
0x51: {  	v58 =	vshrl.u32 v3, $0x3  }
0x52: {  	v4 =	vmul.u32 $0x30, v58  }
0x53: {  	v3 =	vand.u32 $0x7, v3  }
0x54: {  	v3 =	vor.u32 v3, v4  }
0x55: {  	v4 =	vperm.xlane v3, v0;
	_ =	sdelay $0x1  }
0x56: {  	v4 =	vadd.s32 v1, v4;
	_ =	sdelay $0x3  }
0x57: {  	s0 =	rddreg [dreg:$0x10];
	v3 =	vperm.xlane v3, v2  }
0x58: {  	[tilespmem:s0], [sflag:$0x1] =	stream.indirect_vreg.gather [hbm4b:s3+s2], $0x80, v4, vm0, $0xb8;
	[tilespmem:$0x18080] =	vst v63  }
0x59: {  	s9 =	rddreg [dreg:$0x11];
	v3 =	vadd.s32 v1, v3  }
0x5a: {  	[tilespmem:s9], [sflag:$0x1] =	stream.indirect_vreg.gather [hbm4b:s4+s2], $0x80, v4, vm0, $0xb8;
	[tilespmem:$0x18080] =	vst v63  }
0x5b: {  	s0 =	rddreg [dreg:$0x12]  }
0x5c: {  	[tilespmem:s0], [sflag:$0x1] =	stream.indirect_vreg.gather [hbm4b:s5+s2], $0x80, v4, vm0, $0xb8;
	[tilespmem:$0x18080] =	vst v63  }
0x5d: {  	s9 =	rddreg [dreg:$0x13]  }
0x5e: {  	[tilespmem:s9], [sflag:$0x1] =	stream.indirect_vreg.gather [hbm4b:s3+s2], $0x80, v3, vm0, $0xb8;
	[tilespmem:$0x18080] =	vst v63  }
0x5f: {  	s0 =	rddreg [dreg:$0x14]  }
0x60: {  	[tilespmem:s0], [sflag:$0x1] =	stream.indirect_vreg.gather [hbm4b:s4+s2], $0x80, v3, vm0, $0xb8;
	[tilespmem:$0x18080] =	vst v63  }
0x61: {  	s9 =	rddreg [dreg:$0x15]  }
0x62: {  	[tilespmem:s9], [sflag:$0x1] =	stream.indirect_vreg.gather [hbm4b:s5+s2], $0x80, v3, vm0, $0xb8;
	[tilespmem:$0x18080] =	vst v63  }
0x63: {  	v3 =	vld [tilespmem:$0x30];
	_ =	sdelay $0x4  }
0x64: {  	v59 =	vshrl.u32 v3, $0x3  }
0x65: {  	v4 =	vmul.u32 $0x30, v59  }
0x66: {  	v3 =	vand.u32 $0x7, v3  }
0x67: {  	v3 =	vor.u32 v3, v4  }
0x68: {  	v4 =	vperm.xlane v3, v0;
	_ =	sdelay $0x1  }
0x69: {  	v4 =	vadd.s32 v1, v4;
	_ =	sdelay $0x3  }
0x6a: {  	s0 =	rddreg [dreg:$0x16];
	v3 =	vperm.xlane v3, v2  }
0x6b: {  	[tilespmem:s0], [sflag:$0x1] =	stream.indirect_vreg.gather [hbm4b:s3+s2], $0x80, v4, vm0, $0xb8;
	[tilespmem:$0x18080] =	vst v63  }
0x6c: {  	s9 =	rddreg [dreg:$0x17];
	v3 =	vadd.s32 v1, v3  }
0x6d: {  	[tilespmem:s9], [sflag:$0x1] =	stream.indirect_vreg.gather [hbm4b:s4+s2], $0x80, v4, vm0, $0xb8;
	[tilespmem:$0x18080] =	vst v63  }
0x6e: {  	s0 =	rddreg [dreg:$0x18]  }
0x6f: {  	[tilespmem:s0], [sflag:$0x1] =	stream.indirect_vreg.gather [hbm4b:s5+s2], $0x80, v4, vm0, $0xb8;
	[tilespmem:$0x18080] =	vst v63  }
0x70: {  	s9 =	rddreg [dreg:$0x19]  }
0x71: {  	[tilespmem:s9], [sflag:$0x1] =	stream.indirect_vreg.gather [hbm4b:s3+s2], $0x80, v3, vm0, $0xb8;
	[tilespmem:$0x18080] =	vst v63  }
0x72: {  	s0 =	rddreg [dreg:$0x1a]  }
0x73: {  	[tilespmem:s0], [sflag:$0x1] =	stream.indirect_vreg.gather [hbm4b:s4+s2], $0x80, v3, vm0, $0xb8;
	[tilespmem:$0x18080] =	vst v63  }
0x74: {  	s9 =	rddreg [dreg:$0x1b]  }
0x75: {  	[tilespmem:s9], [sflag:$0x1] =	stream.indirect_vreg.gather [hbm4b:s5+s2], $0x80, v3, vm0, $0xb8;
	[tilespmem:$0x18080] =	vst v63  }
0x76: {  	v3 =	vld [tilespmem:$0x40];
	_ =	sdelay $0x4  }
0x77: {  	v60 =	vshrl.u32 v3, $0x3  }
0x78: {  	v4 =	vmul.u32 $0x30, v60  }
0x79: {  	v3 =	vand.u32 $0x7, v3  }
0x7a: {  	v3 =	vor.u32 v3, v4  }
0x7b: {  	v4 =	vperm.xlane v3, v0;
	_ =	sdelay $0x1  }
0x7c: {  	v4 =	vadd.s32 v1, v4;
	_ =	sdelay $0x3  }
0x7d: {  	s0 =	rddreg [dreg:$0x1c];
	v3 =	vperm.xlane v3, v2  }
0x7e: {  	[tilespmem:s0], [sflag:$0x1] =	stream.indirect_vreg.gather [hbm4b:s3+s2], $0x80, v4, vm0, $0xb8;
	[tilespmem:$0x18080] =	vst v63  }
0x7f: {  	s9 =	rddreg [dreg:$0x1d];
	v3 =	vadd.s32 v1, v3  }
0x80: {  	[tilespmem:s9], [sflag:$0x1] =	stream.indirect_vreg.gather [hbm4b:s4+s2], $0x80, v4, vm0, $0xb8;
	[tilespmem:$0x18080] =	vst v63  }
0x81: {  	s9 =	simm.s32 $0xD080  }
0x82: {  	[tilespmem:s9], [sflag:$0x1] =	stream.indirect_vreg.gather [hbm4b:s5+s2], $0x80, v4, vm0, $0xb8;
	[tilespmem:$0x18080] =	vst v63  }
0x83: {  	_ = 	snop  }
0x84: {  	[tilespmem:s10], [sflag:$0x1] =	stream.indirect_vreg.gather [hbm4b:s3+s2], $0x80, v3, vm0, $0xb8;
	[tilespmem:$0x18080] =	vst v63  }
0x85: {  	_ = 	snop  }
0x86: {  	[tilespmem:s11], [sflag:$0x1] =	stream.indirect_vreg.gather [hbm4b:s4+s2], $0x80, v3, vm0, $0xb8;
	[tilespmem:$0x18080] =	vst v63  }
0x87: {  	_ = 	snop  }
0x88: {  	[tilespmem:s12], [sflag:$0x1] =	stream.indirect_vreg.gather [hbm4b:s5+s2], $0x80, v3, vm0, $0xb8;
	[tilespmem:$0x18080] =	vst v63  }
0x89: {  	v3 =	vld [tilespmem:$0x50];
	_ =	sdelay $0x4  }
0x8a: {  	v61 =	vshrl.u32 v3, $0x3  }
0x8b: {  	v4 =	vmul.u32 $0x30, v61  }
0x8c: {  	v3 =	vand.u32 $0x7, v3  }
0x8d: {  	v3 =	vor.u32 v3, v4  }
0x8e: {  	v4 =	vperm.xlane v3, v0;
	_ =	sdelay $0x1  }
0x8f: {  	v4 =	vadd.s32 v1, v4;
	_ =	sdelay $0x3  }
0x90: {  	v3 =	vperm.xlane v3, v2  }
0x91: {  	[tilespmem:s13], [sflag:$0x1] =	stream.indirect_vreg.gather [hbm4b:s3+s2], $0x80, v4, vm0, $0xb8;
	[tilespmem:$0x18080] =	vst v63  }
0x92: {  	v3 =	vadd.s32 v1, v3  }
0x93: {  	[tilespmem:s14], [sflag:$0x1] =	stream.indirect_vreg.gather [hbm4b:s4+s2], $0x80, v4, vm0, $0xb8;
	[tilespmem:$0x18080] =	vst v63  }
0x94: {  	_ = 	snop  }
0x95: {  	[tilespmem:s15], [sflag:$0x1] =	stream.indirect_vreg.gather [hbm4b:s5+s2], $0x80, v4, vm0, $0xb8;
	[tilespmem:$0x18080] =	vst v63  }
0x96: {  	_ = 	snop  }
0x97: {  	[tilespmem:s16], [sflag:$0x1] =	stream.indirect_vreg.gather [hbm4b:s3+s2], $0x80, v3, vm0, $0xb8;
	[tilespmem:$0x18080] =	vst v63  }
0x98: {  	_ = 	snop  }
0x99: {  	[tilespmem:s17], [sflag:$0x1] =	stream.indirect_vreg.gather [hbm4b:s4+s2], $0x80, v3, vm0, $0xb8;
	[tilespmem:$0x18080] =	vst v63  }
0x9a: {  	_ = 	snop  }
0x9b: {  	[tilespmem:s18], [sflag:$0x1] =	stream.indirect_vreg.gather [hbm4b:s5+s2], $0x80, v3, vm0, $0xb8;
	[tilespmem:$0x18080] =	vst v63  }
0x9c: {  	v3 =	vld [tilespmem:$0x60];
	_ =	sdelay $0x4  }
0x9d: {  	v62 =	vshrl.u32 v3, $0x3  }
0x9e: {  	v4 =	vmul.u32 $0x30, v62  }
0x9f: {  	v3 =	vand.u32 $0x7, v3  }
0xa0: {  	v3 =	vor.u32 v3, v4  }
0xa1: {  	v4 =	vperm.xlane v3, v0;
	_ =	sdelay $0x1  }
0xa2: {  	v4 =	vadd.s32 v1, v4;
	_ =	sdelay $0x3  }
0xa3: {  	v3 =	vperm.xlane v3, v2  }
0xa4: {  	[tilespmem:s19], [sflag:$0x1] =	stream.indirect_vreg.gather [hbm4b:s3+s2], $0x80, v4, vm0, $0xb8;
	[tilespmem:$0x18080] =	vst v63  }
0xa5: {  	v3 =	vadd.s32 v1, v3  }
0xa6: {  	[tilespmem:s20], [sflag:$0x1] =	stream.indirect_vreg.gather [hbm4b:s4+s2], $0x80, v4, vm0, $0xb8;
	[tilespmem:$0x18080] =	vst v63  }
0xa7: {  	_ = 	snop  }
0xa8: {  	[tilespmem:s21], [sflag:$0x1] =	stream.indirect_vreg.gather [hbm4b:s5+s2], $0x80, v4, vm0, $0xb8;
	[tilespmem:$0x18080] =	vst v63  }
0xa9: {  	_ = 	snop  }
0xaa: {  	[tilespmem:s22], [sflag:$0x1] =	stream.indirect_vreg.gather [hbm4b:s3+s2], $0x80, v3, vm0, $0xb8;
	[tilespmem:$0x18080] =	vst v63  }
0xab: {  	_ = 	snop  }
0xac: {  	[tilespmem:s23], [sflag:$0x1] =	stream.indirect_vreg.gather [hbm4b:s4+s2], $0x80, v3, vm0, $0xb8;
	[tilespmem:$0x18080] =	vst v63  }
0xad: {  	_ = 	snop  }
0xae: {  	[tilespmem:s24], [sflag:$0x1] =	stream.indirect_vreg.gather [hbm4b:s5+s2], $0x80, v3, vm0, $0xb8;
	[tilespmem:$0x18080] =	vst v63  }
0xaf: {  	v3 =	vld [tilespmem:$0x70];
	_ =	sdelay $0x4  }
0xb0: {  	v63 =	vshrl.u32 v3, $0x3  }
0xb1: {  	v4 =	vmul.u32 $0x30, v63  }
0xb2: {  	v3 =	vand.u32 $0x7, v3  }
0xb3: {  	v3 =	vor.u32 v3, v4  }
0xb4: {  	v4 =	vperm.xlane v3, v0;
	_ =	sdelay $0x1  }
0xb5: {  	v4 =	vadd.s32 v1, v4;
	_ =	sdelay $0x3  }
0xb6: {  	v3 =	vperm.xlane v3, v2  }
0xb7: {  	[tilespmem:s25], [sflag:$0x1] =	stream.indirect_vreg.gather [hbm4b:s3+s2], $0x80, v4, vm0, $0xb8;
	[tilespmem:$0x18080] =	vst v63  }
0xb8: {  	v3 =	vadd.s32 v1, v3  }
0xb9: {  	[tilespmem:s26], [sflag:$0x1] =	stream.indirect_vreg.gather [hbm4b:s4+s2], $0x80, v4, vm0, $0xb8;
	[tilespmem:$0x18080] =	vst v63  }
0xba: {  	_ = 	snop  }
0xbb: {  	[tilespmem:s28], [sflag:$0x1] =	stream.indirect_vreg.gather [hbm4b:s5+s2], $0x80, v4, vm0, $0xb8;
	[tilespmem:$0x18080] =	vst v63  }
0xbc: {  	_ = 	snop  }
0xbd: {  	[tilespmem:s29], [sflag:$0x1] =	stream.indirect_vreg.gather [hbm4b:s3+s2], $0x80, v3, vm0, $0xb8;
	[tilespmem:$0x18080] =	vst v63  }
0xbe: {  	_ = 	snop  }
0xbf: {  	[tilespmem:s30], [sflag:$0x1] =	stream.indirect_vreg.gather [hbm4b:s4+s2], $0x80, v3, vm0, $0xb8;
	[tilespmem:$0x18080] =	vst v63  }
0xc0: {  	_ = 	snop  }
0xc1: {  	[tilespmem:s31], [sflag:$0x1] =	stream.indirect_vreg.gather [hbm4b:s5+s2], $0x80, v3, vm0, $0xb8;
	[tilespmem:$0x18080] =	vst v63  }
0xc2: {  	_ =	swait.ge [sflag:s1], $0x18000  }
0xc3: {  	p0 =	sne.s32 s6, $0x1;
	[sflag:s1] =	ssyncset.done $0x0  }
.Ltmp0:
0xc4: {  	s9 =	rddreg [dreg:$0x4];
	[sflag:s1] =	ssyncadd.s32 $0xFFFE8000;
	(pc) =	sbr.rel @p0 .LBB2_1-.Ltmp0, $4  }
0xc5: {  	[hbm4b:s9+s2] =	stream.linear.scatter [tilespmem:s8], [sflag:$0x2], $0x18000, $0x38;
	[tilespmem:$0x18080] =	vst v63  }
0xc6: {  	_ =	swait.ge [sflag:s7], $0x18000  }
0xc7: {  	[sflag:s7] =	ssyncset.done $0x0  }
0xc8: {  	s6 =	sadd.s32 $0xFFFFFFFF, s6;
	[sflag:s7] =	ssyncadd.s32 $0xFFFE8000  }
0xc9: {  	_ =	sfence.sel $0x180000  }
0xca: {  	[bflag:$0x0] =	sbarrier.arrive $0xFFFF  }
0xcb: {  	_ =	strace $0x9000004A  }
0xcc: {  	s0 =	stileid.u32;
	[bflag:$0x2] =	sbarrier.arrive $0xFFFF  }
0xcd: {  	p0 =	sne.s32 s0, $0x0;
	s0 =	rddreg [dreg:$0x2]  }
0xce: {  	s0 =	sadd.s32 @!p0 $0x100000, s0  }
0xcf: {  	[sflag:s0] =	ssyncadd.tile.s32 @!p0 $0x1;
	_ =	shalt  }
.Lfunc_end2:
_tile_overlayer_lowered:
.L_overlay_start_2:
0xd0: {  	(tag) =	ssettag $0x2  }
0xd1: {  	s0 =	rddreg [dreg:$0x0];
	s2 =	stileid.u32  }
0xd2: {  	s1 =	rddreg [dreg:$0x1];
	p0 =	sne.s32 s2, $0x0  }
0xd3: {  	s3 =	rddreg [dreg:$0x2];
	[bflag:$0x3] =	sbarrier.arrive $0xFFFF;
	s2 =	simm.s32 @!p0 $0x1C02  }
0xd4: {  	[timem:s3], [sflag:s2] =	dma.local @!p0 [hbm:s0], s1  }
0xd5: {  	s0 =	simm.s32 @!p0 $0x2  }
0xd6: {  	_ =	swait.ge @!p0 [sflag:s0], s1  }
0xd7: {  	s1 =	ssub.s32 @!p0 $0x0, s1;
	[sflag:s0] =	ssyncset.done @!p0 $0x0  }
0xd8: {  	[sflag:s0] =	ssyncadd.s32 @!p0 s1  }
0xd9: {  	[bflag:$0x3] =	sbarrier.arrive $0xFFFF  }
0xda: {  	_ =	shalt  }

</sc_bundles>
